<compile_context>
chip_gen: v7x
topology: tpu7x:2x2x1
jax: 0.10.2.dev20260603
libtpu: 0.0.44.dev20260713+nightly
codegen_flags: <defaults>
</compile_context>

<pallas_src>
import jax
import jax.numpy as jnp
from jax import lax
from jax.experimental import pallas as pl
from jax.experimental.pallas import tpu as pltpu
from jax.experimental.pallas import tpu_sc as plsc

DIM = 32
NB = 64
NC = 2
NS = 16
NW = NC * NS
CHUNK = 128
NBUF = 4



def _lin0_body(x_ref, w_ref, b_ref, o_ref):
    n = x_ref.shape[0]
    res = jnp.maximum(
        jnp.dot(x_ref[...], w_ref[...], preferred_element_type=jnp.float32)
        + b_ref[...], 0.0)
    o_ref[...] = jnp.concatenate(
        [res, jnp.zeros((n, 128 - DIM), jnp.float32)], axis=1)


def _msg_body(ea_ref, xj_ref, we1_ref, be1_ref, we2_ref, s_ref, r4_ref,
              bm_ref, o_ref):
    ea = ea_ref[...]
    x = xj_ref[:, 0:DIM]
    h = jnp.maximum(
        ea[:, 0:1] * we1_ref[0:1, :] + ea[:, 1:2] * we1_ref[1:2, :]
        + be1_ref[...], 0.0)
    g = jnp.dot(h.astype(jnp.bfloat16), we2_ref[...],
                preferred_element_type=jnp.float32)
    x3 = jnp.dot(x.astype(jnp.bfloat16), s_ref[...],
                 preferred_element_type=jnp.float32)
    p = g * x3
    kk = p.shape[1]
    m = p[:, 0:128]
    for t in range(1, kk // 128):
        m = m + p[:, t * 128:(t + 1) * 128]
    msg = (jnp.dot(m, r4_ref[...], preferred_element_type=jnp.float32)
           + jnp.dot(x, bm_ref[...], preferred_element_type=jnp.float32))
    blk = msg.shape[0]
    o_ref[...] = jnp.concatenate(
        [msg, jnp.ones((blk, 1), jnp.float32),
         jnp.zeros((blk, 127 - DIM), jnp.float32)], axis=1)


def _gru_body(p0_ref, p1_ref, p2_ref, p3_ref, h_ref, bc_ref, wih_ref,
              bih_ref, whh_ref, bhh_ref, o_ref):
    n = o_ref.shape[0]
    d = DIM
    h = h_ref[:, 0:d]
    agg = (p0_ref[0:n, 0:d] + p1_ref[0:n, 0:d]
           + p2_ref[0:n, 0:d] + p3_ref[0:n, 0:d])
    cnt = (p0_ref[0:n, d:d + 1] + p1_ref[0:n, d:d + 1]
           + p2_ref[0:n, d:d + 1] + p3_ref[0:n, d:d + 1])
    deg = jnp.maximum(cnt, 1.0)
    m = jnp.maximum(agg / deg + bc_ref[...], 0.0)
    gi = jnp.dot(m, wih_ref[...], preferred_element_type=jnp.float32) + bih_ref[...]
    gh = jnp.dot(h, whh_ref[...], preferred_element_type=jnp.float32) + bhh_ref[...]
    r = jax.nn.sigmoid(gi[:, 0:d] + gh[:, 0:d])
    z = jax.nn.sigmoid(gi[:, d:2 * d] + gh[:, d:2 * d])
    nn_ = jnp.tanh(gi[:, 2 * d:3 * d] + r * gh[:, 2 * d:3 * d])
    hn = (1.0 - z) * nn_ + z * h
    o_ref[...] = jnp.concatenate(
        [hn, jnp.zeros((n, 128 - d), jnp.float32)], axis=1)


def _s2s_body(out_ref, b_ref, wih_ref, bih_ref, whh_ref, bhh_ref, w1_ref,
              b1_ref, w2_ref, b2_ref, o_ref, nb, psteps):
    d = DIM
    outv = out_ref[:, 0:d]
    bidx = b_ref[...]
    oh = (bidx == lax.broadcasted_iota(jnp.int32, (1, nb), 1)
          ).astype(jnp.float32)
    q_star = jnp.zeros((nb, 2 * d), jnp.float32)
    hl = jnp.zeros((nb, d), jnp.float32)
    cl = jnp.zeros((nb, d), jnp.float32)
    neg_inf = jnp.float32(-jnp.inf)
    for _ in range(psteps):
        gates = (jnp.dot(q_star, wih_ref[...], preferred_element_type=jnp.float32)
                 + bih_ref[...]
                 + jnp.dot(hl, whh_ref[...], preferred_element_type=jnp.float32)
                 + bhh_ref[...])
        i_g = jax.nn.sigmoid(gates[:, 0:d])
        f_g = jax.nn.sigmoid(gates[:, d:2 * d])
        g_g = jnp.tanh(gates[:, 2 * d:3 * d])
        o_g = jax.nn.sigmoid(gates[:, 3 * d:4 * d])
        cl = f_g * cl + i_g * g_g
        hl = o_g * jnp.tanh(cl)
        q = hl
        qn = jnp.dot(oh, q, preferred_element_type=jnp.float32)
        e = jnp.sum(outv * qn, axis=1, keepdims=True)
        emax = jnp.max(jnp.where(oh > 0.5, e, neg_inf), axis=0, keepdims=True)
        emax = jnp.where(emax == neg_inf, 0.0, emax)
        en = jnp.sum(oh * emax, axis=1, keepdims=True)
        a = jnp.exp(e - en)
        asum = jnp.sum(oh * a, axis=0, keepdims=True)
        an = jnp.sum(oh * asum, axis=1, keepdims=True)
        a = a / (an + 1e-16)
        r_ = lax.dot_general(oh, a * outv, (((0,), (0,)), ((), ())),
                             preferred_element_type=jnp.float32)
        q_star = jnp.concatenate([q, r_], axis=1)
    o1 = jnp.maximum(
        jnp.dot(q_star, w1_ref[...], preferred_element_type=jnp.float32)
        + b1_ref[...], 0.0)
    logits = jnp.dot(o1, w2_ref[...], preferred_element_type=jnp.float32) + b2_ref[...]
    lmax = jnp.max(logits, axis=1, keepdims=True)
    sh = logits - lmax
    lse = jnp.log(jnp.sum(jnp.exp(sh), axis=1, keepdims=True))
    o_ref[...] = sh - lse



def _run_lin0(x, w0, b0):
    n = x.shape[0]
    return pl.pallas_call(
        _lin0_body,
        out_shape=jax.ShapeDtypeStruct((n, 128), jnp.float32),
    )(x, w0, b0.reshape(1, -1))


def _run_msg(ea_p, xj, we1, be1, we2, s, r4, bm):
    ep = ea_p.shape[0]
    blk = 1024
    hid = we1.shape[1]
    kk = we2.shape[1]
    return pl.pallas_call(
        _msg_body,
        grid=(ep // blk,),
        in_specs=[
            pl.BlockSpec((blk, 2), lambda i: (i, 0)),
            pl.BlockSpec((blk, 128), lambda i: (i, 0)),
            pl.BlockSpec((2, hid), lambda i: (0, 0)),
            pl.BlockSpec((1, hid), lambda i: (0, 0)),
            pl.BlockSpec((hid, kk), lambda i: (0, 0)),
            pl.BlockSpec((DIM, kk), lambda i: (0, 0)),
            pl.BlockSpec((128, DIM), lambda i: (0, 0)),
            pl.BlockSpec((DIM, DIM), lambda i: (0, 0)),
        ],
        out_specs=pl.BlockSpec((blk, 128), lambda i: (i, 0)),
        out_shape=jax.ShapeDtypeStruct((ep, 128), jnp.float32),
    )(ea_p, xj, we1, be1.reshape(1, -1), we2.astype(jnp.bfloat16),
      s.astype(jnp.bfloat16), r4, bm)


def _run_gru(p0, p1, p2, p3, h, bc, wih, bih, whh, bhh):
    n = h.shape[0]
    return pl.pallas_call(
        _gru_body,
        out_shape=jax.ShapeDtypeStruct((n, 128), jnp.float32),
    )(p0, p1, p2, p3, h, bc.reshape(1, -1), wih, bih.reshape(1, -1),
      whh, bhh.reshape(1, -1))


def _run_s2s(out, batch2d, wih, bih, whh, bhh, w1, b1, w2, b2, psteps):
    nb = NB
    ncls = w2.shape[1]

    def body(*refs):
        _s2s_body(*refs, nb=nb, psteps=psteps)

    return pl.pallas_call(
        body,
        out_shape=jax.ShapeDtypeStruct((nb, ncls), jnp.float32),
    )(out, batch2d, wih, bih.reshape(1, -1), whh, bhh.reshape(1, -1),
      w1, b1.reshape(1, -1), w2, b2.reshape(1, -1))



def _run_gather(table, src3):
    n = table.shape[0]
    _, cpw, _ = src3.shape
    epw = cpw * CHUNK
    nbuf = 2
    ngrp = cpw // nbuf
    rp = -(-n // (NS * 8)) * 8
    last = n - rp * (NS - 1)

    def body(table_ref, src_ref, out_ref, tb_sh, idx2, bufs, sem_g, sem_s):
        cid = lax.axis_index("c")
        sid = lax.axis_index("s")
        wid = sid * NC + cid
        base = wid * epw

        @pl.when(sid < NS - 1)
        def _():
            pltpu.sync_copy(table_ref.at[pl.ds(sid * rp, rp)],
                            tb_sh.at[pl.ds(sid * rp, rp)])

        @pl.when(sid == NS - 1)
        def _():
            pltpu.sync_copy(table_ref.at[pl.ds((NS - 1) * rp, last)],
                            tb_sh.at[pl.ds((NS - 1) * rp, last)])

        pltpu.sync_copy(src_ref.at[wid], idx2)
        plsc.subcore_barrier()

        def group(k, carry):
            g0 = k * nbuf
            ds = [pltpu.async_copy(tb_sh.at[idx2.at[g0 + b]],
                                   bufs.at[b], sem_g)
                  for b in range(nbuf)]
            ss = []
            for b in range(nbuf):
                ds[b].wait()
                off = base + (g0 + b) * CHUNK
                ss.append(pltpu.async_copy(
                    bufs.at[b], out_ref.at[pl.ds(off, CHUNK)], sem_s))
            for s_ in ss:
                s_.wait()
            return carry

        lax.fori_loop(0, ngrp, group, 0)

    mesh = plsc.VectorSubcoreMesh(core_axis_name="c", subcore_axis_name="s")
    return pl.kernel(
        body,
        out_type=jax.ShapeDtypeStruct((NW * epw, 128), jnp.float32),
        mesh=mesh,
        scratch_types=[
            pltpu.VMEM_SHARED((n, 128), jnp.float32),
            pltpu.VMEM((cpw, CHUNK), jnp.int32),
            pltpu.VMEM((nbuf, CHUNK, 128), jnp.float32),
            pltpu.SemaphoreType.DMA,
            pltpu.SemaphoreType.DMA,
        ],
    )(table, src3)


def _run_scatter(msg, dst3, z128, npad):
    ep = msg.shape[0]
    _, cpw, _ = dst3.shape
    epw = cpw * CHUNK
    nbuf = 2
    ngrp = cpw // nbuf
    rpt = npad // NS

    def body(msg_ref, dst_ref, z_ref, outa_ref, agg_sh, idx2, bufs,
             sem_m, sem_w):
        cid = lax.axis_index("c")
        sid = lax.axis_index("s")
        wid = sid * NC + cid
        r0 = sid * rpt
        pltpu.sync_copy(z_ref.at[pl.ds(r0, rpt)], agg_sh.at[pl.ds(r0, rpt)])
        pltpu.sync_copy(dst_ref.at[wid], idx2)
        plsc.subcore_barrier()
        base = wid * epw

        def group(k, carry):
            g0 = k * nbuf
            ds = [pltpu.async_copy(
                      msg_ref.at[pl.ds(base + (g0 + b) * CHUNK, CHUNK)],
                      bufs.at[b], sem_m)
                  for b in range(nbuf)]
            ws = []
            for b in range(nbuf):
                ds[b].wait()
                ws.append(pltpu.async_copy(
                    bufs.at[b], agg_sh.at[idx2.at[g0 + b]], sem_w, add=True))
            for w_ in ws:
                w_.wait()
            return carry

        lax.fori_loop(0, ngrp, group, 0)
        plsc.subcore_barrier()
        pltpu.sync_copy(agg_sh.at[pl.ds(r0, rpt)],
                        outa_ref.at[cid, pl.ds(r0, rpt)])

    mesh = plsc.VectorSubcoreMesh(core_axis_name="c", subcore_axis_name="s")
    return pl.kernel(
        body,
        out_type=jax.ShapeDtypeStruct((NC, npad, 128), jnp.float32),
        mesh=mesh,
        scratch_types=[
            pltpu.VMEM_SHARED((npad, 128), jnp.float32),
            pltpu.VMEM((cpw, CHUNK), jnp.int32),
            pltpu.VMEM((nbuf, CHUNK, 128), jnp.float32),
            pltpu.SemaphoreType.DMA,
            pltpu.SemaphoreType.DMA,
        ],
    )(msg, dst3, z128)



def kernel(x, edge_index, edge_attr, batch, W0, b0, We1, be1, We2, be2,
           b_conv, Wih_g, bih_g, Whh_g, bhh_g, Wih_l, bih_l, Whh_l, bhh_l,
           W1, b1, W2, b2):
    n = x.shape[0]
    e = edge_index.shape[1]
    kk = We2.shape[1]
    mp_steps = 2
    psteps = 4

    gran = 2 * NW * CHUNK * NBUF
    ep = -(-e // gran) * gran
    pad = ep - e
    half = ep // 2
    cpw = half // (NW * CHUNK)
    src_p = jnp.concatenate([edge_index[0], jnp.zeros((pad,), jnp.int32)])
    dst_p = jnp.concatenate([edge_index[1], jnp.full((pad,), n, jnp.int32)])
    src3 = [src_p[:half].reshape(NW, cpw, CHUNK),
            src_p[half:].reshape(NW, cpw, CHUNK)]
    dst3 = [dst_p[:half].reshape(NW, cpw, CHUNK),
            dst_p[half:].reshape(NW, cpw, CHUNK)]
    ea_p = jnp.concatenate([edge_attr, jnp.zeros((pad, 2), jnp.float32)])
    ea_s = [ea_p[:half], ea_p[half:]]
    npad = -(-(n + 1) // (NS * 8)) * (NS * 8)

    s = (jnp.arange(kk, dtype=jnp.int32)[None, :] // DIM
         == jnp.arange(DIM, dtype=jnp.int32)[:, None]).astype(jnp.float32)
    r4 = (jnp.arange(128, dtype=jnp.int32)[:, None] % DIM
          == jnp.arange(DIM, dtype=jnp.int32)[None, :]).astype(jnp.float32)
    bm = be2.reshape(DIM, DIM)
    z128 = jnp.zeros((npad, 128), jnp.float32)

    h = _run_lin0(x, W0, b0)
    for _ in range(mp_steps):
        xj_a = _run_gather(h, src3[0])
        xj_b = _run_gather(h, src3[1])
        msg_a = _run_msg(ea_s[0], xj_a, We1, be1, We2, s, r4, bm)
        msg_b = _run_msg(ea_s[1], xj_b, We1, be1, We2, s, r4, bm)
        agg_a = _run_scatter(msg_a, dst3[0], z128, npad)
        agg_b = _run_scatter(msg_b, dst3[1], z128, npad)
        h = _run_gru(agg_a[0], agg_a[1], agg_b[0], agg_b[1], h, b_conv,
                     Wih_g, bih_g, Whh_g, bhh_g)

    return _run_s2s(h, batch.reshape(-1, 1), Wih_l, bih_l, Whh_l, bhh_l,
                    W1, b1, W2, b2, psteps)

# --- scband reference (transcript-rebuilt; emitter-appended) ---
"""Pipeline reference for scband-mpnnnet-83906481094707 (READ-ONLY COPY).

The authoritative reference and input builder live on the scoring server;
editing this copy changes nothing except your own understanding.
"""

import jax, jax.numpy as jnp
import numpy as np

N = 10000
E = 160000
F_IN = 128
DIM = 32
B = 64
MP_STEPS = 2
PSTEPS = 4


def setup_inputs(seed: int = 0) -> dict:
    key = jax.random.key(seed)
    ks = jax.random.split(key, 24)
    inp = {}
    inp["x"] = jax.random.normal(ks[0], (N, F_IN), dtype=jnp.float32)
    inp["edge_index"] = jax.random.randint(ks[1], (2, E), 0, N, dtype=jnp.int32)
    inp["edge_attr"] = jax.random.uniform(ks[2], (E, 2), dtype=jnp.float32)
    inp["batch"] = jnp.sort(jax.random.randint(ks[3], (N,), 0, B, dtype=jnp.int32))
    # lin0
    inp["W0"] = jax.random.normal(ks[4], (F_IN, DIM), dtype=jnp.float32) / np.sqrt(F_IN)
    inp["b0"] = jnp.zeros((DIM,), jnp.float32)
    # edge-conditioning MLP: Linear(2,128) -> ReLU -> Linear(128, DIM*DIM)
    inp["We1"] = jax.random.normal(ks[5], (2, 128), dtype=jnp.float32) / np.sqrt(2.0)
    inp["be1"] = jnp.zeros((128,), jnp.float32)
    inp["We2"] = jax.random.normal(ks[6], (128, DIM * DIM), dtype=jnp.float32) * (0.1 / np.sqrt(128))
    inp["be2"] = jnp.zeros((DIM * DIM,), jnp.float32)
    inp["b_conv"] = jnp.zeros((DIM,), jnp.float32)
    # GRU cell params (single layer)
    inp["Wih_g"] = jax.random.normal(ks[7], (DIM, 3 * DIM), dtype=jnp.float32) / np.sqrt(DIM)
    inp["bih_g"] = jnp.zeros((3 * DIM,), jnp.float32)
    inp["Whh_g"] = jax.random.normal(ks[8], (DIM, 3 * DIM), dtype=jnp.float32) / np.sqrt(DIM)
    inp["bhh_g"] = jnp.zeros((3 * DIM,), jnp.float32)
    # Set2Set LSTM params (input 2*DIM, hidden DIM)
    inp["Wih_l"] = jax.random.normal(ks[9], (2 * DIM, 4 * DIM), dtype=jnp.float32) / np.sqrt(2 * DIM)
    inp["bih_l"] = jnp.zeros((4 * DIM,), jnp.float32)
    inp["Whh_l"] = jax.random.normal(ks[10], (DIM, 4 * DIM), dtype=jnp.float32) / np.sqrt(DIM)
    inp["bhh_l"] = jnp.zeros((4 * DIM,), jnp.float32)
    # readout
    inp["W1"] = jax.random.normal(ks[11], (2 * DIM, DIM), dtype=jnp.float32) / np.sqrt(2 * DIM)
    inp["b1"] = jnp.zeros((DIM,), jnp.float32)
    inp["W2"] = jax.random.normal(ks[12], (DIM, 10), dtype=jnp.float32) / np.sqrt(DIM)
    inp["b2"] = jnp.zeros((10,), jnp.float32)
    return inp


def reference(x, edge_index, edge_attr, batch, W0, b0, We1, be1, We2, be2, b_conv,
              Wih_g, bih_g, Whh_g, bhh_g, Wih_l, bih_l, Whh_l, bhh_l, W1, b1, W2, b2):
    src = edge_index[0]
    dst = edge_index[1]
    out = jax.nn.relu(x @ W0 + b0)
    h = out
    # edge-conditioned weights (same every step, computed once)
    Wedge = (jax.nn.relu(edge_attr @ We1 + be1) @ We2 + be2).reshape(E, DIM, DIM)
    deg = jax.ops.segment_sum(jnp.ones((E,), jnp.float32), dst, num_segments=N)
    deg = jnp.maximum(deg, 1.0)
    for _ in range(MP_STEPS):
        xj = out[src]                                   # gather source features
        msg = jnp.einsum('ei,eio->eo', xj, Wedge)       # NNConv message
        agg = jax.ops.segment_sum(msg, dst, num_segments=N) / deg[:, None]  # aggr='mean'
        m = jax.nn.relu(agg + b_conv)
        # GRU cell
        gi = m @ Wih_g + bih_g
        gh = h @ Whh_g + bhh_g
        i_r, i_z, i_n = jnp.split(gi, 3, axis=1)
        h_r, h_z, h_n = jnp.split(gh, 3, axis=1)
        r = jax.nn.sigmoid(i_r + h_r)
        z = jax.nn.sigmoid(i_z + h_z)
        n = jnp.tanh(i_n + r * h_n)
        h = (1.0 - z) * n + z * h
        out = h
    # Set2Set global pooling
    q_star = jnp.zeros((B, 2 * DIM), jnp.float32)
    hl = jnp.zeros((B, DIM), jnp.float32)
    cl = jnp.zeros((B, DIM), jnp.float32)
    for _ in range(PSTEPS):
        gates = q_star @ Wih_l + bih_l + hl @ Whh_l + bhh_l
        i_g, f_g, g_g, o_g = jnp.split(gates, 4, axis=1)
        i_g = jax.nn.sigmoid(i_g)
        f_g = jax.nn.sigmoid(f_g)
        g_g = jnp.tanh(g_g)
        o_g = jax.nn.sigmoid(o_g)
        cl = f_g * cl + i_g * g_g
        hl = o_g * jnp.tanh(cl)
        q = hl
        e = jnp.sum(out * q[batch], axis=-1)
        emax = jax.ops.segment_max(e, batch, num_segments=B)
        emax = jnp.where(jnp.isfinite(emax), emax, 0.0)
        a = jnp.exp(e - emax[batch])
        asum = jax.ops.segment_sum(a, batch, num_segments=B)
        a = a / (asum[batch] + 1e-16)
        r_ = jax.ops.segment_sum(a[:, None] * out, batch, num_segments=B)
        q_star = jnp.concatenate([q, r_], axis=-1)
    o1 = jax.nn.relu(q_star @ W1 + b1)
    logits = o1 @ W2 + b2
    return jax.nn.log_softmax(logits, axis=1)

if __name__ == "__main__":
    import jax
    _d = setup_inputs()
    print(jax.jit(kernel)(*tuple(_d.values())))

</pallas_src>

<mosaic_0001>
#map = affine_map<(d0, d1) -> (0, 0)>
#map1 = affine_map<(d0, d1) -> (0, 0, 0)>
module attributes {stable_mosaic.version = 14 : i64} {
  func.func @body(%arg0: i32, %arg1: i32, %arg2: memref<81920x128xf32, #tpu.memory_space<hbm>>, %arg3: memref<32x20x128xi32, #tpu.memory_space<hbm>>, %arg4: memref<10112x128xf32, #tpu.memory_space<hbm>>, %arg5: memref<2x10112x128xf32, #tpu.memory_space<hbm>>, %arg6: memref<10112x128xf32, #tpu.memory_space<vmem_shared>>, %arg7: memref<20x128xi32, #tpu.memory_space<vmem>>, %arg8: memref<2x128x128xf32, #tpu.memory_space<vmem>>, %arg9: memref<!tpu.dma_semaphore, #tpu.memory_space<semaphore_mem>>, %arg10: memref<!tpu.dma_semaphore, #tpu.memory_space<semaphore_mem>>) attributes {dimension_semantics = [#tpu.dimension_semantics<core_parallel>, #tpu.dimension_semantics<subcore_parallel>], iteration_bounds = array<i64: 2, 16>, scalar_prefetch = 0 : i64, scratch_operands = 5 : i64, tpu.core_type = #tpu.core_type<sc_vector_subcore>, window_params = [{transform_indices = #map}, {transform_indices = #map1}, {transform_indices = #map}, {transform_indices = #map1}]} {
    %mul3A = arith.constant 2 : i32
    %mul3A_0 = arith.muli %arg1, %mul3A : i32
    %add3A = arith.addi %mul3A_0, %arg0 : i32
    %mul3A_1 = arith.constant 632 : i32
    %mul3A_2 = arith.muli %arg1, %mul3A_1 : i32
    "tpu.region"() ({
      %run_scoped3A = tpu.sem_alloc : memref<!tpu.dma_semaphore, #tpu.memory_space<semaphore_mem>>
      %dma_start3A = arith.constant 0 : i32
      %dma_start3A_11 = tpu.memref_slice %arg6[%mul3A_2, %dma_start3A] : memref<10112x128xf32, #tpu.memory_space<vmem_shared>> -> memref<632x128xf32, #tpu.memory_space<vmem_shared>>
      %dma_start3A_12 = arith.constant 0 : i32
      %dma_start3A_13 = tpu.memref_slice %arg4[%mul3A_2, %dma_start3A_12] : memref<10112x128xf32, #tpu.memory_space<hbm>> -> memref<632x128xf32, #tpu.memory_space<hbm>>
      tpu.enqueue_dma source(%dma_start3A_13 : memref<632x128xf32, #tpu.memory_space<hbm>>) target(%dma_start3A_11 : memref<632x128xf32, #tpu.memory_space<vmem_shared>>) target_semaphore(%run_scoped3A : memref<!tpu.dma_semaphore, #tpu.memory_space<semaphore_mem>>)
      %dma_wait3A = arith.constant 0 : i32
      %dma_wait3A_14 = tpu.memref_slice %arg6[%mul3A_2, %dma_wait3A] : memref<10112x128xf32, #tpu.memory_space<vmem_shared>> -> memref<632x128xf32, #tpu.memory_space<vmem_shared>>
      %dma_wait3A_15 = arith.constant 0 : i32
      %dma_wait3A_16 = tpu.memref_slice %arg4[%mul3A_2, %dma_wait3A_15] : memref<10112x128xf32, #tpu.memory_space<hbm>> -> memref<632x128xf32, #tpu.memory_space<hbm>>
      tpu.wait_dma2 semaphore(%run_scoped3A : memref<!tpu.dma_semaphore, #tpu.memory_space<semaphore_mem>>) src(%dma_wait3A_16 : memref<632x128xf32, #tpu.memory_space<hbm>>) dst(%dma_wait3A_14 : memref<632x128xf32, #tpu.memory_space<vmem_shared>>)
      tpu.yield
    }) : () -> ()
    "tpu.region"() ({
      %run_scoped3A = tpu.sem_alloc : memref<!tpu.dma_semaphore, #tpu.memory_space<semaphore_mem>>
      %dma_start3A = arith.constant 0 : i32
      %dma_start3A_11 = arith.constant 0 : i32
      %dma_start3A_12 = tpu.memref_slice %arg3[%add3A, %dma_start3A, %dma_start3A_11] : memref<32x20x128xi32, #tpu.memory_space<hbm>> -> memref<1x20x128xi32, #tpu.memory_space<hbm>>
      %dma_start3A_13 = tpu.memref_squeeze %dma_start3A_12 : memref<1x20x128xi32, #tpu.memory_space<hbm>> -> memref<20x128xi32, #tpu.memory_space<hbm>>
      %dma_start3A_14 = arith.constant 0 : i32
      %dma_start3A_15 = arith.constant 0 : i32
      %dma_start3A_16 = tpu.memref_slice %arg3[%add3A, %dma_start3A_14, %dma_start3A_15] : memref<32x20x128xi32, #tpu.memory_space<hbm>> -> memref<1x20x128xi32, #tpu.memory_space<hbm>>
      %dma_start3A_17 = tpu.memref_squeeze %dma_start3A_16 : memref<1x20x128xi32, #tpu.memory_space<hbm>> -> memref<20x128xi32, #tpu.memory_space<hbm>>
      tpu.enqueue_dma source(%dma_start3A_17 : memref<20x128xi32, #tpu.memory_space<hbm>>) target(%arg7 : memref<20x128xi32, #tpu.memory_space<vmem>>) target_semaphore(%run_scoped3A : memref<!tpu.dma_semaphore, #tpu.memory_space<semaphore_mem>>)
      %dma_wait3A = arith.constant 0 : i32
      %dma_wait3A_18 = arith.constant 0 : i32
      %dma_wait3A_19 = tpu.memref_slice %arg3[%add3A, %dma_wait3A, %dma_wait3A_18] : memref<32x20x128xi32, #tpu.memory_space<hbm>> -> memref<1x20x128xi32, #tpu.memory_space<hbm>>
      %dma_wait3A_20 = tpu.memref_squeeze %dma_wait3A_19 : memref<1x20x128xi32, #tpu.memory_space<hbm>> -> memref<20x128xi32, #tpu.memory_space<hbm>>
      %dma_wait3A_21 = arith.constant 0 : i32
      %dma_wait3A_22 = arith.constant 0 : i32
      %dma_wait3A_23 = tpu.memref_slice %arg3[%add3A, %dma_wait3A_21, %dma_wait3A_22] : memref<32x20x128xi32, #tpu.memory_space<hbm>> -> memref<1x20x128xi32, #tpu.memory_space<hbm>>
      %dma_wait3A_24 = tpu.memref_squeeze %dma_wait3A_23 : memref<1x20x128xi32, #tpu.memory_space<hbm>> -> memref<20x128xi32, #tpu.memory_space<hbm>>
      tpu.wait_dma2 semaphore(%run_scoped3A : memref<!tpu.dma_semaphore, #tpu.memory_space<semaphore_mem>>) src(%dma_wait3A_24 : memref<20x128xi32, #tpu.memory_space<hbm>>) dst(%arg7 : memref<20x128xi32, #tpu.memory_space<vmem>>)
      tpu.yield
    }) : () -> ()
    %barrier3A = arith.constant 0 : index
    tpu.barrier barrier_id(%barrier3A)
    %mul3A_3 = arith.constant 2560 : i32
    %mul3A_4 = arith.muli %add3A, %mul3A_3 : i32
    %scan3A = arith.constant 0 : i32
    %scan3A_5 = arith.constant 0 : i32
    %scan3A_6 = arith.constant 10 : i32
    %scan3A_7 = arith.addi %scan3A_5, %scan3A_6 : i32
    %scan3A_8 = arith.constant 1 : i32
    scf.for %scan3A_11 = %scan3A_5 to %scan3A_7 step %scan3A_8  : i32 {
      %mul3A_12 = arith.constant 2 : i32
      %mul3A_13 = arith.muli %scan3A_11, %mul3A_12 : i32
      %add3A_14 = arith.constant 0 : i32
      %add3A_15 = arith.addi %mul3A_13, %add3A_14 : i32
      %mul3A_16 = arith.constant 128 : i32
      %mul3A_17 = arith.muli %add3A_15, %mul3A_16 : i32
      %add3A_18 = arith.addi %mul3A_4, %mul3A_17 : i32
      %dma_start3A = arith.constant 0 : i32
      %dma_start3A_19 = arith.constant 0 : i32
      %dma_start3A_20 = arith.constant 0 : i32
      %dma_start3A_21 = tpu.memref_slice %arg8[%dma_start3A, %dma_start3A_19, %dma_start3A_20] : memref<2x128x128xf32, #tpu.memory_space<vmem>> -> memref<1x128x128xf32, #tpu.memory_space<vmem>>
      %dma_start3A_22 = tpu.memref_squeeze %dma_start3A_21 : memref<1x128x128xf32, #tpu.memory_space<vmem>> -> memref<128x128xf32, #tpu.memory_space<vmem>>
      %dma_start3A_23 = arith.constant 0 : i32
      %dma_start3A_24 = tpu.memref_slice %arg2[%add3A_18, %dma_start3A_23] : memref<81920x128xf32, #tpu.memory_space<hbm>> -> memref<128x128xf32, #tpu.memory_space<hbm>>
      %dma_start3A_25 = arith.constant 0 : i32
      %dma_start3A_26 = arith.constant 0 : i32
      %dma_start3A_27 = tpu.memref_slice %arg8[%dma_start3A, %dma_start3A_25, %dma_start3A_26] : memref<2x128x128xf32, #tpu.memory_space<vmem>> -> memref<1x128x128xf32, #tpu.memory_space<vmem>>
      %dma_start3A_28 = tpu.memref_squeeze %dma_start3A_27 : memref<1x128x128xf32, #tpu.memory_space<vmem>> -> memref<128x128xf32, #tpu.memory_space<vmem>>
      %dma_start3A_29 = arith.constant 0 : i32
      %dma_start3A_30 = tpu.memref_slice %arg2[%add3A_18, %dma_start3A_29] : memref<81920x128xf32, #tpu.memory_space<hbm>> -> memref<128x128xf32, #tpu.memory_space<hbm>>
      tpu.enqueue_dma source(%dma_start3A_30 : memref<128x128xf32, #tpu.memory_space<hbm>>) target(%dma_start3A_28 : memref<128x128xf32, #tpu.memory_space<vmem>>) target_semaphore(%arg9 : memref<!tpu.dma_semaphore, #tpu.memory_space<semaphore_mem>>)
      %add3A_31 = arith.constant 1 : i32
      %add3A_32 = arith.addi %mul3A_13, %add3A_31 : i32
      %mul3A_33 = arith.constant 128 : i32
      %mul3A_34 = arith.muli %add3A_32, %mul3A_33 : i32
      %add3A_35 = arith.addi %mul3A_4, %mul3A_34 : i32
      %dma_start3A_36 = arith.constant 1 : i32
      %dma_start3A_37 = arith.constant 0 : i32
      %dma_start3A_38 = arith.constant 0 : i32
      %dma_start3A_39 = tpu.memref_slice %arg8[%dma_start3A_36, %dma_start3A_37, %dma_start3A_38] : memref<2x128x128xf32, #tpu.memory_space<vmem>> -> memref<1x128x128xf32, #tpu.memory_space<vmem>>
      %dma_start3A_40 = tpu.memref_squeeze %dma_start3A_39 : memref<1x128x128xf32, #tpu.memory_space<vmem>> -> memref<128x128xf32, #tpu.memory_space<vmem>>
      %dma_start3A_41 = arith.constant 0 : i32
      %dma_start3A_42 = tpu.memref_slice %arg2[%add3A_35, %dma_start3A_41] : memref<81920x128xf32, #tpu.memory_space<hbm>> -> memref<128x128xf32, #tpu.memory_space<hbm>>
      %dma_start3A_43 = arith.constant 0 : i32
      %dma_start3A_44 = arith.constant 0 : i32
      %dma_start3A_45 = tpu.memref_slice %arg8[%dma_start3A_36, %dma_start3A_43, %dma_start3A_44] : memref<2x128x128xf32, #tpu.memory_space<vmem>> -> memref<1x128x128xf32, #tpu.memory_space<vmem>>
      %dma_start3A_46 = tpu.memref_squeeze %dma_start3A_45 : memref<1x128x128xf32, #tpu.memory_space<vmem>> -> memref<128x128xf32, #tpu.memory_space<vmem>>
      %dma_start3A_47 = arith.constant 0 : i32
      %dma_start3A_48 = tpu.memref_slice %arg2[%add3A_35, %dma_start3A_47] : memref<81920x128xf32, #tpu.memory_space<hbm>> -> memref<128x128xf32, #tpu.memory_space<hbm>>
      tpu.enqueue_dma source(%dma_start3A_48 : memref<128x128xf32, #tpu.memory_space<hbm>>) target(%dma_start3A_46 : memref<128x128xf32, #tpu.memory_space<vmem>>) target_semaphore(%arg9 : memref<!tpu.dma_semaphore, #tpu.memory_space<semaphore_mem>>)
      %dma_wait3A = arith.constant 0 : i32
      %dma_wait3A_49 = arith.constant 0 : i32
      %dma_wait3A_50 = arith.constant 0 : i32
      %dma_wait3A_51 = tpu.memref_slice %arg8[%dma_wait3A, %dma_wait3A_49, %dma_wait3A_50] : memref<2x128x128xf32, #tpu.memory_space<vmem>> -> memref<1x128x128xf32, #tpu.memory_space<vmem>>
      %dma_wait3A_52 = tpu.memref_squeeze %dma_wait3A_51 : memref<1x128x128xf32, #tpu.memory_space<vmem>> -> memref<128x128xf32, #tpu.memory_space<vmem>>
      %dma_wait3A_53 = arith.constant 0 : i32
      %dma_wait3A_54 = tpu.memref_slice %arg2[%add3A_18, %dma_wait3A_53] : memref<81920x128xf32, #tpu.memory_space<hbm>> -> memref<128x128xf32, #tpu.memory_space<hbm>>
      %dma_wait3A_55 = arith.constant 0 : i32
      %dma_wait3A_56 = arith.constant 0 : i32
      %dma_wait3A_57 = tpu.memref_slice %arg8[%dma_wait3A, %dma_wait3A_55, %dma_wait3A_56] : memref<2x128x128xf32, #tpu.memory_space<vmem>> -> memref<1x128x128xf32, #tpu.memory_space<vmem>>
      %dma_wait3A_58 = tpu.memref_squeeze %dma_wait3A_57 : memref<1x128x128xf32, #tpu.memory_space<vmem>> -> memref<128x128xf32, #tpu.memory_space<vmem>>
      %dma_wait3A_59 = arith.constant 0 : i32
      %dma_wait3A_60 = tpu.memref_slice %arg2[%add3A_18, %dma_wait3A_59] : memref<81920x128xf32, #tpu.memory_space<hbm>> -> memref<128x128xf32, #tpu.memory_space<hbm>>
      tpu.wait_dma2 semaphore(%arg9 : memref<!tpu.dma_semaphore, #tpu.memory_space<semaphore_mem>>) src(%dma_wait3A_60 : memref<128x128xf32, #tpu.memory_space<hbm>>) dst(%dma_wait3A_58 : memref<128x128xf32, #tpu.memory_space<vmem>>)
      %add3A_61 = arith.constant 0 : i32
      %add3A_62 = arith.addi %mul3A_13, %add3A_61 : i32
      %dma_start3A_63 = arith.constant 0 : i32
      %dma_start3A_64 = arith.constant 0 : i32
      %dma_start3A_65 = arith.constant 0 : i32
      %dma_start3A_66 = tpu.memref_slice %arg8[%dma_start3A_63, %dma_start3A_64, %dma_start3A_65] : memref<2x128x128xf32, #tpu.memory_space<vmem>> -> memref<1x128x128xf32, #tpu.memory_space<vmem>>
      %dma_start3A_67 = tpu.memref_squeeze %dma_start3A_66 : memref<1x128x128xf32, #tpu.memory_space<vmem>> -> memref<128x128xf32, #tpu.memory_space<vmem>>
      %dma_start3A_68 = arith.constant 0 : i32
      %dma_start3A_69 = tpu.memref_slice %arg7[%add3A_62, %dma_start3A_68] : memref<20x128xi32, #tpu.memory_space<vmem>> -> memref<1x128xi32, #tpu.memory_space<vmem>>
      %dma_start3A_70 = tpu.memref_squeeze %dma_start3A_69 : memref<1x128xi32, #tpu.memory_space<vmem>> -> memref<128xi32, #tpu.memory_space<vmem>>
      %dma_start3A_71 = arith.constant 0 : i32
      %dma_start3A_72 = arith.constant 0 : i32
      %dma_start3A_73 = tpu.memref_slice %arg6[%dma_start3A_71, %dma_start3A_72] : memref<10112x128xf32, #tpu.memory_space<vmem_shared>> -> memref<10112x128xf32, #tpu.memory_space<vmem_shared>>
      tpu.enqueue_indirect_dma source(%dma_start3A_67 : memref<128x128xf32, #tpu.memory_space<vmem>>) target(%dma_start3A_73 : memref<10112x128xf32, #tpu.memory_space<vmem_shared>>) offsets(%dma_start3A_70 : memref<128xi32, #tpu.memory_space<vmem>>) semaphore(%arg10 : memref<!tpu.dma_semaphore, #tpu.memory_space<semaphore_mem>>) {add = true}
      %dma_wait3A_74 = arith.constant 1 : i32
      %dma_wait3A_75 = arith.constant 0 : i32
      %dma_wait3A_76 = arith.constant 0 : i32
      %dma_wait3A_77 = tpu.memref_slice %arg8[%dma_wait3A_74, %dma_wait3A_75, %dma_wait3A_76] : memref<2x128x128xf32, #tpu.memory_space<vmem>> -> memref<1x128x128xf32, #tpu.memory_space<vmem>>
      %dma_wait3A_78 = tpu.memref_squeeze %dma_wait3A_77 : memref<1x128x128xf32, #tpu.memory_space<vmem>> -> memref<128x128xf32, #tpu.memory_space<vmem>>
      %dma_wait3A_79 = arith.constant 0 : i32
      %dma_wait3A_80 = tpu.memref_slice %arg2[%add3A_35, %dma_wait3A_79] : memref<81920x128xf32, #tpu.memory_space<hbm>> -> memref<128x128xf32, #tpu.memory_space<hbm>>
      %dma_wait3A_81 = arith.constant 0 : i32
      %dma_wait3A_82 = arith.constant 0 : i32
      %dma_wait3A_83 = tpu.memref_slice %arg8[%dma_wait3A_74, %dma_wait3A_81, %dma_wait3A_82] : memref<2x128x128xf32, #tpu.memory_space<vmem>> -> memref<1x128x128xf32, #tpu.memory_space<vmem>>
      %dma_wait3A_84 = tpu.memref_squeeze %dma_wait3A_83 : memref<1x128x128xf32, #tpu.memory_space<vmem>> -> memref<128x128xf32, #tpu.memory_space<vmem>>
      %dma_wait3A_85 = arith.constant 0 : i32
      %dma_wait3A_86 = tpu.memref_slice %arg2[%add3A_35, %dma_wait3A_85] : memref<81920x128xf32, #tpu.memory_space<hbm>> -> memref<128x128xf32, #tpu.memory_space<hbm>>
      tpu.wait_dma2 semaphore(%arg9 : memref<!tpu.dma_semaphore, #tpu.memory_space<semaphore_mem>>) src(%dma_wait3A_86 : memref<128x128xf32, #tpu.memory_space<hbm>>) dst(%dma_wait3A_84 : memref<128x128xf32, #tpu.memory_space<vmem>>)
      %add3A_87 = arith.constant 1 : i32
      %add3A_88 = arith.addi %mul3A_13, %add3A_87 : i32
      %dma_start3A_89 = arith.constant 1 : i32
      %dma_start3A_90 = arith.constant 0 : i32
      %dma_start3A_91 = arith.constant 0 : i32
      %dma_start3A_92 = tpu.memref_slice %arg8[%dma_start3A_89, %dma_start3A_90, %dma_start3A_91] : memref<2x128x128xf32, #tpu.memory_space<vmem>> -> memref<1x128x128xf32, #tpu.memory_space<vmem>>
      %dma_start3A_93 = tpu.memref_squeeze %dma_start3A_92 : memref<1x128x128xf32, #tpu.memory_space<vmem>> -> memref<128x128xf32, #tpu.memory_space<vmem>>
      %dma_start3A_94 = arith.constant 0 : i32
      %dma_start3A_95 = tpu.memref_slice %arg7[%add3A_88, %dma_start3A_94] : memref<20x128xi32, #tpu.memory_space<vmem>> -> memref<1x128xi32, #tpu.memory_space<vmem>>
      %dma_start3A_96 = tpu.memref_squeeze %dma_start3A_95 : memref<1x128xi32, #tpu.memory_space<vmem>> -> memref<128xi32, #tpu.memory_space<vmem>>
      %dma_start3A_97 = arith.constant 0 : i32
      %dma_start3A_98 = arith.constant 0 : i32
      %dma_start3A_99 = tpu.memref_slice %arg6[%dma_start3A_97, %dma_start3A_98] : memref<10112x128xf32, #tpu.memory_space<vmem_shared>> -> memref<10112x128xf32, #tpu.memory_space<vmem_shared>>
      tpu.enqueue_indirect_dma source(%dma_start3A_93 : memref<128x128xf32, #tpu.memory_space<vmem>>) target(%dma_start3A_99 : memref<10112x128xf32, #tpu.memory_space<vmem_shared>>) offsets(%dma_start3A_96 : memref<128xi32, #tpu.memory_space<vmem>>) semaphore(%arg10 : memref<!tpu.dma_semaphore, #tpu.memory_space<semaphore_mem>>) {add = true}
      %dma_wait3A_100 = arith.constant 0 : i32
      %dma_wait3A_101 = arith.constant 0 : i32
      %dma_wait3A_102 = arith.constant 0 : i32
      %dma_wait3A_103 = tpu.memref_slice %arg8[%dma_wait3A_100, %dma_wait3A_101, %dma_wait3A_102] : memref<2x128x128xf32, #tpu.memory_space<vmem>> -> memref<1x128x128xf32, #tpu.memory_space<vmem>>
      %dma_wait3A_104 = tpu.memref_squeeze %dma_wait3A_103 : memref<1x128x128xf32, #tpu.memory_space<vmem>> -> memref<128x128xf32, #tpu.memory_space<vmem>>
      %dma_wait3A_105 = arith.constant 0 : i32
      %dma_wait3A_106 = tpu.memref_slice %arg7[%add3A_62, %dma_wait3A_105] : memref<20x128xi32, #tpu.memory_space<vmem>> -> memref<1x128xi32, #tpu.memory_space<vmem>>
      %dma_wait3A_107 = tpu.memref_squeeze %dma_wait3A_106 : memref<1x128xi32, #tpu.memory_space<vmem>> -> memref<128xi32, #tpu.memory_space<vmem>>
      %dma_wait3A_108 = arith.constant 0 : i32
      %dma_wait3A_109 = arith.constant 0 : i32
      %dma_wait3A_110 = tpu.memref_slice %arg6[%dma_wait3A_108, %dma_wait3A_109] : memref<10112x128xf32, #tpu.memory_space<vmem_shared>> -> memref<10112x128xf32, #tpu.memory_space<vmem_shared>>
      tpu.wait_indirect_dma semaphore(%arg10 : memref<!tpu.dma_semaphore, #tpu.memory_space<semaphore_mem>>) src(%dma_wait3A_104 : memref<128x128xf32, #tpu.memory_space<vmem>>) dst(%dma_wait3A_110 : memref<10112x128xf32, #tpu.memory_space<vmem_shared>>)
      %dma_wait3A_111 = arith.constant 1 : i32
      %dma_wait3A_112 = arith.constant 0 : i32
      %dma_wait3A_113 = arith.constant 0 : i32
      %dma_wait3A_114 = tpu.memref_slice %arg8[%dma_wait3A_111, %dma_wait3A_112, %dma_wait3A_113] : memref<2x128x128xf32, #tpu.memory_space<vmem>> -> memref<1x128x128xf32, #tpu.memory_space<vmem>>
      %dma_wait3A_115 = tpu.memref_squeeze %dma_wait3A_114 : memref<1x128x128xf32, #tpu.memory_space<vmem>> -> memref<128x128xf32, #tpu.memory_space<vmem>>
      %dma_wait3A_116 = arith.constant 0 : i32
      %dma_wait3A_117 = tpu.memref_slice %arg7[%add3A_88, %dma_wait3A_116] : memref<20x128xi32, #tpu.memory_space<vmem>> -> memref<1x128xi32, #tpu.memory_space<vmem>>
      %dma_wait3A_118 = tpu.memref_squeeze %dma_wait3A_117 : memref<1x128xi32, #tpu.memory_space<vmem>> -> memref<128xi32, #tpu.memory_space<vmem>>
      %dma_wait3A_119 = arith.constant 0 : i32
      %dma_wait3A_120 = arith.constant 0 : i32
      %dma_wait3A_121 = tpu.memref_slice %arg6[%dma_wait3A_119, %dma_wait3A_120] : memref<10112x128xf32, #tpu.memory_space<vmem_shared>> -> memref<10112x128xf32, #tpu.memory_space<vmem_shared>>
      tpu.wait_indirect_dma semaphore(%arg10 : memref<!tpu.dma_semaphore, #tpu.memory_space<semaphore_mem>>) src(%dma_wait3A_115 : memref<128x128xf32, #tpu.memory_space<vmem>>) dst(%dma_wait3A_121 : memref<10112x128xf32, #tpu.memory_space<vmem_shared>>)
    }
    %scan3A_9 = arith.constant 10 : i32
    %barrier3A_10 = arith.constant 0 : index
    tpu.barrier barrier_id(%barrier3A_10)
    "tpu.region"() ({
      %run_scoped3A = tpu.sem_alloc : memref<!tpu.dma_semaphore, #tpu.memory_space<semaphore_mem>>
      %dma_start3A = arith.constant 0 : i32
      %dma_start3A_11 = tpu.memref_slice %arg5[%arg0, %mul3A_2, %dma_start3A] : memref<2x10112x128xf32, #tpu.memory_space<hbm>> -> memref<1x632x128xf32, #tpu.memory_space<hbm>>
      %dma_start3A_12 = tpu.memref_squeeze %dma_start3A_11 : memref<1x632x128xf32, #tpu.memory_space<hbm>> -> memref<632x128xf32, #tpu.memory_space<hbm>>
      %dma_start3A_13 = arith.constant 0 : i32
      %dma_start3A_14 = tpu.memref_slice %arg6[%mul3A_2, %dma_start3A_13] : memref<10112x128xf32, #tpu.memory_space<vmem_shared>> -> memref<632x128xf32, #tpu.memory_space<vmem_shared>>
      tpu.enqueue_dma source(%dma_start3A_14 : memref<632x128xf32, #tpu.memory_space<vmem_shared>>) target(%dma_start3A_12 : memref<632x128xf32, #tpu.memory_space<hbm>>) target_semaphore(%run_scoped3A : memref<!tpu.dma_semaphore, #tpu.memory_space<semaphore_mem>>)
      %dma_wait3A = arith.constant 0 : i32
      %dma_wait3A_15 = tpu.memref_slice %arg5[%arg0, %mul3A_2, %dma_wait3A] : memref<2x10112x128xf32, #tpu.memory_space<hbm>> -> memref<1x632x128xf32, #tpu.memory_space<hbm>>
      %dma_wait3A_16 = tpu.memref_squeeze %dma_wait3A_15 : memref<1x632x128xf32, #tpu.memory_space<hbm>> -> memref<632x128xf32, #tpu.memory_space<hbm>>
      %dma_wait3A_17 = arith.constant 0 : i32
      %dma_wait3A_18 = tpu.memref_slice %arg6[%mul3A_2, %dma_wait3A_17] : memref<10112x128xf32, #tpu.memory_space<vmem_shared>> -> memref<632x128xf32, #tpu.memory_space<vmem_shared>>
      tpu.wait_dma2 semaphore(%run_scoped3A : memref<!tpu.dma_semaphore, #tpu.memory_space<semaphore_mem>>) src(%dma_wait3A_18 : memref<632x128xf32, #tpu.memory_space<vmem_shared>>) dst(%dma_wait3A_16 : memref<632x128xf32, #tpu.memory_space<hbm>>)
      tpu.yield
    }) : () -> ()
    return
  }
}

#map = affine_map<(d0, d1) -> (0, 0)>
#map1 = affine_map<(d0, d1) -> (0, 0, 0)>
module attributes {stable_mosaic.version = 14 : i64} {
  func.func @body(%arg0: i32, %arg1: i32, %arg2: memref<10000x128xf32, #tpu.memory_space<hbm>>, %arg3: memref<32x20x128xi32, #tpu.memory_space<hbm>>, %arg4: memref<81920x128xf32, #tpu.memory_space<hbm>>, %arg5: memref<10000x128xf32, #tpu.memory_space<vmem_shared>>, %arg6: memref<20x128xi32, #tpu.memory_space<vmem>>, %arg7: memref<2x128x128xf32, #tpu.memory_space<vmem>>, %arg8: memref<!tpu.dma_semaphore, #tpu.memory_space<semaphore_mem>>, %arg9: memref<!tpu.dma_semaphore, #tpu.memory_space<semaphore_mem>>) attributes {dimension_semantics = [#tpu.dimension_semantics<core_parallel>, #tpu.dimension_semantics<subcore_parallel>], iteration_bounds = array<i64: 2, 16>, scalar_prefetch = 0 : i64, scratch_operands = 5 : i64, tpu.core_type = #tpu.core_type<sc_vector_subcore>, window_params = [{transform_indices = #map}, {transform_indices = #map1}, {transform_indices = #map}]} {
    %mul3A = arith.constant 2 : i32
    %mul3A_0 = arith.muli %arg1, %mul3A : i32
    %add3A = arith.addi %mul3A_0, %arg0 : i32
    %mul3A_1 = arith.constant 2560 : i32
    %mul3A_2 = arith.muli %add3A, %mul3A_1 : i32
    %lt3A = arith.constant 15 : i32
    %lt3A_3 = arith.cmpi slt, %arg1, %lt3A : i32
    %convert_element_type3A = arith.extui %lt3A_3 : i1 to i32
    %cond3A = arith.constant 0 : i32
    %cond3A_4 = arith.cmpi ne, %convert_element_type3A, %cond3A : i32
    scf.if %cond3A_4 {
      %mul3A_14 = arith.constant 632 : i32
      %mul3A_15 = arith.muli %arg1, %mul3A_14 : i32
      %mul3A_16 = arith.constant 632 : i32
      %mul3A_17 = arith.muli %arg1, %mul3A_16 : i32
      "tpu.region"() ({
        %run_scoped3A = tpu.sem_alloc : memref<!tpu.dma_semaphore, #tpu.memory_space<semaphore_mem>>
        %dma_start3A = arith.constant 0 : i32
        %dma_start3A_18 = tpu.memref_slice %arg5[%mul3A_17, %dma_start3A] : memref<10000x128xf32, #tpu.memory_space<vmem_shared>> -> memref<632x128xf32, #tpu.memory_space<vmem_shared>>
        %dma_start3A_19 = arith.constant 0 : i32
        %dma_start3A_20 = tpu.memref_slice %arg2[%mul3A_15, %dma_start3A_19] : memref<10000x128xf32, #tpu.memory_space<hbm>> -> memref<632x128xf32, #tpu.memory_space<hbm>>
        tpu.enqueue_dma source(%dma_start3A_20 : memref<632x128xf32, #tpu.memory_space<hbm>>) target(%dma_start3A_18 : memref<632x128xf32, #tpu.memory_space<vmem_shared>>) target_semaphore(%run_scoped3A : memref<!tpu.dma_semaphore, #tpu.memory_space<semaphore_mem>>)
        %dma_wait3A = arith.constant 0 : i32
        %dma_wait3A_21 = tpu.memref_slice %arg5[%mul3A_17, %dma_wait3A] : memref<10000x128xf32, #tpu.memory_space<vmem_shared>> -> memref<632x128xf32, #tpu.memory_space<vmem_shared>>
        %dma_wait3A_22 = arith.constant 0 : i32
        %dma_wait3A_23 = tpu.memref_slice %arg2[%mul3A_15, %dma_wait3A_22] : memref<10000x128xf32, #tpu.memory_space<hbm>> -> memref<632x128xf32, #tpu.memory_space<hbm>>
        tpu.wait_dma2 semaphore(%run_scoped3A : memref<!tpu.dma_semaphore, #tpu.memory_space<semaphore_mem>>) src(%dma_wait3A_23 : memref<632x128xf32, #tpu.memory_space<hbm>>) dst(%dma_wait3A_21 : memref<632x128xf32, #tpu.memory_space<vmem_shared>>)
        tpu.yield
      }) : () -> ()
    } else {
    }
    %eq3A = arith.constant 15 : i32
    %eq3A_5 = arith.cmpi eq, %arg1, %eq3A : i32
    %convert_element_type3A_6 = arith.extui %eq3A_5 : i1 to i32
    %cond3A_7 = arith.constant 0 : i32
    %cond3A_8 = arith.cmpi ne, %convert_element_type3A_6, %cond3A_7 : i32
    scf.if %cond3A_8 {
      "tpu.region"() ({
        %run_scoped3A = tpu.sem_alloc : memref<!tpu.dma_semaphore, #tpu.memory_space<semaphore_mem>>
        %dma_start3A = arith.constant 9480 : i32
        %dma_start3A_14 = arith.constant 0 : i32
        %dma_start3A_15 = tpu.memref_slice %arg5[%dma_start3A, %dma_start3A_14] : memref<10000x128xf32, #tpu.memory_space<vmem_shared>> -> memref<520x128xf32, #tpu.memory_space<vmem_shared>>
        %dma_start3A_16 = arith.constant 9480 : i32
        %dma_start3A_17 = arith.constant 0 : i32
        %dma_start3A_18 = tpu.memref_slice %arg2[%dma_start3A_16, %dma_start3A_17] : memref<10000x128xf32, #tpu.memory_space<hbm>> -> memref<520x128xf32, #tpu.memory_space<hbm>>
        tpu.enqueue_dma source(%dma_start3A_18 : memref<520x128xf32, #tpu.memory_space<hbm>>) target(%dma_start3A_15 : memref<520x128xf32, #tpu.memory_space<vmem_shared>>) target_semaphore(%run_scoped3A : memref<!tpu.dma_semaphore, #tpu.memory_space<semaphore_mem>>)
        %dma_wait3A = arith.constant 9480 : i32
        %dma_wait3A_19 = arith.constant 0 : i32
        %dma_wait3A_20 = tpu.memref_slice %arg5[%dma_wait3A, %dma_wait3A_19] : memref<10000x128xf32, #tpu.memory_space<vmem_shared>> -> memref<520x128xf32, #tpu.memory_space<vmem_shared>>
        %dma_wait3A_21 = arith.constant 9480 : i32
        %dma_wait3A_22 = arith.constant 0 : i32
        %dma_wait3A_23 = tpu.memref_slice %arg2[%dma_wait3A_21, %dma_wait3A_22] : memref<10000x128xf32, #tpu.memory_space<hbm>> -> memref<520x128xf32, #tpu.memory_space<hbm>>
        tpu.wait_dma2 semaphore(%run_scoped3A : memref<!tpu.dma_semaphore, #tpu.memory_space<semaphore_mem>>) src(%dma_wait3A_23 : memref<520x128xf32, #tpu.memory_space<hbm>>) dst(%dma_wait3A_20 : memref<520x128xf32, #tpu.memory_space<vmem_shared>>)
        tpu.yield
      }) : () -> ()
    } else {
    }
    "tpu.region"() ({
      %run_scoped3A = tpu.sem_alloc : memref<!tpu.dma_semaphore, #tpu.memory_space<semaphore_mem>>
      %dma_start3A = arith.constant 0 : i32
      %dma_start3A_14 = arith.constant 0 : i32
      %dma_start3A_15 = tpu.memref_slice %arg3[%add3A, %dma_start3A, %dma_start3A_14] : memref<32x20x128xi32, #tpu.memory_space<hbm>> -> memref<1x20x128xi32, #tpu.memory_space<hbm>>
      %dma_start3A_16 = tpu.memref_squeeze %dma_start3A_15 : memref<1x20x128xi32, #tpu.memory_space<hbm>> -> memref<20x128xi32, #tpu.memory_space<hbm>>
      %dma_start3A_17 = arith.constant 0 : i32
      %dma_start3A_18 = arith.constant 0 : i32
      %dma_start3A_19 = tpu.memref_slice %arg3[%add3A, %dma_start3A_17, %dma_start3A_18] : memref<32x20x128xi32, #tpu.memory_space<hbm>> -> memref<1x20x128xi32, #tpu.memory_space<hbm>>
      %dma_start3A_20 = tpu.memref_squeeze %dma_start3A_19 : memref<1x20x128xi32, #tpu.memory_space<hbm>> -> memref<20x128xi32, #tpu.memory_space<hbm>>
      tpu.enqueue_dma source(%dma_start3A_20 : memref<20x128xi32, #tpu.memory_space<hbm>>) target(%arg6 : memref<20x128xi32, #tpu.memory_space<vmem>>) target_semaphore(%run_scoped3A : memref<!tpu.dma_semaphore, #tpu.memory_space<semaphore_mem>>)
      %dma_wait3A = arith.constant 0 : i32
      %dma_wait3A_21 = arith.constant 0 : i32
      %dma_wait3A_22 = tpu.memref_slice %arg3[%add3A, %dma_wait3A, %dma_wait3A_21] : memref<32x20x128xi32, #tpu.memory_space<hbm>> -> memref<1x20x128xi32, #tpu.memory_space<hbm>>
      %dma_wait3A_23 = tpu.memref_squeeze %dma_wait3A_22 : memref<1x20x128xi32, #tpu.memory_space<hbm>> -> memref<20x128xi32, #tpu.memory_space<hbm>>
      %dma_wait3A_24 = arith.constant 0 : i32
      %dma_wait3A_25 = arith.constant 0 : i32
      %dma_wait3A_26 = tpu.memref_slice %arg3[%add3A, %dma_wait3A_24, %dma_wait3A_25] : memref<32x20x128xi32, #tpu.memory_space<hbm>> -> memref<1x20x128xi32, #tpu.memory_space<hbm>>
      %dma_wait3A_27 = tpu.memref_squeeze %dma_wait3A_26 : memref<1x20x128xi32, #tpu.memory_space<hbm>> -> memref<20x128xi32, #tpu.memory_space<hbm>>
      tpu.wait_dma2 semaphore(%run_scoped3A : memref<!tpu.dma_semaphore, #tpu.memory_space<semaphore_mem>>) src(%dma_wait3A_27 : memref<20x128xi32, #tpu.memory_space<hbm>>) dst(%arg6 : memref<20x128xi32, #tpu.memory_space<vmem>>)
      tpu.yield
    }) : () -> ()
    %barrier3A = arith.constant 0 : index
    tpu.barrier barrier_id(%barrier3A)
    %scan3A = arith.constant 0 : i32
    %scan3A_9 = arith.constant 0 : i32
    %scan3A_10 = arith.constant 10 : i32
    %scan3A_11 = arith.addi %scan3A_9, %scan3A_10 : i32
    %scan3A_12 = arith.constant 1 : i32
    scf.for %scan3A_14 = %scan3A_9 to %scan3A_11 step %scan3A_12  : i32 {
      %mul3A_15 = arith.constant 2 : i32
      %mul3A_16 = arith.muli %scan3A_14, %mul3A_15 : i32
      %add3A_17 = arith.constant 0 : i32
      %add3A_18 = arith.addi %mul3A_16, %add3A_17 : i32
      %dma_start3A = arith.constant 0 : i32
      %dma_start3A_19 = arith.constant 0 : i32
      %dma_start3A_20 = arith.constant 0 : i32
      %dma_start3A_21 = tpu.memref_slice %arg7[%dma_start3A, %dma_start3A_19, %dma_start3A_20] : memref<2x128x128xf32, #tpu.memory_space<vmem>> -> memref<1x128x128xf32, #tpu.memory_space<vmem>>
      %dma_start3A_22 = tpu.memref_squeeze %dma_start3A_21 : memref<1x128x128xf32, #tpu.memory_space<vmem>> -> memref<128x128xf32, #tpu.memory_space<vmem>>
      %dma_start3A_23 = arith.constant 0 : i32
      %dma_start3A_24 = tpu.memref_slice %arg6[%add3A_18, %dma_start3A_23] : memref<20x128xi32, #tpu.memory_space<vmem>> -> memref<1x128xi32, #tpu.memory_space<vmem>>
      %dma_start3A_25 = tpu.memref_squeeze %dma_start3A_24 : memref<1x128xi32, #tpu.memory_space<vmem>> -> memref<128xi32, #tpu.memory_space<vmem>>
      %dma_start3A_26 = arith.constant 0 : i32
      %dma_start3A_27 = arith.constant 0 : i32
      %dma_start3A_28 = tpu.memref_slice %arg5[%dma_start3A_26, %dma_start3A_27] : memref<10000x128xf32, #tpu.memory_space<vmem_shared>> -> memref<10000x128xf32, #tpu.memory_space<vmem_shared>>
      tpu.enqueue_indirect_dma source(%dma_start3A_28 : memref<10000x128xf32, #tpu.memory_space<vmem_shared>>) target(%dma_start3A_22 : memref<128x128xf32, #tpu.memory_space<vmem>>) offsets(%dma_start3A_25 : memref<128xi32, #tpu.memory_space<vmem>>) semaphore(%arg8 : memref<!tpu.dma_semaphore, #tpu.memory_space<semaphore_mem>>)
      %add3A_29 = arith.constant 1 : i32
      %add3A_30 = arith.addi %mul3A_16, %add3A_29 : i32
      %dma_start3A_31 = arith.constant 1 : i32
      %dma_start3A_32 = arith.constant 0 : i32
      %dma_start3A_33 = arith.constant 0 : i32
      %dma_start3A_34 = tpu.memref_slice %arg7[%dma_start3A_31, %dma_start3A_32, %dma_start3A_33] : memref<2x128x128xf32, #tpu.memory_space<vmem>> -> memref<1x128x128xf32, #tpu.memory_space<vmem>>
      %dma_start3A_35 = tpu.memref_squeeze %dma_start3A_34 : memref<1x128x128xf32, #tpu.memory_space<vmem>> -> memref<128x128xf32, #tpu.memory_space<vmem>>
      %dma_start3A_36 = arith.constant 0 : i32
      %dma_start3A_37 = tpu.memref_slice %arg6[%add3A_30, %dma_start3A_36] : memref<20x128xi32, #tpu.memory_space<vmem>> -> memref<1x128xi32, #tpu.memory_space<vmem>>
      %dma_start3A_38 = tpu.memref_squeeze %dma_start3A_37 : memref<1x128xi32, #tpu.memory_space<vmem>> -> memref<128xi32, #tpu.memory_space<vmem>>
      %dma_start3A_39 = arith.constant 0 : i32
      %dma_start3A_40 = arith.constant 0 : i32
      %dma_start3A_41 = tpu.memref_slice %arg5[%dma_start3A_39, %dma_start3A_40] : memref<10000x128xf32, #tpu.memory_space<vmem_shared>> -> memref<10000x128xf32, #tpu.memory_space<vmem_shared>>
      tpu.enqueue_indirect_dma source(%dma_start3A_41 : memref<10000x128xf32, #tpu.memory_space<vmem_shared>>) target(%dma_start3A_35 : memref<128x128xf32, #tpu.memory_space<vmem>>) offsets(%dma_start3A_38 : memref<128xi32, #tpu.memory_space<vmem>>) semaphore(%arg8 : memref<!tpu.dma_semaphore, #tpu.memory_space<semaphore_mem>>)
      %dma_wait3A = arith.constant 0 : i32
      %dma_wait3A_42 = arith.constant 0 : i32
      %dma_wait3A_43 = arith.constant 0 : i32
      %dma_wait3A_44 = tpu.memref_slice %arg7[%dma_wait3A, %dma_wait3A_42, %dma_wait3A_43] : memref<2x128x128xf32, #tpu.memory_space<vmem>> -> memref<1x128x128xf32, #tpu.memory_space<vmem>>
      %dma_wait3A_45 = tpu.memref_squeeze %dma_wait3A_44 : memref<1x128x128xf32, #tpu.memory_space<vmem>> -> memref<128x128xf32, #tpu.memory_space<vmem>>
      %dma_wait3A_46 = arith.constant 0 : i32
      %dma_wait3A_47 = tpu.memref_slice %arg6[%add3A_18, %dma_wait3A_46] : memref<20x128xi32, #tpu.memory_space<vmem>> -> memref<1x128xi32, #tpu.memory_space<vmem>>
      %dma_wait3A_48 = tpu.memref_squeeze %dma_wait3A_47 : memref<1x128xi32, #tpu.memory_space<vmem>> -> memref<128xi32, #tpu.memory_space<vmem>>
      %dma_wait3A_49 = arith.constant 0 : i32
      %dma_wait3A_50 = arith.constant 0 : i32
      %dma_wait3A_51 = tpu.memref_slice %arg5[%dma_wait3A_49, %dma_wait3A_50] : memref<10000x128xf32, #tpu.memory_space<vmem_shared>> -> memref<10000x128xf32, #tpu.memory_space<vmem_shared>>
      tpu.wait_indirect_dma semaphore(%arg8 : memref<!tpu.dma_semaphore, #tpu.memory_space<semaphore_mem>>) src(%dma_wait3A_51 : memref<10000x128xf32, #tpu.memory_space<vmem_shared>>) dst(%dma_wait3A_45 : memref<128x128xf32, #tpu.memory_space<vmem>>)
      %add3A_52 = arith.constant 0 : i32
      %add3A_53 = arith.addi %mul3A_16, %add3A_52 : i32
      %mul3A_54 = arith.constant 128 : i32
      %mul3A_55 = arith.muli %add3A_53, %mul3A_54 : i32
      %add3A_56 = arith.addi %mul3A_2, %mul3A_55 : i32
      %dma_start3A_57 = arith.constant 0 : i32
      %dma_start3A_58 = arith.constant 0 : i32
      %dma_start3A_59 = arith.constant 0 : i32
      %dma_start3A_60 = tpu.memref_slice %arg7[%dma_start3A_57, %dma_start3A_58, %dma_start3A_59] : memref<2x128x128xf32, #tpu.memory_space<vmem>> -> memref<1x128x128xf32, #tpu.memory_space<vmem>>
      %dma_start3A_61 = tpu.memref_squeeze %dma_start3A_60 : memref<1x128x128xf32, #tpu.memory_space<vmem>> -> memref<128x128xf32, #tpu.memory_space<vmem>>
      %dma_start3A_62 = arith.constant 0 : i32
      %dma_start3A_63 = tpu.memref_slice %arg4[%add3A_56, %dma_start3A_62] : memref<81920x128xf32, #tpu.memory_space<hbm>> -> memref<128x128xf32, #tpu.memory_space<hbm>>
      %dma_start3A_64 = arith.constant 0 : i32
      %dma_start3A_65 = tpu.memref_slice %arg4[%add3A_56, %dma_start3A_64] : memref<81920x128xf32, #tpu.memory_space<hbm>> -> memref<128x128xf32, #tpu.memory_space<hbm>>
      %dma_start3A_66 = arith.constant 0 : i32
      %dma_start3A_67 = arith.constant 0 : i32
      %dma_start3A_68 = tpu.memref_slice %arg7[%dma_start3A_57, %dma_start3A_66, %dma_start3A_67] : memref<2x128x128xf32, #tpu.memory_space<vmem>> -> memref<1x128x128xf32, #tpu.memory_space<vmem>>
      %dma_start3A_69 = tpu.memref_squeeze %dma_start3A_68 : memref<1x128x128xf32, #tpu.memory_space<vmem>> -> memref<128x128xf32, #tpu.memory_space<vmem>>
      tpu.enqueue_dma source(%dma_start3A_69 : memref<128x128xf32, #tpu.memory_space<vmem>>) target(%dma_start3A_65 : memref<128x128xf32, #tpu.memory_space<hbm>>) target_semaphore(%arg9 : memref<!tpu.dma_semaphore, #tpu.memory_space<semaphore_mem>>)
      %dma_wait3A_70 = arith.constant 1 : i32
      %dma_wait3A_71 = arith.constant 0 : i32
      %dma_wait3A_72 = arith.constant 0 : i32
      %dma_wait3A_73 = tpu.memref_slice %arg7[%dma_wait3A_70, %dma_wait3A_71, %dma_wait3A_72] : memref<2x128x128xf32, #tpu.memory_space<vmem>> -> memref<1x128x128xf32, #tpu.memory_space<vmem>>
      %dma_wait3A_74 = tpu.memref_squeeze %dma_wait3A_73 : memref<1x128x128xf32, #tpu.memory_space<vmem>> -> memref<128x128xf32, #tpu.memory_space<vmem>>
      %dma_wait3A_75 = arith.constant 0 : i32
      %dma_wait3A_76 = tpu.memref_slice %arg6[%add3A_30, %dma_wait3A_75] : memref<20x128xi32, #tpu.memory_space<vmem>> -> memref<1x128xi32, #tpu.memory_space<vmem>>
      %dma_wait3A_77 = tpu.memref_squeeze %dma_wait3A_76 : memref<1x128xi32, #tpu.memory_space<vmem>> -> memref<128xi32, #tpu.memory_space<vmem>>
      %dma_wait3A_78 = arith.constant 0 : i32
      %dma_wait3A_79 = arith.constant 0 : i32
      %dma_wait3A_80 = tpu.memref_slice %arg5[%dma_wait3A_78, %dma_wait3A_79] : memref<10000x128xf32, #tpu.memory_space<vmem_shared>> -> memref<10000x128xf32, #tpu.memory_space<vmem_shared>>
      tpu.wait_indirect_dma semaphore(%arg8 : memref<!tpu.dma_semaphore, #tpu.memory_space<semaphore_mem>>) src(%dma_wait3A_80 : memref<10000x128xf32, #tpu.memory_space<vmem_shared>>) dst(%dma_wait3A_74 : memref<128x128xf32, #tpu.memory_space<vmem>>)
      %add3A_81 = arith.constant 1 : i32
      %add3A_82 = arith.addi %mul3A_16, %add3A_81 : i32
      %mul3A_83 = arith.constant 128 : i32
      %mul3A_84 = arith.muli %add3A_82, %mul3A_83 : i32
      %add3A_85 = arith.addi %mul3A_2, %mul3A_84 : i32
      %dma_start3A_86 = arith.constant 1 : i32
      %dma_start3A_87 = arith.constant 0 : i32
      %dma_start3A_88 = arith.constant 0 : i32
      %dma_start3A_89 = tpu.memref_slice %arg7[%dma_start3A_86, %dma_start3A_87, %dma_start3A_88] : memref<2x128x128xf32, #tpu.memory_space<vmem>> -> memref<1x128x128xf32, #tpu.memory_space<vmem>>
      %dma_start3A_90 = tpu.memref_squeeze %dma_start3A_89 : memref<1x128x128xf32, #tpu.memory_space<vmem>> -> memref<128x128xf32, #tpu.memory_space<vmem>>
      %dma_start3A_91 = arith.constant 0 : i32
      %dma_start3A_92 = tpu.memref_slice %arg4[%add3A_85, %dma_start3A_91] : memref<81920x128xf32, #tpu.memory_space<hbm>> -> memref<128x128xf32, #tpu.memory_space<hbm>>
      %dma_start3A_93 = arith.constant 0 : i32
      %dma_start3A_94 = tpu.memref_slice %arg4[%add3A_85, %dma_start3A_93] : memref<81920x128xf32, #tpu.memory_space<hbm>> -> memref<128x128xf32, #tpu.memory_space<hbm>>
      %dma_start3A_95 = arith.constant 0 : i32
      %dma_start3A_96 = arith.constant 0 : i32
      %dma_start3A_97 = tpu.memref_slice %arg7[%dma_start3A_86, %dma_start3A_95, %dma_start3A_96] : memref<2x128x128xf32, #tpu.memory_space<vmem>> -> memref<1x128x128xf32, #tpu.memory_space<vmem>>
      %dma_start3A_98 = tpu.memref_squeeze %dma_start3A_97 : memref<1x128x128xf32, #tpu.memory_space<vmem>> -> memref<128x128xf32, #tpu.memory_space<vmem>>
      tpu.enqueue_dma source(%dma_start3A_98 : memref<128x128xf32, #tpu.memory_space<vmem>>) target(%dma_start3A_94 : memref<128x128xf32, #tpu.memory_space<hbm>>) target_semaphore(%arg9 : memref<!tpu.dma_semaphore, #tpu.memory_space<semaphore_mem>>)
      %dma_wait3A_99 = arith.constant 0 : i32
      %dma_wait3A_100 = arith.constant 0 : i32
      %dma_wait3A_101 = arith.constant 0 : i32
      %dma_wait3A_102 = tpu.memref_slice %arg7[%dma_wait3A_99, %dma_wait3A_100, %dma_wait3A_101] : memref<2x128x128xf32, #tpu.memory_space<vmem>> -> memref<1x128x128xf32, #tpu.memory_space<vmem>>
      %dma_wait3A_103 = tpu.memref_squeeze %dma_wait3A_102 : memref<1x128x128xf32, #tpu.memory_space<vmem>> -> memref<128x128xf32, #tpu.memory_space<vmem>>
      %dma_wait3A_104 = arith.constant 0 : i32
      %dma_wait3A_105 = tpu.memref_slice %arg4[%add3A_56, %dma_wait3A_104] : memref<81920x128xf32, #tpu.memory_space<hbm>> -> memref<128x128xf32, #tpu.memory_space<hbm>>
      %dma_wait3A_106 = arith.constant 0 : i32
      %dma_wait3A_107 = tpu.memref_slice %arg4[%add3A_56, %dma_wait3A_106] : memref<81920x128xf32, #tpu.memory_space<hbm>> -> memref<128x128xf32, #tpu.memory_space<hbm>>
      %dma_wait3A_108 = arith.constant 0 : i32
      %dma_wait3A_109 = arith.constant 0 : i32
      %dma_wait3A_110 = tpu.memref_slice %arg7[%dma_wait3A_99, %dma_wait3A_108, %dma_wait3A_109] : memref<2x128x128xf32, #tpu.memory_space<vmem>> -> memref<1x128x128xf32, #tpu.memory_space<vmem>>
      %dma_wait3A_111 = tpu.memref_squeeze %dma_wait3A_110 : memref<1x128x128xf32, #tpu.memory_space<vmem>> -> memref<128x128xf32, #tpu.memory_space<vmem>>
      tpu.wait_dma2 semaphore(%arg9 : memref<!tpu.dma_semaphore, #tpu.memory_space<semaphore_mem>>) src(%dma_wait3A_111 : memref<128x128xf32, #tpu.memory_space<vmem>>) dst(%dma_wait3A_107 : memref<128x128xf32, #tpu.memory_space<hbm>>)
      %dma_wait3A_112 = arith.constant 1 : i32
      %dma_wait3A_113 = arith.constant 0 : i32
      %dma_wait3A_114 = arith.constant 0 : i32
      %dma_wait3A_115 = tpu.memref_slice %arg7[%dma_wait3A_112, %dma_wait3A_113, %dma_wait3A_114] : memref<2x128x128xf32, #tpu.memory_space<vmem>> -> memref<1x128x128xf32, #tpu.memory_space<vmem>>
      %dma_wait3A_116 = tpu.memref_squeeze %dma_wait3A_115 : memref<1x128x128xf32, #tpu.memory_space<vmem>> -> memref<128x128xf32, #tpu.memory_space<vmem>>
      %dma_wait3A_117 = arith.constant 0 : i32
      %dma_wait3A_118 = tpu.memref_slice %arg4[%add3A_85, %dma_wait3A_117] : memref<81920x128xf32, #tpu.memory_space<hbm>> -> memref<128x128xf32, #tpu.memory_space<hbm>>
      %dma_wait3A_119 = arith.constant 0 : i32
      %dma_wait3A_120 = tpu.memref_slice %arg4[%add3A_85, %dma_wait3A_119] : memref<81920x128xf32, #tpu.memory_space<hbm>> -> memref<128x128xf32, #tpu.memory_space<hbm>>
      %dma_wait3A_121 = arith.constant 0 : i32
      %dma_wait3A_122 = arith.constant 0 : i32
      %dma_wait3A_123 = tpu.memref_slice %arg7[%dma_wait3A_112, %dma_wait3A_121, %dma_wait3A_122] : memref<2x128x128xf32, #tpu.memory_space<vmem>> -> memref<1x128x128xf32, #tpu.memory_space<vmem>>
      %dma_wait3A_124 = tpu.memref_squeeze %dma_wait3A_123 : memref<1x128x128xf32, #tpu.memory_space<vmem>> -> memref<128x128xf32, #tpu.memory_space<vmem>>
      tpu.wait_dma2 semaphore(%arg9 : memref<!tpu.dma_semaphore, #tpu.memory_space<semaphore_mem>>) src(%dma_wait3A_124 : memref<128x128xf32, #tpu.memory_space<vmem>>) dst(%dma_wait3A_120 : memref<128x128xf32, #tpu.memory_space<hbm>>)
    }
    %scan3A_13 = arith.constant 10 : i32
    return
  }
}

#map = affine_map<(d0, d1) -> (0, 0)>
#map1 = affine_map<(d0, d1) -> (0, 0, 0)>
module attributes {stable_mosaic.version = 14 : i64} {
  func.func @body(%arg0: i32, %arg1: i32, %arg2: memref<10000x128xf32, #tpu.memory_space<hbm>>, %arg3: memref<32x20x128xi32, #tpu.memory_space<hbm>>, %arg4: memref<81920x128xf32, #tpu.memory_space<hbm>>, %arg5: memref<10000x128xf32, #tpu.memory_space<vmem_shared>>, %arg6: memref<20x128xi32, #tpu.memory_space<vmem>>, %arg7: memref<2x128x128xf32, #tpu.memory_space<vmem>>, %arg8: memref<!tpu.dma_semaphore, #tpu.memory_space<semaphore_mem>>, %arg9: memref<!tpu.dma_semaphore, #tpu.memory_space<semaphore_mem>>) attributes {dimension_semantics = [#tpu.dimension_semantics<core_parallel>, #tpu.dimension_semantics<subcore_parallel>], iteration_bounds = array<i64: 2, 16>, scalar_prefetch = 0 : i64, scratch_operands = 5 : i64, tpu.core_type = #tpu.core_type<sc_vector_subcore>, window_params = [{transform_indices = #map}, {transform_indices = #map1}, {transform_indices = #map}]} {
    %mul3A = arith.constant 2 : i32
    %mul3A_0 = arith.muli %arg1, %mul3A : i32
    %add3A = arith.addi %mul3A_0, %arg0 : i32
    %mul3A_1 = arith.constant 2560 : i32
    %mul3A_2 = arith.muli %add3A, %mul3A_1 : i32
    %lt3A = arith.constant 15 : i32
    %lt3A_3 = arith.cmpi slt, %arg1, %lt3A : i32
    %convert_element_type3A = arith.extui %lt3A_3 : i1 to i32
    %cond3A = arith.constant 0 : i32
    %cond3A_4 = arith.cmpi ne, %convert_element_type3A, %cond3A : i32
    scf.if %cond3A_4 {
      %mul3A_14 = arith.constant 632 : i32
      %mul3A_15 = arith.muli %arg1, %mul3A_14 : i32
      %mul3A_16 = arith.constant 632 : i32
      %mul3A_17 = arith.muli %arg1, %mul3A_16 : i32
      "tpu.region"() ({
        %run_scoped3A = tpu.sem_alloc : memref<!tpu.dma_semaphore, #tpu.memory_space<semaphore_mem>>
        %dma_start3A = arith.constant 0 : i32
        %dma_start3A_18 = tpu.memref_slice %arg5[%mul3A_17, %dma_start3A] : memref<10000x128xf32, #tpu.memory_space<vmem_shared>> -> memref<632x128xf32, #tpu.memory_space<vmem_shared>>
        %dma_start3A_19 = arith.constant 0 : i32
        %dma_start3A_20 = tpu.memref_slice %arg2[%mul3A_15, %dma_start3A_19] : memref<10000x128xf32, #tpu.memory_space<hbm>> -> memref<632x128xf32, #tpu.memory_space<hbm>>
        tpu.enqueue_dma source(%dma_start3A_20 : memref<632x128xf32, #tpu.memory_space<hbm>>) target(%dma_start3A_18 : memref<632x128xf32, #tpu.memory_space<vmem_shared>>) target_semaphore(%run_scoped3A : memref<!tpu.dma_semaphore, #tpu.memory_space<semaphore_mem>>)
        %dma_wait3A = arith.constant 0 : i32
        %dma_wait3A_21 = tpu.memref_slice %arg5[%mul3A_17, %dma_wait3A] : memref<10000x128xf32, #tpu.memory_space<vmem_shared>> -> memref<632x128xf32, #tpu.memory_space<vmem_shared>>
        %dma_wait3A_22 = arith.constant 0 : i32
        %dma_wait3A_23 = tpu.memref_slice %arg2[%mul3A_15, %dma_wait3A_22] : memref<10000x128xf32, #tpu.memory_space<hbm>> -> memref<632x128xf32, #tpu.memory_space<hbm>>
        tpu.wait_dma2 semaphore(%run_scoped3A : memref<!tpu.dma_semaphore, #tpu.memory_space<semaphore_mem>>) src(%dma_wait3A_23 : memref<632x128xf32, #tpu.memory_space<hbm>>) dst(%dma_wait3A_21 : memref<632x128xf32, #tpu.memory_space<vmem_shared>>)
        tpu.yield
      }) : () -> ()
    } else {
    }
    %eq3A = arith.constant 15 : i32
    %eq3A_5 = arith.cmpi eq, %arg1, %eq3A : i32
    %convert_element_type3A_6 = arith.extui %eq3A_5 : i1 to i32
    %cond3A_7 = arith.constant 0 : i32
    %cond3A_8 = arith.cmpi ne, %convert_element_type3A_6, %cond3A_7 : i32
    scf.if %cond3A_8 {
      "tpu.region"() ({
        %run_scoped3A = tpu.sem_alloc : memref<!tpu.dma_semaphore, #tpu.memory_space<semaphore_mem>>
        %dma_start3A = arith.constant 9480 : i32
        %dma_start3A_14 = arith.constant 0 : i32
        %dma_start3A_15 = tpu.memref_slice %arg5[%dma_start3A, %dma_start3A_14] : memref<10000x128xf32, #tpu.memory_space<vmem_shared>> -> memref<520x128xf32, #tpu.memory_space<vmem_shared>>
        %dma_start3A_16 = arith.constant 9480 : i32
        %dma_start3A_17 = arith.constant 0 : i32
        %dma_start3A_18 = tpu.memref_slice %arg2[%dma_start3A_16, %dma_start3A_17] : memref<10000x128xf32, #tpu.memory_space<hbm>> -> memref<520x128xf32, #tpu.memory_space<hbm>>
        tpu.enqueue_dma source(%dma_start3A_18 : memref<520x128xf32, #tpu.memory_space<hbm>>) target(%dma_start3A_15 : memref<520x128xf32, #tpu.memory_space<vmem_shared>>) target_semaphore(%run_scoped3A : memref<!tpu.dma_semaphore, #tpu.memory_space<semaphore_mem>>)
        %dma_wait3A = arith.constant 9480 : i32
        %dma_wait3A_19 = arith.constant 0 : i32
        %dma_wait3A_20 = tpu.memref_slice %arg5[%dma_wait3A, %dma_wait3A_19] : memref<10000x128xf32, #tpu.memory_space<vmem_shared>> -> memref<520x128xf32, #tpu.memory_space<vmem_shared>>
        %dma_wait3A_21 = arith.constant 9480 : i32
        %dma_wait3A_22 = arith.constant 0 : i32
        %dma_wait3A_23 = tpu.memref_slice %arg2[%dma_wait3A_21, %dma_wait3A_22] : memref<10000x128xf32, #tpu.memory_space<hbm>> -> memref<520x128xf32, #tpu.memory_space<hbm>>
        tpu.wait_dma2 semaphore(%run_scoped3A : memref<!tpu.dma_semaphore, #tpu.memory_space<semaphore_mem>>) src(%dma_wait3A_23 : memref<520x128xf32, #tpu.memory_space<hbm>>) dst(%dma_wait3A_20 : memref<520x128xf32, #tpu.memory_space<vmem_shared>>)
        tpu.yield
      }) : () -> ()
    } else {
    }
    "tpu.region"() ({
      %run_scoped3A = tpu.sem_alloc : memref<!tpu.dma_semaphore, #tpu.memory_space<semaphore_mem>>
      %dma_start3A = arith.constant 0 : i32
      %dma_start3A_14 = arith.constant 0 : i32
      %dma_start3A_15 = tpu.memref_slice %arg3[%add3A, %dma_start3A, %dma_start3A_14] : memref<32x20x128xi32, #tpu.memory_space<hbm>> -> memref<1x20x128xi32, #tpu.memory_space<hbm>>
      %dma_start3A_16 = tpu.memref_squeeze %dma_start3A_15 : memref<1x20x128xi32, #tpu.memory_space<hbm>> -> memref<20x128xi32, #tpu.memory_space<hbm>>
      %dma_start3A_17 = arith.constant 0 : i32
      %dma_start3A_18 = arith.constant 0 : i32
      %dma_start3A_19 = tpu.memref_slice %arg3[%add3A, %dma_start3A_17, %dma_start3A_18] : memref<32x20x128xi32, #tpu.memory_space<hbm>> -> memref<1x20x128xi32, #tpu.memory_space<hbm>>
      %dma_start3A_20 = tpu.memref_squeeze %dma_start3A_19 : memref<1x20x128xi32, #tpu.memory_space<hbm>> -> memref<20x128xi32, #tpu.memory_space<hbm>>
      tpu.enqueue_dma source(%dma_start3A_20 : memref<20x128xi32, #tpu.memory_space<hbm>>) target(%arg6 : memref<20x128xi32, #tpu.memory_space<vmem>>) target_semaphore(%run_scoped3A : memref<!tpu.dma_semaphore, #tpu.memory_space<semaphore_mem>>)
      %dma_wait3A = arith.constant 0 : i32
      %dma_wait3A_21 = arith.constant 0 : i32
      %dma_wait3A_22 = tpu.memref_slice %arg3[%add3A, %dma_wait3A, %dma_wait3A_21] : memref<32x20x128xi32, #tpu.memory_space<hbm>> -> memref<1x20x128xi32, #tpu.memory_space<hbm>>
      %dma_wait3A_23 = tpu.memref_squeeze %dma_wait3A_22 : memref<1x20x128xi32, #tpu.memory_space<hbm>> -> memref<20x128xi32, #tpu.memory_space<hbm>>
      %dma_wait3A_24 = arith.constant 0 : i32
      %dma_wait3A_25 = arith.constant 0 : i32
      %dma_wait3A_26 = tpu.memref_slice %arg3[%add3A, %dma_wait3A_24, %dma_wait3A_25] : memref<32x20x128xi32, #tpu.memory_space<hbm>> -> memref<1x20x128xi32, #tpu.memory_space<hbm>>
      %dma_wait3A_27 = tpu.memref_squeeze %dma_wait3A_26 : memref<1x20x128xi32, #tpu.memory_space<hbm>> -> memref<20x128xi32, #tpu.memory_space<hbm>>
      tpu.wait_dma2 semaphore(%run_scoped3A : memref<!tpu.dma_semaphore, #tpu.memory_space<semaphore_mem>>) src(%dma_wait3A_27 : memref<20x128xi32, #tpu.memory_space<hbm>>) dst(%arg6 : memref<20x128xi32, #tpu.memory_space<vmem>>)
      tpu.yield
    }) : () -> ()
    %barrier3A = arith.constant 0 : index
    tpu.barrier barrier_id(%barrier3A)
    %scan3A = arith.constant 0 : i32
    %scan3A_9 = arith.constant 0 : i32
    %scan3A_10 = arith.constant 10 : i32
    %scan3A_11 = arith.addi %scan3A_9, %scan3A_10 : i32
    %scan3A_12 = arith.constant 1 : i32
    scf.for %scan3A_14 = %scan3A_9 to %scan3A_11 step %scan3A_12  : i32 {
      %mul3A_15 = arith.constant 2 : i32
      %mul3A_16 = arith.muli %scan3A_14, %mul3A_15 : i32
      %add3A_17 = arith.constant 0 : i32
      %add3A_18 = arith.addi %mul3A_16, %add3A_17 : i32
      %dma_start3A = arith.constant 0 : i32
      %dma_start3A_19 = arith.constant 0 : i32
      %dma_start3A_20 = arith.constant 0 : i32
      %dma_start3A_21 = tpu.memref_slice %arg7[%dma_start3A, %dma_start3A_19, %dma_start3A_20] : memref<2x128x128xf32, #tpu.memory_space<vmem>> -> memref<1x128x128xf32, #tpu.memory_space<vmem>>
      %dma_start3A_22 = tpu.memref_squeeze %dma_start3A_21 : memref<1x128x128xf32, #tpu.memory_space<vmem>> -> memref<128x128xf32, #tpu.memory_space<vmem>>
      %dma_start3A_23 = arith.constant 0 : i32
      %dma_start3A_24 = tpu.memref_slice %arg6[%add3A_18, %dma_start3A_23] : memref<20x128xi32, #tpu.memory_space<vmem>> -> memref<1x128xi32, #tpu.memory_space<vmem>>
      %dma_start3A_25 = tpu.memref_squeeze %dma_start3A_24 : memref<1x128xi32, #tpu.memory_space<vmem>> -> memref<128xi32, #tpu.memory_space<vmem>>
      %dma_start3A_26 = arith.constant 0 : i32
      %dma_start3A_27 = arith.constant 0 : i32
      %dma_start3A_28 = tpu.memref_slice %arg5[%dma_start3A_26, %dma_start3A_27] : memref<10000x128xf32, #tpu.memory_space<vmem_shared>> -> memref<10000x128xf32, #tpu.memory_space<vmem_shared>>
      tpu.enqueue_indirect_dma source(%dma_start3A_28 : memref<10000x128xf32, #tpu.memory_space<vmem_shared>>) target(%dma_start3A_22 : memref<128x128xf32, #tpu.memory_space<vmem>>) offsets(%dma_start3A_25 : memref<128xi32, #tpu.memory_space<vmem>>) semaphore(%arg8 : memref<!tpu.dma_semaphore, #tpu.memory_space<semaphore_mem>>)
      %add3A_29 = arith.constant 1 : i32
      %add3A_30 = arith.addi %mul3A_16, %add3A_29 : i32
      %dma_start3A_31 = arith.constant 1 : i32
      %dma_start3A_32 = arith.constant 0 : i32
      %dma_start3A_33 = arith.constant 0 : i32
      %dma_start3A_34 = tpu.memref_slice %arg7[%dma_start3A_31, %dma_start3A_32, %dma_start3A_33] : memref<2x128x128xf32, #tpu.memory_space<vmem>> -> memref<1x128x128xf32, #tpu.memory_space<vmem>>
      %dma_start3A_35 = tpu.memref_squeeze %dma_start3A_34 : memref<1x128x128xf32, #tpu.memory_space<vmem>> -> memref<128x128xf32, #tpu.memory_space<vmem>>
      %dma_start3A_36 = arith.constant 0 : i32
      %dma_start3A_37 = tpu.memref_slice %arg6[%add3A_30, %dma_start3A_36] : memref<20x128xi32, #tpu.memory_space<vmem>> -> memref<1x128xi32, #tpu.memory_space<vmem>>
      %dma_start3A_38 = tpu.memref_squeeze %dma_start3A_37 : memref<1x128xi32, #tpu.memory_space<vmem>> -> memref<128xi32, #tpu.memory_space<vmem>>
      %dma_start3A_39 = arith.constant 0 : i32
      %dma_start3A_40 = arith.constant 0 : i32
      %dma_start3A_41 = tpu.memref_slice %arg5[%dma_start3A_39, %dma_start3A_40] : memref<10000x128xf32, #tpu.memory_space<vmem_shared>> -> memref<10000x128xf32, #tpu.memory_space<vmem_shared>>
      tpu.enqueue_indirect_dma source(%dma_start3A_41 : memref<10000x128xf32, #tpu.memory_space<vmem_shared>>) target(%dma_start3A_35 : memref<128x128xf32, #tpu.memory_space<vmem>>) offsets(%dma_start3A_38 : memref<128xi32, #tpu.memory_space<vmem>>) semaphore(%arg8 : memref<!tpu.dma_semaphore, #tpu.memory_space<semaphore_mem>>)
      %dma_wait3A = arith.constant 0 : i32
      %dma_wait3A_42 = arith.constant 0 : i32
      %dma_wait3A_43 = arith.constant 0 : i32
      %dma_wait3A_44 = tpu.memref_slice %arg7[%dma_wait3A, %dma_wait3A_42, %dma_wait3A_43] : memref<2x128x128xf32, #tpu.memory_space<vmem>> -> memref<1x128x128xf32, #tpu.memory_space<vmem>>
      %dma_wait3A_45 = tpu.memref_squeeze %dma_wait3A_44 : memref<1x128x128xf32, #tpu.memory_space<vmem>> -> memref<128x128xf32, #tpu.memory_space<vmem>>
      %dma_wait3A_46 = arith.constant 0 : i32
      %dma_wait3A_47 = tpu.memref_slice %arg6[%add3A_18, %dma_wait3A_46] : memref<20x128xi32, #tpu.memory_space<vmem>> -> memref<1x128xi32, #tpu.memory_space<vmem>>
      %dma_wait3A_48 = tpu.memref_squeeze %dma_wait3A_47 : memref<1x128xi32, #tpu.memory_space<vmem>> -> memref<128xi32, #tpu.memory_space<vmem>>
      %dma_wait3A_49 = arith.constant 0 : i32
      %dma_wait3A_50 = arith.constant 0 : i32
      %dma_wait3A_51 = tpu.memref_slice %arg5[%dma_wait3A_49, %dma_wait3A_50] : memref<10000x128xf32, #tpu.memory_space<vmem_shared>> -> memref<10000x128xf32, #tpu.memory_space<vmem_shared>>
      tpu.wait_indirect_dma semaphore(%arg8 : memref<!tpu.dma_semaphore, #tpu.memory_space<semaphore_mem>>) src(%dma_wait3A_51 : memref<10000x128xf32, #tpu.memory_space<vmem_shared>>) dst(%dma_wait3A_45 : memref<128x128xf32, #tpu.memory_space<vmem>>)
      %add3A_52 = arith.constant 0 : i32
      %add3A_53 = arith.addi %mul3A_16, %add3A_52 : i32
      %mul3A_54 = arith.constant 128 : i32
      %mul3A_55 = arith.muli %add3A_53, %mul3A_54 : i32
      %add3A_56 = arith.addi %mul3A_2, %mul3A_55 : i32
      %dma_start3A_57 = arith.constant 0 : i32
      %dma_start3A_58 = arith.constant 0 : i32
      %dma_start3A_59 = arith.constant 0 : i32
      %dma_start3A_60 = tpu.memref_slice %arg7[%dma_start3A_57, %dma_start3A_58, %dma_start3A_59] : memref<2x128x128xf32, #tpu.memory_space<vmem>> -> memref<1x128x128xf32, #tpu.memory_space<vmem>>
      %dma_start3A_61 = tpu.memref_squeeze %dma_start3A_60 : memref<1x128x128xf32, #tpu.memory_space<vmem>> -> memref<128x128xf32, #tpu.memory_space<vmem>>
      %dma_start3A_62 = arith.constant 0 : i32
      %dma_start3A_63 = tpu.memref_slice %arg4[%add3A_56, %dma_start3A_62] : memref<81920x128xf32, #tpu.memory_space<hbm>> -> memref<128x128xf32, #tpu.memory_space<hbm>>
      %dma_start3A_64 = arith.constant 0 : i32
      %dma_start3A_65 = tpu.memref_slice %arg4[%add3A_56, %dma_start3A_64] : memref<81920x128xf32, #tpu.memory_space<hbm>> -> memref<128x128xf32, #tpu.memory_space<hbm>>
      %dma_start3A_66 = arith.constant 0 : i32
      %dma_start3A_67 = arith.constant 0 : i32
      %dma_start3A_68 = tpu.memref_slice %arg7[%dma_start3A_57, %dma_start3A_66, %dma_start3A_67] : memref<2x128x128xf32, #tpu.memory_space<vmem>> -> memref<1x128x128xf32, #tpu.memory_space<vmem>>
      %dma_start3A_69 = tpu.memref_squeeze %dma_start3A_68 : memref<1x128x128xf32, #tpu.memory_space<vmem>> -> memref<128x128xf32, #tpu.memory_space<vmem>>
      tpu.enqueue_dma source(%dma_start3A_69 : memref<128x128xf32, #tpu.memory_space<vmem>>) target(%dma_start3A_65 : memref<128x128xf32, #tpu.memory_space<hbm>>) target_semaphore(%arg9 : memref<!tpu.dma_semaphore, #tpu.memory_space<semaphore_mem>>)
      %dma_wait3A_70 = arith.constant 1 : i32
      %dma_wait3A_71 = arith.constant 0 : i32
      %dma_wait3A_72 = arith.constant 0 : i32
      %dma_wait3A_73 = tpu.memref_slice %arg7[%dma_wait3A_70, %dma_wait3A_71, %dma_wait3A_72] : memref<2x128x128xf32, #tpu.memory_space<vmem>> -> memref<1x128x128xf32, #tpu.memory_space<vmem>>
      %dma_wait3A_74 = tpu.memref_squeeze %dma_wait3A_73 : memref<1x128x128xf32, #tpu.memory_space<vmem>> -> memref<128x128xf32, #tpu.memory_space<vmem>>
      %dma_wait3A_75 = arith.constant 0 : i32
      %dma_wait3A_76 = tpu.memref_slice %arg6[%add3A_30, %dma_wait3A_75] : memref<20x128xi32, #tpu.memory_space<vmem>> -> memref<1x128xi32, #tpu.memory_space<vmem>>
      %dma_wait3A_77 = tpu.memref_squeeze %dma_wait3A_76 : memref<1x128xi32, #tpu.memory_space<vmem>> -> memref<128xi32, #tpu.memory_space<vmem>>
      %dma_wait3A_78 = arith.constant 0 : i32
      %dma_wait3A_79 = arith.constant 0 : i32
      %dma_wait3A_80 = tpu.memref_slice %arg5[%dma_wait3A_78, %dma_wait3A_79] : memref<10000x128xf32, #tpu.memory_space<vmem_shared>> -> memref<10000x128xf32, #tpu.memory_space<vmem_shared>>
      tpu.wait_indirect_dma semaphore(%arg8 : memref<!tpu.dma_semaphore, #tpu.memory_space<semaphore_mem>>) src(%dma_wait3A_80 : memref<10000x128xf32, #tpu.memory_space<vmem_shared>>) dst(%dma_wait3A_74 : memref<128x128xf32, #tpu.memory_space<vmem>>)
      %add3A_81 = arith.constant 1 : i32
      %add3A_82 = arith.addi %mul3A_16, %add3A_81 : i32
      %mul3A_83 = arith.constant 128 : i32
      %mul3A_84 = arith.muli %add3A_82, %mul3A_83 : i32
      %add3A_85 = arith.addi %mul3A_2, %mul3A_84 : i32
      %dma_start3A_86 = arith.constant 1 : i32
      %dma_start3A_87 = arith.constant 0 : i32
      %dma_start3A_88 = arith.constant 0 : i32
      %dma_start3A_89 = tpu.memref_slice %arg7[%dma_start3A_86, %dma_start3A_87, %dma_start3A_88] : memref<2x128x128xf32, #tpu.memory_space<vmem>> -> memref<1x128x128xf32, #tpu.memory_space<vmem>>
      %dma_start3A_90 = tpu.memref_squeeze %dma_start3A_89 : memref<1x128x128xf32, #tpu.memory_space<vmem>> -> memref<128x128xf32, #tpu.memory_space<vmem>>
      %dma_start3A_91 = arith.constant 0 : i32
      %dma_start3A_92 = tpu.memref_slice %arg4[%add3A_85, %dma_start3A_91] : memref<81920x128xf32, #tpu.memory_space<hbm>> -> memref<128x128xf32, #tpu.memory_space<hbm>>
      %dma_start3A_93 = arith.constant 0 : i32
      %dma_start3A_94 = tpu.memref_slice %arg4[%add3A_85, %dma_start3A_93] : memref<81920x128xf32, #tpu.memory_space<hbm>> -> memref<128x128xf32, #tpu.memory_space<hbm>>
      %dma_start3A_95 = arith.constant 0 : i32
      %dma_start3A_96 = arith.constant 0 : i32
      %dma_start3A_97 = tpu.memref_slice %arg7[%dma_start3A_86, %dma_start3A_95, %dma_start3A_96] : memref<2x128x128xf32, #tpu.memory_space<vmem>> -> memref<1x128x128xf32, #tpu.memory_space<vmem>>
      %dma_start3A_98 = tpu.memref_squeeze %dma_start3A_97 : memref<1x128x128xf32, #tpu.memory_space<vmem>> -> memref<128x128xf32, #tpu.memory_space<vmem>>
      tpu.enqueue_dma source(%dma_start3A_98 : memref<128x128xf32, #tpu.memory_space<vmem>>) target(%dma_start3A_94 : memref<128x128xf32, #tpu.memory_space<hbm>>) target_semaphore(%arg9 : memref<!tpu.dma_semaphore, #tpu.memory_space<semaphore_mem>>)
      %dma_wait3A_99 = arith.constant 0 : i32
      %dma_wait3A_100 = arith.constant 0 : i32
      %dma_wait3A_101 = arith.constant 0 : i32
      %dma_wait3A_102 = tpu.memref_slice %arg7[%dma_wait3A_99, %dma_wait3A_100, %dma_wait3A_101] : memref<2x128x128xf32, #tpu.memory_space<vmem>> -> memref<1x128x128xf32, #tpu.memory_space<vmem>>
      %dma_wait3A_103 = tpu.memref_squeeze %dma_wait3A_102 : memref<1x128x128xf32, #tpu.memory_space<vmem>> -> memref<128x128xf32, #tpu.memory_space<vmem>>
      %dma_wait3A_104 = arith.constant 0 : i32
      %dma_wait3A_105 = tpu.memref_slice %arg4[%add3A_56, %dma_wait3A_104] : memref<81920x128xf32, #tpu.memory_space<hbm>> -> memref<128x128xf32, #tpu.memory_space<hbm>>
      %dma_wait3A_106 = arith.constant 0 : i32
      %dma_wait3A_107 = tpu.memref_slice %arg4[%add3A_56, %dma_wait3A_106] : memref<81920x128xf32, #tpu.memory_space<hbm>> -> memref<128x128xf32, #tpu.memory_space<hbm>>
      %dma_wait3A_108 = arith.constant 0 : i32
      %dma_wait3A_109 = arith.constant 0 : i32
      %dma_wait3A_110 = tpu.memref_slice %arg7[%dma_wait3A_99, %dma_wait3A_108, %dma_wait3A_109] : memref<2x128x128xf32, #tpu.memory_space<vmem>> -> memref<1x128x128xf32, #tpu.memory_space<vmem>>
      %dma_wait3A_111 = tpu.memref_squeeze %dma_wait3A_110 : memref<1x128x128xf32, #tpu.memory_space<vmem>> -> memref<128x128xf32, #tpu.memory_space<vmem>>
      tpu.wait_dma2 semaphore(%arg9 : memref<!tpu.dma_semaphore, #tpu.memory_space<semaphore_mem>>) src(%dma_wait3A_111 : memref<128x128xf32, #tpu.memory_space<vmem>>) dst(%dma_wait3A_107 : memref<128x128xf32, #tpu.memory_space<hbm>>)
      %dma_wait3A_112 = arith.constant 1 : i32
      %dma_wait3A_113 = arith.constant 0 : i32
      %dma_wait3A_114 = arith.constant 0 : i32
      %dma_wait3A_115 = tpu.memref_slice %arg7[%dma_wait3A_112, %dma_wait3A_113, %dma_wait3A_114] : memref<2x128x128xf32, #tpu.memory_space<vmem>> -> memref<1x128x128xf32, #tpu.memory_space<vmem>>
      %dma_wait3A_116 = tpu.memref_squeeze %dma_wait3A_115 : memref<1x128x128xf32, #tpu.memory_space<vmem>> -> memref<128x128xf32, #tpu.memory_space<vmem>>
      %dma_wait3A_117 = arith.constant 0 : i32
      %dma_wait3A_118 = tpu.memref_slice %arg4[%add3A_85, %dma_wait3A_117] : memref<81920x128xf32, #tpu.memory_space<hbm>> -> memref<128x128xf32, #tpu.memory_space<hbm>>
      %dma_wait3A_119 = arith.constant 0 : i32
      %dma_wait3A_120 = tpu.memref_slice %arg4[%add3A_85, %dma_wait3A_119] : memref<81920x128xf32, #tpu.memory_space<hbm>> -> memref<128x128xf32, #tpu.memory_space<hbm>>
      %dma_wait3A_121 = arith.constant 0 : i32
      %dma_wait3A_122 = arith.constant 0 : i32
      %dma_wait3A_123 = tpu.memref_slice %arg7[%dma_wait3A_112, %dma_wait3A_121, %dma_wait3A_122] : memref<2x128x128xf32, #tpu.memory_space<vmem>> -> memref<1x128x128xf32, #tpu.memory_space<vmem>>
      %dma_wait3A_124 = tpu.memref_squeeze %dma_wait3A_123 : memref<1x128x128xf32, #tpu.memory_space<vmem>> -> memref<128x128xf32, #tpu.memory_space<vmem>>
      tpu.wait_dma2 semaphore(%arg9 : memref<!tpu.dma_semaphore, #tpu.memory_space<semaphore_mem>>) src(%dma_wait3A_124 : memref<128x128xf32, #tpu.memory_space<vmem>>) dst(%dma_wait3A_120 : memref<128x128xf32, #tpu.memory_space<hbm>>)
    }
    %scan3A_13 = arith.constant 10 : i32
    return
  }
}

#map = affine_map<(d0, d1) -> (0, 0)>
#map1 = affine_map<(d0, d1) -> (0, 0, 0)>
module attributes {stable_mosaic.version = 14 : i64} {
  func.func @body(%arg0: i32, %arg1: i32, %arg2: memref<81920x128xf32, #tpu.memory_space<hbm>>, %arg3: memref<32x20x128xi32, #tpu.memory_space<hbm>>, %arg4: memref<10112x128xf32, #tpu.memory_space<hbm>>, %arg5: memref<2x10112x128xf32, #tpu.memory_space<hbm>>, %arg6: memref<10112x128xf32, #tpu.memory_space<vmem_shared>>, %arg7: memref<20x128xi32, #tpu.memory_space<vmem>>, %arg8: memref<2x128x128xf32, #tpu.memory_space<vmem>>, %arg9: memref<!tpu.dma_semaphore, #tpu.memory_space<semaphore_mem>>, %arg10: memref<!tpu.dma_semaphore, #tpu.memory_space<semaphore_mem>>) attributes {dimension_semantics = [#tpu.dimension_semantics<core_parallel>, #tpu.dimension_semantics<subcore_parallel>], iteration_bounds = array<i64: 2, 16>, scalar_prefetch = 0 : i64, scratch_operands = 5 : i64, tpu.core_type = #tpu.core_type<sc_vector_subcore>, window_params = [{transform_indices = #map}, {transform_indices = #map1}, {transform_indices = #map}, {transform_indices = #map1}]} {
    %mul3A = arith.constant 2 : i32
    %mul3A_0 = arith.muli %arg1, %mul3A : i32
    %add3A = arith.addi %mul3A_0, %arg0 : i32
    %mul3A_1 = arith.constant 632 : i32
    %mul3A_2 = arith.muli %arg1, %mul3A_1 : i32
    "tpu.region"() ({
      %run_scoped3A = tpu.sem_alloc : memref<!tpu.dma_semaphore, #tpu.memory_space<semaphore_mem>>
      %dma_start3A = arith.constant 0 : i32
      %dma_start3A_11 = tpu.memref_slice %arg6[%mul3A_2, %dma_start3A] : memref<10112x128xf32, #tpu.memory_space<vmem_shared>> -> memref<632x128xf32, #tpu.memory_space<vmem_shared>>
      %dma_start3A_12 = arith.constant 0 : i32
      %dma_start3A_13 = tpu.memref_slice %arg4[%mul3A_2, %dma_start3A_12] : memref<10112x128xf32, #tpu.memory_space<hbm>> -> memref<632x128xf32, #tpu.memory_space<hbm>>
      tpu.enqueue_dma source(%dma_start3A_13 : memref<632x128xf32, #tpu.memory_space<hbm>>) target(%dma_start3A_11 : memref<632x128xf32, #tpu.memory_space<vmem_shared>>) target_semaphore(%run_scoped3A : memref<!tpu.dma_semaphore, #tpu.memory_space<semaphore_mem>>)
      %dma_wait3A = arith.constant 0 : i32
      %dma_wait3A_14 = tpu.memref_slice %arg6[%mul3A_2, %dma_wait3A] : memref<10112x128xf32, #tpu.memory_space<vmem_shared>> -> memref<632x128xf32, #tpu.memory_space<vmem_shared>>
      %dma_wait3A_15 = arith.constant 0 : i32
      %dma_wait3A_16 = tpu.memref_slice %arg4[%mul3A_2, %dma_wait3A_15] : memref<10112x128xf32, #tpu.memory_space<hbm>> -> memref<632x128xf32, #tpu.memory_space<hbm>>
      tpu.wait_dma2 semaphore(%run_scoped3A : memref<!tpu.dma_semaphore, #tpu.memory_space<semaphore_mem>>) src(%dma_wait3A_16 : memref<632x128xf32, #tpu.memory_space<hbm>>) dst(%dma_wait3A_14 : memref<632x128xf32, #tpu.memory_space<vmem_shared>>)
      tpu.yield
    }) : () -> ()
    "tpu.region"() ({
      %run_scoped3A = tpu.sem_alloc : memref<!tpu.dma_semaphore, #tpu.memory_space<semaphore_mem>>
      %dma_start3A = arith.constant 0 : i32
      %dma_start3A_11 = arith.constant 0 : i32
      %dma_start3A_12 = tpu.memref_slice %arg3[%add3A, %dma_start3A, %dma_start3A_11] : memref<32x20x128xi32, #tpu.memory_space<hbm>> -> memref<1x20x128xi32, #tpu.memory_space<hbm>>
      %dma_start3A_13 = tpu.memref_squeeze %dma_start3A_12 : memref<1x20x128xi32, #tpu.memory_space<hbm>> -> memref<20x128xi32, #tpu.memory_space<hbm>>
      %dma_start3A_14 = arith.constant 0 : i32
      %dma_start3A_15 = arith.constant 0 : i32
      %dma_start3A_16 = tpu.memref_slice %arg3[%add3A, %dma_start3A_14, %dma_start3A_15] : memref<32x20x128xi32, #tpu.memory_space<hbm>> -> memref<1x20x128xi32, #tpu.memory_space<hbm>>
      %dma_start3A_17 = tpu.memref_squeeze %dma_start3A_16 : memref<1x20x128xi32, #tpu.memory_space<hbm>> -> memref<20x128xi32, #tpu.memory_space<hbm>>
      tpu.enqueue_dma source(%dma_start3A_17 : memref<20x128xi32, #tpu.memory_space<hbm>>) target(%arg7 : memref<20x128xi32, #tpu.memory_space<vmem>>) target_semaphore(%run_scoped3A : memref<!tpu.dma_semaphore, #tpu.memory_space<semaphore_mem>>)
      %dma_wait3A = arith.constant 0 : i32
      %dma_wait3A_18 = arith.constant 0 : i32
      %dma_wait3A_19 = tpu.memref_slice %arg3[%add3A, %dma_wait3A, %dma_wait3A_18] : memref<32x20x128xi32, #tpu.memory_space<hbm>> -> memref<1x20x128xi32, #tpu.memory_space<hbm>>
      %dma_wait3A_20 = tpu.memref_squeeze %dma_wait3A_19 : memref<1x20x128xi32, #tpu.memory_space<hbm>> -> memref<20x128xi32, #tpu.memory_space<hbm>>
      %dma_wait3A_21 = arith.constant 0 : i32
      %dma_wait3A_22 = arith.constant 0 : i32
      %dma_wait3A_23 = tpu.memref_slice %arg3[%add3A, %dma_wait3A_21, %dma_wait3A_22] : memref<32x20x128xi32, #tpu.memory_space<hbm>> -> memref<1x20x128xi32, #tpu.memory_space<hbm>>
      %dma_wait3A_24 = tpu.memref_squeeze %dma_wait3A_23 : memref<1x20x128xi32, #tpu.memory_space<hbm>> -> memref<20x128xi32, #tpu.memory_space<hbm>>
      tpu.wait_dma2 semaphore(%run_scoped3A : memref<!tpu.dma_semaphore, #tpu.memory_space<semaphore_mem>>) src(%dma_wait3A_24 : memref<20x128xi32, #tpu.memory_space<hbm>>) dst(%arg7 : memref<20x128xi32, #tpu.memory_space<vmem>>)
      tpu.yield
    }) : () -> ()
    %barrier3A = arith.constant 0 : index
    tpu.barrier barrier_id(%barrier3A)
    %mul3A_3 = arith.constant 2560 : i32
    %mul3A_4 = arith.muli %add3A, %mul3A_3 : i32
    %scan3A = arith.constant 0 : i32
    %scan3A_5 = arith.constant 0 : i32
    %scan3A_6 = arith.constant 10 : i32
    %scan3A_7 = arith.addi %scan3A_5, %scan3A_6 : i32
    %scan3A_8 = arith.constant 1 : i32
    scf.for %scan3A_11 = %scan3A_5 to %scan3A_7 step %scan3A_8  : i32 {
      %mul3A_12 = arith.constant 2 : i32
      %mul3A_13 = arith.muli %scan3A_11, %mul3A_12 : i32
      %add3A_14 = arith.constant 0 : i32
      %add3A_15 = arith.addi %mul3A_13, %add3A_14 : i32
      %mul3A_16 = arith.constant 128 : i32
      %mul3A_17 = arith.muli %add3A_15, %mul3A_16 : i32
      %add3A_18 = arith.addi %mul3A_4, %mul3A_17 : i32
      %dma_start3A = arith.constant 0 : i32
      %dma_start3A_19 = arith.constant 0 : i32
      %dma_start3A_20 = arith.constant 0 : i32
      %dma_start3A_21 = tpu.memref_slice %arg8[%dma_start3A, %dma_start3A_19, %dma_start3A_20] : memref<2x128x128xf32, #tpu.memory_space<vmem>> -> memref<1x128x128xf32, #tpu.memory_space<vmem>>
      %dma_start3A_22 = tpu.memref_squeeze %dma_start3A_21 : memref<1x128x128xf32, #tpu.memory_space<vmem>> -> memref<128x128xf32, #tpu.memory_space<vmem>>
      %dma_start3A_23 = arith.constant 0 : i32
      %dma_start3A_24 = tpu.memref_slice %arg2[%add3A_18, %dma_start3A_23] : memref<81920x128xf32, #tpu.memory_space<hbm>> -> memref<128x128xf32, #tpu.memory_space<hbm>>
      %dma_start3A_25 = arith.constant 0 : i32
      %dma_start3A_26 = arith.constant 0 : i32
      %dma_start3A_27 = tpu.memref_slice %arg8[%dma_start3A, %dma_start3A_25, %dma_start3A_26] : memref<2x128x128xf32, #tpu.memory_space<vmem>> -> memref<1x128x128xf32, #tpu.memory_space<vmem>>
      %dma_start3A_28 = tpu.memref_squeeze %dma_start3A_27 : memref<1x128x128xf32, #tpu.memory_space<vmem>> -> memref<128x128xf32, #tpu.memory_space<vmem>>
      %dma_start3A_29 = arith.constant 0 : i32
      %dma_start3A_30 = tpu.memref_slice %arg2[%add3A_18, %dma_start3A_29] : memref<81920x128xf32, #tpu.memory_space<hbm>> -> memref<128x128xf32, #tpu.memory_space<hbm>>
      tpu.enqueue_dma source(%dma_start3A_30 : memref<128x128xf32, #tpu.memory_space<hbm>>) target(%dma_start3A_28 : memref<128x128xf32, #tpu.memory_space<vmem>>) target_semaphore(%arg9 : memref<!tpu.dma_semaphore, #tpu.memory_space<semaphore_mem>>)
      %add3A_31 = arith.constant 1 : i32
      %add3A_32 = arith.addi %mul3A_13, %add3A_31 : i32
      %mul3A_33 = arith.constant 128 : i32
      %mul3A_34 = arith.muli %add3A_32, %mul3A_33 : i32
      %add3A_35 = arith.addi %mul3A_4, %mul3A_34 : i32
      %dma_start3A_36 = arith.constant 1 : i32
      %dma_start3A_37 = arith.constant 0 : i32
      %dma_start3A_38 = arith.constant 0 : i32
      %dma_start3A_39 = tpu.memref_slice %arg8[%dma_start3A_36, %dma_start3A_37, %dma_start3A_38] : memref<2x128x128xf32, #tpu.memory_space<vmem>> -> memref<1x128x128xf32, #tpu.memory_space<vmem>>
      %dma_start3A_40 = tpu.memref_squeeze %dma_start3A_39 : memref<1x128x128xf32, #tpu.memory_space<vmem>> -> memref<128x128xf32, #tpu.memory_space<vmem>>
      %dma_start3A_41 = arith.constant 0 : i32
      %dma_start3A_42 = tpu.memref_slice %arg2[%add3A_35, %dma_start3A_41] : memref<81920x128xf32, #tpu.memory_space<hbm>> -> memref<128x128xf32, #tpu.memory_space<hbm>>
      %dma_start3A_43 = arith.constant 0 : i32
      %dma_start3A_44 = arith.constant 0 : i32
      %dma_start3A_45 = tpu.memref_slice %arg8[%dma_start3A_36, %dma_start3A_43, %dma_start3A_44] : memref<2x128x128xf32, #tpu.memory_space<vmem>> -> memref<1x128x128xf32, #tpu.memory_space<vmem>>
      %dma_start3A_46 = tpu.memref_squeeze %dma_start3A_45 : memref<1x128x128xf32, #tpu.memory_space<vmem>> -> memref<128x128xf32, #tpu.memory_space<vmem>>
      %dma_start3A_47 = arith.constant 0 : i32
      %dma_start3A_48 = tpu.memref_slice %arg2[%add3A_35, %dma_start3A_47] : memref<81920x128xf32, #tpu.memory_space<hbm>> -> memref<128x128xf32, #tpu.memory_space<hbm>>
      tpu.enqueue_dma source(%dma_start3A_48 : memref<128x128xf32, #tpu.memory_space<hbm>>) target(%dma_start3A_46 : memref<128x128xf32, #tpu.memory_space<vmem>>) target_semaphore(%arg9 : memref<!tpu.dma_semaphore, #tpu.memory_space<semaphore_mem>>)
      %dma_wait3A = arith.constant 0 : i32
      %dma_wait3A_49 = arith.constant 0 : i32
      %dma_wait3A_50 = arith.constant 0 : i32
      %dma_wait3A_51 = tpu.memref_slice %arg8[%dma_wait3A, %dma_wait3A_49, %dma_wait3A_50] : memref<2x128x128xf32, #tpu.memory_space<vmem>> -> memref<1x128x128xf32, #tpu.memory_space<vmem>>
      %dma_wait3A_52 = tpu.memref_squeeze %dma_wait3A_51 : memref<1x128x128xf32, #tpu.memory_space<vmem>> -> memref<128x128xf32, #tpu.memory_space<vmem>>
      %dma_wait3A_53 = arith.constant 0 : i32
      %dma_wait3A_54 = tpu.memref_slice %arg2[%add3A_18, %dma_wait3A_53] : memref<81920x128xf32, #tpu.memory_space<hbm>> -> memref<128x128xf32, #tpu.memory_space<hbm>>
      %dma_wait3A_55 = arith.constant 0 : i32
      %dma_wait3A_56 = arith.constant 0 : i32
      %dma_wait3A_57 = tpu.memref_slice %arg8[%dma_wait3A, %dma_wait3A_55, %dma_wait3A_56] : memref<2x128x128xf32, #tpu.memory_space<vmem>> -> memref<1x128x128xf32, #tpu.memory_space<vmem>>
      %dma_wait3A_58 = tpu.memref_squeeze %dma_wait3A_57 : memref<1x128x128xf32, #tpu.memory_space<vmem>> -> memref<128x128xf32, #tpu.memory_space<vmem>>
      %dma_wait3A_59 = arith.constant 0 : i32
      %dma_wait3A_60 = tpu.memref_slice %arg2[%add3A_18, %dma_wait3A_59] : memref<81920x128xf32, #tpu.memory_space<hbm>> -> memref<128x128xf32, #tpu.memory_space<hbm>>
      tpu.wait_dma2 semaphore(%arg9 : memref<!tpu.dma_semaphore, #tpu.memory_space<semaphore_mem>>) src(%dma_wait3A_60 : memref<128x128xf32, #tpu.memory_space<hbm>>) dst(%dma_wait3A_58 : memref<128x128xf32, #tpu.memory_space<vmem>>)
      %add3A_61 = arith.constant 0 : i32
      %add3A_62 = arith.addi %mul3A_13, %add3A_61 : i32
      %dma_start3A_63 = arith.constant 0 : i32
      %dma_start3A_64 = arith.constant 0 : i32
      %dma_start3A_65 = arith.constant 0 : i32
      %dma_start3A_66 = tpu.memref_slice %arg8[%dma_start3A_63, %dma_start3A_64, %dma_start3A_65] : memref<2x128x128xf32, #tpu.memory_space<vmem>> -> memref<1x128x128xf32, #tpu.memory_space<vmem>>
      %dma_start3A_67 = tpu.memref_squeeze %dma_start3A_66 : memref<1x128x128xf32, #tpu.memory_space<vmem>> -> memref<128x128xf32, #tpu.memory_space<vmem>>
      %dma_start3A_68 = arith.constant 0 : i32
      %dma_start3A_69 = tpu.memref_slice %arg7[%add3A_62, %dma_start3A_68] : memref<20x128xi32, #tpu.memory_space<vmem>> -> memref<1x128xi32, #tpu.memory_space<vmem>>
      %dma_start3A_70 = tpu.memref_squeeze %dma_start3A_69 : memref<1x128xi32, #tpu.memory_space<vmem>> -> memref<128xi32, #tpu.memory_space<vmem>>
      %dma_start3A_71 = arith.constant 0 : i32
      %dma_start3A_72 = arith.constant 0 : i32
      %dma_start3A_73 = tpu.memref_slice %arg6[%dma_start3A_71, %dma_start3A_72] : memref<10112x128xf32, #tpu.memory_space<vmem_shared>> -> memref<10112x128xf32, #tpu.memory_space<vmem_shared>>
      tpu.enqueue_indirect_dma source(%dma_start3A_67 : memref<128x128xf32, #tpu.memory_space<vmem>>) target(%dma_start3A_73 : memref<10112x128xf32, #tpu.memory_space<vmem_shared>>) offsets(%dma_start3A_70 : memref<128xi32, #tpu.memory_space<vmem>>) semaphore(%arg10 : memref<!tpu.dma_semaphore, #tpu.memory_space<semaphore_mem>>) {add = true}
      %dma_wait3A_74 = arith.constant 1 : i32
      %dma_wait3A_75 = arith.constant 0 : i32
      %dma_wait3A_76 = arith.constant 0 : i32
      %dma_wait3A_77 = tpu.memref_slice %arg8[%dma_wait3A_74, %dma_wait3A_75, %dma_wait3A_76] : memref<2x128x128xf32, #tpu.memory_space<vmem>> -> memref<1x128x128xf32, #tpu.memory_space<vmem>>
      %dma_wait3A_78 = tpu.memref_squeeze %dma_wait3A_77 : memref<1x128x128xf32, #tpu.memory_space<vmem>> -> memref<128x128xf32, #tpu.memory_space<vmem>>
      %dma_wait3A_79 = arith.constant 0 : i32
      %dma_wait3A_80 = tpu.memref_slice %arg2[%add3A_35, %dma_wait3A_79] : memref<81920x128xf32, #tpu.memory_space<hbm>> -> memref<128x128xf32, #tpu.memory_space<hbm>>
      %dma_wait3A_81 = arith.constant 0 : i32
      %dma_wait3A_82 = arith.constant 0 : i32
      %dma_wait3A_83 = tpu.memref_slice %arg8[%dma_wait3A_74, %dma_wait3A_81, %dma_wait3A_82] : memref<2x128x128xf32, #tpu.memory_space<vmem>> -> memref<1x128x128xf32, #tpu.memory_space<vmem>>
      %dma_wait3A_84 = tpu.memref_squeeze %dma_wait3A_83 : memref<1x128x128xf32, #tpu.memory_space<vmem>> -> memref<128x128xf32, #tpu.memory_space<vmem>>
      %dma_wait3A_85 = arith.constant 0 : i32
      %dma_wait3A_86 = tpu.memref_slice %arg2[%add3A_35, %dma_wait3A_85] : memref<81920x128xf32, #tpu.memory_space<hbm>> -> memref<128x128xf32, #tpu.memory_space<hbm>>
      tpu.wait_dma2 semaphore(%arg9 : memref<!tpu.dma_semaphore, #tpu.memory_space<semaphore_mem>>) src(%dma_wait3A_86 : memref<128x128xf32, #tpu.memory_space<hbm>>) dst(%dma_wait3A_84 : memref<128x128xf32, #tpu.memory_space<vmem>>)
      %add3A_87 = arith.constant 1 : i32
      %add3A_88 = arith.addi %mul3A_13, %add3A_87 : i32
      %dma_start3A_89 = arith.constant 1 : i32
      %dma_start3A_90 = arith.constant 0 : i32
      %dma_start3A_91 = arith.constant 0 : i32
      %dma_start3A_92 = tpu.memref_slice %arg8[%dma_start3A_89, %dma_start3A_90, %dma_start3A_91] : memref<2x128x128xf32, #tpu.memory_space<vmem>> -> memref<1x128x128xf32, #tpu.memory_space<vmem>>
      %dma_start3A_93 = tpu.memref_squeeze %dma_start3A_92 : memref<1x128x128xf32, #tpu.memory_space<vmem>> -> memref<128x128xf32, #tpu.memory_space<vmem>>
      %dma_start3A_94 = arith.constant 0 : i32
      %dma_start3A_95 = tpu.memref_slice %arg7[%add3A_88, %dma_start3A_94] : memref<20x128xi32, #tpu.memory_space<vmem>> -> memref<1x128xi32, #tpu.memory_space<vmem>>
      %dma_start3A_96 = tpu.memref_squeeze %dma_start3A_95 : memref<1x128xi32, #tpu.memory_space<vmem>> -> memref<128xi32, #tpu.memory_space<vmem>>
      %dma_start3A_97 = arith.constant 0 : i32
      %dma_start3A_98 = arith.constant 0 : i32
      %dma_start3A_99 = tpu.memref_slice %arg6[%dma_start3A_97, %dma_start3A_98] : memref<10112x128xf32, #tpu.memory_space<vmem_shared>> -> memref<10112x128xf32, #tpu.memory_space<vmem_shared>>
      tpu.enqueue_indirect_dma source(%dma_start3A_93 : memref<128x128xf32, #tpu.memory_space<vmem>>) target(%dma_start3A_99 : memref<10112x128xf32, #tpu.memory_space<vmem_shared>>) offsets(%dma_start3A_96 : memref<128xi32, #tpu.memory_space<vmem>>) semaphore(%arg10 : memref<!tpu.dma_semaphore, #tpu.memory_space<semaphore_mem>>) {add = true}
      %dma_wait3A_100 = arith.constant 0 : i32
      %dma_wait3A_101 = arith.constant 0 : i32
      %dma_wait3A_102 = arith.constant 0 : i32
      %dma_wait3A_103 = tpu.memref_slice %arg8[%dma_wait3A_100, %dma_wait3A_101, %dma_wait3A_102] : memref<2x128x128xf32, #tpu.memory_space<vmem>> -> memref<1x128x128xf32, #tpu.memory_space<vmem>>
      %dma_wait3A_104 = tpu.memref_squeeze %dma_wait3A_103 : memref<1x128x128xf32, #tpu.memory_space<vmem>> -> memref<128x128xf32, #tpu.memory_space<vmem>>
      %dma_wait3A_105 = arith.constant 0 : i32
      %dma_wait3A_106 = tpu.memref_slice %arg7[%add3A_62, %dma_wait3A_105] : memref<20x128xi32, #tpu.memory_space<vmem>> -> memref<1x128xi32, #tpu.memory_space<vmem>>
      %dma_wait3A_107 = tpu.memref_squeeze %dma_wait3A_106 : memref<1x128xi32, #tpu.memory_space<vmem>> -> memref<128xi32, #tpu.memory_space<vmem>>
      %dma_wait3A_108 = arith.constant 0 : i32
      %dma_wait3A_109 = arith.constant 0 : i32
      %dma_wait3A_110 = tpu.memref_slice %arg6[%dma_wait3A_108, %dma_wait3A_109] : memref<10112x128xf32, #tpu.memory_space<vmem_shared>> -> memref<10112x128xf32, #tpu.memory_space<vmem_shared>>
      tpu.wait_indirect_dma semaphore(%arg10 : memref<!tpu.dma_semaphore, #tpu.memory_space<semaphore_mem>>) src(%dma_wait3A_104 : memref<128x128xf32, #tpu.memory_space<vmem>>) dst(%dma_wait3A_110 : memref<10112x128xf32, #tpu.memory_space<vmem_shared>>)
      %dma_wait3A_111 = arith.constant 1 : i32
      %dma_wait3A_112 = arith.constant 0 : i32
      %dma_wait3A_113 = arith.constant 0 : i32
      %dma_wait3A_114 = tpu.memref_slice %arg8[%dma_wait3A_111, %dma_wait3A_112, %dma_wait3A_113] : memref<2x128x128xf32, #tpu.memory_space<vmem>> -> memref<1x128x128xf32, #tpu.memory_space<vmem>>
      %dma_wait3A_115 = tpu.memref_squeeze %dma_wait3A_114 : memref<1x128x128xf32, #tpu.memory_space<vmem>> -> memref<128x128xf32, #tpu.memory_space<vmem>>
      %dma_wait3A_116 = arith.constant 0 : i32
      %dma_wait3A_117 = tpu.memref_slice %arg7[%add3A_88, %dma_wait3A_116] : memref<20x128xi32, #tpu.memory_space<vmem>> -> memref<1x128xi32, #tpu.memory_space<vmem>>
      %dma_wait3A_118 = tpu.memref_squeeze %dma_wait3A_117 : memref<1x128xi32, #tpu.memory_space<vmem>> -> memref<128xi32, #tpu.memory_space<vmem>>
      %dma_wait3A_119 = arith.constant 0 : i32
      %dma_wait3A_120 = arith.constant 0 : i32
      %dma_wait3A_121 = tpu.memref_slice %arg6[%dma_wait3A_119, %dma_wait3A_120] : memref<10112x128xf32, #tpu.memory_space<vmem_shared>> -> memref<10112x128xf32, #tpu.memory_space<vmem_shared>>
      tpu.wait_indirect_dma semaphore(%arg10 : memref<!tpu.dma_semaphore, #tpu.memory_space<semaphore_mem>>) src(%dma_wait3A_115 : memref<128x128xf32, #tpu.memory_space<vmem>>) dst(%dma_wait3A_121 : memref<10112x128xf32, #tpu.memory_space<vmem_shared>>)
    }
    %scan3A_9 = arith.constant 10 : i32
    %barrier3A_10 = arith.constant 0 : index
    tpu.barrier barrier_id(%barrier3A_10)
    "tpu.region"() ({
      %run_scoped3A = tpu.sem_alloc : memref<!tpu.dma_semaphore, #tpu.memory_space<semaphore_mem>>
      %dma_start3A = arith.constant 0 : i32
      %dma_start3A_11 = tpu.memref_slice %arg5[%arg0, %mul3A_2, %dma_start3A] : memref<2x10112x128xf32, #tpu.memory_space<hbm>> -> memref<1x632x128xf32, #tpu.memory_space<hbm>>
      %dma_start3A_12 = tpu.memref_squeeze %dma_start3A_11 : memref<1x632x128xf32, #tpu.memory_space<hbm>> -> memref<632x128xf32, #tpu.memory_space<hbm>>
      %dma_start3A_13 = arith.constant 0 : i32
      %dma_start3A_14 = tpu.memref_slice %arg6[%mul3A_2, %dma_start3A_13] : memref<10112x128xf32, #tpu.memory_space<vmem_shared>> -> memref<632x128xf32, #tpu.memory_space<vmem_shared>>
      tpu.enqueue_dma source(%dma_start3A_14 : memref<632x128xf32, #tpu.memory_space<vmem_shared>>) target(%dma_start3A_12 : memref<632x128xf32, #tpu.memory_space<hbm>>) target_semaphore(%run_scoped3A : memref<!tpu.dma_semaphore, #tpu.memory_space<semaphore_mem>>)
      %dma_wait3A = arith.constant 0 : i32
      %dma_wait3A_15 = tpu.memref_slice %arg5[%arg0, %mul3A_2, %dma_wait3A] : memref<2x10112x128xf32, #tpu.memory_space<hbm>> -> memref<1x632x128xf32, #tpu.memory_space<hbm>>
      %dma_wait3A_16 = tpu.memref_squeeze %dma_wait3A_15 : memref<1x632x128xf32, #tpu.memory_space<hbm>> -> memref<632x128xf32, #tpu.memory_space<hbm>>
      %dma_wait3A_17 = arith.constant 0 : i32
      %dma_wait3A_18 = tpu.memref_slice %arg6[%mul3A_2, %dma_wait3A_17] : memref<10112x128xf32, #tpu.memory_space<vmem_shared>> -> memref<632x128xf32, #tpu.memory_space<vmem_shared>>
      tpu.wait_dma2 semaphore(%run_scoped3A : memref<!tpu.dma_semaphore, #tpu.memory_space<semaphore_mem>>) src(%dma_wait3A_18 : memref<632x128xf32, #tpu.memory_space<vmem_shared>>) dst(%dma_wait3A_16 : memref<632x128xf32, #tpu.memory_space<hbm>>)
      tpu.yield
    }) : () -> ()
    return
  }
}

#map = affine_map<(d0, d1) -> (0, 0)>
#map1 = affine_map<(d0, d1) -> (0, 0, 0)>
module attributes {stable_mosaic.version = 14 : i64} {
  func.func @body(%arg0: i32, %arg1: i32, %arg2: memref<10000x128xf32, #tpu.memory_space<hbm>>, %arg3: memref<32x20x128xi32, #tpu.memory_space<hbm>>, %arg4: memref<81920x128xf32, #tpu.memory_space<hbm>>, %arg5: memref<10000x128xf32, #tpu.memory_space<vmem_shared>>, %arg6: memref<20x128xi32, #tpu.memory_space<vmem>>, %arg7: memref<2x128x128xf32, #tpu.memory_space<vmem>>, %arg8: memref<!tpu.dma_semaphore, #tpu.memory_space<semaphore_mem>>, %arg9: memref<!tpu.dma_semaphore, #tpu.memory_space<semaphore_mem>>) attributes {dimension_semantics = [#tpu.dimension_semantics<core_parallel>, #tpu.dimension_semantics<subcore_parallel>], iteration_bounds = array<i64: 2, 16>, scalar_prefetch = 0 : i64, scratch_operands = 5 : i64, tpu.core_type = #tpu.core_type<sc_vector_subcore>, window_params = [{transform_indices = #map}, {transform_indices = #map1}, {transform_indices = #map}]} {
    %mul3A = arith.constant 2 : i32
    %mul3A_0 = arith.muli %arg1, %mul3A : i32
    %add3A = arith.addi %mul3A_0, %arg0 : i32
    %mul3A_1 = arith.constant 2560 : i32
    %mul3A_2 = arith.muli %add3A, %mul3A_1 : i32
    %lt3A = arith.constant 15 : i32
    %lt3A_3 = arith.cmpi slt, %arg1, %lt3A : i32
    %convert_element_type3A = arith.extui %lt3A_3 : i1 to i32
    %cond3A = arith.constant 0 : i32
    %cond3A_4 = arith.cmpi ne, %convert_element_type3A, %cond3A : i32
    scf.if %cond3A_4 {
      %mul3A_14 = arith.constant 632 : i32
      %mul3A_15 = arith.muli %arg1, %mul3A_14 : i32
      %mul3A_16 = arith.constant 632 : i32
      %mul3A_17 = arith.muli %arg1, %mul3A_16 : i32
      "tpu.region"() ({
        %run_scoped3A = tpu.sem_alloc : memref<!tpu.dma_semaphore, #tpu.memory_space<semaphore_mem>>
        %dma_start3A = arith.constant 0 : i32
        %dma_start3A_18 = tpu.memref_slice %arg5[%mul3A_17, %dma_start3A] : memref<10000x128xf32, #tpu.memory_space<vmem_shared>> -> memref<632x128xf32, #tpu.memory_space<vmem_shared>>
        %dma_start3A_19 = arith.constant 0 : i32
        %dma_start3A_20 = tpu.memref_slice %arg2[%mul3A_15, %dma_start3A_19] : memref<10000x128xf32, #tpu.memory_space<hbm>> -> memref<632x128xf32, #tpu.memory_space<hbm>>
        tpu.enqueue_dma source(%dma_start3A_20 : memref<632x128xf32, #tpu.memory_space<hbm>>) target(%dma_start3A_18 : memref<632x128xf32, #tpu.memory_space<vmem_shared>>) target_semaphore(%run_scoped3A : memref<!tpu.dma_semaphore, #tpu.memory_space<semaphore_mem>>)
        %dma_wait3A = arith.constant 0 : i32
        %dma_wait3A_21 = tpu.memref_slice %arg5[%mul3A_17, %dma_wait3A] : memref<10000x128xf32, #tpu.memory_space<vmem_shared>> -> memref<632x128xf32, #tpu.memory_space<vmem_shared>>
        %dma_wait3A_22 = arith.constant 0 : i32
        %dma_wait3A_23 = tpu.memref_slice %arg2[%mul3A_15, %dma_wait3A_22] : memref<10000x128xf32, #tpu.memory_space<hbm>> -> memref<632x128xf32, #tpu.memory_space<hbm>>
        tpu.wait_dma2 semaphore(%run_scoped3A : memref<!tpu.dma_semaphore, #tpu.memory_space<semaphore_mem>>) src(%dma_wait3A_23 : memref<632x128xf32, #tpu.memory_space<hbm>>) dst(%dma_wait3A_21 : memref<632x128xf32, #tpu.memory_space<vmem_shared>>)
        tpu.yield
      }) : () -> ()
    } else {
    }
    %eq3A = arith.constant 15 : i32
    %eq3A_5 = arith.cmpi eq, %arg1, %eq3A : i32
    %convert_element_type3A_6 = arith.extui %eq3A_5 : i1 to i32
    %cond3A_7 = arith.constant 0 : i32
    %cond3A_8 = arith.cmpi ne, %convert_element_type3A_6, %cond3A_7 : i32
    scf.if %cond3A_8 {
      "tpu.region"() ({
        %run_scoped3A = tpu.sem_alloc : memref<!tpu.dma_semaphore, #tpu.memory_space<semaphore_mem>>
        %dma_start3A = arith.constant 9480 : i32
        %dma_start3A_14 = arith.constant 0 : i32
        %dma_start3A_15 = tpu.memref_slice %arg5[%dma_start3A, %dma_start3A_14] : memref<10000x128xf32, #tpu.memory_space<vmem_shared>> -> memref<520x128xf32, #tpu.memory_space<vmem_shared>>
        %dma_start3A_16 = arith.constant 9480 : i32
        %dma_start3A_17 = arith.constant 0 : i32
        %dma_start3A_18 = tpu.memref_slice %arg2[%dma_start3A_16, %dma_start3A_17] : memref<10000x128xf32, #tpu.memory_space<hbm>> -> memref<520x128xf32, #tpu.memory_space<hbm>>
        tpu.enqueue_dma source(%dma_start3A_18 : memref<520x128xf32, #tpu.memory_space<hbm>>) target(%dma_start3A_15 : memref<520x128xf32, #tpu.memory_space<vmem_shared>>) target_semaphore(%run_scoped3A : memref<!tpu.dma_semaphore, #tpu.memory_space<semaphore_mem>>)
        %dma_wait3A = arith.constant 9480 : i32
        %dma_wait3A_19 = arith.constant 0 : i32
        %dma_wait3A_20 = tpu.memref_slice %arg5[%dma_wait3A, %dma_wait3A_19] : memref<10000x128xf32, #tpu.memory_space<vmem_shared>> -> memref<520x128xf32, #tpu.memory_space<vmem_shared>>
        %dma_wait3A_21 = arith.constant 9480 : i32
        %dma_wait3A_22 = arith.constant 0 : i32
        %dma_wait3A_23 = tpu.memref_slice %arg2[%dma_wait3A_21, %dma_wait3A_22] : memref<10000x128xf32, #tpu.memory_space<hbm>> -> memref<520x128xf32, #tpu.memory_space<hbm>>
        tpu.wait_dma2 semaphore(%run_scoped3A : memref<!tpu.dma_semaphore, #tpu.memory_space<semaphore_mem>>) src(%dma_wait3A_23 : memref<520x128xf32, #tpu.memory_space<hbm>>) dst(%dma_wait3A_20 : memref<520x128xf32, #tpu.memory_space<vmem_shared>>)
        tpu.yield
      }) : () -> ()
    } else {
    }
    "tpu.region"() ({
      %run_scoped3A = tpu.sem_alloc : memref<!tpu.dma_semaphore, #tpu.memory_space<semaphore_mem>>
      %dma_start3A = arith.constant 0 : i32
      %dma_start3A_14 = arith.constant 0 : i32
      %dma_start3A_15 = tpu.memref_slice %arg3[%add3A, %dma_start3A, %dma_start3A_14] : memref<32x20x128xi32, #tpu.memory_space<hbm>> -> memref<1x20x128xi32, #tpu.memory_space<hbm>>
      %dma_start3A_16 = tpu.memref_squeeze %dma_start3A_15 : memref<1x20x128xi32, #tpu.memory_space<hbm>> -> memref<20x128xi32, #tpu.memory_space<hbm>>
      %dma_start3A_17 = arith.constant 0 : i32
      %dma_start3A_18 = arith.constant 0 : i32
      %dma_start3A_19 = tpu.memref_slice %arg3[%add3A, %dma_start3A_17, %dma_start3A_18] : memref<32x20x128xi32, #tpu.memory_space<hbm>> -> memref<1x20x128xi32, #tpu.memory_space<hbm>>
      %dma_start3A_20 = tpu.memref_squeeze %dma_start3A_19 : memref<1x20x128xi32, #tpu.memory_space<hbm>> -> memref<20x128xi32, #tpu.memory_space<hbm>>
      tpu.enqueue_dma source(%dma_start3A_20 : memref<20x128xi32, #tpu.memory_space<hbm>>) target(%arg6 : memref<20x128xi32, #tpu.memory_space<vmem>>) target_semaphore(%run_scoped3A : memref<!tpu.dma_semaphore, #tpu.memory_space<semaphore_mem>>)
      %dma_wait3A = arith.constant 0 : i32
      %dma_wait3A_21 = arith.constant 0 : i32
      %dma_wait3A_22 = tpu.memref_slice %arg3[%add3A, %dma_wait3A, %dma_wait3A_21] : memref<32x20x128xi32, #tpu.memory_space<hbm>> -> memref<1x20x128xi32, #tpu.memory_space<hbm>>
      %dma_wait3A_23 = tpu.memref_squeeze %dma_wait3A_22 : memref<1x20x128xi32, #tpu.memory_space<hbm>> -> memref<20x128xi32, #tpu.memory_space<hbm>>
      %dma_wait3A_24 = arith.constant 0 : i32
      %dma_wait3A_25 = arith.constant 0 : i32
      %dma_wait3A_26 = tpu.memref_slice %arg3[%add3A, %dma_wait3A_24, %dma_wait3A_25] : memref<32x20x128xi32, #tpu.memory_space<hbm>> -> memref<1x20x128xi32, #tpu.memory_space<hbm>>
      %dma_wait3A_27 = tpu.memref_squeeze %dma_wait3A_26 : memref<1x20x128xi32, #tpu.memory_space<hbm>> -> memref<20x128xi32, #tpu.memory_space<hbm>>
      tpu.wait_dma2 semaphore(%run_scoped3A : memref<!tpu.dma_semaphore, #tpu.memory_space<semaphore_mem>>) src(%dma_wait3A_27 : memref<20x128xi32, #tpu.memory_space<hbm>>) dst(%arg6 : memref<20x128xi32, #tpu.memory_space<vmem>>)
      tpu.yield
    }) : () -> ()
    %barrier3A = arith.constant 0 : index
    tpu.barrier barrier_id(%barrier3A)
    %scan3A = arith.constant 0 : i32
    %scan3A_9 = arith.constant 0 : i32
    %scan3A_10 = arith.constant 10 : i32
    %scan3A_11 = arith.addi %scan3A_9, %scan3A_10 : i32
    %scan3A_12 = arith.constant 1 : i32
    scf.for %scan3A_14 = %scan3A_9 to %scan3A_11 step %scan3A_12  : i32 {
      %mul3A_15 = arith.constant 2 : i32
      %mul3A_16 = arith.muli %scan3A_14, %mul3A_15 : i32
      %add3A_17 = arith.constant 0 : i32
      %add3A_18 = arith.addi %mul3A_16, %add3A_17 : i32
      %dma_start3A = arith.constant 0 : i32
      %dma_start3A_19 = arith.constant 0 : i32
      %dma_start3A_20 = arith.constant 0 : i32
      %dma_start3A_21 = tpu.memref_slice %arg7[%dma_start3A, %dma_start3A_19, %dma_start3A_20] : memref<2x128x128xf32, #tpu.memory_space<vmem>> -> memref<1x128x128xf32, #tpu.memory_space<vmem>>
      %dma_start3A_22 = tpu.memref_squeeze %dma_start3A_21 : memref<1x128x128xf32, #tpu.memory_space<vmem>> -> memref<128x128xf32, #tpu.memory_space<vmem>>
      %dma_start3A_23 = arith.constant 0 : i32
      %dma_start3A_24 = tpu.memref_slice %arg6[%add3A_18, %dma_start3A_23] : memref<20x128xi32, #tpu.memory_space<vmem>> -> memref<1x128xi32, #tpu.memory_space<vmem>>
      %dma_start3A_25 = tpu.memref_squeeze %dma_start3A_24 : memref<1x128xi32, #tpu.memory_space<vmem>> -> memref<128xi32, #tpu.memory_space<vmem>>
      %dma_start3A_26 = arith.constant 0 : i32
      %dma_start3A_27 = arith.constant 0 : i32
      %dma_start3A_28 = tpu.memref_slice %arg5[%dma_start3A_26, %dma_start3A_27] : memref<10000x128xf32, #tpu.memory_space<vmem_shared>> -> memref<10000x128xf32, #tpu.memory_space<vmem_shared>>
      tpu.enqueue_indirect_dma source(%dma_start3A_28 : memref<10000x128xf32, #tpu.memory_space<vmem_shared>>) target(%dma_start3A_22 : memref<128x128xf32, #tpu.memory_space<vmem>>) offsets(%dma_start3A_25 : memref<128xi32, #tpu.memory_space<vmem>>) semaphore(%arg8 : memref<!tpu.dma_semaphore, #tpu.memory_space<semaphore_mem>>)
      %add3A_29 = arith.constant 1 : i32
      %add3A_30 = arith.addi %mul3A_16, %add3A_29 : i32
      %dma_start3A_31 = arith.constant 1 : i32
      %dma_start3A_32 = arith.constant 0 : i32
      %dma_start3A_33 = arith.constant 0 : i32
      %dma_start3A_34 = tpu.memref_slice %arg7[%dma_start3A_31, %dma_start3A_32, %dma_start3A_33] : memref<2x128x128xf32, #tpu.memory_space<vmem>> -> memref<1x128x128xf32, #tpu.memory_space<vmem>>
      %dma_start3A_35 = tpu.memref_squeeze %dma_start3A_34 : memref<1x128x128xf32, #tpu.memory_space<vmem>> -> memref<128x128xf32, #tpu.memory_space<vmem>>
      %dma_start3A_36 = arith.constant 0 : i32
      %dma_start3A_37 = tpu.memref_slice %arg6[%add3A_30, %dma_start3A_36] : memref<20x128xi32, #tpu.memory_space<vmem>> -> memref<1x128xi32, #tpu.memory_space<vmem>>
      %dma_start3A_38 = tpu.memref_squeeze %dma_start3A_37 : memref<1x128xi32, #tpu.memory_space<vmem>> -> memref<128xi32, #tpu.memory_space<vmem>>
      %dma_start3A_39 = arith.constant 0 : i32
      %dma_start3A_40 = arith.constant 0 : i32
      %dma_start3A_41 = tpu.memref_slice %arg5[%dma_start3A_39, %dma_start3A_40] : memref<10000x128xf32, #tpu.memory_space<vmem_shared>> -> memref<10000x128xf32, #tpu.memory_space<vmem_shared>>
      tpu.enqueue_indirect_dma source(%dma_start3A_41 : memref<10000x128xf32, #tpu.memory_space<vmem_shared>>) target(%dma_start3A_35 : memref<128x128xf32, #tpu.memory_space<vmem>>) offsets(%dma_start3A_38 : memref<128xi32, #tpu.memory_space<vmem>>) semaphore(%arg8 : memref<!tpu.dma_semaphore, #tpu.memory_space<semaphore_mem>>)
      %dma_wait3A = arith.constant 0 : i32
      %dma_wait3A_42 = arith.constant 0 : i32
      %dma_wait3A_43 = arith.constant 0 : i32
      %dma_wait3A_44 = tpu.memref_slice %arg7[%dma_wait3A, %dma_wait3A_42, %dma_wait3A_43] : memref<2x128x128xf32, #tpu.memory_space<vmem>> -> memref<1x128x128xf32, #tpu.memory_space<vmem>>
      %dma_wait3A_45 = tpu.memref_squeeze %dma_wait3A_44 : memref<1x128x128xf32, #tpu.memory_space<vmem>> -> memref<128x128xf32, #tpu.memory_space<vmem>>
      %dma_wait3A_46 = arith.constant 0 : i32
      %dma_wait3A_47 = tpu.memref_slice %arg6[%add3A_18, %dma_wait3A_46] : memref<20x128xi32, #tpu.memory_space<vmem>> -> memref<1x128xi32, #tpu.memory_space<vmem>>
      %dma_wait3A_48 = tpu.memref_squeeze %dma_wait3A_47 : memref<1x128xi32, #tpu.memory_space<vmem>> -> memref<128xi32, #tpu.memory_space<vmem>>
      %dma_wait3A_49 = arith.constant 0 : i32
      %dma_wait3A_50 = arith.constant 0 : i32
      %dma_wait3A_51 = tpu.memref_slice %arg5[%dma_wait3A_49, %dma_wait3A_50] : memref<10000x128xf32, #tpu.memory_space<vmem_shared>> -> memref<10000x128xf32, #tpu.memory_space<vmem_shared>>
      tpu.wait_indirect_dma semaphore(%arg8 : memref<!tpu.dma_semaphore, #tpu.memory_space<semaphore_mem>>) src(%dma_wait3A_51 : memref<10000x128xf32, #tpu.memory_space<vmem_shared>>) dst(%dma_wait3A_45 : memref<128x128xf32, #tpu.memory_space<vmem>>)
      %add3A_52 = arith.constant 0 : i32
      %add3A_53 = arith.addi %mul3A_16, %add3A_52 : i32
      %mul3A_54 = arith.constant 128 : i32
      %mul3A_55 = arith.muli %add3A_53, %mul3A_54 : i32
      %add3A_56 = arith.addi %mul3A_2, %mul3A_55 : i32
      %dma_start3A_57 = arith.constant 0 : i32
      %dma_start3A_58 = arith.constant 0 : i32
      %dma_start3A_59 = arith.constant 0 : i32
      %dma_start3A_60 = tpu.memref_slice %arg7[%dma_start3A_57, %dma_start3A_58, %dma_start3A_59] : memref<2x128x128xf32, #tpu.memory_space<vmem>> -> memref<1x128x128xf32, #tpu.memory_space<vmem>>
      %dma_start3A_61 = tpu.memref_squeeze %dma_start3A_60 : memref<1x128x128xf32, #tpu.memory_space<vmem>> -> memref<128x128xf32, #tpu.memory_space<vmem>>
      %dma_start3A_62 = arith.constant 0 : i32
      %dma_start3A_63 = tpu.memref_slice %arg4[%add3A_56, %dma_start3A_62] : memref<81920x128xf32, #tpu.memory_space<hbm>> -> memref<128x128xf32, #tpu.memory_space<hbm>>
      %dma_start3A_64 = arith.constant 0 : i32
      %dma_start3A_65 = tpu.memref_slice %arg4[%add3A_56, %dma_start3A_64] : memref<81920x128xf32, #tpu.memory_space<hbm>> -> memref<128x128xf32, #tpu.memory_space<hbm>>
      %dma_start3A_66 = arith.constant 0 : i32
      %dma_start3A_67 = arith.constant 0 : i32
      %dma_start3A_68 = tpu.memref_slice %arg7[%dma_start3A_57, %dma_start3A_66, %dma_start3A_67] : memref<2x128x128xf32, #tpu.memory_space<vmem>> -> memref<1x128x128xf32, #tpu.memory_space<vmem>>
      %dma_start3A_69 = tpu.memref_squeeze %dma_start3A_68 : memref<1x128x128xf32, #tpu.memory_space<vmem>> -> memref<128x128xf32, #tpu.memory_space<vmem>>
      tpu.enqueue_dma source(%dma_start3A_69 : memref<128x128xf32, #tpu.memory_space<vmem>>) target(%dma_start3A_65 : memref<128x128xf32, #tpu.memory_space<hbm>>) target_semaphore(%arg9 : memref<!tpu.dma_semaphore, #tpu.memory_space<semaphore_mem>>)
      %dma_wait3A_70 = arith.constant 1 : i32
      %dma_wait3A_71 = arith.constant 0 : i32
      %dma_wait3A_72 = arith.constant 0 : i32
      %dma_wait3A_73 = tpu.memref_slice %arg7[%dma_wait3A_70, %dma_wait3A_71, %dma_wait3A_72] : memref<2x128x128xf32, #tpu.memory_space<vmem>> -> memref<1x128x128xf32, #tpu.memory_space<vmem>>
      %dma_wait3A_74 = tpu.memref_squeeze %dma_wait3A_73 : memref<1x128x128xf32, #tpu.memory_space<vmem>> -> memref<128x128xf32, #tpu.memory_space<vmem>>
      %dma_wait3A_75 = arith.constant 0 : i32
      %dma_wait3A_76 = tpu.memref_slice %arg6[%add3A_30, %dma_wait3A_75] : memref<20x128xi32, #tpu.memory_space<vmem>> -> memref<1x128xi32, #tpu.memory_space<vmem>>
      %dma_wait3A_77 = tpu.memref_squeeze %dma_wait3A_76 : memref<1x128xi32, #tpu.memory_space<vmem>> -> memref<128xi32, #tpu.memory_space<vmem>>
      %dma_wait3A_78 = arith.constant 0 : i32
      %dma_wait3A_79 = arith.constant 0 : i32
      %dma_wait3A_80 = tpu.memref_slice %arg5[%dma_wait3A_78, %dma_wait3A_79] : memref<10000x128xf32, #tpu.memory_space<vmem_shared>> -> memref<10000x128xf32, #tpu.memory_space<vmem_shared>>
      tpu.wait_indirect_dma semaphore(%arg8 : memref<!tpu.dma_semaphore, #tpu.memory_space<semaphore_mem>>) src(%dma_wait3A_80 : memref<10000x128xf32, #tpu.memory_space<vmem_shared>>) dst(%dma_wait3A_74 : memref<128x128xf32, #tpu.memory_space<vmem>>)
      %add3A_81 = arith.constant 1 : i32
      %add3A_82 = arith.addi %mul3A_16, %add3A_81 : i32
      %mul3A_83 = arith.constant 128 : i32
      %mul3A_84 = arith.muli %add3A_82, %mul3A_83 : i32
      %add3A_85 = arith.addi %mul3A_2, %mul3A_84 : i32
      %dma_start3A_86 = arith.constant 1 : i32
      %dma_start3A_87 = arith.constant 0 : i32
      %dma_start3A_88 = arith.constant 0 : i32
      %dma_start3A_89 = tpu.memref_slice %arg7[%dma_start3A_86, %dma_start3A_87, %dma_start3A_88] : memref<2x128x128xf32, #tpu.memory_space<vmem>> -> memref<1x128x128xf32, #tpu.memory_space<vmem>>
      %dma_start3A_90 = tpu.memref_squeeze %dma_start3A_89 : memref<1x128x128xf32, #tpu.memory_space<vmem>> -> memref<128x128xf32, #tpu.memory_space<vmem>>
      %dma_start3A_91 = arith.constant 0 : i32
      %dma_start3A_92 = tpu.memref_slice %arg4[%add3A_85, %dma_start3A_91] : memref<81920x128xf32, #tpu.memory_space<hbm>> -> memref<128x128xf32, #tpu.memory_space<hbm>>
      %dma_start3A_93 = arith.constant 0 : i32
      %dma_start3A_94 = tpu.memref_slice %arg4[%add3A_85, %dma_start3A_93] : memref<81920x128xf32, #tpu.memory_space<hbm>> -> memref<128x128xf32, #tpu.memory_space<hbm>>
      %dma_start3A_95 = arith.constant 0 : i32
      %dma_start3A_96 = arith.constant 0 : i32
      %dma_start3A_97 = tpu.memref_slice %arg7[%dma_start3A_86, %dma_start3A_95, %dma_start3A_96] : memref<2x128x128xf32, #tpu.memory_space<vmem>> -> memref<1x128x128xf32, #tpu.memory_space<vmem>>
      %dma_start3A_98 = tpu.memref_squeeze %dma_start3A_97 : memref<1x128x128xf32, #tpu.memory_space<vmem>> -> memref<128x128xf32, #tpu.memory_space<vmem>>
      tpu.enqueue_dma source(%dma_start3A_98 : memref<128x128xf32, #tpu.memory_space<vmem>>) target(%dma_start3A_94 : memref<128x128xf32, #tpu.memory_space<hbm>>) target_semaphore(%arg9 : memref<!tpu.dma_semaphore, #tpu.memory_space<semaphore_mem>>)
      %dma_wait3A_99 = arith.constant 0 : i32
      %dma_wait3A_100 = arith.constant 0 : i32
      %dma_wait3A_101 = arith.constant 0 : i32
      %dma_wait3A_102 = tpu.memref_slice %arg7[%dma_wait3A_99, %dma_wait3A_100, %dma_wait3A_101] : memref<2x128x128xf32, #tpu.memory_space<vmem>> -> memref<1x128x128xf32, #tpu.memory_space<vmem>>
      %dma_wait3A_103 = tpu.memref_squeeze %dma_wait3A_102 : memref<1x128x128xf32, #tpu.memory_space<vmem>> -> memref<128x128xf32, #tpu.memory_space<vmem>>
      %dma_wait3A_104 = arith.constant 0 : i32
      %dma_wait3A_105 = tpu.memref_slice %arg4[%add3A_56, %dma_wait3A_104] : memref<81920x128xf32, #tpu.memory_space<hbm>> -> memref<128x128xf32, #tpu.memory_space<hbm>>
      %dma_wait3A_106 = arith.constant 0 : i32
      %dma_wait3A_107 = tpu.memref_slice %arg4[%add3A_56, %dma_wait3A_106] : memref<81920x128xf32, #tpu.memory_space<hbm>> -> memref<128x128xf32, #tpu.memory_space<hbm>>
      %dma_wait3A_108 = arith.constant 0 : i32
      %dma_wait3A_109 = arith.constant 0 : i32
      %dma_wait3A_110 = tpu.memref_slice %arg7[%dma_wait3A_99, %dma_wait3A_108, %dma_wait3A_109] : memref<2x128x128xf32, #tpu.memory_space<vmem>> -> memref<1x128x128xf32, #tpu.memory_space<vmem>>
      %dma_wait3A_111 = tpu.memref_squeeze %dma_wait3A_110 : memref<1x128x128xf32, #tpu.memory_space<vmem>> -> memref<128x128xf32, #tpu.memory_space<vmem>>
      tpu.wait_dma2 semaphore(%arg9 : memref<!tpu.dma_semaphore, #tpu.memory_space<semaphore_mem>>) src(%dma_wait3A_111 : memref<128x128xf32, #tpu.memory_space<vmem>>) dst(%dma_wait3A_107 : memref<128x128xf32, #tpu.memory_space<hbm>>)
      %dma_wait3A_112 = arith.constant 1 : i32
      %dma_wait3A_113 = arith.constant 0 : i32
      %dma_wait3A_114 = arith.constant 0 : i32
      %dma_wait3A_115 = tpu.memref_slice %arg7[%dma_wait3A_112, %dma_wait3A_113, %dma_wait3A_114] : memref<2x128x128xf32, #tpu.memory_space<vmem>> -> memref<1x128x128xf32, #tpu.memory_space<vmem>>
      %dma_wait3A_116 = tpu.memref_squeeze %dma_wait3A_115 : memref<1x128x128xf32, #tpu.memory_space<vmem>> -> memref<128x128xf32, #tpu.memory_space<vmem>>
      %dma_wait3A_117 = arith.constant 0 : i32
      %dma_wait3A_118 = tpu.memref_slice %arg4[%add3A_85, %dma_wait3A_117] : memref<81920x128xf32, #tpu.memory_space<hbm>> -> memref<128x128xf32, #tpu.memory_space<hbm>>
      %dma_wait3A_119 = arith.constant 0 : i32
      %dma_wait3A_120 = tpu.memref_slice %arg4[%add3A_85, %dma_wait3A_119] : memref<81920x128xf32, #tpu.memory_space<hbm>> -> memref<128x128xf32, #tpu.memory_space<hbm>>
      %dma_wait3A_121 = arith.constant 0 : i32
      %dma_wait3A_122 = arith.constant 0 : i32
      %dma_wait3A_123 = tpu.memref_slice %arg7[%dma_wait3A_112, %dma_wait3A_121, %dma_wait3A_122] : memref<2x128x128xf32, #tpu.memory_space<vmem>> -> memref<1x128x128xf32, #tpu.memory_space<vmem>>
      %dma_wait3A_124 = tpu.memref_squeeze %dma_wait3A_123 : memref<1x128x128xf32, #tpu.memory_space<vmem>> -> memref<128x128xf32, #tpu.memory_space<vmem>>
      tpu.wait_dma2 semaphore(%arg9 : memref<!tpu.dma_semaphore, #tpu.memory_space<semaphore_mem>>) src(%dma_wait3A_124 : memref<128x128xf32, #tpu.memory_space<vmem>>) dst(%dma_wait3A_120 : memref<128x128xf32, #tpu.memory_space<hbm>>)
    }
    %scan3A_13 = arith.constant 10 : i32
    return
  }
}

#map = affine_map<(d0, d1) -> (0, 0)>
#map1 = affine_map<(d0, d1) -> (0, 0, 0)>
module attributes {stable_mosaic.version = 14 : i64} {
  func.func @body(%arg0: i32, %arg1: i32, %arg2: memref<10000x128xf32, #tpu.memory_space<hbm>>, %arg3: memref<32x20x128xi32, #tpu.memory_space<hbm>>, %arg4: memref<81920x128xf32, #tpu.memory_space<hbm>>, %arg5: memref<10000x128xf32, #tpu.memory_space<vmem_shared>>, %arg6: memref<20x128xi32, #tpu.memory_space<vmem>>, %arg7: memref<2x128x128xf32, #tpu.memory_space<vmem>>, %arg8: memref<!tpu.dma_semaphore, #tpu.memory_space<semaphore_mem>>, %arg9: memref<!tpu.dma_semaphore, #tpu.memory_space<semaphore_mem>>) attributes {dimension_semantics = [#tpu.dimension_semantics<core_parallel>, #tpu.dimension_semantics<subcore_parallel>], iteration_bounds = array<i64: 2, 16>, scalar_prefetch = 0 : i64, scratch_operands = 5 : i64, tpu.core_type = #tpu.core_type<sc_vector_subcore>, window_params = [{transform_indices = #map}, {transform_indices = #map1}, {transform_indices = #map}]} {
    %mul3A = arith.constant 2 : i32
    %mul3A_0 = arith.muli %arg1, %mul3A : i32
    %add3A = arith.addi %mul3A_0, %arg0 : i32
    %mul3A_1 = arith.constant 2560 : i32
    %mul3A_2 = arith.muli %add3A, %mul3A_1 : i32
    %lt3A = arith.constant 15 : i32
    %lt3A_3 = arith.cmpi slt, %arg1, %lt3A : i32
    %convert_element_type3A = arith.extui %lt3A_3 : i1 to i32
    %cond3A = arith.constant 0 : i32
    %cond3A_4 = arith.cmpi ne, %convert_element_type3A, %cond3A : i32
    scf.if %cond3A_4 {
      %mul3A_14 = arith.constant 632 : i32
      %mul3A_15 = arith.muli %arg1, %mul3A_14 : i32
      %mul3A_16 = arith.constant 632 : i32
      %mul3A_17 = arith.muli %arg1, %mul3A_16 : i32
      "tpu.region"() ({
        %run_scoped3A = tpu.sem_alloc : memref<!tpu.dma_semaphore, #tpu.memory_space<semaphore_mem>>
        %dma_start3A = arith.constant 0 : i32
        %dma_start3A_18 = tpu.memref_slice %arg5[%mul3A_17, %dma_start3A] : memref<10000x128xf32, #tpu.memory_space<vmem_shared>> -> memref<632x128xf32, #tpu.memory_space<vmem_shared>>
        %dma_start3A_19 = arith.constant 0 : i32
        %dma_start3A_20 = tpu.memref_slice %arg2[%mul3A_15, %dma_start3A_19] : memref<10000x128xf32, #tpu.memory_space<hbm>> -> memref<632x128xf32, #tpu.memory_space<hbm>>
        tpu.enqueue_dma source(%dma_start3A_20 : memref<632x128xf32, #tpu.memory_space<hbm>>) target(%dma_start3A_18 : memref<632x128xf32, #tpu.memory_space<vmem_shared>>) target_semaphore(%run_scoped3A : memref<!tpu.dma_semaphore, #tpu.memory_space<semaphore_mem>>)
        %dma_wait3A = arith.constant 0 : i32
        %dma_wait3A_21 = tpu.memref_slice %arg5[%mul3A_17, %dma_wait3A] : memref<10000x128xf32, #tpu.memory_space<vmem_shared>> -> memref<632x128xf32, #tpu.memory_space<vmem_shared>>
        %dma_wait3A_22 = arith.constant 0 : i32
        %dma_wait3A_23 = tpu.memref_slice %arg2[%mul3A_15, %dma_wait3A_22] : memref<10000x128xf32, #tpu.memory_space<hbm>> -> memref<632x128xf32, #tpu.memory_space<hbm>>
        tpu.wait_dma2 semaphore(%run_scoped3A : memref<!tpu.dma_semaphore, #tpu.memory_space<semaphore_mem>>) src(%dma_wait3A_23 : memref<632x128xf32, #tpu.memory_space<hbm>>) dst(%dma_wait3A_21 : memref<632x128xf32, #tpu.memory_space<vmem_shared>>)
        tpu.yield
      }) : () -> ()
    } else {
    }
    %eq3A = arith.constant 15 : i32
    %eq3A_5 = arith.cmpi eq, %arg1, %eq3A : i32
    %convert_element_type3A_6 = arith.extui %eq3A_5 : i1 to i32
    %cond3A_7 = arith.constant 0 : i32
    %cond3A_8 = arith.cmpi ne, %convert_element_type3A_6, %cond3A_7 : i32
    scf.if %cond3A_8 {
      "tpu.region"() ({
        %run_scoped3A = tpu.sem_alloc : memref<!tpu.dma_semaphore, #tpu.memory_space<semaphore_mem>>
        %dma_start3A = arith.constant 9480 : i32
        %dma_start3A_14 = arith.constant 0 : i32
        %dma_start3A_15 = tpu.memref_slice %arg5[%dma_start3A, %dma_start3A_14] : memref<10000x128xf32, #tpu.memory_space<vmem_shared>> -> memref<520x128xf32, #tpu.memory_space<vmem_shared>>
        %dma_start3A_16 = arith.constant 9480 : i32
        %dma_start3A_17 = arith.constant 0 : i32
        %dma_start3A_18 = tpu.memref_slice %arg2[%dma_start3A_16, %dma_start3A_17] : memref<10000x128xf32, #tpu.memory_space<hbm>> -> memref<520x128xf32, #tpu.memory_space<hbm>>
        tpu.enqueue_dma source(%dma_start3A_18 : memref<520x128xf32, #tpu.memory_space<hbm>>) target(%dma_start3A_15 : memref<520x128xf32, #tpu.memory_space<vmem_shared>>) target_semaphore(%run_scoped3A : memref<!tpu.dma_semaphore, #tpu.memory_space<semaphore_mem>>)
        %dma_wait3A = arith.constant 9480 : i32
        %dma_wait3A_19 = arith.constant 0 : i32
        %dma_wait3A_20 = tpu.memref_slice %arg5[%dma_wait3A, %dma_wait3A_19] : memref<10000x128xf32, #tpu.memory_space<vmem_shared>> -> memref<520x128xf32, #tpu.memory_space<vmem_shared>>
        %dma_wait3A_21 = arith.constant 9480 : i32
        %dma_wait3A_22 = arith.constant 0 : i32
        %dma_wait3A_23 = tpu.memref_slice %arg2[%dma_wait3A_21, %dma_wait3A_22] : memref<10000x128xf32, #tpu.memory_space<hbm>> -> memref<520x128xf32, #tpu.memory_space<hbm>>
        tpu.wait_dma2 semaphore(%run_scoped3A : memref<!tpu.dma_semaphore, #tpu.memory_space<semaphore_mem>>) src(%dma_wait3A_23 : memref<520x128xf32, #tpu.memory_space<hbm>>) dst(%dma_wait3A_20 : memref<520x128xf32, #tpu.memory_space<vmem_shared>>)
        tpu.yield
      }) : () -> ()
    } else {
    }
    "tpu.region"() ({
      %run_scoped3A = tpu.sem_alloc : memref<!tpu.dma_semaphore, #tpu.memory_space<semaphore_mem>>
      %dma_start3A = arith.constant 0 : i32
      %dma_start3A_14 = arith.constant 0 : i32
      %dma_start3A_15 = tpu.memref_slice %arg3[%add3A, %dma_start3A, %dma_start3A_14] : memref<32x20x128xi32, #tpu.memory_space<hbm>> -> memref<1x20x128xi32, #tpu.memory_space<hbm>>
      %dma_start3A_16 = tpu.memref_squeeze %dma_start3A_15 : memref<1x20x128xi32, #tpu.memory_space<hbm>> -> memref<20x128xi32, #tpu.memory_space<hbm>>
      %dma_start3A_17 = arith.constant 0 : i32
      %dma_start3A_18 = arith.constant 0 : i32
      %dma_start3A_19 = tpu.memref_slice %arg3[%add3A, %dma_start3A_17, %dma_start3A_18] : memref<32x20x128xi32, #tpu.memory_space<hbm>> -> memref<1x20x128xi32, #tpu.memory_space<hbm>>
      %dma_start3A_20 = tpu.memref_squeeze %dma_start3A_19 : memref<1x20x128xi32, #tpu.memory_space<hbm>> -> memref<20x128xi32, #tpu.memory_space<hbm>>
      tpu.enqueue_dma source(%dma_start3A_20 : memref<20x128xi32, #tpu.memory_space<hbm>>) target(%arg6 : memref<20x128xi32, #tpu.memory_space<vmem>>) target_semaphore(%run_scoped3A : memref<!tpu.dma_semaphore, #tpu.memory_space<semaphore_mem>>)
      %dma_wait3A = arith.constant 0 : i32
      %dma_wait3A_21 = arith.constant 0 : i32
      %dma_wait3A_22 = tpu.memref_slice %arg3[%add3A, %dma_wait3A, %dma_wait3A_21] : memref<32x20x128xi32, #tpu.memory_space<hbm>> -> memref<1x20x128xi32, #tpu.memory_space<hbm>>
      %dma_wait3A_23 = tpu.memref_squeeze %dma_wait3A_22 : memref<1x20x128xi32, #tpu.memory_space<hbm>> -> memref<20x128xi32, #tpu.memory_space<hbm>>
      %dma_wait3A_24 = arith.constant 0 : i32
      %dma_wait3A_25 = arith.constant 0 : i32
      %dma_wait3A_26 = tpu.memref_slice %arg3[%add3A, %dma_wait3A_24, %dma_wait3A_25] : memref<32x20x128xi32, #tpu.memory_space<hbm>> -> memref<1x20x128xi32, #tpu.memory_space<hbm>>
      %dma_wait3A_27 = tpu.memref_squeeze %dma_wait3A_26 : memref<1x20x128xi32, #tpu.memory_space<hbm>> -> memref<20x128xi32, #tpu.memory_space<hbm>>
      tpu.wait_dma2 semaphore(%run_scoped3A : memref<!tpu.dma_semaphore, #tpu.memory_space<semaphore_mem>>) src(%dma_wait3A_27 : memref<20x128xi32, #tpu.memory_space<hbm>>) dst(%arg6 : memref<20x128xi32, #tpu.memory_space<vmem>>)
      tpu.yield
    }) : () -> ()
    %barrier3A = arith.constant 0 : index
    tpu.barrier barrier_id(%barrier3A)
    %scan3A = arith.constant 0 : i32
    %scan3A_9 = arith.constant 0 : i32
    %scan3A_10 = arith.constant 10 : i32
    %scan3A_11 = arith.addi %scan3A_9, %scan3A_10 : i32
    %scan3A_12 = arith.constant 1 : i32
    scf.for %scan3A_14 = %scan3A_9 to %scan3A_11 step %scan3A_12  : i32 {
      %mul3A_15 = arith.constant 2 : i32
      %mul3A_16 = arith.muli %scan3A_14, %mul3A_15 : i32
      %add3A_17 = arith.constant 0 : i32
      %add3A_18 = arith.addi %mul3A_16, %add3A_17 : i32
      %dma_start3A = arith.constant 0 : i32
      %dma_start3A_19 = arith.constant 0 : i32
      %dma_start3A_20 = arith.constant 0 : i32
      %dma_start3A_21 = tpu.memref_slice %arg7[%dma_start3A, %dma_start3A_19, %dma_start3A_20] : memref<2x128x128xf32, #tpu.memory_space<vmem>> -> memref<1x128x128xf32, #tpu.memory_space<vmem>>
      %dma_start3A_22 = tpu.memref_squeeze %dma_start3A_21 : memref<1x128x128xf32, #tpu.memory_space<vmem>> -> memref<128x128xf32, #tpu.memory_space<vmem>>
      %dma_start3A_23 = arith.constant 0 : i32
      %dma_start3A_24 = tpu.memref_slice %arg6[%add3A_18, %dma_start3A_23] : memref<20x128xi32, #tpu.memory_space<vmem>> -> memref<1x128xi32, #tpu.memory_space<vmem>>
      %dma_start3A_25 = tpu.memref_squeeze %dma_start3A_24 : memref<1x128xi32, #tpu.memory_space<vmem>> -> memref<128xi32, #tpu.memory_space<vmem>>
      %dma_start3A_26 = arith.constant 0 : i32
      %dma_start3A_27 = arith.constant 0 : i32
      %dma_start3A_28 = tpu.memref_slice %arg5[%dma_start3A_26, %dma_start3A_27] : memref<10000x128xf32, #tpu.memory_space<vmem_shared>> -> memref<10000x128xf32, #tpu.memory_space<vmem_shared>>
      tpu.enqueue_indirect_dma source(%dma_start3A_28 : memref<10000x128xf32, #tpu.memory_space<vmem_shared>>) target(%dma_start3A_22 : memref<128x128xf32, #tpu.memory_space<vmem>>) offsets(%dma_start3A_25 : memref<128xi32, #tpu.memory_space<vmem>>) semaphore(%arg8 : memref<!tpu.dma_semaphore, #tpu.memory_space<semaphore_mem>>)
      %add3A_29 = arith.constant 1 : i32
      %add3A_30 = arith.addi %mul3A_16, %add3A_29 : i32
      %dma_start3A_31 = arith.constant 1 : i32
      %dma_start3A_32 = arith.constant 0 : i32
      %dma_start3A_33 = arith.constant 0 : i32
      %dma_start3A_34 = tpu.memref_slice %arg7[%dma_start3A_31, %dma_start3A_32, %dma_start3A_33] : memref<2x128x128xf32, #tpu.memory_space<vmem>> -> memref<1x128x128xf32, #tpu.memory_space<vmem>>
      %dma_start3A_35 = tpu.memref_squeeze %dma_start3A_34 : memref<1x128x128xf32, #tpu.memory_space<vmem>> -> memref<128x128xf32, #tpu.memory_space<vmem>>
      %dma_start3A_36 = arith.constant 0 : i32
      %dma_start3A_37 = tpu.memref_slice %arg6[%add3A_30, %dma_start3A_36] : memref<20x128xi32, #tpu.memory_space<vmem>> -> memref<1x128xi32, #tpu.memory_space<vmem>>
      %dma_start3A_38 = tpu.memref_squeeze %dma_start3A_37 : memref<1x128xi32, #tpu.memory_space<vmem>> -> memref<128xi32, #tpu.memory_space<vmem>>
      %dma_start3A_39 = arith.constant 0 : i32
      %dma_start3A_40 = arith.constant 0 : i32
      %dma_start3A_41 = tpu.memref_slice %arg5[%dma_start3A_39, %dma_start3A_40] : memref<10000x128xf32, #tpu.memory_space<vmem_shared>> -> memref<10000x128xf32, #tpu.memory_space<vmem_shared>>
      tpu.enqueue_indirect_dma source(%dma_start3A_41 : memref<10000x128xf32, #tpu.memory_space<vmem_shared>>) target(%dma_start3A_35 : memref<128x128xf32, #tpu.memory_space<vmem>>) offsets(%dma_start3A_38 : memref<128xi32, #tpu.memory_space<vmem>>) semaphore(%arg8 : memref<!tpu.dma_semaphore, #tpu.memory_space<semaphore_mem>>)
      %dma_wait3A = arith.constant 0 : i32
      %dma_wait3A_42 = arith.constant 0 : i32
      %dma_wait3A_43 = arith.constant 0 : i32
      %dma_wait3A_44 = tpu.memref_slice %arg7[%dma_wait3A, %dma_wait3A_42, %dma_wait3A_43] : memref<2x128x128xf32, #tpu.memory_space<vmem>> -> memref<1x128x128xf32, #tpu.memory_space<vmem>>
      %dma_wait3A_45 = tpu.memref_squeeze %dma_wait3A_44 : memref<1x128x128xf32, #tpu.memory_space<vmem>> -> memref<128x128xf32, #tpu.memory_space<vmem>>
      %dma_wait3A_46 = arith.constant 0 : i32
      %dma_wait3A_47 = tpu.memref_slice %arg6[%add3A_18, %dma_wait3A_46] : memref<20x128xi32, #tpu.memory_space<vmem>> -> memref<1x128xi32, #tpu.memory_space<vmem>>
      %dma_wait3A_48 = tpu.memref_squeeze %dma_wait3A_47 : memref<1x128xi32, #tpu.memory_space<vmem>> -> memref<128xi32, #tpu.memory_space<vmem>>
      %dma_wait3A_49 = arith.constant 0 : i32
      %dma_wait3A_50 = arith.constant 0 : i32
      %dma_wait3A_51 = tpu.memref_slice %arg5[%dma_wait3A_49, %dma_wait3A_50] : memref<10000x128xf32, #tpu.memory_space<vmem_shared>> -> memref<10000x128xf32, #tpu.memory_space<vmem_shared>>
      tpu.wait_indirect_dma semaphore(%arg8 : memref<!tpu.dma_semaphore, #tpu.memory_space<semaphore_mem>>) src(%dma_wait3A_51 : memref<10000x128xf32, #tpu.memory_space<vmem_shared>>) dst(%dma_wait3A_45 : memref<128x128xf32, #tpu.memory_space<vmem>>)
      %add3A_52 = arith.constant 0 : i32
      %add3A_53 = arith.addi %mul3A_16, %add3A_52 : i32
      %mul3A_54 = arith.constant 128 : i32
      %mul3A_55 = arith.muli %add3A_53, %mul3A_54 : i32
      %add3A_56 = arith.addi %mul3A_2, %mul3A_55 : i32
      %dma_start3A_57 = arith.constant 0 : i32
      %dma_start3A_58 = arith.constant 0 : i32
      %dma_start3A_59 = arith.constant 0 : i32
      %dma_start3A_60 = tpu.memref_slice %arg7[%dma_start3A_57, %dma_start3A_58, %dma_start3A_59] : memref<2x128x128xf32, #tpu.memory_space<vmem>> -> memref<1x128x128xf32, #tpu.memory_space<vmem>>
      %dma_start3A_61 = tpu.memref_squeeze %dma_start3A_60 : memref<1x128x128xf32, #tpu.memory_space<vmem>> -> memref<128x128xf32, #tpu.memory_space<vmem>>
      %dma_start3A_62 = arith.constant 0 : i32
      %dma_start3A_63 = tpu.memref_slice %arg4[%add3A_56, %dma_start3A_62] : memref<81920x128xf32, #tpu.memory_space<hbm>> -> memref<128x128xf32, #tpu.memory_space<hbm>>
      %dma_start3A_64 = arith.constant 0 : i32
      %dma_start3A_65 = tpu.memref_slice %arg4[%add3A_56, %dma_start3A_64] : memref<81920x128xf32, #tpu.memory_space<hbm>> -> memref<128x128xf32, #tpu.memory_space<hbm>>
      %dma_start3A_66 = arith.constant 0 : i32
      %dma_start3A_67 = arith.constant 0 : i32
      %dma_start3A_68 = tpu.memref_slice %arg7[%dma_start3A_57, %dma_start3A_66, %dma_start3A_67] : memref<2x128x128xf32, #tpu.memory_space<vmem>> -> memref<1x128x128xf32, #tpu.memory_space<vmem>>
      %dma_start3A_69 = tpu.memref_squeeze %dma_start3A_68 : memref<1x128x128xf32, #tpu.memory_space<vmem>> -> memref<128x128xf32, #tpu.memory_space<vmem>>
      tpu.enqueue_dma source(%dma_start3A_69 : memref<128x128xf32, #tpu.memory_space<vmem>>) target(%dma_start3A_65 : memref<128x128xf32, #tpu.memory_space<hbm>>) target_semaphore(%arg9 : memref<!tpu.dma_semaphore, #tpu.memory_space<semaphore_mem>>)
      %dma_wait3A_70 = arith.constant 1 : i32
      %dma_wait3A_71 = arith.constant 0 : i32
      %dma_wait3A_72 = arith.constant 0 : i32
      %dma_wait3A_73 = tpu.memref_slice %arg7[%dma_wait3A_70, %dma_wait3A_71, %dma_wait3A_72] : memref<2x128x128xf32, #tpu.memory_space<vmem>> -> memref<1x128x128xf32, #tpu.memory_space<vmem>>
      %dma_wait3A_74 = tpu.memref_squeeze %dma_wait3A_73 : memref<1x128x128xf32, #tpu.memory_space<vmem>> -> memref<128x128xf32, #tpu.memory_space<vmem>>
      %dma_wait3A_75 = arith.constant 0 : i32
      %dma_wait3A_76 = tpu.memref_slice %arg6[%add3A_30, %dma_wait3A_75] : memref<20x128xi32, #tpu.memory_space<vmem>> -> memref<1x128xi32, #tpu.memory_space<vmem>>
      %dma_wait3A_77 = tpu.memref_squeeze %dma_wait3A_76 : memref<1x128xi32, #tpu.memory_space<vmem>> -> memref<128xi32, #tpu.memory_space<vmem>>
      %dma_wait3A_78 = arith.constant 0 : i32
      %dma_wait3A_79 = arith.constant 0 : i32
      %dma_wait3A_80 = tpu.memref_slice %arg5[%dma_wait3A_78, %dma_wait3A_79] : memref<10000x128xf32, #tpu.memory_space<vmem_shared>> -> memref<10000x128xf32, #tpu.memory_space<vmem_shared>>
      tpu.wait_indirect_dma semaphore(%arg8 : memref<!tpu.dma_semaphore, #tpu.memory_space<semaphore_mem>>) src(%dma_wait3A_80 : memref<10000x128xf32, #tpu.memory_space<vmem_shared>>) dst(%dma_wait3A_74 : memref<128x128xf32, #tpu.memory_space<vmem>>)
      %add3A_81 = arith.constant 1 : i32
      %add3A_82 = arith.addi %mul3A_16, %add3A_81 : i32
      %mul3A_83 = arith.constant 128 : i32
      %mul3A_84 = arith.muli %add3A_82, %mul3A_83 : i32
      %add3A_85 = arith.addi %mul3A_2, %mul3A_84 : i32
      %dma_start3A_86 = arith.constant 1 : i32
      %dma_start3A_87 = arith.constant 0 : i32
      %dma_start3A_88 = arith.constant 0 : i32
      %dma_start3A_89 = tpu.memref_slice %arg7[%dma_start3A_86, %dma_start3A_87, %dma_start3A_88] : memref<2x128x128xf32, #tpu.memory_space<vmem>> -> memref<1x128x128xf32, #tpu.memory_space<vmem>>
      %dma_start3A_90 = tpu.memref_squeeze %dma_start3A_89 : memref<1x128x128xf32, #tpu.memory_space<vmem>> -> memref<128x128xf32, #tpu.memory_space<vmem>>
      %dma_start3A_91 = arith.constant 0 : i32
      %dma_start3A_92 = tpu.memref_slice %arg4[%add3A_85, %dma_start3A_91] : memref<81920x128xf32, #tpu.memory_space<hbm>> -> memref<128x128xf32, #tpu.memory_space<hbm>>
      %dma_start3A_93 = arith.constant 0 : i32
      %dma_start3A_94 = tpu.memref_slice %arg4[%add3A_85, %dma_start3A_93] : memref<81920x128xf32, #tpu.memory_space<hbm>> -> memref<128x128xf32, #tpu.memory_space<hbm>>
      %dma_start3A_95 = arith.constant 0 : i32
      %dma_start3A_96 = arith.constant 0 : i32
      %dma_start3A_97 = tpu.memref_slice %arg7[%dma_start3A_86, %dma_start3A_95, %dma_start3A_96] : memref<2x128x128xf32, #tpu.memory_space<vmem>> -> memref<1x128x128xf32, #tpu.memory_space<vmem>>
      %dma_start3A_98 = tpu.memref_squeeze %dma_start3A_97 : memref<1x128x128xf32, #tpu.memory_space<vmem>> -> memref<128x128xf32, #tpu.memory_space<vmem>>
      tpu.enqueue_dma source(%dma_start3A_98 : memref<128x128xf32, #tpu.memory_space<vmem>>) target(%dma_start3A_94 : memref<128x128xf32, #tpu.memory_space<hbm>>) target_semaphore(%arg9 : memref<!tpu.dma_semaphore, #tpu.memory_space<semaphore_mem>>)
      %dma_wait3A_99 = arith.constant 0 : i32
      %dma_wait3A_100 = arith.constant 0 : i32
      %dma_wait3A_101 = arith.constant 0 : i32
      %dma_wait3A_102 = tpu.memref_slice %arg7[%dma_wait3A_99, %dma_wait3A_100, %dma_wait3A_101] : memref<2x128x128xf32, #tpu.memory_space<vmem>> -> memref<1x128x128xf32, #tpu.memory_space<vmem>>
      %dma_wait3A_103 = tpu.memref_squeeze %dma_wait3A_102 : memref<1x128x128xf32, #tpu.memory_space<vmem>> -> memref<128x128xf32, #tpu.memory_space<vmem>>
      %dma_wait3A_104 = arith.constant 0 : i32
      %dma_wait3A_105 = tpu.memref_slice %arg4[%add3A_56, %dma_wait3A_104] : memref<81920x128xf32, #tpu.memory_space<hbm>> -> memref<128x128xf32, #tpu.memory_space<hbm>>
      %dma_wait3A_106 = arith.constant 0 : i32
      %dma_wait3A_107 = tpu.memref_slice %arg4[%add3A_56, %dma_wait3A_106] : memref<81920x128xf32, #tpu.memory_space<hbm>> -> memref<128x128xf32, #tpu.memory_space<hbm>>
      %dma_wait3A_108 = arith.constant 0 : i32
      %dma_wait3A_109 = arith.constant 0 : i32
      %dma_wait3A_110 = tpu.memref_slice %arg7[%dma_wait3A_99, %dma_wait3A_108, %dma_wait3A_109] : memref<2x128x128xf32, #tpu.memory_space<vmem>> -> memref<1x128x128xf32, #tpu.memory_space<vmem>>
      %dma_wait3A_111 = tpu.memref_squeeze %dma_wait3A_110 : memref<1x128x128xf32, #tpu.memory_space<vmem>> -> memref<128x128xf32, #tpu.memory_space<vmem>>
      tpu.wait_dma2 semaphore(%arg9 : memref<!tpu.dma_semaphore, #tpu.memory_space<semaphore_mem>>) src(%dma_wait3A_111 : memref<128x128xf32, #tpu.memory_space<vmem>>) dst(%dma_wait3A_107 : memref<128x128xf32, #tpu.memory_space<hbm>>)
      %dma_wait3A_112 = arith.constant 1 : i32
      %dma_wait3A_113 = arith.constant 0 : i32
      %dma_wait3A_114 = arith.constant 0 : i32
      %dma_wait3A_115 = tpu.memref_slice %arg7[%dma_wait3A_112, %dma_wait3A_113, %dma_wait3A_114] : memref<2x128x128xf32, #tpu.memory_space<vmem>> -> memref<1x128x128xf32, #tpu.memory_space<vmem>>
      %dma_wait3A_116 = tpu.memref_squeeze %dma_wait3A_115 : memref<1x128x128xf32, #tpu.memory_space<vmem>> -> memref<128x128xf32, #tpu.memory_space<vmem>>
      %dma_wait3A_117 = arith.constant 0 : i32
      %dma_wait3A_118 = tpu.memref_slice %arg4[%add3A_85, %dma_wait3A_117] : memref<81920x128xf32, #tpu.memory_space<hbm>> -> memref<128x128xf32, #tpu.memory_space<hbm>>
      %dma_wait3A_119 = arith.constant 0 : i32
      %dma_wait3A_120 = tpu.memref_slice %arg4[%add3A_85, %dma_wait3A_119] : memref<81920x128xf32, #tpu.memory_space<hbm>> -> memref<128x128xf32, #tpu.memory_space<hbm>>
      %dma_wait3A_121 = arith.constant 0 : i32
      %dma_wait3A_122 = arith.constant 0 : i32
      %dma_wait3A_123 = tpu.memref_slice %arg7[%dma_wait3A_112, %dma_wait3A_121, %dma_wait3A_122] : memref<2x128x128xf32, #tpu.memory_space<vmem>> -> memref<1x128x128xf32, #tpu.memory_space<vmem>>
      %dma_wait3A_124 = tpu.memref_squeeze %dma_wait3A_123 : memref<1x128x128xf32, #tpu.memory_space<vmem>> -> memref<128x128xf32, #tpu.memory_space<vmem>>
      tpu.wait_dma2 semaphore(%arg9 : memref<!tpu.dma_semaphore, #tpu.memory_space<semaphore_mem>>) src(%dma_wait3A_124 : memref<128x128xf32, #tpu.memory_space<vmem>>) dst(%dma_wait3A_120 : memref<128x128xf32, #tpu.memory_space<hbm>>)
    }
    %scan3A_13 = arith.constant 10 : i32
    return
  }
}

#map = affine_map<(d0, d1) -> (0, 0)>
#map1 = affine_map<(d0, d1) -> (0, 0, 0)>
module attributes {stable_mosaic.version = 14 : i64} {
  func.func @body(%arg0: i32, %arg1: i32, %arg2: memref<81920x128xf32, #tpu.memory_space<hbm>>, %arg3: memref<32x20x128xi32, #tpu.memory_space<hbm>>, %arg4: memref<10112x128xf32, #tpu.memory_space<hbm>>, %arg5: memref<2x10112x128xf32, #tpu.memory_space<hbm>>, %arg6: memref<10112x128xf32, #tpu.memory_space<vmem_shared>>, %arg7: memref<20x128xi32, #tpu.memory_space<vmem>>, %arg8: memref<2x128x128xf32, #tpu.memory_space<vmem>>, %arg9: memref<!tpu.dma_semaphore, #tpu.memory_space<semaphore_mem>>, %arg10: memref<!tpu.dma_semaphore, #tpu.memory_space<semaphore_mem>>) attributes {dimension_semantics = [#tpu.dimension_semantics<core_parallel>, #tpu.dimension_semantics<subcore_parallel>], iteration_bounds = array<i64: 2, 16>, scalar_prefetch = 0 : i64, scratch_operands = 5 : i64, tpu.core_type = #tpu.core_type<sc_vector_subcore>, window_params = [{transform_indices = #map}, {transform_indices = #map1}, {transform_indices = #map}, {transform_indices = #map1}]} {
    %mul3A = arith.constant 2 : i32
    %mul3A_0 = arith.muli %arg1, %mul3A : i32
    %add3A = arith.addi %mul3A_0, %arg0 : i32
    %mul3A_1 = arith.constant 632 : i32
    %mul3A_2 = arith.muli %arg1, %mul3A_1 : i32
    "tpu.region"() ({
      %run_scoped3A = tpu.sem_alloc : memref<!tpu.dma_semaphore, #tpu.memory_space<semaphore_mem>>
      %dma_start3A = arith.constant 0 : i32
      %dma_start3A_11 = tpu.memref_slice %arg6[%mul3A_2, %dma_start3A] : memref<10112x128xf32, #tpu.memory_space<vmem_shared>> -> memref<632x128xf32, #tpu.memory_space<vmem_shared>>
      %dma_start3A_12 = arith.constant 0 : i32
      %dma_start3A_13 = tpu.memref_slice %arg4[%mul3A_2, %dma_start3A_12] : memref<10112x128xf32, #tpu.memory_space<hbm>> -> memref<632x128xf32, #tpu.memory_space<hbm>>
      tpu.enqueue_dma source(%dma_start3A_13 : memref<632x128xf32, #tpu.memory_space<hbm>>) target(%dma_start3A_11 : memref<632x128xf32, #tpu.memory_space<vmem_shared>>) target_semaphore(%run_scoped3A : memref<!tpu.dma_semaphore, #tpu.memory_space<semaphore_mem>>)
      %dma_wait3A = arith.constant 0 : i32
      %dma_wait3A_14 = tpu.memref_slice %arg6[%mul3A_2, %dma_wait3A] : memref<10112x128xf32, #tpu.memory_space<vmem_shared>> -> memref<632x128xf32, #tpu.memory_space<vmem_shared>>
      %dma_wait3A_15 = arith.constant 0 : i32
      %dma_wait3A_16 = tpu.memref_slice %arg4[%mul3A_2, %dma_wait3A_15] : memref<10112x128xf32, #tpu.memory_space<hbm>> -> memref<632x128xf32, #tpu.memory_space<hbm>>
      tpu.wait_dma2 semaphore(%run_scoped3A : memref<!tpu.dma_semaphore, #tpu.memory_space<semaphore_mem>>) src(%dma_wait3A_16 : memref<632x128xf32, #tpu.memory_space<hbm>>) dst(%dma_wait3A_14 : memref<632x128xf32, #tpu.memory_space<vmem_shared>>)
      tpu.yield
    }) : () -> ()
    "tpu.region"() ({
      %run_scoped3A = tpu.sem_alloc : memref<!tpu.dma_semaphore, #tpu.memory_space<semaphore_mem>>
      %dma_start3A = arith.constant 0 : i32
      %dma_start3A_11 = arith.constant 0 : i32
      %dma_start3A_12 = tpu.memref_slice %arg3[%add3A, %dma_start3A, %dma_start3A_11] : memref<32x20x128xi32, #tpu.memory_space<hbm>> -> memref<1x20x128xi32, #tpu.memory_space<hbm>>
      %dma_start3A_13 = tpu.memref_squeeze %dma_start3A_12 : memref<1x20x128xi32, #tpu.memory_space<hbm>> -> memref<20x128xi32, #tpu.memory_space<hbm>>
      %dma_start3A_14 = arith.constant 0 : i32
      %dma_start3A_15 = arith.constant 0 : i32
      %dma_start3A_16 = tpu.memref_slice %arg3[%add3A, %dma_start3A_14, %dma_start3A_15] : memref<32x20x128xi32, #tpu.memory_space<hbm>> -> memref<1x20x128xi32, #tpu.memory_space<hbm>>
      %dma_start3A_17 = tpu.memref_squeeze %dma_start3A_16 : memref<1x20x128xi32, #tpu.memory_space<hbm>> -> memref<20x128xi32, #tpu.memory_space<hbm>>
      tpu.enqueue_dma source(%dma_start3A_17 : memref<20x128xi32, #tpu.memory_space<hbm>>) target(%arg7 : memref<20x128xi32, #tpu.memory_space<vmem>>) target_semaphore(%run_scoped3A : memref<!tpu.dma_semaphore, #tpu.memory_space<semaphore_mem>>)
      %dma_wait3A = arith.constant 0 : i32
      %dma_wait3A_18 = arith.constant 0 : i32
      %dma_wait3A_19 = tpu.memref_slice %arg3[%add3A, %dma_wait3A, %dma_wait3A_18] : memref<32x20x128xi32, #tpu.memory_space<hbm>> -> memref<1x20x128xi32, #tpu.memory_space<hbm>>
      %dma_wait3A_20 = tpu.memref_squeeze %dma_wait3A_19 : memref<1x20x128xi32, #tpu.memory_space<hbm>> -> memref<20x128xi32, #tpu.memory_space<hbm>>
      %dma_wait3A_21 = arith.constant 0 : i32
      %dma_wait3A_22 = arith.constant 0 : i32
      %dma_wait3A_23 = tpu.memref_slice %arg3[%add3A, %dma_wait3A_21, %dma_wait3A_22] : memref<32x20x128xi32, #tpu.memory_space<hbm>> -> memref<1x20x128xi32, #tpu.memory_space<hbm>>
      %dma_wait3A_24 = tpu.memref_squeeze %dma_wait3A_23 : memref<1x20x128xi32, #tpu.memory_space<hbm>> -> memref<20x128xi32, #tpu.memory_space<hbm>>
      tpu.wait_dma2 semaphore(%run_scoped3A : memref<!tpu.dma_semaphore, #tpu.memory_space<semaphore_mem>>) src(%dma_wait3A_24 : memref<20x128xi32, #tpu.memory_space<hbm>>) dst(%arg7 : memref<20x128xi32, #tpu.memory_space<vmem>>)
      tpu.yield
    }) : () -> ()
    %barrier3A = arith.constant 0 : index
    tpu.barrier barrier_id(%barrier3A)
    %mul3A_3 = arith.constant 2560 : i32
    %mul3A_4 = arith.muli %add3A, %mul3A_3 : i32
    %scan3A = arith.constant 0 : i32
    %scan3A_5 = arith.constant 0 : i32
    %scan3A_6 = arith.constant 10 : i32
    %scan3A_7 = arith.addi %scan3A_5, %scan3A_6 : i32
    %scan3A_8 = arith.constant 1 : i32
    scf.for %scan3A_11 = %scan3A_5 to %scan3A_7 step %scan3A_8  : i32 {
      %mul3A_12 = arith.constant 2 : i32
      %mul3A_13 = arith.muli %scan3A_11, %mul3A_12 : i32
      %add3A_14 = arith.constant 0 : i32
      %add3A_15 = arith.addi %mul3A_13, %add3A_14 : i32
      %mul3A_16 = arith.constant 128 : i32
      %mul3A_17 = arith.muli %add3A_15, %mul3A_16 : i32
      %add3A_18 = arith.addi %mul3A_4, %mul3A_17 : i32
      %dma_start3A = arith.constant 0 : i32
      %dma_start3A_19 = arith.constant 0 : i32
      %dma_start3A_20 = arith.constant 0 : i32
      %dma_start3A_21 = tpu.memref_slice %arg8[%dma_start3A, %dma_start3A_19, %dma_start3A_20] : memref<2x128x128xf32, #tpu.memory_space<vmem>> -> memref<1x128x128xf32, #tpu.memory_space<vmem>>
      %dma_start3A_22 = tpu.memref_squeeze %dma_start3A_21 : memref<1x128x128xf32, #tpu.memory_space<vmem>> -> memref<128x128xf32, #tpu.memory_space<vmem>>
      %dma_start3A_23 = arith.constant 0 : i32
      %dma_start3A_24 = tpu.memref_slice %arg2[%add3A_18, %dma_start3A_23] : memref<81920x128xf32, #tpu.memory_space<hbm>> -> memref<128x128xf32, #tpu.memory_space<hbm>>
      %dma_start3A_25 = arith.constant 0 : i32
      %dma_start3A_26 = arith.constant 0 : i32
      %dma_start3A_27 = tpu.memref_slice %arg8[%dma_start3A, %dma_start3A_25, %dma_start3A_26] : memref<2x128x128xf32, #tpu.memory_space<vmem>> -> memref<1x128x128xf32, #tpu.memory_space<vmem>>
      %dma_start3A_28 = tpu.memref_squeeze %dma_start3A_27 : memref<1x128x128xf32, #tpu.memory_space<vmem>> -> memref<128x128xf32, #tpu.memory_space<vmem>>
      %dma_start3A_29 = arith.constant 0 : i32
      %dma_start3A_30 = tpu.memref_slice %arg2[%add3A_18, %dma_start3A_29] : memref<81920x128xf32, #tpu.memory_space<hbm>> -> memref<128x128xf32, #tpu.memory_space<hbm>>
      tpu.enqueue_dma source(%dma_start3A_30 : memref<128x128xf32, #tpu.memory_space<hbm>>) target(%dma_start3A_28 : memref<128x128xf32, #tpu.memory_space<vmem>>) target_semaphore(%arg9 : memref<!tpu.dma_semaphore, #tpu.memory_space<semaphore_mem>>)
      %add3A_31 = arith.constant 1 : i32
      %add3A_32 = arith.addi %mul3A_13, %add3A_31 : i32
      %mul3A_33 = arith.constant 128 : i32
      %mul3A_34 = arith.muli %add3A_32, %mul3A_33 : i32
      %add3A_35 = arith.addi %mul3A_4, %mul3A_34 : i32
      %dma_start3A_36 = arith.constant 1 : i32
      %dma_start3A_37 = arith.constant 0 : i32
      %dma_start3A_38 = arith.constant 0 : i32
      %dma_start3A_39 = tpu.memref_slice %arg8[%dma_start3A_36, %dma_start3A_37, %dma_start3A_38] : memref<2x128x128xf32, #tpu.memory_space<vmem>> -> memref<1x128x128xf32, #tpu.memory_space<vmem>>
      %dma_start3A_40 = tpu.memref_squeeze %dma_start3A_39 : memref<1x128x128xf32, #tpu.memory_space<vmem>> -> memref<128x128xf32, #tpu.memory_space<vmem>>
      %dma_start3A_41 = arith.constant 0 : i32
      %dma_start3A_42 = tpu.memref_slice %arg2[%add3A_35, %dma_start3A_41] : memref<81920x128xf32, #tpu.memory_space<hbm>> -> memref<128x128xf32, #tpu.memory_space<hbm>>
      %dma_start3A_43 = arith.constant 0 : i32
      %dma_start3A_44 = arith.constant 0 : i32
      %dma_start3A_45 = tpu.memref_slice %arg8[%dma_start3A_36, %dma_start3A_43, %dma_start3A_44] : memref<2x128x128xf32, #tpu.memory_space<vmem>> -> memref<1x128x128xf32, #tpu.memory_space<vmem>>
      %dma_start3A_46 = tpu.memref_squeeze %dma_start3A_45 : memref<1x128x128xf32, #tpu.memory_space<vmem>> -> memref<128x128xf32, #tpu.memory_space<vmem>>
      %dma_start3A_47 = arith.constant 0 : i32
      %dma_start3A_48 = tpu.memref_slice %arg2[%add3A_35, %dma_start3A_47] : memref<81920x128xf32, #tpu.memory_space<hbm>> -> memref<128x128xf32, #tpu.memory_space<hbm>>
      tpu.enqueue_dma source(%dma_start3A_48 : memref<128x128xf32, #tpu.memory_space<hbm>>) target(%dma_start3A_46 : memref<128x128xf32, #tpu.memory_space<vmem>>) target_semaphore(%arg9 : memref<!tpu.dma_semaphore, #tpu.memory_space<semaphore_mem>>)
      %dma_wait3A = arith.constant 0 : i32
      %dma_wait3A_49 = arith.constant 0 : i32
      %dma_wait3A_50 = arith.constant 0 : i32
      %dma_wait3A_51 = tpu.memref_slice %arg8[%dma_wait3A, %dma_wait3A_49, %dma_wait3A_50] : memref<2x128x128xf32, #tpu.memory_space<vmem>> -> memref<1x128x128xf32, #tpu.memory_space<vmem>>
      %dma_wait3A_52 = tpu.memref_squeeze %dma_wait3A_51 : memref<1x128x128xf32, #tpu.memory_space<vmem>> -> memref<128x128xf32, #tpu.memory_space<vmem>>
      %dma_wait3A_53 = arith.constant 0 : i32
      %dma_wait3A_54 = tpu.memref_slice %arg2[%add3A_18, %dma_wait3A_53] : memref<81920x128xf32, #tpu.memory_space<hbm>> -> memref<128x128xf32, #tpu.memory_space<hbm>>
      %dma_wait3A_55 = arith.constant 0 : i32
      %dma_wait3A_56 = arith.constant 0 : i32
      %dma_wait3A_57 = tpu.memref_slice %arg8[%dma_wait3A, %dma_wait3A_55, %dma_wait3A_56] : memref<2x128x128xf32, #tpu.memory_space<vmem>> -> memref<1x128x128xf32, #tpu.memory_space<vmem>>
      %dma_wait3A_58 = tpu.memref_squeeze %dma_wait3A_57 : memref<1x128x128xf32, #tpu.memory_space<vmem>> -> memref<128x128xf32, #tpu.memory_space<vmem>>
      %dma_wait3A_59 = arith.constant 0 : i32
      %dma_wait3A_60 = tpu.memref_slice %arg2[%add3A_18, %dma_wait3A_59] : memref<81920x128xf32, #tpu.memory_space<hbm>> -> memref<128x128xf32, #tpu.memory_space<hbm>>
      tpu.wait_dma2 semaphore(%arg9 : memref<!tpu.dma_semaphore, #tpu.memory_space<semaphore_mem>>) src(%dma_wait3A_60 : memref<128x128xf32, #tpu.memory_space<hbm>>) dst(%dma_wait3A_58 : memref<128x128xf32, #tpu.memory_space<vmem>>)
      %add3A_61 = arith.constant 0 : i32
      %add3A_62 = arith.addi %mul3A_13, %add3A_61 : i32
      %dma_start3A_63 = arith.constant 0 : i32
      %dma_start3A_64 = arith.constant 0 : i32
      %dma_start3A_65 = arith.constant 0 : i32
      %dma_start3A_66 = tpu.memref_slice %arg8[%dma_start3A_63, %dma_start3A_64, %dma_start3A_65] : memref<2x128x128xf32, #tpu.memory_space<vmem>> -> memref<1x128x128xf32, #tpu.memory_space<vmem>>
      %dma_start3A_67 = tpu.memref_squeeze %dma_start3A_66 : memref<1x128x128xf32, #tpu.memory_space<vmem>> -> memref<128x128xf32, #tpu.memory_space<vmem>>
      %dma_start3A_68 = arith.constant 0 : i32
      %dma_start3A_69 = tpu.memref_slice %arg7[%add3A_62, %dma_start3A_68] : memref<20x128xi32, #tpu.memory_space<vmem>> -> memref<1x128xi32, #tpu.memory_space<vmem>>
      %dma_start3A_70 = tpu.memref_squeeze %dma_start3A_69 : memref<1x128xi32, #tpu.memory_space<vmem>> -> memref<128xi32, #tpu.memory_space<vmem>>
      %dma_start3A_71 = arith.constant 0 : i32
      %dma_start3A_72 = arith.constant 0 : i32
      %dma_start3A_73 = tpu.memref_slice %arg6[%dma_start3A_71, %dma_start3A_72] : memref<10112x128xf32, #tpu.memory_space<vmem_shared>> -> memref<10112x128xf32, #tpu.memory_space<vmem_shared>>
      tpu.enqueue_indirect_dma source(%dma_start3A_67 : memref<128x128xf32, #tpu.memory_space<vmem>>) target(%dma_start3A_73 : memref<10112x128xf32, #tpu.memory_space<vmem_shared>>) offsets(%dma_start3A_70 : memref<128xi32, #tpu.memory_space<vmem>>) semaphore(%arg10 : memref<!tpu.dma_semaphore, #tpu.memory_space<semaphore_mem>>) {add = true}
      %dma_wait3A_74 = arith.constant 1 : i32
      %dma_wait3A_75 = arith.constant 0 : i32
      %dma_wait3A_76 = arith.constant 0 : i32
      %dma_wait3A_77 = tpu.memref_slice %arg8[%dma_wait3A_74, %dma_wait3A_75, %dma_wait3A_76] : memref<2x128x128xf32, #tpu.memory_space<vmem>> -> memref<1x128x128xf32, #tpu.memory_space<vmem>>
      %dma_wait3A_78 = tpu.memref_squeeze %dma_wait3A_77 : memref<1x128x128xf32, #tpu.memory_space<vmem>> -> memref<128x128xf32, #tpu.memory_space<vmem>>
      %dma_wait3A_79 = arith.constant 0 : i32
      %dma_wait3A_80 = tpu.memref_slice %arg2[%add3A_35, %dma_wait3A_79] : memref<81920x128xf32, #tpu.memory_space<hbm>> -> memref<128x128xf32, #tpu.memory_space<hbm>>
      %dma_wait3A_81 = arith.constant 0 : i32
      %dma_wait3A_82 = arith.constant 0 : i32
      %dma_wait3A_83 = tpu.memref_slice %arg8[%dma_wait3A_74, %dma_wait3A_81, %dma_wait3A_82] : memref<2x128x128xf32, #tpu.memory_space<vmem>> -> memref<1x128x128xf32, #tpu.memory_space<vmem>>
      %dma_wait3A_84 = tpu.memref_squeeze %dma_wait3A_83 : memref<1x128x128xf32, #tpu.memory_space<vmem>> -> memref<128x128xf32, #tpu.memory_space<vmem>>
      %dma_wait3A_85 = arith.constant 0 : i32
      %dma_wait3A_86 = tpu.memref_slice %arg2[%add3A_35, %dma_wait3A_85] : memref<81920x128xf32, #tpu.memory_space<hbm>> -> memref<128x128xf32, #tpu.memory_space<hbm>>
      tpu.wait_dma2 semaphore(%arg9 : memref<!tpu.dma_semaphore, #tpu.memory_space<semaphore_mem>>) src(%dma_wait3A_86 : memref<128x128xf32, #tpu.memory_space<hbm>>) dst(%dma_wait3A_84 : memref<128x128xf32, #tpu.memory_space<vmem>>)
      %add3A_87 = arith.constant 1 : i32
      %add3A_88 = arith.addi %mul3A_13, %add3A_87 : i32
      %dma_start3A_89 = arith.constant 1 : i32
      %dma_start3A_90 = arith.constant 0 : i32
      %dma_start3A_91 = arith.constant 0 : i32
      %dma_start3A_92 = tpu.memref_slice %arg8[%dma_start3A_89, %dma_start3A_90, %dma_start3A_91] : memref<2x128x128xf32, #tpu.memory_space<vmem>> -> memref<1x128x128xf32, #tpu.memory_space<vmem>>
      %dma_start3A_93 = tpu.memref_squeeze %dma_start3A_92 : memref<1x128x128xf32, #tpu.memory_space<vmem>> -> memref<128x128xf32, #tpu.memory_space<vmem>>
      %dma_start3A_94 = arith.constant 0 : i32
      %dma_start3A_95 = tpu.memref_slice %arg7[%add3A_88, %dma_start3A_94] : memref<20x128xi32, #tpu.memory_space<vmem>> -> memref<1x128xi32, #tpu.memory_space<vmem>>
      %dma_start3A_96 = tpu.memref_squeeze %dma_start3A_95 : memref<1x128xi32, #tpu.memory_space<vmem>> -> memref<128xi32, #tpu.memory_space<vmem>>
      %dma_start3A_97 = arith.constant 0 : i32
      %dma_start3A_98 = arith.constant 0 : i32
      %dma_start3A_99 = tpu.memref_slice %arg6[%dma_start3A_97, %dma_start3A_98] : memref<10112x128xf32, #tpu.memory_space<vmem_shared>> -> memref<10112x128xf32, #tpu.memory_space<vmem_shared>>
      tpu.enqueue_indirect_dma source(%dma_start3A_93 : memref<128x128xf32, #tpu.memory_space<vmem>>) target(%dma_start3A_99 : memref<10112x128xf32, #tpu.memory_space<vmem_shared>>) offsets(%dma_start3A_96 : memref<128xi32, #tpu.memory_space<vmem>>) semaphore(%arg10 : memref<!tpu.dma_semaphore, #tpu.memory_space<semaphore_mem>>) {add = true}
      %dma_wait3A_100 = arith.constant 0 : i32
      %dma_wait3A_101 = arith.constant 0 : i32
      %dma_wait3A_102 = arith.constant 0 : i32
      %dma_wait3A_103 = tpu.memref_slice %arg8[%dma_wait3A_100, %dma_wait3A_101, %dma_wait3A_102] : memref<2x128x128xf32, #tpu.memory_space<vmem>> -> memref<1x128x128xf32, #tpu.memory_space<vmem>>
      %dma_wait3A_104 = tpu.memref_squeeze %dma_wait3A_103 : memref<1x128x128xf32, #tpu.memory_space<vmem>> -> memref<128x128xf32, #tpu.memory_space<vmem>>
      %dma_wait3A_105 = arith.constant 0 : i32
      %dma_wait3A_106 = tpu.memref_slice %arg7[%add3A_62, %dma_wait3A_105] : memref<20x128xi32, #tpu.memory_space<vmem>> -> memref<1x128xi32, #tpu.memory_space<vmem>>
      %dma_wait3A_107 = tpu.memref_squeeze %dma_wait3A_106 : memref<1x128xi32, #tpu.memory_space<vmem>> -> memref<128xi32, #tpu.memory_space<vmem>>
      %dma_wait3A_108 = arith.constant 0 : i32
      %dma_wait3A_109 = arith.constant 0 : i32
      %dma_wait3A_110 = tpu.memref_slice %arg6[%dma_wait3A_108, %dma_wait3A_109] : memref<10112x128xf32, #tpu.memory_space<vmem_shared>> -> memref<10112x128xf32, #tpu.memory_space<vmem_shared>>
      tpu.wait_indirect_dma semaphore(%arg10 : memref<!tpu.dma_semaphore, #tpu.memory_space<semaphore_mem>>) src(%dma_wait3A_104 : memref<128x128xf32, #tpu.memory_space<vmem>>) dst(%dma_wait3A_110 : memref<10112x128xf32, #tpu.memory_space<vmem_shared>>)
      %dma_wait3A_111 = arith.constant 1 : i32
      %dma_wait3A_112 = arith.constant 0 : i32
      %dma_wait3A_113 = arith.constant 0 : i32
      %dma_wait3A_114 = tpu.memref_slice %arg8[%dma_wait3A_111, %dma_wait3A_112, %dma_wait3A_113] : memref<2x128x128xf32, #tpu.memory_space<vmem>> -> memref<1x128x128xf32, #tpu.memory_space<vmem>>
      %dma_wait3A_115 = tpu.memref_squeeze %dma_wait3A_114 : memref<1x128x128xf32, #tpu.memory_space<vmem>> -> memref<128x128xf32, #tpu.memory_space<vmem>>
      %dma_wait3A_116 = arith.constant 0 : i32
      %dma_wait3A_117 = tpu.memref_slice %arg7[%add3A_88, %dma_wait3A_116] : memref<20x128xi32, #tpu.memory_space<vmem>> -> memref<1x128xi32, #tpu.memory_space<vmem>>
      %dma_wait3A_118 = tpu.memref_squeeze %dma_wait3A_117 : memref<1x128xi32, #tpu.memory_space<vmem>> -> memref<128xi32, #tpu.memory_space<vmem>>
      %dma_wait3A_119 = arith.constant 0 : i32
      %dma_wait3A_120 = arith.constant 0 : i32
      %dma_wait3A_121 = tpu.memref_slice %arg6[%dma_wait3A_119, %dma_wait3A_120] : memref<10112x128xf32, #tpu.memory_space<vmem_shared>> -> memref<10112x128xf32, #tpu.memory_space<vmem_shared>>
      tpu.wait_indirect_dma semaphore(%arg10 : memref<!tpu.dma_semaphore, #tpu.memory_space<semaphore_mem>>) src(%dma_wait3A_115 : memref<128x128xf32, #tpu.memory_space<vmem>>) dst(%dma_wait3A_121 : memref<10112x128xf32, #tpu.memory_space<vmem_shared>>)
    }
    %scan3A_9 = arith.constant 10 : i32
    %barrier3A_10 = arith.constant 0 : index
    tpu.barrier barrier_id(%barrier3A_10)
    "tpu.region"() ({
      %run_scoped3A = tpu.sem_alloc : memref<!tpu.dma_semaphore, #tpu.memory_space<semaphore_mem>>
      %dma_start3A = arith.constant 0 : i32
      %dma_start3A_11 = tpu.memref_slice %arg5[%arg0, %mul3A_2, %dma_start3A] : memref<2x10112x128xf32, #tpu.memory_space<hbm>> -> memref<1x632x128xf32, #tpu.memory_space<hbm>>
      %dma_start3A_12 = tpu.memref_squeeze %dma_start3A_11 : memref<1x632x128xf32, #tpu.memory_space<hbm>> -> memref<632x128xf32, #tpu.memory_space<hbm>>
      %dma_start3A_13 = arith.constant 0 : i32
      %dma_start3A_14 = tpu.memref_slice %arg6[%mul3A_2, %dma_start3A_13] : memref<10112x128xf32, #tpu.memory_space<vmem_shared>> -> memref<632x128xf32, #tpu.memory_space<vmem_shared>>
      tpu.enqueue_dma source(%dma_start3A_14 : memref<632x128xf32, #tpu.memory_space<vmem_shared>>) target(%dma_start3A_12 : memref<632x128xf32, #tpu.memory_space<hbm>>) target_semaphore(%run_scoped3A : memref<!tpu.dma_semaphore, #tpu.memory_space<semaphore_mem>>)
      %dma_wait3A = arith.constant 0 : i32
      %dma_wait3A_15 = tpu.memref_slice %arg5[%arg0, %mul3A_2, %dma_wait3A] : memref<2x10112x128xf32, #tpu.memory_space<hbm>> -> memref<1x632x128xf32, #tpu.memory_space<hbm>>
      %dma_wait3A_16 = tpu.memref_squeeze %dma_wait3A_15 : memref<1x632x128xf32, #tpu.memory_space<hbm>> -> memref<632x128xf32, #tpu.memory_space<hbm>>
      %dma_wait3A_17 = arith.constant 0 : i32
      %dma_wait3A_18 = tpu.memref_slice %arg6[%mul3A_2, %dma_wait3A_17] : memref<10112x128xf32, #tpu.memory_space<vmem_shared>> -> memref<632x128xf32, #tpu.memory_space<vmem_shared>>
      tpu.wait_dma2 semaphore(%run_scoped3A : memref<!tpu.dma_semaphore, #tpu.memory_space<semaphore_mem>>) src(%dma_wait3A_18 : memref<632x128xf32, #tpu.memory_space<vmem_shared>>) dst(%dma_wait3A_16 : memref<632x128xf32, #tpu.memory_space<hbm>>)
      tpu.yield
    }) : () -> ()
    return
  }
}

#map = affine_map<(d0, d1) -> (0, 0)>
#map1 = affine_map<(d0, d1) -> (0, 0, 0)>
module attributes {stable_mosaic.version = 14 : i64} {
  func.func @body(%arg0: i32, %arg1: i32, %arg2: memref<81920x128xf32, #tpu.memory_space<hbm>>, %arg3: memref<32x20x128xi32, #tpu.memory_space<hbm>>, %arg4: memref<10112x128xf32, #tpu.memory_space<hbm>>, %arg5: memref<2x10112x128xf32, #tpu.memory_space<hbm>>, %arg6: memref<10112x128xf32, #tpu.memory_space<vmem_shared>>, %arg7: memref<20x128xi32, #tpu.memory_space<vmem>>, %arg8: memref<2x128x128xf32, #tpu.memory_space<vmem>>, %arg9: memref<!tpu.dma_semaphore, #tpu.memory_space<semaphore_mem>>, %arg10: memref<!tpu.dma_semaphore, #tpu.memory_space<semaphore_mem>>) attributes {dimension_semantics = [#tpu.dimension_semantics<core_parallel>, #tpu.dimension_semantics<subcore_parallel>], iteration_bounds = array<i64: 2, 16>, scalar_prefetch = 0 : i64, scratch_operands = 5 : i64, tpu.core_type = #tpu.core_type<sc_vector_subcore>, window_params = [{transform_indices = #map}, {transform_indices = #map1}, {transform_indices = #map}, {transform_indices = #map1}]} {
    %mul3A = arith.constant 2 : i32
    %mul3A_0 = arith.muli %arg1, %mul3A : i32
    %add3A = arith.addi %mul3A_0, %arg0 : i32
    %mul3A_1 = arith.constant 632 : i32
    %mul3A_2 = arith.muli %arg1, %mul3A_1 : i32
    "tpu.region"() ({
      %run_scoped3A = tpu.sem_alloc : memref<!tpu.dma_semaphore, #tpu.memory_space<semaphore_mem>>
      %dma_start3A = arith.constant 0 : i32
      %dma_start3A_11 = tpu.memref_slice %arg6[%mul3A_2, %dma_start3A] : memref<10112x128xf32, #tpu.memory_space<vmem_shared>> -> memref<632x128xf32, #tpu.memory_space<vmem_shared>>
      %dma_start3A_12 = arith.constant 0 : i32
      %dma_start3A_13 = tpu.memref_slice %arg4[%mul3A_2, %dma_start3A_12] : memref<10112x128xf32, #tpu.memory_space<hbm>> -> memref<632x128xf32, #tpu.memory_space<hbm>>
      tpu.enqueue_dma source(%dma_start3A_13 : memref<632x128xf32, #tpu.memory_space<hbm>>) target(%dma_start3A_11 : memref<632x128xf32, #tpu.memory_space<vmem_shared>>) target_semaphore(%run_scoped3A : memref<!tpu.dma_semaphore, #tpu.memory_space<semaphore_mem>>)
      %dma_wait3A = arith.constant 0 : i32
      %dma_wait3A_14 = tpu.memref_slice %arg6[%mul3A_2, %dma_wait3A] : memref<10112x128xf32, #tpu.memory_space<vmem_shared>> -> memref<632x128xf32, #tpu.memory_space<vmem_shared>>
      %dma_wait3A_15 = arith.constant 0 : i32
      %dma_wait3A_16 = tpu.memref_slice %arg4[%mul3A_2, %dma_wait3A_15] : memref<10112x128xf32, #tpu.memory_space<hbm>> -> memref<632x128xf32, #tpu.memory_space<hbm>>
      tpu.wait_dma2 semaphore(%run_scoped3A : memref<!tpu.dma_semaphore, #tpu.memory_space<semaphore_mem>>) src(%dma_wait3A_16 : memref<632x128xf32, #tpu.memory_space<hbm>>) dst(%dma_wait3A_14 : memref<632x128xf32, #tpu.memory_space<vmem_shared>>)
      tpu.yield
    }) : () -> ()
    "tpu.region"() ({
      %run_scoped3A = tpu.sem_alloc : memref<!tpu.dma_semaphore, #tpu.memory_space<semaphore_mem>>
      %dma_start3A = arith.constant 0 : i32
      %dma_start3A_11 = arith.constant 0 : i32
      %dma_start3A_12 = tpu.memref_slice %arg3[%add3A, %dma_start3A, %dma_start3A_11] : memref<32x20x128xi32, #tpu.memory_space<hbm>> -> memref<1x20x128xi32, #tpu.memory_space<hbm>>
      %dma_start3A_13 = tpu.memref_squeeze %dma_start3A_12 : memref<1x20x128xi32, #tpu.memory_space<hbm>> -> memref<20x128xi32, #tpu.memory_space<hbm>>
      %dma_start3A_14 = arith.constant 0 : i32
      %dma_start3A_15 = arith.constant 0 : i32
      %dma_start3A_16 = tpu.memref_slice %arg3[%add3A, %dma_start3A_14, %dma_start3A_15] : memref<32x20x128xi32, #tpu.memory_space<hbm>> -> memref<1x20x128xi32, #tpu.memory_space<hbm>>
      %dma_start3A_17 = tpu.memref_squeeze %dma_start3A_16 : memref<1x20x128xi32, #tpu.memory_space<hbm>> -> memref<20x128xi32, #tpu.memory_space<hbm>>
      tpu.enqueue_dma source(%dma_start3A_17 : memref<20x128xi32, #tpu.memory_space<hbm>>) target(%arg7 : memref<20x128xi32, #tpu.memory_space<vmem>>) target_semaphore(%run_scoped3A : memref<!tpu.dma_semaphore, #tpu.memory_space<semaphore_mem>>)
      %dma_wait3A = arith.constant 0 : i32
      %dma_wait3A_18 = arith.constant 0 : i32
      %dma_wait3A_19 = tpu.memref_slice %arg3[%add3A, %dma_wait3A, %dma_wait3A_18] : memref<32x20x128xi32, #tpu.memory_space<hbm>> -> memref<1x20x128xi32, #tpu.memory_space<hbm>>
      %dma_wait3A_20 = tpu.memref_squeeze %dma_wait3A_19 : memref<1x20x128xi32, #tpu.memory_space<hbm>> -> memref<20x128xi32, #tpu.memory_space<hbm>>
      %dma_wait3A_21 = arith.constant 0 : i32
      %dma_wait3A_22 = arith.constant 0 : i32
      %dma_wait3A_23 = tpu.memref_slice %arg3[%add3A, %dma_wait3A_21, %dma_wait3A_22] : memref<32x20x128xi32, #tpu.memory_space<hbm>> -> memref<1x20x128xi32, #tpu.memory_space<hbm>>
      %dma_wait3A_24 = tpu.memref_squeeze %dma_wait3A_23 : memref<1x20x128xi32, #tpu.memory_space<hbm>> -> memref<20x128xi32, #tpu.memory_space<hbm>>
      tpu.wait_dma2 semaphore(%run_scoped3A : memref<!tpu.dma_semaphore, #tpu.memory_space<semaphore_mem>>) src(%dma_wait3A_24 : memref<20x128xi32, #tpu.memory_space<hbm>>) dst(%arg7 : memref<20x128xi32, #tpu.memory_space<vmem>>)
      tpu.yield
    }) : () -> ()
    %barrier3A = arith.constant 0 : index
    tpu.barrier barrier_id(%barrier3A)
    %mul3A_3 = arith.constant 2560 : i32
    %mul3A_4 = arith.muli %add3A, %mul3A_3 : i32
    %scan3A = arith.constant 0 : i32
    %scan3A_5 = arith.constant 0 : i32
    %scan3A_6 = arith.constant 10 : i32
    %scan3A_7 = arith.addi %scan3A_5, %scan3A_6 : i32
    %scan3A_8 = arith.constant 1 : i32
    scf.for %scan3A_11 = %scan3A_5 to %scan3A_7 step %scan3A_8  : i32 {
      %mul3A_12 = arith.constant 2 : i32
      %mul3A_13 = arith.muli %scan3A_11, %mul3A_12 : i32
      %add3A_14 = arith.constant 0 : i32
      %add3A_15 = arith.addi %mul3A_13, %add3A_14 : i32
      %mul3A_16 = arith.constant 128 : i32
      %mul3A_17 = arith.muli %add3A_15, %mul3A_16 : i32
      %add3A_18 = arith.addi %mul3A_4, %mul3A_17 : i32
      %dma_start3A = arith.constant 0 : i32
      %dma_start3A_19 = arith.constant 0 : i32
      %dma_start3A_20 = arith.constant 0 : i32
      %dma_start3A_21 = tpu.memref_slice %arg8[%dma_start3A, %dma_start3A_19, %dma_start3A_20] : memref<2x128x128xf32, #tpu.memory_space<vmem>> -> memref<1x128x128xf32, #tpu.memory_space<vmem>>
      %dma_start3A_22 = tpu.memref_squeeze %dma_start3A_21 : memref<1x128x128xf32, #tpu.memory_space<vmem>> -> memref<128x128xf32, #tpu.memory_space<vmem>>
      %dma_start3A_23 = arith.constant 0 : i32
      %dma_start3A_24 = tpu.memref_slice %arg2[%add3A_18, %dma_start3A_23] : memref<81920x128xf32, #tpu.memory_space<hbm>> -> memref<128x128xf32, #tpu.memory_space<hbm>>
      %dma_start3A_25 = arith.constant 0 : i32
      %dma_start3A_26 = arith.constant 0 : i32
      %dma_start3A_27 = tpu.memref_slice %arg8[%dma_start3A, %dma_start3A_25, %dma_start3A_26] : memref<2x128x128xf32, #tpu.memory_space<vmem>> -> memref<1x128x128xf32, #tpu.memory_space<vmem>>
      %dma_start3A_28 = tpu.memref_squeeze %dma_start3A_27 : memref<1x128x128xf32, #tpu.memory_space<vmem>> -> memref<128x128xf32, #tpu.memory_space<vmem>>
      %dma_start3A_29 = arith.constant 0 : i32
      %dma_start3A_30 = tpu.memref_slice %arg2[%add3A_18, %dma_start3A_29] : memref<81920x128xf32, #tpu.memory_space<hbm>> -> memref<128x128xf32, #tpu.memory_space<hbm>>
      tpu.enqueue_dma source(%dma_start3A_30 : memref<128x128xf32, #tpu.memory_space<hbm>>) target(%dma_start3A_28 : memref<128x128xf32, #tpu.memory_space<vmem>>) target_semaphore(%arg9 : memref<!tpu.dma_semaphore, #tpu.memory_space<semaphore_mem>>)
      %add3A_31 = arith.constant 1 : i32
      %add3A_32 = arith.addi %mul3A_13, %add3A_31 : i32
      %mul3A_33 = arith.constant 128 : i32
      %mul3A_34 = arith.muli %add3A_32, %mul3A_33 : i32
      %add3A_35 = arith.addi %mul3A_4, %mul3A_34 : i32
      %dma_start3A_36 = arith.constant 1 : i32
      %dma_start3A_37 = arith.constant 0 : i32
      %dma_start3A_38 = arith.constant 0 : i32
      %dma_start3A_39 = tpu.memref_slice %arg8[%dma_start3A_36, %dma_start3A_37, %dma_start3A_38] : memref<2x128x128xf32, #tpu.memory_space<vmem>> -> memref<1x128x128xf32, #tpu.memory_space<vmem>>
      %dma_start3A_40 = tpu.memref_squeeze %dma_start3A_39 : memref<1x128x128xf32, #tpu.memory_space<vmem>> -> memref<128x128xf32, #tpu.memory_space<vmem>>
      %dma_start3A_41 = arith.constant 0 : i32
      %dma_start3A_42 = tpu.memref_slice %arg2[%add3A_35, %dma_start3A_41] : memref<81920x128xf32, #tpu.memory_space<hbm>> -> memref<128x128xf32, #tpu.memory_space<hbm>>
      %dma_start3A_43 = arith.constant 0 : i32
      %dma_start3A_44 = arith.constant 0 : i32
      %dma_start3A_45 = tpu.memref_slice %arg8[%dma_start3A_36, %dma_start3A_43, %dma_start3A_44] : memref<2x128x128xf32, #tpu.memory_space<vmem>> -> memref<1x128x128xf32, #tpu.memory_space<vmem>>
      %dma_start3A_46 = tpu.memref_squeeze %dma_start3A_45 : memref<1x128x128xf32, #tpu.memory_space<vmem>> -> memref<128x128xf32, #tpu.memory_space<vmem>>
      %dma_start3A_47 = arith.constant 0 : i32
      %dma_start3A_48 = tpu.memref_slice %arg2[%add3A_35, %dma_start3A_47] : memref<81920x128xf32, #tpu.memory_space<hbm>> -> memref<128x128xf32, #tpu.memory_space<hbm>>
      tpu.enqueue_dma source(%dma_start3A_48 : memref<128x128xf32, #tpu.memory_space<hbm>>) target(%dma_start3A_46 : memref<128x128xf32, #tpu.memory_space<vmem>>) target_semaphore(%arg9 : memref<!tpu.dma_semaphore, #tpu.memory_space<semaphore_mem>>)
      %dma_wait3A = arith.constant 0 : i32
      %dma_wait3A_49 = arith.constant 0 : i32
      %dma_wait3A_50 = arith.constant 0 : i32
      %dma_wait3A_51 = tpu.memref_slice %arg8[%dma_wait3A, %dma_wait3A_49, %dma_wait3A_50] : memref<2x128x128xf32, #tpu.memory_space<vmem>> -> memref<1x128x128xf32, #tpu.memory_space<vmem>>
      %dma_wait3A_52 = tpu.memref_squeeze %dma_wait3A_51 : memref<1x128x128xf32, #tpu.memory_space<vmem>> -> memref<128x128xf32, #tpu.memory_space<vmem>>
      %dma_wait3A_53 = arith.constant 0 : i32
      %dma_wait3A_54 = tpu.memref_slice %arg2[%add3A_18, %dma_wait3A_53] : memref<81920x128xf32, #tpu.memory_space<hbm>> -> memref<128x128xf32, #tpu.memory_space<hbm>>
      %dma_wait3A_55 = arith.constant 0 : i32
      %dma_wait3A_56 = arith.constant 0 : i32
      %dma_wait3A_57 = tpu.memref_slice %arg8[%dma_wait3A, %dma_wait3A_55, %dma_wait3A_56] : memref<2x128x128xf32, #tpu.memory_space<vmem>> -> memref<1x128x128xf32, #tpu.memory_space<vmem>>
      %dma_wait3A_58 = tpu.memref_squeeze %dma_wait3A_57 : memref<1x128x128xf32, #tpu.memory_space<vmem>> -> memref<128x128xf32, #tpu.memory_space<vmem>>
      %dma_wait3A_59 = arith.constant 0 : i32
      %dma_wait3A_60 = tpu.memref_slice %arg2[%add3A_18, %dma_wait3A_59] : memref<81920x128xf32, #tpu.memory_space<hbm>> -> memref<128x128xf32, #tpu.memory_space<hbm>>
      tpu.wait_dma2 semaphore(%arg9 : memref<!tpu.dma_semaphore, #tpu.memory_space<semaphore_mem>>) src(%dma_wait3A_60 : memref<128x128xf32, #tpu.memory_space<hbm>>) dst(%dma_wait3A_58 : memref<128x128xf32, #tpu.memory_space<vmem>>)
      %add3A_61 = arith.constant 0 : i32
      %add3A_62 = arith.addi %mul3A_13, %add3A_61 : i32
      %dma_start3A_63 = arith.constant 0 : i32
      %dma_start3A_64 = arith.constant 0 : i32
      %dma_start3A_65 = arith.constant 0 : i32
      %dma_start3A_66 = tpu.memref_slice %arg8[%dma_start3A_63, %dma_start3A_64, %dma_start3A_65] : memref<2x128x128xf32, #tpu.memory_space<vmem>> -> memref<1x128x128xf32, #tpu.memory_space<vmem>>
      %dma_start3A_67 = tpu.memref_squeeze %dma_start3A_66 : memref<1x128x128xf32, #tpu.memory_space<vmem>> -> memref<128x128xf32, #tpu.memory_space<vmem>>
      %dma_start3A_68 = arith.constant 0 : i32
      %dma_start3A_69 = tpu.memref_slice %arg7[%add3A_62, %dma_start3A_68] : memref<20x128xi32, #tpu.memory_space<vmem>> -> memref<1x128xi32, #tpu.memory_space<vmem>>
      %dma_start3A_70 = tpu.memref_squeeze %dma_start3A_69 : memref<1x128xi32, #tpu.memory_space<vmem>> -> memref<128xi32, #tpu.memory_space<vmem>>
      %dma_start3A_71 = arith.constant 0 : i32
      %dma_start3A_72 = arith.constant 0 : i32
      %dma_start3A_73 = tpu.memref_slice %arg6[%dma_start3A_71, %dma_start3A_72] : memref<10112x128xf32, #tpu.memory_space<vmem_shared>> -> memref<10112x128xf32, #tpu.memory_space<vmem_shared>>
      tpu.enqueue_indirect_dma source(%dma_start3A_67 : memref<128x128xf32, #tpu.memory_space<vmem>>) target(%dma_start3A_73 : memref<10112x128xf32, #tpu.memory_space<vmem_shared>>) offsets(%dma_start3A_70 : memref<128xi32, #tpu.memory_space<vmem>>) semaphore(%arg10 : memref<!tpu.dma_semaphore, #tpu.memory_space<semaphore_mem>>) {add = true}
      %dma_wait3A_74 = arith.constant 1 : i32
      %dma_wait3A_75 = arith.constant 0 : i32
      %dma_wait3A_76 = arith.constant 0 : i32
      %dma_wait3A_77 = tpu.memref_slice %arg8[%dma_wait3A_74, %dma_wait3A_75, %dma_wait3A_76] : memref<2x128x128xf32, #tpu.memory_space<vmem>> -> memref<1x128x128xf32, #tpu.memory_space<vmem>>
      %dma_wait3A_78 = tpu.memref_squeeze %dma_wait3A_77 : memref<1x128x128xf32, #tpu.memory_space<vmem>> -> memref<128x128xf32, #tpu.memory_space<vmem>>
      %dma_wait3A_79 = arith.constant 0 : i32
      %dma_wait3A_80 = tpu.memref_slice %arg2[%add3A_35, %dma_wait3A_79] : memref<81920x128xf32, #tpu.memory_space<hbm>> -> memref<128x128xf32, #tpu.memory_space<hbm>>
      %dma_wait3A_81 = arith.constant 0 : i32
      %dma_wait3A_82 = arith.constant 0 : i32
      %dma_wait3A_83 = tpu.memref_slice %arg8[%dma_wait3A_74, %dma_wait3A_81, %dma_wait3A_82] : memref<2x128x128xf32, #tpu.memory_space<vmem>> -> memref<1x128x128xf32, #tpu.memory_space<vmem>>
      %dma_wait3A_84 = tpu.memref_squeeze %dma_wait3A_83 : memref<1x128x128xf32, #tpu.memory_space<vmem>> -> memref<128x128xf32, #tpu.memory_space<vmem>>
      %dma_wait3A_85 = arith.constant 0 : i32
      %dma_wait3A_86 = tpu.memref_slice %arg2[%add3A_35, %dma_wait3A_85] : memref<81920x128xf32, #tpu.memory_space<hbm>> -> memref<128x128xf32, #tpu.memory_space<hbm>>
      tpu.wait_dma2 semaphore(%arg9 : memref<!tpu.dma_semaphore, #tpu.memory_space<semaphore_mem>>) src(%dma_wait3A_86 : memref<128x128xf32, #tpu.memory_space<hbm>>) dst(%dma_wait3A_84 : memref<128x128xf32, #tpu.memory_space<vmem>>)
      %add3A_87 = arith.constant 1 : i32
      %add3A_88 = arith.addi %mul3A_13, %add3A_87 : i32
      %dma_start3A_89 = arith.constant 1 : i32
      %dma_start3A_90 = arith.constant 0 : i32
      %dma_start3A_91 = arith.constant 0 : i32
      %dma_start3A_92 = tpu.memref_slice %arg8[%dma_start3A_89, %dma_start3A_90, %dma_start3A_91] : memref<2x128x128xf32, #tpu.memory_space<vmem>> -> memref<1x128x128xf32, #tpu.memory_space<vmem>>
      %dma_start3A_93 = tpu.memref_squeeze %dma_start3A_92 : memref<1x128x128xf32, #tpu.memory_space<vmem>> -> memref<128x128xf32, #tpu.memory_space<vmem>>
      %dma_start3A_94 = arith.constant 0 : i32
      %dma_start3A_95 = tpu.memref_slice %arg7[%add3A_88, %dma_start3A_94] : memref<20x128xi32, #tpu.memory_space<vmem>> -> memref<1x128xi32, #tpu.memory_space<vmem>>
      %dma_start3A_96 = tpu.memref_squeeze %dma_start3A_95 : memref<1x128xi32, #tpu.memory_space<vmem>> -> memref<128xi32, #tpu.memory_space<vmem>>
      %dma_start3A_97 = arith.constant 0 : i32
      %dma_start3A_98 = arith.constant 0 : i32
      %dma_start3A_99 = tpu.memref_slice %arg6[%dma_start3A_97, %dma_start3A_98] : memref<10112x128xf32, #tpu.memory_space<vmem_shared>> -> memref<10112x128xf32, #tpu.memory_space<vmem_shared>>
      tpu.enqueue_indirect_dma source(%dma_start3A_93 : memref<128x128xf32, #tpu.memory_space<vmem>>) target(%dma_start3A_99 : memref<10112x128xf32, #tpu.memory_space<vmem_shared>>) offsets(%dma_start3A_96 : memref<128xi32, #tpu.memory_space<vmem>>) semaphore(%arg10 : memref<!tpu.dma_semaphore, #tpu.memory_space<semaphore_mem>>) {add = true}
      %dma_wait3A_100 = arith.constant 0 : i32
      %dma_wait3A_101 = arith.constant 0 : i32
      %dma_wait3A_102 = arith.constant 0 : i32
      %dma_wait3A_103 = tpu.memref_slice %arg8[%dma_wait3A_100, %dma_wait3A_101, %dma_wait3A_102] : memref<2x128x128xf32, #tpu.memory_space<vmem>> -> memref<1x128x128xf32, #tpu.memory_space<vmem>>
      %dma_wait3A_104 = tpu.memref_squeeze %dma_wait3A_103 : memref<1x128x128xf32, #tpu.memory_space<vmem>> -> memref<128x128xf32, #tpu.memory_space<vmem>>
      %dma_wait3A_105 = arith.constant 0 : i32
      %dma_wait3A_106 = tpu.memref_slice %arg7[%add3A_62, %dma_wait3A_105] : memref<20x128xi32, #tpu.memory_space<vmem>> -> memref<1x128xi32, #tpu.memory_space<vmem>>
      %dma_wait3A_107 = tpu.memref_squeeze %dma_wait3A_106 : memref<1x128xi32, #tpu.memory_space<vmem>> -> memref<128xi32, #tpu.memory_space<vmem>>
      %dma_wait3A_108 = arith.constant 0 : i32
      %dma_wait3A_109 = arith.constant 0 : i32
      %dma_wait3A_110 = tpu.memref_slice %arg6[%dma_wait3A_108, %dma_wait3A_109] : memref<10112x128xf32, #tpu.memory_space<vmem_shared>> -> memref<10112x128xf32, #tpu.memory_space<vmem_shared>>
      tpu.wait_indirect_dma semaphore(%arg10 : memref<!tpu.dma_semaphore, #tpu.memory_space<semaphore_mem>>) src(%dma_wait3A_104 : memref<128x128xf32, #tpu.memory_space<vmem>>) dst(%dma_wait3A_110 : memref<10112x128xf32, #tpu.memory_space<vmem_shared>>)
      %dma_wait3A_111 = arith.constant 1 : i32
      %dma_wait3A_112 = arith.constant 0 : i32
      %dma_wait3A_113 = arith.constant 0 : i32
      %dma_wait3A_114 = tpu.memref_slice %arg8[%dma_wait3A_111, %dma_wait3A_112, %dma_wait3A_113] : memref<2x128x128xf32, #tpu.memory_space<vmem>> -> memref<1x128x128xf32, #tpu.memory_space<vmem>>
      %dma_wait3A_115 = tpu.memref_squeeze %dma_wait3A_114 : memref<1x128x128xf32, #tpu.memory_space<vmem>> -> memref<128x128xf32, #tpu.memory_space<vmem>>
      %dma_wait3A_116 = arith.constant 0 : i32
      %dma_wait3A_117 = tpu.memref_slice %arg7[%add3A_88, %dma_wait3A_116] : memref<20x128xi32, #tpu.memory_space<vmem>> -> memref<1x128xi32, #tpu.memory_space<vmem>>
      %dma_wait3A_118 = tpu.memref_squeeze %dma_wait3A_117 : memref<1x128xi32, #tpu.memory_space<vmem>> -> memref<128xi32, #tpu.memory_space<vmem>>
      %dma_wait3A_119 = arith.constant 0 : i32
      %dma_wait3A_120 = arith.constant 0 : i32
      %dma_wait3A_121 = tpu.memref_slice %arg6[%dma_wait3A_119, %dma_wait3A_120] : memref<10112x128xf32, #tpu.memory_space<vmem_shared>> -> memref<10112x128xf32, #tpu.memory_space<vmem_shared>>
      tpu.wait_indirect_dma semaphore(%arg10 : memref<!tpu.dma_semaphore, #tpu.memory_space<semaphore_mem>>) src(%dma_wait3A_115 : memref<128x128xf32, #tpu.memory_space<vmem>>) dst(%dma_wait3A_121 : memref<10112x128xf32, #tpu.memory_space<vmem_shared>>)
    }
    %scan3A_9 = arith.constant 10 : i32
    %barrier3A_10 = arith.constant 0 : index
    tpu.barrier barrier_id(%barrier3A_10)
    "tpu.region"() ({
      %run_scoped3A = tpu.sem_alloc : memref<!tpu.dma_semaphore, #tpu.memory_space<semaphore_mem>>
      %dma_start3A = arith.constant 0 : i32
      %dma_start3A_11 = tpu.memref_slice %arg5[%arg0, %mul3A_2, %dma_start3A] : memref<2x10112x128xf32, #tpu.memory_space<hbm>> -> memref<1x632x128xf32, #tpu.memory_space<hbm>>
      %dma_start3A_12 = tpu.memref_squeeze %dma_start3A_11 : memref<1x632x128xf32, #tpu.memory_space<hbm>> -> memref<632x128xf32, #tpu.memory_space<hbm>>
      %dma_start3A_13 = arith.constant 0 : i32
      %dma_start3A_14 = tpu.memref_slice %arg6[%mul3A_2, %dma_start3A_13] : memref<10112x128xf32, #tpu.memory_space<vmem_shared>> -> memref<632x128xf32, #tpu.memory_space<vmem_shared>>
      tpu.enqueue_dma source(%dma_start3A_14 : memref<632x128xf32, #tpu.memory_space<vmem_shared>>) target(%dma_start3A_12 : memref<632x128xf32, #tpu.memory_space<hbm>>) target_semaphore(%run_scoped3A : memref<!tpu.dma_semaphore, #tpu.memory_space<semaphore_mem>>)
      %dma_wait3A = arith.constant 0 : i32
      %dma_wait3A_15 = tpu.memref_slice %arg5[%arg0, %mul3A_2, %dma_wait3A] : memref<2x10112x128xf32, #tpu.memory_space<hbm>> -> memref<1x632x128xf32, #tpu.memory_space<hbm>>
      %dma_wait3A_16 = tpu.memref_squeeze %dma_wait3A_15 : memref<1x632x128xf32, #tpu.memory_space<hbm>> -> memref<632x128xf32, #tpu.memory_space<hbm>>
      %dma_wait3A_17 = arith.constant 0 : i32
      %dma_wait3A_18 = tpu.memref_slice %arg6[%mul3A_2, %dma_wait3A_17] : memref<10112x128xf32, #tpu.memory_space<vmem_shared>> -> memref<632x128xf32, #tpu.memory_space<vmem_shared>>
      tpu.wait_dma2 semaphore(%run_scoped3A : memref<!tpu.dma_semaphore, #tpu.memory_space<semaphore_mem>>) src(%dma_wait3A_18 : memref<632x128xf32, #tpu.memory_space<vmem_shared>>) dst(%dma_wait3A_16 : memref<632x128xf32, #tpu.memory_space<hbm>>)
      tpu.yield
    }) : () -> ()
    return
  }
}

module attributes {stable_mosaic.version = 14 : i64} {
  func.func @_lin0_body(%arg0: memref<10000x128xf32, #tpu.memory_space<vmem>>, %arg1: memref<128x32xf32, #tpu.memory_space<vmem>>, %arg2: memref<1x32xf32, #tpu.memory_space<vmem>>, %arg3: memref<10000x128xf32, #tpu.memory_space<vmem>>) attributes {dimension_semantics = [], scalar_prefetch = 0 : i64, scratch_operands = 0 : i64, tpu.core_type = #tpu.core_type<tc>} {
    %get3A = arith.constant 0 : index
    %get3A_0 = arith.constant 0 : index
    %get3A_1 = vector.load %arg0[%get3A, %get3A_0] : memref<10000x128xf32, #tpu.memory_space<vmem>>, vector<10000x128xf32>
    %get3A_2 = arith.constant 0 : index
    %get3A_3 = arith.constant 0 : index
    %get3A_4 = vector.load %arg1[%get3A_2, %get3A_3] : memref<128x32xf32, #tpu.memory_space<vmem>>, vector<128x32xf32>
    %dot_general3A = arith.constant dense<0.000000e+00> : vector<10000x32xf32>
    %dot_general3A_5 = tpu.matmul %get3A_1, %get3A_4, %dot_general3A {dimension_numbers = #tpu.dot_dimension_numbers<[1], [0], [0], [1], [0, 0, 1, 1], [], []>, transpose_lhs_hint = false} : vector<10000x128xf32>, vector<128x32xf32>, vector<10000x32xf32> -> vector<10000x32xf32>
    %get3A_6 = arith.constant 0 : index
    %get3A_7 = arith.constant 0 : index
    %get3A_8 = vector.load %arg2[%get3A_6, %get3A_7] : memref<1x32xf32, #tpu.memory_space<vmem>>, vector<1x32xf32>
    %add3A = vector.broadcast %get3A_8 : vector<1x32xf32> to vector<10000x32xf32>
    %add3A_9 = arith.addf %dot_general3A_5, %add3A : vector<10000x32xf32>
    %max3A = arith.constant 0.000000e+00 : f32
    %max3A_10 = vector.broadcast %max3A : f32 to vector<10000x32xf32>
    %max3A_11 = arith.maximumf %add3A_9, %max3A_10 : vector<10000x32xf32>
    %broadcast_in_dim3A = arith.constant 0.000000e+00 : f32
    %broadcast_in_dim3A_12 = vector.broadcast %broadcast_in_dim3A : f32 to vector<10000x96xf32>
    %concatenate3A = tpu.concatenate %max3A_11, %broadcast_in_dim3A_12 in 1 : vector<10000x32xf32>, vector<10000x96xf32> -> vector<10000x128xf32>
    %swap3A = arith.constant 0 : index
    %swap3A_13 = arith.constant 0 : index
    %swap3A_14 = vector.load %arg3[%swap3A, %swap3A_13] : memref<10000x128xf32, #tpu.memory_space<vmem>>, vector<10000x128xf32>
    tpu.vector_store %arg3[%swap3A, %swap3A_13], %concatenate3A {strides = array<i32>} : memref<10000x128xf32, #tpu.memory_space<vmem>>, vector<10000x128xf32>,
    return
  }
}

module attributes {stable_mosaic.version = 14 : i64} {
  func.func @_msg_body(%arg0: i32, %arg1: memref<1024x2xf32, #tpu.memory_space<vmem>>, %arg2: memref<1024x128xf32, #tpu.memory_space<vmem>>, %arg3: memref<2x128xf32, #tpu.memory_space<vmem>>, %arg4: memref<1x128xf32, #tpu.memory_space<vmem>>, %arg5: memref<128x1024xbf16, #tpu.memory_space<vmem>>, %arg6: memref<32x1024xbf16, #tpu.memory_space<vmem>>, %arg7: memref<128x32xf32, #tpu.memory_space<vmem>>, %arg8: memref<32x32xf32, #tpu.memory_space<vmem>>, %arg9: memref<1024x128xf32, #tpu.memory_space<vmem>>) attributes {dimension_semantics = [#tpu.dimension_semantics<arbitrary>], iteration_bounds = array<i64: 80>, scalar_prefetch = 0 : i64, scratch_operands = 0 : i64, tpu.core_type = #tpu.core_type<tc>, window_params = [{transform_indices = @transform_0, window_bounds = array<i64: 1024, 2>}, {transform_indices = @transform_1, window_bounds = array<i64: 1024, 128>}, {pipeline_mode = #tpu.pipeline_mode<synchronous>, transform_indices = @transform_2, window_bounds = array<i64: 2, 128>}, {pipeline_mode = #tpu.pipeline_mode<synchronous>, transform_indices = @transform_3, window_bounds = array<i64: 1, 128>}, {pipeline_mode = #tpu.pipeline_mode<synchronous>, transform_indices = @transform_4, window_bounds = array<i64: 128, 1024>}, {pipeline_mode = #tpu.pipeline_mode<synchronous>, transform_indices = @transform_5, window_bounds = array<i64: 32, 1024>}, {pipeline_mode = #tpu.pipeline_mode<synchronous>, transform_indices = @transform_6, window_bounds = array<i64: 128, 32>}, {pipeline_mode = #tpu.pipeline_mode<synchronous>, transform_indices = @transform_7, window_bounds = array<i64: 32, 32>}, {transform_indices = @transform_8, window_bounds = array<i64: 1024, 128>}]} {
    %get3A = arith.constant 0 : index
    %get3A_0 = arith.constant 0 : index
    %get3A_1 = vector.load %arg1[%get3A, %get3A_0] : memref<1024x2xf32, #tpu.memory_space<vmem>>, vector<1024x2xf32>
    %get3A_2 = arith.constant 0 : index
    %get3A_3 = arith.constant 0 : index
    %get3A_4 = vector.load %arg2[%get3A_2, %get3A_3] : memref<1024x128xf32, #tpu.memory_space<vmem>>, vector<1024x32xf32>
    %slice3A = vector.extract_strided_slice %get3A_1 {offsets = [0, 0], sizes = [1024, 1], strides = [1, 1]} : vector<1024x2xf32> to vector<1024x1xf32>
    %get3A_5 = arith.constant 0 : index
    %get3A_6 = arith.constant 0 : index
    %get3A_7 = vector.load %arg3[%get3A_5, %get3A_6] : memref<2x128xf32, #tpu.memory_space<vmem>>, vector<1x128xf32>
    %mul3A = vector.broadcast %slice3A : vector<1024x1xf32> to vector<1024x128xf32>
    %mul3A_8 = vector.broadcast %get3A_7 : vector<1x128xf32> to vector<1024x128xf32>
    %mul3A_9 = arith.mulf %mul3A, %mul3A_8 : vector<1024x128xf32>
    %slice3A_10 = vector.extract_strided_slice %get3A_1 {offsets = [0, 1], sizes = [1024, 1], strides = [1, 1]} : vector<1024x2xf32> to vector<1024x1xf32>
    %get3A_11 = arith.constant 1 : index
    %get3A_12 = arith.constant 0 : index
    %get3A_13 = vector.load %arg3[%get3A_11, %get3A_12] : memref<2x128xf32, #tpu.memory_space<vmem>>, vector<1x128xf32>
    %mul3A_14 = vector.broadcast %slice3A_10 : vector<1024x1xf32> to vector<1024x128xf32>
    %mul3A_15 = vector.broadcast %get3A_13 : vector<1x128xf32> to vector<1024x128xf32>
    %mul3A_16 = arith.mulf %mul3A_14, %mul3A_15 : vector<1024x128xf32>
    %add3A = arith.addf %mul3A_9, %mul3A_16 : vector<1024x128xf32>
    %get3A_17 = arith.constant 0 : index
    %get3A_18 = arith.constant 0 : index
    %get3A_19 = vector.load %arg4[%get3A_17, %get3A_18] : memref<1x128xf32, #tpu.memory_space<vmem>>, vector<1x128xf32>
    %add3A_20 = vector.broadcast %get3A_19 : vector<1x128xf32> to vector<1024x128xf32>
    %add3A_21 = arith.addf %add3A, %add3A_20 : vector<1024x128xf32>
    %max3A = arith.constant 0.000000e+00 : f32
    %max3A_22 = vector.broadcast %max3A : f32 to vector<1024x128xf32>
    %max3A_23 = arith.maximumf %add3A_21, %max3A_22 : vector<1024x128xf32>
    %convert_element_type3A = arith.truncf %max3A_23 : vector<1024x128xf32> to vector<1024x128xbf16>
    %get3A_24 = arith.constant 0 : index
    %get3A_25 = arith.constant 0 : index
    %get3A_26 = vector.load %arg5[%get3A_24, %get3A_25] : memref<128x1024xbf16, #tpu.memory_space<vmem>>, vector<128x1024xbf16>
    %dot_general3A = arith.constant dense<0.000000e+00> : vector<1024x1024xf32>
    %dot_general3A_27 = tpu.matmul %convert_element_type3A, %get3A_26, %dot_general3A {dimension_numbers = #tpu.dot_dimension_numbers<[1], [0], [0], [1], [0, 0, 1, 1], [], []>, transpose_lhs_hint = false} : vector<1024x128xbf16>, vector<128x1024xbf16>, vector<1024x1024xf32> -> vector<1024x1024xf32>
    %convert_element_type3A_28 = arith.truncf %get3A_4 : vector<1024x32xf32> to vector<1024x32xbf16>
    %get3A_29 = arith.constant 0 : index
    %get3A_30 = arith.constant 0 : index
    %get3A_31 = vector.load %arg6[%get3A_29, %get3A_30] : memref<32x1024xbf16, #tpu.memory_space<vmem>>, vector<32x1024xbf16>
    %dot_general3A_32 = arith.constant dense<0.000000e+00> : vector<1024x1024xf32>
    %dot_general3A_33 = tpu.matmul %convert_element_type3A_28, %get3A_31, %dot_general3A_32 {dimension_numbers = #tpu.dot_dimension_numbers<[1], [0], [0], [1], [0, 0, 1, 1], [], []>, transpose_lhs_hint = false} : vector<1024x32xbf16>, vector<32x1024xbf16>, vector<1024x1024xf32> -> vector<1024x1024xf32>
    %mul3A_34 = arith.mulf %dot_general3A_27, %dot_general3A_33 : vector<1024x1024xf32>
    %slice3A_35 = vector.extract_strided_slice %mul3A_34 {offsets = [0, 0], sizes = [1024, 128], strides = [1, 1]} : vector<1024x1024xf32> to vector<1024x128xf32>
    %slice3A_36 = vector.extract_strided_slice %mul3A_34 {offsets = [0, 128], sizes = [1024, 128], strides = [1, 1]} : vector<1024x1024xf32> to vector<1024x128xf32>
    %add3A_37 = arith.addf %slice3A_35, %slice3A_36 : vector<1024x128xf32>
    %slice3A_38 = vector.extract_strided_slice %mul3A_34 {offsets = [0, 256], sizes = [1024, 128], strides = [1, 1]} : vector<1024x1024xf32> to vector<1024x128xf32>
    %add3A_39 = arith.addf %add3A_37, %slice3A_38 : vector<1024x128xf32>
    %slice3A_40 = vector.extract_strided_slice %mul3A_34 {offsets = [0, 384], sizes = [1024, 128], strides = [1, 1]} : vector<1024x1024xf32> to vector<1024x128xf32>
    %add3A_41 = arith.addf %add3A_39, %slice3A_40 : vector<1024x128xf32>
    %slice3A_42 = vector.extract_strided_slice %mul3A_34 {offsets = [0, 512], sizes = [1024, 128], strides = [1, 1]} : vector<1024x1024xf32> to vector<1024x128xf32>
    %add3A_43 = arith.addf %add3A_41, %slice3A_42 : vector<1024x128xf32>
    %slice3A_44 = vector.extract_strided_slice %mul3A_34 {offsets = [0, 640], sizes = [1024, 128], strides = [1, 1]} : vector<1024x1024xf32> to vector<1024x128xf32>
    %add3A_45 = arith.addf %add3A_43, %slice3A_44 : vector<1024x128xf32>
    %slice3A_46 = vector.extract_strided_slice %mul3A_34 {offsets = [0, 768], sizes = [1024, 128], strides = [1, 1]} : vector<1024x1024xf32> to vector<1024x128xf32>
    %add3A_47 = arith.addf %add3A_45, %slice3A_46 : vector<1024x128xf32>
    %slice3A_48 = vector.extract_strided_slice %mul3A_34 {offsets = [0, 896], sizes = [1024, 128], strides = [1, 1]} : vector<1024x1024xf32> to vector<1024x128xf32>
    %add3A_49 = arith.addf %add3A_47, %slice3A_48 : vector<1024x128xf32>
    %get3A_50 = arith.constant 0 : index
    %get3A_51 = arith.constant 0 : index
    %get3A_52 = vector.load %arg7[%get3A_50, %get3A_51] : memref<128x32xf32, #tpu.memory_space<vmem>>, vector<128x32xf32>
    %dot_general3A_53 = arith.constant dense<0.000000e+00> : vector<1024x32xf32>
    %dot_general3A_54 = tpu.matmul %add3A_49, %get3A_52, %dot_general3A_53 {dimension_numbers = #tpu.dot_dimension_numbers<[1], [0], [0], [1], [0, 0, 1, 1], [], []>, transpose_lhs_hint = false} : vector<1024x128xf32>, vector<128x32xf32>, vector<1024x32xf32> -> vector<1024x32xf32>
    %get3A_55 = arith.constant 0 : index
    %get3A_56 = arith.constant 0 : index
    %get3A_57 = vector.load %arg8[%get3A_55, %get3A_56] : memref<32x32xf32, #tpu.memory_space<vmem>>, vector<32x32xf32>
    %dot_general3A_58 = arith.constant dense<0.000000e+00> : vector<1024x32xf32>
    %dot_general3A_59 = tpu.matmul %get3A_4, %get3A_57, %dot_general3A_58 {dimension_numbers = #tpu.dot_dimension_numbers<[1], [0], [0], [1], [0, 0, 1, 1], [], []>, transpose_lhs_hint = false} : vector<1024x32xf32>, vector<32x32xf32>, vector<1024x32xf32> -> vector<1024x32xf32>
    %add3A_60 = arith.addf %dot_general3A_54, %dot_general3A_59 : vector<1024x32xf32>
    %broadcast_in_dim3A = arith.constant 1.000000e+00 : f32
    %broadcast_in_dim3A_61 = vector.broadcast %broadcast_in_dim3A : f32 to vector<1024x1xf32>
    %broadcast_in_dim3A_62 = arith.constant 0.000000e+00 : f32
    %broadcast_in_dim3A_63 = vector.broadcast %broadcast_in_dim3A_62 : f32 to vector<1024x95xf32>
    %concatenate3A = tpu.concatenate %add3A_60, %broadcast_in_dim3A_61, %broadcast_in_dim3A_63 in 1 : vector<1024x32xf32>, vector<1024x1xf32>, vector<1024x95xf32> -> vector<1024x128xf32>
    %swap3A = arith.constant 0 : index
    %swap3A_64 = arith.constant 0 : index
    %swap3A_65 = vector.load %arg9[%swap3A, %swap3A_64] : memref<1024x128xf32, #tpu.memory_space<vmem>>, vector<1024x128xf32>
    tpu.vector_store %arg9[%swap3A, %swap3A_64], %concatenate3A {strides = array<i32>} : memref<1024x128xf32, #tpu.memory_space<vmem>>, vector<1024x128xf32>,
    return
  }
  func.func @transform_0(%arg0: i32) -> (i32, i32) {
    %c0_i32 = arith.constant 0 : i32
    %c0_i32_0 = arith.constant 0 : i32
    return %arg0, %c0_i32 : i32, i32
  }
  func.func @transform_1(%arg0: i32) -> (i32, i32) {
    %c0_i32 = arith.constant 0 : i32
    %c0_i32_0 = arith.constant 0 : i32
    return %arg0, %c0_i32 : i32, i32
  }
  func.func @transform_2(%arg0: i32) -> (i32, i32) {
    %c0_i32 = arith.constant 0 : i32
    %c0_i32_0 = arith.constant 0 : i32
    %c0_i32_1 = arith.constant 0 : i32
    return %c0_i32, %c0_i32_0 : i32, i32
  }
  func.func @transform_3(%arg0: i32) -> (i32, i32) {
    %c0_i32 = arith.constant 0 : i32
    %c0_i32_0 = arith.constant 0 : i32
    %c0_i32_1 = arith.constant 0 : i32
    return %c0_i32, %c0_i32_0 : i32, i32
  }
  func.func @transform_4(%arg0: i32) -> (i32, i32) {
    %c0_i32 = arith.constant 0 : i32
    %c0_i32_0 = arith.constant 0 : i32
    %c0_i32_1 = arith.constant 0 : i32
    return %c0_i32, %c0_i32_0 : i32, i32
  }
  func.func @transform_5(%arg0: i32) -> (i32, i32) {
    %c0_i32 = arith.constant 0 : i32
    %c0_i32_0 = arith.constant 0 : i32
    %c0_i32_1 = arith.constant 0 : i32
    return %c0_i32, %c0_i32_0 : i32, i32
  }
  func.func @transform_6(%arg0: i32) -> (i32, i32) {
    %c0_i32 = arith.constant 0 : i32
    %c0_i32_0 = arith.constant 0 : i32
    %c0_i32_1 = arith.constant 0 : i32
    return %c0_i32, %c0_i32_0 : i32, i32
  }
  func.func @transform_7(%arg0: i32) -> (i32, i32) {
    %c0_i32 = arith.constant 0 : i32
    %c0_i32_0 = arith.constant 0 : i32
    %c0_i32_1 = arith.constant 0 : i32
    return %c0_i32, %c0_i32_0 : i32, i32
  }
  func.func @transform_8(%arg0: i32) -> (i32, i32) {
    %c0_i32 = arith.constant 0 : i32
    %c0_i32_0 = arith.constant 0 : i32
    return %arg0, %c0_i32 : i32, i32
  }
}

module attributes {stable_mosaic.version = 14 : i64} {
  func.func @_gru_body(%arg0: memref<10112x128xf32, #tpu.memory_space<vmem>>, %arg1: memref<10112x128xf32, #tpu.memory_space<vmem>>, %arg2: memref<10112x128xf32, #tpu.memory_space<vmem>>, %arg3: memref<10112x128xf32, #tpu.memory_space<vmem>>, %arg4: memref<10000x128xf32, #tpu.memory_space<vmem>>, %arg5: memref<1x32xf32, #tpu.memory_space<vmem>>, %arg6: memref<32x96xf32, #tpu.memory_space<vmem>>, %arg7: memref<1x96xf32, #tpu.memory_space<vmem>>, %arg8: memref<32x96xf32, #tpu.memory_space<vmem>>, %arg9: memref<1x96xf32, #tpu.memory_space<vmem>>, %arg10: memref<10000x128xf32, #tpu.memory_space<vmem>>) attributes {dimension_semantics = [], scalar_prefetch = 0 : i64, scratch_operands = 0 : i64, tpu.core_type = #tpu.core_type<tc>} {
    %get3A = arith.constant 0 : index
    %get3A_0 = arith.constant 0 : index
    %get3A_1 = vector.load %arg4[%get3A, %get3A_0] : memref<10000x128xf32, #tpu.memory_space<vmem>>, vector<10000x32xf32>
    %get3A_2 = arith.constant 0 : index
    %get3A_3 = arith.constant 0 : index
    %get3A_4 = vector.load %arg0[%get3A_2, %get3A_3] : memref<10112x128xf32, #tpu.memory_space<vmem>>, vector<10000x32xf32>
    %get3A_5 = arith.constant 0 : index
    %get3A_6 = arith.constant 0 : index
    %get3A_7 = vector.load %arg1[%get3A_5, %get3A_6] : memref<10112x128xf32, #tpu.memory_space<vmem>>, vector<10000x32xf32>
    %add3A = arith.addf %get3A_4, %get3A_7 : vector<10000x32xf32>
    %get3A_8 = arith.constant 0 : index
    %get3A_9 = arith.constant 0 : index
    %get3A_10 = vector.load %arg2[%get3A_8, %get3A_9] : memref<10112x128xf32, #tpu.memory_space<vmem>>, vector<10000x32xf32>
    %add3A_11 = arith.addf %add3A, %get3A_10 : vector<10000x32xf32>
    %get3A_12 = arith.constant 0 : index
    %get3A_13 = arith.constant 0 : index
    %get3A_14 = vector.load %arg3[%get3A_12, %get3A_13] : memref<10112x128xf32, #tpu.memory_space<vmem>>, vector<10000x32xf32>
    %add3A_15 = arith.addf %add3A_11, %get3A_14 : vector<10000x32xf32>
    %get3A_16 = arith.constant 0 : index
    %get3A_17 = arith.constant 32 : index
    %get3A_18 = vector.load %arg0[%get3A_16, %get3A_17] : memref<10112x128xf32, #tpu.memory_space<vmem>>, vector<10000x1xf32>
    %get3A_19 = arith.constant 0 : index
    %get3A_20 = arith.constant 32 : index
    %get3A_21 = vector.load %arg1[%get3A_19, %get3A_20] : memref<10112x128xf32, #tpu.memory_space<vmem>>, vector<10000x1xf32>
    %add3A_22 = arith.addf %get3A_18, %get3A_21 : vector<10000x1xf32>
    %get3A_23 = arith.constant 0 : index
    %get3A_24 = arith.constant 32 : index
    %get3A_25 = vector.load %arg2[%get3A_23, %get3A_24] : memref<10112x128xf32, #tpu.memory_space<vmem>>, vector<10000x1xf32>
    %add3A_26 = arith.addf %add3A_22, %get3A_25 : vector<10000x1xf32>
    %get3A_27 = arith.constant 0 : index
    %get3A_28 = arith.constant 32 : index
    %get3A_29 = vector.load %arg3[%get3A_27, %get3A_28] : memref<10112x128xf32, #tpu.memory_space<vmem>>, vector<10000x1xf32>
    %add3A_30 = arith.addf %add3A_26, %get3A_29 : vector<10000x1xf32>
    %max3A = arith.constant 1.000000e+00 : f32
    %max3A_31 = vector.broadcast %max3A : f32 to vector<10000x1xf32>
    %max3A_32 = arith.maximumf %add3A_30, %max3A_31 : vector<10000x1xf32>
    %div3A = vector.broadcast %max3A_32 : vector<10000x1xf32> to vector<10000x32xf32>
    %div3A_33 = arith.divf %add3A_15, %div3A : vector<10000x32xf32>
    %get3A_34 = arith.constant 0 : index
    %get3A_35 = arith.constant 0 : index
    %get3A_36 = vector.load %arg5[%get3A_34, %get3A_35] : memref<1x32xf32, #tpu.memory_space<vmem>>, vector<1x32xf32>
    %add3A_37 = vector.broadcast %get3A_36 : vector<1x32xf32> to vector<10000x32xf32>
    %add3A_38 = arith.addf %div3A_33, %add3A_37 : vector<10000x32xf32>
    %max3A_39 = arith.constant 0.000000e+00 : f32
    %max3A_40 = vector.broadcast %max3A_39 : f32 to vector<10000x32xf32>
    %max3A_41 = arith.maximumf %add3A_38, %max3A_40 : vector<10000x32xf32>
    %get3A_42 = arith.constant 0 : index
    %get3A_43 = arith.constant 0 : index
    %get3A_44 = vector.load %arg6[%get3A_42, %get3A_43] : memref<32x96xf32, #tpu.memory_space<vmem>>, vector<32x96xf32>
    %dot_general3A = arith.constant dense<0.000000e+00> : vector<10000x96xf32>
    %dot_general3A_45 = tpu.matmul %max3A_41, %get3A_44, %dot_general3A {dimension_numbers = #tpu.dot_dimension_numbers<[1], [0], [0], [1], [0, 0, 1, 1], [], []>, transpose_lhs_hint = false} : vector<10000x32xf32>, vector<32x96xf32>, vector<10000x96xf32> -> vector<10000x96xf32>
    %get3A_46 = arith.constant 0 : index
    %get3A_47 = arith.constant 0 : index
    %get3A_48 = vector.load %arg7[%get3A_46, %get3A_47] : memref<1x96xf32, #tpu.memory_space<vmem>>, vector<1x96xf32>
    %add3A_49 = vector.broadcast %get3A_48 : vector<1x96xf32> to vector<10000x96xf32>
    %add3A_50 = arith.addf %dot_general3A_45, %add3A_49 : vector<10000x96xf32>
    %get3A_51 = arith.constant 0 : index
    %get3A_52 = arith.constant 0 : index
    %get3A_53 = vector.load %arg8[%get3A_51, %get3A_52] : memref<32x96xf32, #tpu.memory_space<vmem>>, vector<32x96xf32>
    %dot_general3A_54 = arith.constant dense<0.000000e+00> : vector<10000x96xf32>
    %dot_general3A_55 = tpu.matmul %get3A_1, %get3A_53, %dot_general3A_54 {dimension_numbers = #tpu.dot_dimension_numbers<[1], [0], [0], [1], [0, 0, 1, 1], [], []>, transpose_lhs_hint = false} : vector<10000x32xf32>, vector<32x96xf32>, vector<10000x96xf32> -> vector<10000x96xf32>
    %get3A_56 = arith.constant 0 : index
    %get3A_57 = arith.constant 0 : index
    %get3A_58 = vector.load %arg9[%get3A_56, %get3A_57] : memref<1x96xf32, #tpu.memory_space<vmem>>, vector<1x96xf32>
    %add3A_59 = vector.broadcast %get3A_58 : vector<1x96xf32> to vector<10000x96xf32>
    %add3A_60 = arith.addf %dot_general3A_55, %add3A_59 : vector<10000x96xf32>
    %slice3A = vector.extract_strided_slice %add3A_50 {offsets = [0, 0], sizes = [10000, 32], strides = [1, 1]} : vector<10000x96xf32> to vector<10000x32xf32>
    %slice3A_61 = vector.extract_strided_slice %add3A_60 {offsets = [0, 0], sizes = [10000, 32], strides = [1, 1]} : vector<10000x96xf32> to vector<10000x32xf32>
    %add3A_62 = arith.addf %slice3A, %slice3A_61 : vector<10000x32xf32>
    %logistic3A = arith.negf %add3A_62 : vector<10000x32xf32>
    %logistic3A_63 = math.exp %logistic3A : vector<10000x32xf32>
    %logistic3A_64 = arith.constant 1.000000e+00 : f32
    %logistic3A_65 = vector.broadcast %logistic3A_64 : f32 to vector<10000x32xf32>
    %logistic3A_66 = arith.addf %logistic3A_65, %logistic3A_63 : vector<10000x32xf32>
    %logistic3A_67 = arith.divf %logistic3A_65, %logistic3A_66 : vector<10000x32xf32>
    %slice3A_68 = vector.extract_strided_slice %add3A_50 {offsets = [0, 32], sizes = [10000, 32], strides = [1, 1]} : vector<10000x96xf32> to vector<10000x32xf32>
    %slice3A_69 = vector.extract_strided_slice %add3A_60 {offsets = [0, 32], sizes = [10000, 32], strides = [1, 1]} : vector<10000x96xf32> to vector<10000x32xf32>
    %add3A_70 = arith.addf %slice3A_68, %slice3A_69 : vector<10000x32xf32>
    %logistic3A_71 = arith.negf %add3A_70 : vector<10000x32xf32>
    %logistic3A_72 = math.exp %logistic3A_71 : vector<10000x32xf32>
    %logistic3A_73 = arith.constant 1.000000e+00 : f32
    %logistic3A_74 = vector.broadcast %logistic3A_73 : f32 to vector<10000x32xf32>
    %logistic3A_75 = arith.addf %logistic3A_74, %logistic3A_72 : vector<10000x32xf32>
    %logistic3A_76 = arith.divf %logistic3A_74, %logistic3A_75 : vector<10000x32xf32>
    %slice3A_77 = vector.extract_strided_slice %add3A_50 {offsets = [0, 64], sizes = [10000, 32], strides = [1, 1]} : vector<10000x96xf32> to vector<10000x32xf32>
    %slice3A_78 = vector.extract_strided_slice %add3A_60 {offsets = [0, 64], sizes = [10000, 32], strides = [1, 1]} : vector<10000x96xf32> to vector<10000x32xf32>
    %mul3A = arith.mulf %logistic3A_67, %slice3A_78 : vector<10000x32xf32>
    %add3A_79 = arith.addf %slice3A_77, %mul3A : vector<10000x32xf32>
    %tanh3A = math.tanh %add3A_79 : vector<10000x32xf32>
    %sub3A = arith.constant 1.000000e+00 : f32
    %sub3A_80 = vector.broadcast %sub3A : f32 to vector<10000x32xf32>
    %sub3A_81 = arith.subf %sub3A_80, %logistic3A_76 : vector<10000x32xf32>
    %mul3A_82 = arith.mulf %sub3A_81, %tanh3A : vector<10000x32xf32>
    %mul3A_83 = arith.mulf %logistic3A_76, %get3A_1 : vector<10000x32xf32>
    %add3A_84 = arith.addf %mul3A_82, %mul3A_83 : vector<10000x32xf32>
    %broadcast_in_dim3A = arith.constant 0.000000e+00 : f32
    %broadcast_in_dim3A_85 = vector.broadcast %broadcast_in_dim3A : f32 to vector<10000x96xf32>
    %concatenate3A = tpu.concatenate %add3A_84, %broadcast_in_dim3A_85 in 1 : vector<10000x32xf32>, vector<10000x96xf32> -> vector<10000x128xf32>
    %swap3A = arith.constant 0 : index
    %swap3A_86 = arith.constant 0 : index
    %swap3A_87 = vector.load %arg10[%swap3A, %swap3A_86] : memref<10000x128xf32, #tpu.memory_space<vmem>>, vector<10000x128xf32>
    tpu.vector_store %arg10[%swap3A, %swap3A_86], %concatenate3A {strides = array<i32>} : memref<10000x128xf32, #tpu.memory_space<vmem>>, vector<10000x128xf32>,
    return
  }
}

module attributes {stable_mosaic.version = 14 : i64} {
  func.func @body(%arg0: memref<10000x128xf32, #tpu.memory_space<vmem>>, %arg1: memref<10000x1xi32, #tpu.memory_space<vmem>>, %arg2: memref<64x128xf32, #tpu.memory_space<vmem>>, %arg3: memref<1x128xf32, #tpu.memory_space<vmem>>, %arg4: memref<32x128xf32, #tpu.memory_space<vmem>>, %arg5: memref<1x128xf32, #tpu.memory_space<vmem>>, %arg6: memref<64x32xf32, #tpu.memory_space<vmem>>, %arg7: memref<1x32xf32, #tpu.memory_space<vmem>>, %arg8: memref<32x10xf32, #tpu.memory_space<vmem>>, %arg9: memref<1x10xf32, #tpu.memory_space<vmem>>, %arg10: memref<64x10xf32, #tpu.memory_space<vmem>>) attributes {dimension_semantics = [], scalar_prefetch = 0 : i64, scratch_operands = 0 : i64, tpu.core_type = #tpu.core_type<tc>} {
    %get3A = arith.constant 0 : index
    %get3A_0 = arith.constant 0 : index
    %get3A_1 = vector.load %arg0[%get3A, %get3A_0] : memref<10000x128xf32, #tpu.memory_space<vmem>>, vector<10000x32xf32>
    %get3A_2 = arith.constant 0 : index
    %get3A_3 = arith.constant 0 : index
    %get3A_4 = vector.load %arg1[%get3A_2, %get3A_3] : memref<10000x1xi32, #tpu.memory_space<vmem>>, vector<10000x1xi32>
    %iota3A = tpu.iota {dimensions = array<i32: 1>} : vector<1x64xi32>
    %eq3A = vector.broadcast %get3A_4 : vector<10000x1xi32> to vector<10000x64xi32>
    %eq3A_5 = vector.broadcast %iota3A : vector<1x64xi32> to vector<10000x64xi32>
    %eq3A_6 = arith.cmpi eq, %eq3A, %eq3A_5 : vector<10000x64xi32>
    %convert_element_type3A = arith.extui %eq3A_6 : vector<10000x64xi1> to vector<10000x64xi32>
    %convert_element_type3A_7 = arith.sitofp %convert_element_type3A : vector<10000x64xi32> to vector<10000x64xf32>
    %broadcast_in_dim3A = arith.constant 0.000000e+00 : f32
    %broadcast_in_dim3A_8 = vector.broadcast %broadcast_in_dim3A : f32 to vector<64x64xf32>
    %broadcast_in_dim3A_9 = arith.constant 0.000000e+00 : f32
    %broadcast_in_dim3A_10 = vector.broadcast %broadcast_in_dim3A_9 : f32 to vector<64x32xf32>
    %broadcast_in_dim3A_11 = arith.constant 0.000000e+00 : f32
    %broadcast_in_dim3A_12 = vector.broadcast %broadcast_in_dim3A_11 : f32 to vector<64x32xf32>
    %get3A_13 = arith.constant 0 : index
    %get3A_14 = arith.constant 0 : index
    %get3A_15 = vector.load %arg2[%get3A_13, %get3A_14] : memref<64x128xf32, #tpu.memory_space<vmem>>, vector<64x128xf32>
    %dot_general3A = arith.constant dense<0.000000e+00> : vector<64x128xf32>
    %dot_general3A_16 = tpu.matmul %broadcast_in_dim3A_8, %get3A_15, %dot_general3A {dimension_numbers = #tpu.dot_dimension_numbers<[1], [0], [0], [1], [0, 0, 1, 1], [], []>, transpose_lhs_hint = false} : vector<64x64xf32>, vector<64x128xf32>, vector<64x128xf32> -> vector<64x128xf32>
    %get3A_17 = arith.constant 0 : index
    %get3A_18 = arith.constant 0 : index
    %get3A_19 = vector.load %arg3[%get3A_17, %get3A_18] : memref<1x128xf32, #tpu.memory_space<vmem>>, vector<1x128xf32>
    %add3A = vector.broadcast %get3A_19 : vector<1x128xf32> to vector<64x128xf32>
    %add3A_20 = arith.addf %dot_general3A_16, %add3A : vector<64x128xf32>
    %get3A_21 = arith.constant 0 : index
    %get3A_22 = arith.constant 0 : index
    %get3A_23 = vector.load %arg4[%get3A_21, %get3A_22] : memref<32x128xf32, #tpu.memory_space<vmem>>, vector<32x128xf32>
    %dot_general3A_24 = arith.constant dense<0.000000e+00> : vector<64x128xf32>
    %dot_general3A_25 = tpu.matmul %broadcast_in_dim3A_10, %get3A_23, %dot_general3A_24 {dimension_numbers = #tpu.dot_dimension_numbers<[1], [0], [0], [1], [0, 0, 1, 1], [], []>, transpose_lhs_hint = false} : vector<64x32xf32>, vector<32x128xf32>, vector<64x128xf32> -> vector<64x128xf32>
    %add3A_26 = arith.addf %add3A_20, %dot_general3A_25 : vector<64x128xf32>
    %get3A_27 = arith.constant 0 : index
    %get3A_28 = arith.constant 0 : index
    %get3A_29 = vector.load %arg5[%get3A_27, %get3A_28] : memref<1x128xf32, #tpu.memory_space<vmem>>, vector<1x128xf32>
    %add3A_30 = vector.broadcast %get3A_29 : vector<1x128xf32> to vector<64x128xf32>
    %add3A_31 = arith.addf %add3A_26, %add3A_30 : vector<64x128xf32>
    %slice3A = vector.extract_strided_slice %add3A_31 {offsets = [0, 0], sizes = [64, 32], strides = [1, 1]} : vector<64x128xf32> to vector<64x32xf32>
    %logistic3A = arith.negf %slice3A : vector<64x32xf32>
    %logistic3A_32 = math.exp %logistic3A : vector<64x32xf32>
    %logistic3A_33 = arith.constant 1.000000e+00 : f32
    %logistic3A_34 = vector.broadcast %logistic3A_33 : f32 to vector<64x32xf32>
    %logistic3A_35 = arith.addf %logistic3A_34, %logistic3A_32 : vector<64x32xf32>
    %logistic3A_36 = arith.divf %logistic3A_34, %logistic3A_35 : vector<64x32xf32>
    %slice3A_37 = vector.extract_strided_slice %add3A_31 {offsets = [0, 32], sizes = [64, 32], strides = [1, 1]} : vector<64x128xf32> to vector<64x32xf32>
    %logistic3A_38 = arith.negf %slice3A_37 : vector<64x32xf32>
    %logistic3A_39 = math.exp %logistic3A_38 : vector<64x32xf32>
    %logistic3A_40 = arith.constant 1.000000e+00 : f32
    %logistic3A_41 = vector.broadcast %logistic3A_40 : f32 to vector<64x32xf32>
    %logistic3A_42 = arith.addf %logistic3A_41, %logistic3A_39 : vector<64x32xf32>
    %logistic3A_43 = arith.divf %logistic3A_41, %logistic3A_42 : vector<64x32xf32>
    %slice3A_44 = vector.extract_strided_slice %add3A_31 {offsets = [0, 64], sizes = [64, 32], strides = [1, 1]} : vector<64x128xf32> to vector<64x32xf32>
    %tanh3A = math.tanh %slice3A_44 : vector<64x32xf32>
    %slice3A_45 = vector.extract_strided_slice %add3A_31 {offsets = [0, 96], sizes = [64, 32], strides = [1, 1]} : vector<64x128xf32> to vector<64x32xf32>
    %logistic3A_46 = arith.negf %slice3A_45 : vector<64x32xf32>
    %logistic3A_47 = math.exp %logistic3A_46 : vector<64x32xf32>
    %logistic3A_48 = arith.constant 1.000000e+00 : f32
    %logistic3A_49 = vector.broadcast %logistic3A_48 : f32 to vector<64x32xf32>
    %logistic3A_50 = arith.addf %logistic3A_49, %logistic3A_47 : vector<64x32xf32>
    %logistic3A_51 = arith.divf %logistic3A_49, %logistic3A_50 : vector<64x32xf32>
    %mul3A = arith.mulf %logistic3A_43, %broadcast_in_dim3A_12 : vector<64x32xf32>
    %mul3A_52 = arith.mulf %logistic3A_36, %tanh3A : vector<64x32xf32>
    %add3A_53 = arith.addf %mul3A, %mul3A_52 : vector<64x32xf32>
    %tanh3A_54 = math.tanh %add3A_53 : vector<64x32xf32>
    %mul3A_55 = arith.mulf %logistic3A_51, %tanh3A_54 : vector<64x32xf32>
    %dot_general3A_56 = arith.constant dense<0.000000e+00> : vector<10000x32xf32>
    %dot_general3A_57 = tpu.matmul %convert_element_type3A_7, %mul3A_55, %dot_general3A_56 {dimension_numbers = #tpu.dot_dimension_numbers<[1], [0], [0], [1], [0, 0, 1, 1], [], []>, transpose_lhs_hint = false} : vector<10000x64xf32>, vector<64x32xf32>, vector<10000x32xf32> -> vector<10000x32xf32>
    %mul3A_58 = arith.mulf %get3A_1, %dot_general3A_57 : vector<10000x32xf32>
    %reduce_sum3A = arith.constant dense<0.000000e+00> : vector<10000xf32>
    %reduce_sum3A_59 = vector.multi_reduction <add>, %mul3A_58, %reduce_sum3A [1] : vector<10000x32xf32> to vector<10000xf32>
    %broadcast_in_dim3A_60 = vector.shape_cast %reduce_sum3A_59 : vector<10000xf32> to vector<10000x1xf32>
    %gt3A = arith.constant 5.000000e-01 : f32
    %gt3A_61 = vector.broadcast %gt3A : f32 to vector<10000x64xf32>
    %gt3A_62 = arith.cmpf ogt, %convert_element_type3A_7, %gt3A_61 : vector<10000x64xf32>
    %jit3A = arith.constant 0xFF800000 : f32
    %broadcast_in_dim3A_63 = vector.shape_cast %broadcast_in_dim3A_60 : vector<10000x1xf32> to vector<10000x1xf32>
    %broadcast_in_dim3A_64 = vector.broadcast %broadcast_in_dim3A_63 : vector<10000x1xf32> to vector<10000x64xf32>
    %broadcast_in_dim3A_65 = vector.broadcast %jit3A : f32 to vector<10000x64xf32>
    %select_n3A = arith.select %gt3A_62, %broadcast_in_dim3A_64, %broadcast_in_dim3A_65 : vector<10000x64xi1>, vector<10000x64xf32>
    %reduce_max3A = arith.constant dense<0xFF800000> : vector<64xf32>
    %reduce_max3A_66 = vector.multi_reduction <maximumf>, %select_n3A, %reduce_max3A [0] : vector<10000x64xf32> to vector<64xf32>
    %broadcast_in_dim3A_67 = vector.shape_cast %reduce_max3A_66 : vector<64xf32> to vector<1x64xf32>
    %eq3A_68 = arith.constant 0xFF800000 : f32
    %eq3A_69 = vector.broadcast %eq3A_68 : f32 to vector<1x64xf32>
    %eq3A_70 = arith.cmpf oeq, %broadcast_in_dim3A_67, %eq3A_69 : vector<1x64xf32>
    %jit3A_71 = arith.constant 0.000000e+00 : f32
    %broadcast_in_dim3A_72 = vector.broadcast %jit3A_71 : f32 to vector<1x64xf32>
    %select_n3A_73 = arith.select %eq3A_70, %broadcast_in_dim3A_72, %broadcast_in_dim3A_67 : vector<1x64xi1>, vector<1x64xf32>
    %mul3A_74 = vector.broadcast %select_n3A_73 : vector<1x64xf32> to vector<10000x64xf32>
    %mul3A_75 = arith.mulf %convert_element_type3A_7, %mul3A_74 : vector<10000x64xf32>
    %reduce_sum3A_76 = arith.constant dense<0.000000e+00> : vector<10000xf32>
    %reduce_sum3A_77 = vector.multi_reduction <add>, %mul3A_75, %reduce_sum3A_76 [1] : vector<10000x64xf32> to vector<10000xf32>
    %broadcast_in_dim3A_78 = vector.shape_cast %reduce_sum3A_77 : vector<10000xf32> to vector<10000x1xf32>
    %sub3A = arith.subf %broadcast_in_dim3A_60, %broadcast_in_dim3A_78 : vector<10000x1xf32>
    %exp3A = math.exp %sub3A : vector<10000x1xf32>
    %mul3A_79 = vector.broadcast %exp3A : vector<10000x1xf32> to vector<10000x64xf32>
    %mul3A_80 = arith.mulf %convert_element_type3A_7, %mul3A_79 : vector<10000x64xf32>
    %reduce_sum3A_81 = arith.constant dense<0.000000e+00> : vector<64xf32>
    %reduce_sum3A_82 = vector.multi_reduction <add>, %mul3A_80, %reduce_sum3A_81 [0] : vector<10000x64xf32> to vector<64xf32>
    %broadcast_in_dim3A_83 = vector.shape_cast %reduce_sum3A_82 : vector<64xf32> to vector<1x64xf32>
    %mul3A_84 = vector.broadcast %broadcast_in_dim3A_83 : vector<1x64xf32> to vector<10000x64xf32>
    %mul3A_85 = arith.mulf %convert_element_type3A_7, %mul3A_84 : vector<10000x64xf32>
    %reduce_sum3A_86 = arith.constant dense<0.000000e+00> : vector<10000xf32>
    %reduce_sum3A_87 = vector.multi_reduction <add>, %mul3A_85, %reduce_sum3A_86 [1] : vector<10000x64xf32> to vector<10000xf32>
    %broadcast_in_dim3A_88 = vector.shape_cast %reduce_sum3A_87 : vector<10000xf32> to vector<10000x1xf32>
    %add3A_89 = arith.constant 1.000000e-16 : f32
    %add3A_90 = vector.broadcast %add3A_89 : f32 to vector<10000x1xf32>
    %add3A_91 = arith.addf %broadcast_in_dim3A_88, %add3A_90 : vector<10000x1xf32>
    %div3A = arith.divf %exp3A, %add3A_91 : vector<10000x1xf32>
    %mul3A_92 = vector.broadcast %div3A : vector<10000x1xf32> to vector<10000x32xf32>
    %mul3A_93 = arith.mulf %mul3A_92, %get3A_1 : vector<10000x32xf32>
    %dot_general3A_94 = arith.constant dense<0.000000e+00> : vector<64x32xf32>
    %dot_general3A_95 = tpu.matmul %convert_element_type3A_7, %mul3A_93, %dot_general3A_94 {dimension_numbers = #tpu.dot_dimension_numbers<[0], [0], [1], [1], [0, 1, 1, 1], [], []>, transpose_lhs_hint = false} : vector<10000x64xf32>, vector<10000x32xf32>, vector<64x32xf32> -> vector<64x32xf32>
    %concatenate3A = tpu.concatenate %mul3A_55, %dot_general3A_95 in 1 : vector<64x32xf32>, vector<64x32xf32> -> vector<64x64xf32>
    %get3A_96 = arith.constant 0 : index
    %get3A_97 = arith.constant 0 : index
    %get3A_98 = vector.load %arg2[%get3A_96, %get3A_97] : memref<64x128xf32, #tpu.memory_space<vmem>>, vector<64x128xf32>
    %dot_general3A_99 = arith.constant dense<0.000000e+00> : vector<64x128xf32>
    %dot_general3A_100 = tpu.matmul %concatenate3A, %get3A_98, %dot_general3A_99 {dimension_numbers = #tpu.dot_dimension_numbers<[1], [0], [0], [1], [0, 0, 1, 1], [], []>, transpose_lhs_hint = false} : vector<64x64xf32>, vector<64x128xf32>, vector<64x128xf32> -> vector<64x128xf32>
    %get3A_101 = arith.constant 0 : index
    %get3A_102 = arith.constant 0 : index
    %get3A_103 = vector.load %arg3[%get3A_101, %get3A_102] : memref<1x128xf32, #tpu.memory_space<vmem>>, vector<1x128xf32>
    %add3A_104 = vector.broadcast %get3A_103 : vector<1x128xf32> to vector<64x128xf32>
    %add3A_105 = arith.addf %dot_general3A_100, %add3A_104 : vector<64x128xf32>
    %get3A_106 = arith.constant 0 : index
    %get3A_107 = arith.constant 0 : index
    %get3A_108 = vector.load %arg4[%get3A_106, %get3A_107] : memref<32x128xf32, #tpu.memory_space<vmem>>, vector<32x128xf32>
    %dot_general3A_109 = arith.constant dense<0.000000e+00> : vector<64x128xf32>
    %dot_general3A_110 = tpu.matmul %mul3A_55, %get3A_108, %dot_general3A_109 {dimension_numbers = #tpu.dot_dimension_numbers<[1], [0], [0], [1], [0, 0, 1, 1], [], []>, transpose_lhs_hint = false} : vector<64x32xf32>, vector<32x128xf32>, vector<64x128xf32> -> vector<64x128xf32>
    %add3A_111 = arith.addf %add3A_105, %dot_general3A_110 : vector<64x128xf32>
    %get3A_112 = arith.constant 0 : index
    %get3A_113 = arith.constant 0 : index
    %get3A_114 = vector.load %arg5[%get3A_112, %get3A_113] : memref<1x128xf32, #tpu.memory_space<vmem>>, vector<1x128xf32>
    %add3A_115 = vector.broadcast %get3A_114 : vector<1x128xf32> to vector<64x128xf32>
    %add3A_116 = arith.addf %add3A_111, %add3A_115 : vector<64x128xf32>
    %slice3A_117 = vector.extract_strided_slice %add3A_116 {offsets = [0, 0], sizes = [64, 32], strides = [1, 1]} : vector<64x128xf32> to vector<64x32xf32>
    %logistic3A_118 = arith.negf %slice3A_117 : vector<64x32xf32>
    %logistic3A_119 = math.exp %logistic3A_118 : vector<64x32xf32>
    %logistic3A_120 = arith.constant 1.000000e+00 : f32
    %logistic3A_121 = vector.broadcast %logistic3A_120 : f32 to vector<64x32xf32>
    %logistic3A_122 = arith.addf %logistic3A_121, %logistic3A_119 : vector<64x32xf32>
    %logistic3A_123 = arith.divf %logistic3A_121, %logistic3A_122 : vector<64x32xf32>
    %slice3A_124 = vector.extract_strided_slice %add3A_116 {offsets = [0, 32], sizes = [64, 32], strides = [1, 1]} : vector<64x128xf32> to vector<64x32xf32>
    %logistic3A_125 = arith.negf %slice3A_124 : vector<64x32xf32>
    %logistic3A_126 = math.exp %logistic3A_125 : vector<64x32xf32>
    %logistic3A_127 = arith.constant 1.000000e+00 : f32
    %logistic3A_128 = vector.broadcast %logistic3A_127 : f32 to vector<64x32xf32>
    %logistic3A_129 = arith.addf %logistic3A_128, %logistic3A_126 : vector<64x32xf32>
    %logistic3A_130 = arith.divf %logistic3A_128, %logistic3A_129 : vector<64x32xf32>
    %slice3A_131 = vector.extract_strided_slice %add3A_116 {offsets = [0, 64], sizes = [64, 32], strides = [1, 1]} : vector<64x128xf32> to vector<64x32xf32>
    %tanh3A_132 = math.tanh %slice3A_131 : vector<64x32xf32>
    %slice3A_133 = vector.extract_strided_slice %add3A_116 {offsets = [0, 96], sizes = [64, 32], strides = [1, 1]} : vector<64x128xf32> to vector<64x32xf32>
    %logistic3A_134 = arith.negf %slice3A_133 : vector<64x32xf32>
    %logistic3A_135 = math.exp %logistic3A_134 : vector<64x32xf32>
    %logistic3A_136 = arith.constant 1.000000e+00 : f32
    %logistic3A_137 = vector.broadcast %logistic3A_136 : f32 to vector<64x32xf32>
    %logistic3A_138 = arith.addf %logistic3A_137, %logistic3A_135 : vector<64x32xf32>
    %logistic3A_139 = arith.divf %logistic3A_137, %logistic3A_138 : vector<64x32xf32>
    %mul3A_140 = arith.mulf %logistic3A_130, %add3A_53 : vector<64x32xf32>
    %mul3A_141 = arith.mulf %logistic3A_123, %tanh3A_132 : vector<64x32xf32>
    %add3A_142 = arith.addf %mul3A_140, %mul3A_141 : vector<64x32xf32>
    %tanh3A_143 = math.tanh %add3A_142 : vector<64x32xf32>
    %mul3A_144 = arith.mulf %logistic3A_139, %tanh3A_143 : vector<64x32xf32>
    %dot_general3A_145 = arith.constant dense<0.000000e+00> : vector<10000x32xf32>
    %dot_general3A_146 = tpu.matmul %convert_element_type3A_7, %mul3A_144, %dot_general3A_145 {dimension_numbers = #tpu.dot_dimension_numbers<[1], [0], [0], [1], [0, 0, 1, 1], [], []>, transpose_lhs_hint = false} : vector<10000x64xf32>, vector<64x32xf32>, vector<10000x32xf32> -> vector<10000x32xf32>
    %mul3A_147 = arith.mulf %get3A_1, %dot_general3A_146 : vector<10000x32xf32>
    %reduce_sum3A_148 = arith.constant dense<0.000000e+00> : vector<10000xf32>
    %reduce_sum3A_149 = vector.multi_reduction <add>, %mul3A_147, %reduce_sum3A_148 [1] : vector<10000x32xf32> to vector<10000xf32>
    %broadcast_in_dim3A_150 = vector.shape_cast %reduce_sum3A_149 : vector<10000xf32> to vector<10000x1xf32>
    %gt3A_151 = arith.constant 5.000000e-01 : f32
    %gt3A_152 = vector.broadcast %gt3A_151 : f32 to vector<10000x64xf32>
    %gt3A_153 = arith.cmpf ogt, %convert_element_type3A_7, %gt3A_152 : vector<10000x64xf32>
    %jit3A_154 = arith.constant 0xFF800000 : f32
    %broadcast_in_dim3A_155 = vector.shape_cast %broadcast_in_dim3A_150 : vector<10000x1xf32> to vector<10000x1xf32>
    %broadcast_in_dim3A_156 = vector.broadcast %broadcast_in_dim3A_155 : vector<10000x1xf32> to vector<10000x64xf32>
    %broadcast_in_dim3A_157 = vector.broadcast %jit3A_154 : f32 to vector<10000x64xf32>
    %select_n3A_158 = arith.select %gt3A_153, %broadcast_in_dim3A_156, %broadcast_in_dim3A_157 : vector<10000x64xi1>, vector<10000x64xf32>
    %reduce_max3A_159 = arith.constant dense<0xFF800000> : vector<64xf32>
    %reduce_max3A_160 = vector.multi_reduction <maximumf>, %select_n3A_158, %reduce_max3A_159 [0] : vector<10000x64xf32> to vector<64xf32>
    %broadcast_in_dim3A_161 = vector.shape_cast %reduce_max3A_160 : vector<64xf32> to vector<1x64xf32>
    %eq3A_162 = arith.constant 0xFF800000 : f32
    %eq3A_163 = vector.broadcast %eq3A_162 : f32 to vector<1x64xf32>
    %eq3A_164 = arith.cmpf oeq, %broadcast_in_dim3A_161, %eq3A_163 : vector<1x64xf32>
    %jit3A_165 = arith.constant 0.000000e+00 : f32
    %broadcast_in_dim3A_166 = vector.broadcast %jit3A_165 : f32 to vector<1x64xf32>
    %select_n3A_167 = arith.select %eq3A_164, %broadcast_in_dim3A_166, %broadcast_in_dim3A_161 : vector<1x64xi1>, vector<1x64xf32>
    %mul3A_168 = vector.broadcast %select_n3A_167 : vector<1x64xf32> to vector<10000x64xf32>
    %mul3A_169 = arith.mulf %convert_element_type3A_7, %mul3A_168 : vector<10000x64xf32>
    %reduce_sum3A_170 = arith.constant dense<0.000000e+00> : vector<10000xf32>
    %reduce_sum3A_171 = vector.multi_reduction <add>, %mul3A_169, %reduce_sum3A_170 [1] : vector<10000x64xf32> to vector<10000xf32>
    %broadcast_in_dim3A_172 = vector.shape_cast %reduce_sum3A_171 : vector<10000xf32> to vector<10000x1xf32>
    %sub3A_173 = arith.subf %broadcast_in_dim3A_150, %broadcast_in_dim3A_172 : vector<10000x1xf32>
    %exp3A_174 = math.exp %sub3A_173 : vector<10000x1xf32>
    %mul3A_175 = vector.broadcast %exp3A_174 : vector<10000x1xf32> to vector<10000x64xf32>
    %mul3A_176 = arith.mulf %convert_element_type3A_7, %mul3A_175 : vector<10000x64xf32>
    %reduce_sum3A_177 = arith.constant dense<0.000000e+00> : vector<64xf32>
    %reduce_sum3A_178 = vector.multi_reduction <add>, %mul3A_176, %reduce_sum3A_177 [0] : vector<10000x64xf32> to vector<64xf32>
    %broadcast_in_dim3A_179 = vector.shape_cast %reduce_sum3A_178 : vector<64xf32> to vector<1x64xf32>
    %mul3A_180 = vector.broadcast %broadcast_in_dim3A_179 : vector<1x64xf32> to vector<10000x64xf32>
    %mul3A_181 = arith.mulf %convert_element_type3A_7, %mul3A_180 : vector<10000x64xf32>
    %reduce_sum3A_182 = arith.constant dense<0.000000e+00> : vector<10000xf32>
    %reduce_sum3A_183 = vector.multi_reduction <add>, %mul3A_181, %reduce_sum3A_182 [1] : vector<10000x64xf32> to vector<10000xf32>
    %broadcast_in_dim3A_184 = vector.shape_cast %reduce_sum3A_183 : vector<10000xf32> to vector<10000x1xf32>
    %add3A_185 = arith.constant 1.000000e-16 : f32
    %add3A_186 = vector.broadcast %add3A_185 : f32 to vector<10000x1xf32>
    %add3A_187 = arith.addf %broadcast_in_dim3A_184, %add3A_186 : vector<10000x1xf32>
    %div3A_188 = arith.divf %exp3A_174, %add3A_187 : vector<10000x1xf32>
    %mul3A_189 = vector.broadcast %div3A_188 : vector<10000x1xf32> to vector<10000x32xf32>
    %mul3A_190 = arith.mulf %mul3A_189, %get3A_1 : vector<10000x32xf32>
    %dot_general3A_191 = arith.constant dense<0.000000e+00> : vector<64x32xf32>
    %dot_general3A_192 = tpu.matmul %convert_element_type3A_7, %mul3A_190, %dot_general3A_191 {dimension_numbers = #tpu.dot_dimension_numbers<[0], [0], [1], [1], [0, 1, 1, 1], [], []>, transpose_lhs_hint = false} : vector<10000x64xf32>, vector<10000x32xf32>, vector<64x32xf32> -> vector<64x32xf32>
    %concatenate3A_193 = tpu.concatenate %mul3A_144, %dot_general3A_192 in 1 : vector<64x32xf32>, vector<64x32xf32> -> vector<64x64xf32>
    %get3A_194 = arith.constant 0 : index
    %get3A_195 = arith.constant 0 : index
    %get3A_196 = vector.load %arg2[%get3A_194, %get3A_195] : memref<64x128xf32, #tpu.memory_space<vmem>>, vector<64x128xf32>
    %dot_general3A_197 = arith.constant dense<0.000000e+00> : vector<64x128xf32>
    %dot_general3A_198 = tpu.matmul %concatenate3A_193, %get3A_196, %dot_general3A_197 {dimension_numbers = #tpu.dot_dimension_numbers<[1], [0], [0], [1], [0, 0, 1, 1], [], []>, transpose_lhs_hint = false} : vector<64x64xf32>, vector<64x128xf32>, vector<64x128xf32> -> vector<64x128xf32>
    %get3A_199 = arith.constant 0 : index
    %get3A_200 = arith.constant 0 : index
    %get3A_201 = vector.load %arg3[%get3A_199, %get3A_200] : memref<1x128xf32, #tpu.memory_space<vmem>>, vector<1x128xf32>
    %add3A_202 = vector.broadcast %get3A_201 : vector<1x128xf32> to vector<64x128xf32>
    %add3A_203 = arith.addf %dot_general3A_198, %add3A_202 : vector<64x128xf32>
    %get3A_204 = arith.constant 0 : index
    %get3A_205 = arith.constant 0 : index
    %get3A_206 = vector.load %arg4[%get3A_204, %get3A_205] : memref<32x128xf32, #tpu.memory_space<vmem>>, vector<32x128xf32>
    %dot_general3A_207 = arith.constant dense<0.000000e+00> : vector<64x128xf32>
    %dot_general3A_208 = tpu.matmul %mul3A_144, %get3A_206, %dot_general3A_207 {dimension_numbers = #tpu.dot_dimension_numbers<[1], [0], [0], [1], [0, 0, 1, 1], [], []>, transpose_lhs_hint = false} : vector<64x32xf32>, vector<32x128xf32>, vector<64x128xf32> -> vector<64x128xf32>
    %add3A_209 = arith.addf %add3A_203, %dot_general3A_208 : vector<64x128xf32>
    %get3A_210 = arith.constant 0 : index
    %get3A_211 = arith.constant 0 : index
    %get3A_212 = vector.load %arg5[%get3A_210, %get3A_211] : memref<1x128xf32, #tpu.memory_space<vmem>>, vector<1x128xf32>
    %add3A_213 = vector.broadcast %get3A_212 : vector<1x128xf32> to vector<64x128xf32>
    %add3A_214 = arith.addf %add3A_209, %add3A_213 : vector<64x128xf32>
    %slice3A_215 = vector.extract_strided_slice %add3A_214 {offsets = [0, 0], sizes = [64, 32], strides = [1, 1]} : vector<64x128xf32> to vector<64x32xf32>
    %logistic3A_216 = arith.negf %slice3A_215 : vector<64x32xf32>
    %logistic3A_217 = math.exp %logistic3A_216 : vector<64x32xf32>
    %logistic3A_218 = arith.constant 1.000000e+00 : f32
    %logistic3A_219 = vector.broadcast %logistic3A_218 : f32 to vector<64x32xf32>
    %logistic3A_220 = arith.addf %logistic3A_219, %logistic3A_217 : vector<64x32xf32>
    %logistic3A_221 = arith.divf %logistic3A_219, %logistic3A_220 : vector<64x32xf32>
    %slice3A_222 = vector.extract_strided_slice %add3A_214 {offsets = [0, 32], sizes = [64, 32], strides = [1, 1]} : vector<64x128xf32> to vector<64x32xf32>
    %logistic3A_223 = arith.negf %slice3A_222 : vector<64x32xf32>
    %logistic3A_224 = math.exp %logistic3A_223 : vector<64x32xf32>
    %logistic3A_225 = arith.constant 1.000000e+00 : f32
    %logistic3A_226 = vector.broadcast %logistic3A_225 : f32 to vector<64x32xf32>
    %logistic3A_227 = arith.addf %logistic3A_226, %logistic3A_224 : vector<64x32xf32>
    %logistic3A_228 = arith.divf %logistic3A_226, %logistic3A_227 : vector<64x32xf32>
    %slice3A_229 = vector.extract_strided_slice %add3A_214 {offsets = [0, 64], sizes = [64, 32], strides = [1, 1]} : vector<64x128xf32> to vector<64x32xf32>
    %tanh3A_230 = math.tanh %slice3A_229 : vector<64x32xf32>
    %slice3A_231 = vector.extract_strided_slice %add3A_214 {offsets = [0, 96], sizes = [64, 32], strides = [1, 1]} : vector<64x128xf32> to vector<64x32xf32>
    %logistic3A_232 = arith.negf %slice3A_231 : vector<64x32xf32>
    %logistic3A_233 = math.exp %logistic3A_232 : vector<64x32xf32>
    %logistic3A_234 = arith.constant 1.000000e+00 : f32
    %logistic3A_235 = vector.broadcast %logistic3A_234 : f32 to vector<64x32xf32>
    %logistic3A_236 = arith.addf %logistic3A_235, %logistic3A_233 : vector<64x32xf32>
    %logistic3A_237 = arith.divf %logistic3A_235, %logistic3A_236 : vector<64x32xf32>
    %mul3A_238 = arith.mulf %logistic3A_228, %add3A_142 : vector<64x32xf32>
    %mul3A_239 = arith.mulf %logistic3A_221, %tanh3A_230 : vector<64x32xf32>
    %add3A_240 = arith.addf %mul3A_238, %mul3A_239 : vector<64x32xf32>
    %tanh3A_241 = math.tanh %add3A_240 : vector<64x32xf32>
    %mul3A_242 = arith.mulf %logistic3A_237, %tanh3A_241 : vector<64x32xf32>
    %dot_general3A_243 = arith.constant dense<0.000000e+00> : vector<10000x32xf32>
    %dot_general3A_244 = tpu.matmul %convert_element_type3A_7, %mul3A_242, %dot_general3A_243 {dimension_numbers = #tpu.dot_dimension_numbers<[1], [0], [0], [1], [0, 0, 1, 1], [], []>, transpose_lhs_hint = false} : vector<10000x64xf32>, vector<64x32xf32>, vector<10000x32xf32> -> vector<10000x32xf32>
    %mul3A_245 = arith.mulf %get3A_1, %dot_general3A_244 : vector<10000x32xf32>
    %reduce_sum3A_246 = arith.constant dense<0.000000e+00> : vector<10000xf32>
    %reduce_sum3A_247 = vector.multi_reduction <add>, %mul3A_245, %reduce_sum3A_246 [1] : vector<10000x32xf32> to vector<10000xf32>
    %broadcast_in_dim3A_248 = vector.shape_cast %reduce_sum3A_247 : vector<10000xf32> to vector<10000x1xf32>
    %gt3A_249 = arith.constant 5.000000e-01 : f32
    %gt3A_250 = vector.broadcast %gt3A_249 : f32 to vector<10000x64xf32>
    %gt3A_251 = arith.cmpf ogt, %convert_element_type3A_7, %gt3A_250 : vector<10000x64xf32>
    %jit3A_252 = arith.constant 0xFF800000 : f32
    %broadcast_in_dim3A_253 = vector.shape_cast %broadcast_in_dim3A_248 : vector<10000x1xf32> to vector<10000x1xf32>
    %broadcast_in_dim3A_254 = vector.broadcast %broadcast_in_dim3A_253 : vector<10000x1xf32> to vector<10000x64xf32>
    %broadcast_in_dim3A_255 = vector.broadcast %jit3A_252 : f32 to vector<10000x64xf32>
    %select_n3A_256 = arith.select %gt3A_251, %broadcast_in_dim3A_254, %broadcast_in_dim3A_255 : vector<10000x64xi1>, vector<10000x64xf32>
    %reduce_max3A_257 = arith.constant dense<0xFF800000> : vector<64xf32>
    %reduce_max3A_258 = vector.multi_reduction <maximumf>, %select_n3A_256, %reduce_max3A_257 [0] : vector<10000x64xf32> to vector<64xf32>
    %broadcast_in_dim3A_259 = vector.shape_cast %reduce_max3A_258 : vector<64xf32> to vector<1x64xf32>
    %eq3A_260 = arith.constant 0xFF800000 : f32
    %eq3A_261 = vector.broadcast %eq3A_260 : f32 to vector<1x64xf32>
    %eq3A_262 = arith.cmpf oeq, %broadcast_in_dim3A_259, %eq3A_261 : vector<1x64xf32>
    %jit3A_263 = arith.constant 0.000000e+00 : f32
    %broadcast_in_dim3A_264 = vector.broadcast %jit3A_263 : f32 to vector<1x64xf32>
    %select_n3A_265 = arith.select %eq3A_262, %broadcast_in_dim3A_264, %broadcast_in_dim3A_259 : vector<1x64xi1>, vector<1x64xf32>
    %mul3A_266 = vector.broadcast %select_n3A_265 : vector<1x64xf32> to vector<10000x64xf32>
    %mul3A_267 = arith.mulf %convert_element_type3A_7, %mul3A_266 : vector<10000x64xf32>
    %reduce_sum3A_268 = arith.constant dense<0.000000e+00> : vector<10000xf32>
    %reduce_sum3A_269 = vector.multi_reduction <add>, %mul3A_267, %reduce_sum3A_268 [1] : vector<10000x64xf32> to vector<10000xf32>
    %broadcast_in_dim3A_270 = vector.shape_cast %reduce_sum3A_269 : vector<10000xf32> to vector<10000x1xf32>
    %sub3A_271 = arith.subf %broadcast_in_dim3A_248, %broadcast_in_dim3A_270 : vector<10000x1xf32>
    %exp3A_272 = math.exp %sub3A_271 : vector<10000x1xf32>
    %mul3A_273 = vector.broadcast %exp3A_272 : vector<10000x1xf32> to vector<10000x64xf32>
    %mul3A_274 = arith.mulf %convert_element_type3A_7, %mul3A_273 : vector<10000x64xf32>
    %reduce_sum3A_275 = arith.constant dense<0.000000e+00> : vector<64xf32>
    %reduce_sum3A_276 = vector.multi_reduction <add>, %mul3A_274, %reduce_sum3A_275 [0] : vector<10000x64xf32> to vector<64xf32>
    %broadcast_in_dim3A_277 = vector.shape_cast %reduce_sum3A_276 : vector<64xf32> to vector<1x64xf32>
    %mul3A_278 = vector.broadcast %broadcast_in_dim3A_277 : vector<1x64xf32> to vector<10000x64xf32>
    %mul3A_279 = arith.mulf %convert_element_type3A_7, %mul3A_278 : vector<10000x64xf32>
    %reduce_sum3A_280 = arith.constant dense<0.000000e+00> : vector<10000xf32>
    %reduce_sum3A_281 = vector.multi_reduction <add>, %mul3A_279, %reduce_sum3A_280 [1] : vector<10000x64xf32> to vector<10000xf32>
    %broadcast_in_dim3A_282 = vector.shape_cast %reduce_sum3A_281 : vector<10000xf32> to vector<10000x1xf32>
    %add3A_283 = arith.constant 1.000000e-16 : f32
    %add3A_284 = vector.broadcast %add3A_283 : f32 to vector<10000x1xf32>
    %add3A_285 = arith.addf %broadcast_in_dim3A_282, %add3A_284 : vector<10000x1xf32>
    %div3A_286 = arith.divf %exp3A_272, %add3A_285 : vector<10000x1xf32>
    %mul3A_287 = vector.broadcast %div3A_286 : vector<10000x1xf32> to vector<10000x32xf32>
    %mul3A_288 = arith.mulf %mul3A_287, %get3A_1 : vector<10000x32xf32>
    %dot_general3A_289 = arith.constant dense<0.000000e+00> : vector<64x32xf32>
    %dot_general3A_290 = tpu.matmul %convert_element_type3A_7, %mul3A_288, %dot_general3A_289 {dimension_numbers = #tpu.dot_dimension_numbers<[0], [0], [1], [1], [0, 1, 1, 1], [], []>, transpose_lhs_hint = false} : vector<10000x64xf32>, vector<10000x32xf32>, vector<64x32xf32> -> vector<64x32xf32>
    %concatenate3A_291 = tpu.concatenate %mul3A_242, %dot_general3A_290 in 1 : vector<64x32xf32>, vector<64x32xf32> -> vector<64x64xf32>
    %get3A_292 = arith.constant 0 : index
    %get3A_293 = arith.constant 0 : index
    %get3A_294 = vector.load %arg2[%get3A_292, %get3A_293] : memref<64x128xf32, #tpu.memory_space<vmem>>, vector<64x128xf32>
    %dot_general3A_295 = arith.constant dense<0.000000e+00> : vector<64x128xf32>
    %dot_general3A_296 = tpu.matmul %concatenate3A_291, %get3A_294, %dot_general3A_295 {dimension_numbers = #tpu.dot_dimension_numbers<[1], [0], [0], [1], [0, 0, 1, 1], [], []>, transpose_lhs_hint = false} : vector<64x64xf32>, vector<64x128xf32>, vector<64x128xf32> -> vector<64x128xf32>
    %get3A_297 = arith.constant 0 : index
    %get3A_298 = arith.constant 0 : index
    %get3A_299 = vector.load %arg3[%get3A_297, %get3A_298] : memref<1x128xf32, #tpu.memory_space<vmem>>, vector<1x128xf32>
    %add3A_300 = vector.broadcast %get3A_299 : vector<1x128xf32> to vector<64x128xf32>
    %add3A_301 = arith.addf %dot_general3A_296, %add3A_300 : vector<64x128xf32>
    %get3A_302 = arith.constant 0 : index
    %get3A_303 = arith.constant 0 : index
    %get3A_304 = vector.load %arg4[%get3A_302, %get3A_303] : memref<32x128xf32, #tpu.memory_space<vmem>>, vector<32x128xf32>
    %dot_general3A_305 = arith.constant dense<0.000000e+00> : vector<64x128xf32>
    %dot_general3A_306 = tpu.matmul %mul3A_242, %get3A_304, %dot_general3A_305 {dimension_numbers = #tpu.dot_dimension_numbers<[1], [0], [0], [1], [0, 0, 1, 1], [], []>, transpose_lhs_hint = false} : vector<64x32xf32>, vector<32x128xf32>, vector<64x128xf32> -> vector<64x128xf32>
    %add3A_307 = arith.addf %add3A_301, %dot_general3A_306 : vector<64x128xf32>
    %get3A_308 = arith.constant 0 : index
    %get3A_309 = arith.constant 0 : index
    %get3A_310 = vector.load %arg5[%get3A_308, %get3A_309] : memref<1x128xf32, #tpu.memory_space<vmem>>, vector<1x128xf32>
    %add3A_311 = vector.broadcast %get3A_310 : vector<1x128xf32> to vector<64x128xf32>
    %add3A_312 = arith.addf %add3A_307, %add3A_311 : vector<64x128xf32>
    %slice3A_313 = vector.extract_strided_slice %add3A_312 {offsets = [0, 0], sizes = [64, 32], strides = [1, 1]} : vector<64x128xf32> to vector<64x32xf32>
    %logistic3A_314 = arith.negf %slice3A_313 : vector<64x32xf32>
    %logistic3A_315 = math.exp %logistic3A_314 : vector<64x32xf32>
    %logistic3A_316 = arith.constant 1.000000e+00 : f32
    %logistic3A_317 = vector.broadcast %logistic3A_316 : f32 to vector<64x32xf32>
    %logistic3A_318 = arith.addf %logistic3A_317, %logistic3A_315 : vector<64x32xf32>
    %logistic3A_319 = arith.divf %logistic3A_317, %logistic3A_318 : vector<64x32xf32>
    %slice3A_320 = vector.extract_strided_slice %add3A_312 {offsets = [0, 32], sizes = [64, 32], strides = [1, 1]} : vector<64x128xf32> to vector<64x32xf32>
    %logistic3A_321 = arith.negf %slice3A_320 : vector<64x32xf32>
    %logistic3A_322 = math.exp %logistic3A_321 : vector<64x32xf32>
    %logistic3A_323 = arith.constant 1.000000e+00 : f32
    %logistic3A_324 = vector.broadcast %logistic3A_323 : f32 to vector<64x32xf32>
    %logistic3A_325 = arith.addf %logistic3A_324, %logistic3A_322 : vector<64x32xf32>
    %logistic3A_326 = arith.divf %logistic3A_324, %logistic3A_325 : vector<64x32xf32>
    %slice3A_327 = vector.extract_strided_slice %add3A_312 {offsets = [0, 64], sizes = [64, 32], strides = [1, 1]} : vector<64x128xf32> to vector<64x32xf32>
    %tanh3A_328 = math.tanh %slice3A_327 : vector<64x32xf32>
    %slice3A_329 = vector.extract_strided_slice %add3A_312 {offsets = [0, 96], sizes = [64, 32], strides = [1, 1]} : vector<64x128xf32> to vector<64x32xf32>
    %logistic3A_330 = arith.negf %slice3A_329 : vector<64x32xf32>
    %logistic3A_331 = math.exp %logistic3A_330 : vector<64x32xf32>
    %logistic3A_332 = arith.constant 1.000000e+00 : f32
    %logistic3A_333 = vector.broadcast %logistic3A_332 : f32 to vector<64x32xf32>
    %logistic3A_334 = arith.addf %logistic3A_333, %logistic3A_331 : vector<64x32xf32>
    %logistic3A_335 = arith.divf %logistic3A_333, %logistic3A_334 : vector<64x32xf32>
    %mul3A_336 = arith.mulf %logistic3A_326, %add3A_240 : vector<64x32xf32>
    %mul3A_337 = arith.mulf %logistic3A_319, %tanh3A_328 : vector<64x32xf32>
    %add3A_338 = arith.addf %mul3A_336, %mul3A_337 : vector<64x32xf32>
    %tanh3A_339 = math.tanh %add3A_338 : vector<64x32xf32>
    %mul3A_340 = arith.mulf %logistic3A_335, %tanh3A_339 : vector<64x32xf32>
    %dot_general3A_341 = arith.constant dense<0.000000e+00> : vector<10000x32xf32>
    %dot_general3A_342 = tpu.matmul %convert_element_type3A_7, %mul3A_340, %dot_general3A_341 {dimension_numbers = #tpu.dot_dimension_numbers<[1], [0], [0], [1], [0, 0, 1, 1], [], []>, transpose_lhs_hint = false} : vector<10000x64xf32>, vector<64x32xf32>, vector<10000x32xf32> -> vector<10000x32xf32>
    %mul3A_343 = arith.mulf %get3A_1, %dot_general3A_342 : vector<10000x32xf32>
    %reduce_sum3A_344 = arith.constant dense<0.000000e+00> : vector<10000xf32>
    %reduce_sum3A_345 = vector.multi_reduction <add>, %mul3A_343, %reduce_sum3A_344 [1] : vector<10000x32xf32> to vector<10000xf32>
    %broadcast_in_dim3A_346 = vector.shape_cast %reduce_sum3A_345 : vector<10000xf32> to vector<10000x1xf32>
    %gt3A_347 = arith.constant 5.000000e-01 : f32
    %gt3A_348 = vector.broadcast %gt3A_347 : f32 to vector<10000x64xf32>
    %gt3A_349 = arith.cmpf ogt, %convert_element_type3A_7, %gt3A_348 : vector<10000x64xf32>
    %jit3A_350 = arith.constant 0xFF800000 : f32
    %broadcast_in_dim3A_351 = vector.shape_cast %broadcast_in_dim3A_346 : vector<10000x1xf32> to vector<10000x1xf32>
    %broadcast_in_dim3A_352 = vector.broadcast %broadcast_in_dim3A_351 : vector<10000x1xf32> to vector<10000x64xf32>
    %broadcast_in_dim3A_353 = vector.broadcast %jit3A_350 : f32 to vector<10000x64xf32>
    %select_n3A_354 = arith.select %gt3A_349, %broadcast_in_dim3A_352, %broadcast_in_dim3A_353 : vector<10000x64xi1>, vector<10000x64xf32>
    %reduce_max3A_355 = arith.constant dense<0xFF800000> : vector<64xf32>
    %reduce_max3A_356 = vector.multi_reduction <maximumf>, %select_n3A_354, %reduce_max3A_355 [0] : vector<10000x64xf32> to vector<64xf32>
    %broadcast_in_dim3A_357 = vector.shape_cast %reduce_max3A_356 : vector<64xf32> to vector<1x64xf32>
    %eq3A_358 = arith.constant 0xFF800000 : f32
    %eq3A_359 = vector.broadcast %eq3A_358 : f32 to vector<1x64xf32>
    %eq3A_360 = arith.cmpf oeq, %broadcast_in_dim3A_357, %eq3A_359 : vector<1x64xf32>
    %jit3A_361 = arith.constant 0.000000e+00 : f32
    %broadcast_in_dim3A_362 = vector.broadcast %jit3A_361 : f32 to vector<1x64xf32>
    %select_n3A_363 = arith.select %eq3A_360, %broadcast_in_dim3A_362, %broadcast_in_dim3A_357 : vector<1x64xi1>, vector<1x64xf32>
    %mul3A_364 = vector.broadcast %select_n3A_363 : vector<1x64xf32> to vector<10000x64xf32>
    %mul3A_365 = arith.mulf %convert_element_type3A_7, %mul3A_364 : vector<10000x64xf32>
    %reduce_sum3A_366 = arith.constant dense<0.000000e+00> : vector<10000xf32>
    %reduce_sum3A_367 = vector.multi_reduction <add>, %mul3A_365, %reduce_sum3A_366 [1] : vector<10000x64xf32> to vector<10000xf32>
    %broadcast_in_dim3A_368 = vector.shape_cast %reduce_sum3A_367 : vector<10000xf32> to vector<10000x1xf32>
    %sub3A_369 = arith.subf %broadcast_in_dim3A_346, %broadcast_in_dim3A_368 : vector<10000x1xf32>
    %exp3A_370 = math.exp %sub3A_369 : vector<10000x1xf32>
    %mul3A_371 = vector.broadcast %exp3A_370 : vector<10000x1xf32> to vector<10000x64xf32>
    %mul3A_372 = arith.mulf %convert_element_type3A_7, %mul3A_371 : vector<10000x64xf32>
    %reduce_sum3A_373 = arith.constant dense<0.000000e+00> : vector<64xf32>
    %reduce_sum3A_374 = vector.multi_reduction <add>, %mul3A_372, %reduce_sum3A_373 [0] : vector<10000x64xf32> to vector<64xf32>
    %broadcast_in_dim3A_375 = vector.shape_cast %reduce_sum3A_374 : vector<64xf32> to vector<1x64xf32>
    %mul3A_376 = vector.broadcast %broadcast_in_dim3A_375 : vector<1x64xf32> to vector<10000x64xf32>
    %mul3A_377 = arith.mulf %convert_element_type3A_7, %mul3A_376 : vector<10000x64xf32>
    %reduce_sum3A_378 = arith.constant dense<0.000000e+00> : vector<10000xf32>
    %reduce_sum3A_379 = vector.multi_reduction <add>, %mul3A_377, %reduce_sum3A_378 [1] : vector<10000x64xf32> to vector<10000xf32>
    %broadcast_in_dim3A_380 = vector.shape_cast %reduce_sum3A_379 : vector<10000xf32> to vector<10000x1xf32>
    %add3A_381 = arith.constant 1.000000e-16 : f32
    %add3A_382 = vector.broadcast %add3A_381 : f32 to vector<10000x1xf32>
    %add3A_383 = arith.addf %broadcast_in_dim3A_380, %add3A_382 : vector<10000x1xf32>
    %div3A_384 = arith.divf %exp3A_370, %add3A_383 : vector<10000x1xf32>
    %mul3A_385 = vector.broadcast %div3A_384 : vector<10000x1xf32> to vector<10000x32xf32>
    %mul3A_386 = arith.mulf %mul3A_385, %get3A_1 : vector<10000x32xf32>
    %dot_general3A_387 = arith.constant dense<0.000000e+00> : vector<64x32xf32>
    %dot_general3A_388 = tpu.matmul %convert_element_type3A_7, %mul3A_386, %dot_general3A_387 {dimension_numbers = #tpu.dot_dimension_numbers<[0], [0], [1], [1], [0, 1, 1, 1], [], []>, transpose_lhs_hint = false} : vector<10000x64xf32>, vector<10000x32xf32>, vector<64x32xf32> -> vector<64x32xf32>
    %concatenate3A_389 = tpu.concatenate %mul3A_340, %dot_general3A_388 in 1 : vector<64x32xf32>, vector<64x32xf32> -> vector<64x64xf32>
    %get3A_390 = arith.constant 0 : index
    %get3A_391 = arith.constant 0 : index
    %get3A_392 = vector.load %arg6[%get3A_390, %get3A_391] : memref<64x32xf32, #tpu.memory_space<vmem>>, vector<64x32xf32>
    %dot_general3A_393 = arith.constant dense<0.000000e+00> : vector<64x32xf32>
    %dot_general3A_394 = tpu.matmul %concatenate3A_389, %get3A_392, %dot_general3A_393 {dimension_numbers = #tpu.dot_dimension_numbers<[1], [0], [0], [1], [0, 0, 1, 1], [], []>, transpose_lhs_hint = false} : vector<64x64xf32>, vector<64x32xf32>, vector<64x32xf32> -> vector<64x32xf32>
    %get3A_395 = arith.constant 0 : index
    %get3A_396 = arith.constant 0 : index
    %get3A_397 = vector.load %arg7[%get3A_395, %get3A_396] : memref<1x32xf32, #tpu.memory_space<vmem>>, vector<1x32xf32>
    %add3A_398 = vector.broadcast %get3A_397 : vector<1x32xf32> to vector<64x32xf32>
    %add3A_399 = arith.addf %dot_general3A_394, %add3A_398 : vector<64x32xf32>
    %max3A = arith.constant 0.000000e+00 : f32
    %max3A_400 = vector.broadcast %max3A : f32 to vector<64x32xf32>
    %max3A_401 = arith.maximumf %add3A_399, %max3A_400 : vector<64x32xf32>
    %get3A_402 = arith.constant 0 : index
    %get3A_403 = arith.constant 0 : index
    %get3A_404 = vector.load %arg8[%get3A_402, %get3A_403] : memref<32x10xf32, #tpu.memory_space<vmem>>, vector<32x10xf32>
    %dot_general3A_405 = arith.constant dense<0.000000e+00> : vector<64x10xf32>
    %dot_general3A_406 = tpu.matmul %max3A_401, %get3A_404, %dot_general3A_405 {dimension_numbers = #tpu.dot_dimension_numbers<[1], [0], [0], [1], [0, 0, 1, 1], [], []>, transpose_lhs_hint = false} : vector<64x32xf32>, vector<32x10xf32>, vector<64x10xf32> -> vector<64x10xf32>
    %get3A_407 = arith.constant 0 : index
    %get3A_408 = arith.constant 0 : index
    %get3A_409 = vector.load %arg9[%get3A_407, %get3A_408] : memref<1x10xf32, #tpu.memory_space<vmem>>, vector<1x10xf32>
    %add3A_410 = vector.broadcast %get3A_409 : vector<1x10xf32> to vector<64x10xf32>
    %add3A_411 = arith.addf %dot_general3A_406, %add3A_410 : vector<64x10xf32>
    %reduce_max3A_412 = arith.constant dense<0xFF800000> : vector<64xf32>
    %reduce_max3A_413 = vector.multi_reduction <maximumf>, %add3A_411, %reduce_max3A_412 [1] : vector<64x10xf32> to vector<64xf32>
    %broadcast_in_dim3A_414 = vector.shape_cast %reduce_max3A_413 : vector<64xf32> to vector<64x1xf32>
    %sub3A_415 = vector.broadcast %broadcast_in_dim3A_414 : vector<64x1xf32> to vector<64x10xf32>
    %sub3A_416 = arith.subf %add3A_411, %sub3A_415 : vector<64x10xf32>
    %exp3A_417 = math.exp %sub3A_416 : vector<64x10xf32>
    %reduce_sum3A_418 = arith.constant dense<0.000000e+00> : vector<64xf32>
    %reduce_sum3A_419 = vector.multi_reduction <add>, %exp3A_417, %reduce_sum3A_418 [1] : vector<64x10xf32> to vector<64xf32>
    %broadcast_in_dim3A_420 = vector.shape_cast %reduce_sum3A_419 : vector<64xf32> to vector<64x1xf32>
    %log3A = math.log %broadcast_in_dim3A_420 : vector<64x1xf32>
    %sub3A_421 = vector.broadcast %log3A : vector<64x1xf32> to vector<64x10xf32>
    %sub3A_422 = arith.subf %sub3A_416, %sub3A_421 : vector<64x10xf32>
    %swap3A = arith.constant 0 : index
    %swap3A_423 = arith.constant 0 : index
    %swap3A_424 = vector.load %arg10[%swap3A, %swap3A_423] : memref<64x10xf32, #tpu.memory_space<vmem>>, vector<64x10xf32>
    tpu.vector_store %arg10[%swap3A, %swap3A_423], %sub3A_422 {strides = array<i32>} : memref<64x10xf32, #tpu.memory_space<vmem>>, vector<64x10xf32>,
    return
  }
}

</mosaic_0001>

<sc_bundles>
// kernel: kernel.18.cloned.1.call-start
scs
__scs_entry_jumppad:
0x0: {  	(pc) =	sbr.rel $0x88, $3  }
0x1: {  	(tag) =	ssettag $0x0;
	lr =	simm.s32 $0x1  }
0x2: {  	[smem:$0x3F8A] =	sst lr;
	_ =	strace $0xD0000000  }
0x3: {  	_ = 	snop  }
0x4: {  	_ = 	snop  }
0x5: {  	_ = 	snop  }
0x6: {  	_ = 	snop  }
0x7: {  	_ = 	snop  }
__scs_overlays_trampoline_lowered:
0x8: {  	[smem:$0x3F99] =	sst s0  }
0x9: {  	[smem:$0x3F9A] =	sst s1  }
0xa: {  	[smem:$0x3F9B] =	sst s2  }
0xb: {  	[smem:$0x3F9C] =	sst s3  }
0xc: {  	[smem:$0x3F9D] =	sst s4  }
0xd: {  	[smem:$0x3F9E] =	sst s5  }
0xe: {  	[smem:$0x3F9F] =	sst s6  }
0xf: {  	[smem:$0x3FA0] =	sst s7  }
0x10: {  	[smem:$0x3FA1] =	sst s8  }
0x11: {  	[smem:$0x3FA2] =	sst s9;
	s0 =	simm.s32 @!p0 $0x0  }
0x12: {  	s1 =	sld [smem:$0x3F88];
	s0 =	simm.s32 @p0 $0x1  }
0x13: {  	[smem:$0x3FA3] =	sst s0;
	s0 =	simm.s32 @!p1 $0x0  }
0x14: {  	s2 =	sld [smem:$0x3F87];
	s0 =	simm.s32 @p1 $0x1  }
0x15: {  	[smem:$0x3FA4] =	sst s0;
	s0 =	simm.s32 @!p2 $0x0  }
0x16: {  	s3 =	sld [smem:$0x3FDB];
	s0 =	simm.s32 @p2 $0x1  }
0x17: {  	s4 =	simm.s32 $0x1BF5;
	[smem:$0x3FA6] =	sst s0  }
0x18: {  	s0 =	sld [smem:$0x3F89];
	_ =	swait.ge [sflag:s4], $0x0  }
0x19: {  	s7 =	sld [smem:$0x3F8A]  }
0x1a: {  	s8 =	sadd.s32 $0xFFFFE003, lr  }
0x1b: {  	s9 =	sadd.s32 $0xFFFFFEF7, lr;
	s5 =	simm.s32 $0xFFFFFFFF;
	p2 =	slt.u32 s8, $0xFFFFF086  }
0x1c: {  	p1 =	slt.u32 s9, $0xF7A;
	s5 =	simm.s32 @!p2 $0x0  }
0x1d: {  	s5 =	simm.s32 @p1 $0x1;
	p0 =	seq.s32 s7, s2  }
0x1e: {  	s7 =	smul.u32 @!p0 $0xF7A, s2;
	p2 =	seq.s32 @!p0 s5, $0x0  }
0x1f: {  	s9 =	smul.u32 $0xF7A, s1;
	s8 =	simm.s32 @!p0 $0x1BF5;
	p2 =	por !p2, p0  }
0x20: {  	[sflag:s8] =	ssyncset.s32 @!p0 $0xFFFFF086;
	s6 =	sadd.s32 @!p0 s3, s7;
	s7 =	simm.s32 @!p0 $0x108  }
0x21: {  	s3 =	sadd.s32 s3, s9;
	s6 =	sadd.s32 @!p0 $0x88, s6;
	s7 =	simm.s32 @p2 $0x1082  }
0x22: {  	[simem:s7], [sflag:s8] =	dma.local @!p0 [hbm:s6], $0xF7A  }
0x23: {  	s9 =	sor.u32 $0xD0000000, s2;
	s6 =	simm.s32 $0x108;
	_ =	swait.ge @!p0 [sflag:s8], $0x0  }
0x24: {  	s3 =	sadd.s32 $0x88, s3;
	s6 =	simm.s32 @!p1 $0x1082;
	[sflag:s4] =	ssyncset.s32 $0xFFFFF086  }
0x25: {  	[simem:s6], [sflag:s4] =	dma.local [hbm:s3], $0xF7A  }
0x26: {  	[smem:$0x3F8A] =	sst s1;
	(tag) =	ssettag s2;
	_ =	strace s9  }
0x27: {  	s1 =	sld [smem:$0x3F9A]  }
0x28: {  	s2 =	sld [smem:$0x3F9B]  }
0x29: {  	s4 =	sld [smem:$0x3F9D]  }
0x2a: {  	p0 =	seq.s32 s5, $0x0;
	s5 =	sld [smem:$0x3F9E]  }
0x2b: {  	s6 =	sld [smem:$0x3F9F]  }
0x2c: {  	s7 =	sld [smem:$0x3FA0]  }
0x2d: {  	s3 =	simm.s32 $0x108;
	s8 =	sld [smem:$0x3FA1]  }
0x2e: {  	s3 =	simm.s32 @!p0 $0x1082;
	s9 =	sld [smem:$0x3FA2]  }
0x2f: {  	lr =	sadd.s32 s0, s3;
	s0 =	sld [smem:$0x3F99]  }
0x30: {  	s3 =	sld [smem:$0x3F9C]  }
0x31: {  	[smem:$0x3FA5] =	sst s10  }
0x32: {  	s10 =	sld [smem:$0x3FA3];
	_ =	sdelay $0x3  }
0x33: {  	p0 =	seq.s32 s10, $0x1;
	s10 =	sld [smem:$0x3FA5];
	_ =	sdelay $0x3  }
0x34: {  	[smem:$0x3FA5] =	sst s10  }
0x35: {  	s10 =	sld [smem:$0x3FA4];
	_ =	sdelay $0x3  }
0x36: {  	p1 =	seq.s32 s10, $0x1;
	s10 =	sld [smem:$0x3FA5];
	_ =	sdelay $0x3  }
0x37: {  	[smem:$0x3FA5] =	sst s10  }
0x38: {  	s10 =	sld [smem:$0x3FA6]  }
0x39: {  	_ = 	snop;
	(pc) =	sbr.ind lr, $3  }
0x3a: {  	_ = 	snop  }
0x3b: {  	_ = 	snop  }
0x3c: {  	p2 =	seq.s32 s10, $0x1;
	s10 =	sld [smem:$0x3FA5]  }
0x3d: {  	_ =	shalt  }
0x3e: {  	_ =	shalt  }
0x3f: {  	_ =	shalt  }
0x40: {  	_ =	shalt  }
0x41: {  	_ =	shalt  }
0x42: {  	_ =	shalt  }
0x43: {  	_ =	shalt  }
0x44: {  	_ =	shalt  }
0x45: {  	_ =	shalt  }
0x46: {  	_ =	shalt  }
0x47: {  	_ =	shalt  }
0x48: {  	_ =	shalt  }
0x49: {  	_ =	shalt  }
0x4a: {  	_ =	shalt  }
0x4b: {  	_ =	shalt  }
0x4c: {  	_ =	shalt  }
0x4d: {  	_ =	shalt  }
0x4e: {  	_ =	shalt  }
0x4f: {  	_ =	shalt  }
0x50: {  	_ =	shalt  }
0x51: {  	_ =	shalt  }
0x52: {  	_ =	shalt  }
0x53: {  	_ =	shalt  }
0x54: {  	_ =	shalt  }
0x55: {  	_ =	shalt  }
0x56: {  	_ =	shalt  }
0x57: {  	_ =	shalt  }
0x58: {  	_ =	shalt  }
0x59: {  	_ =	shalt  }
0x5a: {  	_ =	shalt  }
0x5b: {  	_ =	shalt  }
0x5c: {  	_ =	shalt  }
0x5d: {  	_ =	shalt  }
0x5e: {  	_ =	shalt  }
0x5f: {  	_ =	shalt  }
0x60: {  	_ =	shalt  }
0x61: {  	_ =	shalt  }
0x62: {  	_ =	shalt  }
0x63: {  	_ =	shalt  }
0x64: {  	_ =	shalt  }
0x65: {  	_ =	shalt  }
0x66: {  	_ =	shalt  }
0x67: {  	_ =	shalt  }
0x68: {  	_ =	shalt  }
0x69: {  	_ =	shalt  }
0x6a: {  	_ =	shalt  }
0x6b: {  	_ =	shalt  }
0x6c: {  	_ =	shalt  }
0x6d: {  	_ =	shalt  }
0x6e: {  	_ =	shalt  }
0x6f: {  	_ =	shalt  }
0x70: {  	_ =	shalt  }
0x71: {  	_ =	shalt  }
0x72: {  	_ =	shalt  }
0x73: {  	_ =	shalt  }
0x74: {  	_ =	shalt  }
0x75: {  	_ =	shalt  }
0x76: {  	_ =	shalt  }
0x77: {  	_ =	shalt  }
0x78: {  	_ =	shalt  }
0x79: {  	_ =	shalt  }
0x7a: {  	_ =	shalt  }
0x7b: {  	_ =	shalt  }
0x7c: {  	_ =	shalt  }
0x7d: {  	_ =	shalt  }
0x7e: {  	_ =	shalt  }
0x7f: {  	_ =	shalt  }
0x80: {  	_ =	shalt  }
0x81: {  	_ =	shalt  }
0x82: {  	_ =	shalt  }
0x83: {  	_ =	shalt  }
0x84: {  	_ =	shalt  }
0x85: {  	_ =	shalt  }
0x86: {  	_ =	shalt  }
0x87: {  	_ =	shalt  }
.Lfunc_end0:
.L_simem_size_0:
called_computation_lowered:
.L_overlay_start_0:
0x88: {  	s2 =	sld [smem:$0x3FD9]  }
0x89: {  	s3 =	sld [smem:$0x3FFE];
	_ =	sdelay $0x1  }
0x8a: {  	s1 =	srdreg.scid  }
0x8b: {  	s0 =	sand.u32 $0x1, s1  }
0x8c: {  	s17 =	sshll.u32 s0, $0xA;
	s2 =	sadd.s32 s3, s2  }
0x8d: {  	s2 =	sadd.s32 s2, s17  }
0x8e: {  	[smem:$0x3FB1] =	sst s2  }
0x8f: {  	_ = 	snop  }
0x90: {  	(tm) =	ssettm $0x1  }
0x91: {  	s18 =	sld [smem:$0x3FFB];
	_ =	sdelay $0x3  }
0x92: {  	_ =	strace s18  }
0x93: {  	s2 =	sld [smem:$0x3FFC];
	_ =	sdelay $0x3  }
0x94: {  	_ =	strace s2  }
0x95: {  	s2 =	sld [smem:$0x3FFD];
	_ =	sdelay $0x3  }
0x96: {  	_ =	strace s2  }
0x97: {  	_ =	strace $0x8FFFFFFF  }
0x98: {  	s19 =	sld [smem:$0x3FDB];
	_ =	sdelay $0x1  }
0x99: {  	s20 =	simm.s32 $_scs_section_size  }
0x9a: {  	s4 =	simm.s32 $_size__tile_overlayer_lowered;
	s5 =	simm.s32 $_tile_overlayer_lowered  }
0x9b: {  	s6 =	simm.s32 $0x1BFF;
	s21 =	sshll.u32 s5, $0x1;
	s3 =	sadd.s32 s20, s19  }
0x9c: {  	s22 =	simm.s32 $0x0;
	s4 =	sshll.u32 s4, $0x1;
	s5 =	sadd.s32 s21, s3  }
0x9d: {  	[timem:s22], [sflag:s6] =	dma.local [hbm:s5], s4  }
0x9e: {  	_ =	swait.ge [sflag:s6], s4  }
0x9f: {  	s4 =	ssub.s32 $0x0, s4;
	[sflag:s6] =	ssyncset.done $0x0  }
0xa0: {  	[sflag:s6] =	ssyncadd.s32 s4;
	_ =	sdelay $0x1  }
0xa1: {  	s23 =	simm.s32 $0x1B8B  }
0xa2: {  	_ =	swait.ge [sflag:s23], $0x1  }
0xa3: {  	[sflag:s23] =	ssyncset.done $0x0  }
0xa4: {  	[sflag:s23] =	ssyncadd.s32 $0xFFFFFFFF  }
0xa5: {  	s4 =	sld [smem:$0x0]  }
0xa6: {  	s5 =	sand.u32 $0xFFFFFFFE, s1  }
0xa7: {  	p0 =	sne.s32 s1, s5  }
0xa8: {  	s5 =	sshll.u32 @p0 s5, $0xE  }
0xa9: {  	s5 =	sadd.s32 @p0 $0x11B8D, s5;
	s6 =	sshll.u32 @p0 s4, $0x11  }
0xaa: {  	s5 =	sor.u32 @p0 s6, s5  }
0xab: {  	[sflag:s5] =	ssyncadd.remote.s32 @p0 $0x1;
	_ =	sdelay $0x1  }
0xac: {  	s5 =	simm.s32 @p0 $0x1B8D  }
0xad: {  	_ =	swait.eq @p0 [sflag:s5], $0x1  }
0xae: {  	[sflag:s5] =	ssyncadd.s32 @p0 $0xFFFFFFFF  }
0xaf: {  	s6 =	sshll.u32 @!p0 s1, $0xE  }
0xb0: {  	s6 =	sor.u32 @!p0 $0x4000, s6;
	s5 =	simm.s32 @!p0 $0x1B8D  }
0xb1: {  	s4 =	sshll.u32 @!p0 s4, $0x11;
	s6 =	sadd.s32 @!p0 $0x11B8D, s6;
	_ =	swait.eq @!p0 [sflag:s5], $0x1  }
0xb2: {  	s4 =	sor.u32 @!p0 s4, s6;
	[sflag:s5] =	ssyncadd.s32 @!p0 $0xFFFFFFFF  }
0xb3: {  	s25 =	simm.s32 $0x1B8E;
	s24 =	sld [smem:$0x3FFE];
	[sflag:s4] =	ssyncadd.remote.s32 @!p0 $0x1  }
0xb4: {  	s26 =	simm.s32 $execute0_lowered;
	[smem:$0x3FD2] =	sst s25  }
0xb5: {  	s5 =	sshll.u32 s26, $0x1;
	_ =	strace $0x80000049;
	[dreg:$0x1] =	wrdreg $0xFFFFFFFF  }
0xb6: {  	s28 =	simm.s32 $_size_execute0_lowered;
	s3 =	sadd.s32 s3, s5;
	[dreg:$0x0] =	wrdreg $0x0  }
0xb7: {  	s5 =	sshll.u32 s28, $0x1;
	[dreg:$0x2] =	wrdreg s3  }
0xb8: {  	[dreg:$0x3] =	wrdreg s5  }
0xb9: {  	[dreg:$0x4] =	wrdreg $0xC0  }
0xba: {  	_ =	task [dreg:s22], $0x5FFFF  }
0xbb: {  	[dreg:$0x1] =	wrdreg $0xFFFFFFFF  }
0xbc: {  	[dreg:$0x0] =	wrdreg $0x60  }
0xbd: {  	[dreg:$0x2] =	wrdreg s24  }
0xbe: {  	[dreg:$0x3] =	wrdreg $0x0  }
0xbf: {  	[dreg:$0x4] =	wrdreg $0x9  }
0xc0: {  	_ =	task.clear_ibuf [dreg:s22], $0x5FFFF;
	_ =	strace $0x90000049  }
0xc1: {  	s29 =	simm.s32 $0x9;
	_ =	strace $0x8000004B  }
0xc2: {  	_ =	swait.ge [sflag:s29], $0x1  }
0xc3: {  	[sflag:s29] =	ssyncadd.s32 $0xFFFFFFFF  }
0xc4: {  	_ =	strace $0x9000004B  }
0xc5: {  	_ =	sfence  }
0xc6: {  	s30 =	sld [smem:$0x0];
	_ =	sdelay $0x2  }
0xc7: {  	s31 =	sshll.u32 s1, $0xD;
	s1 =	sshrl.u32 s1, $0x2  }
0xc8: {  	s4 =	sand.u32 $0x4000, s31;
	s1 =	sadd.s32 s1, s30  }
0xc9: {  	s0 =	sor.u32 s4, s0;
	s1 =	sshll.u32 s1, $0x11  }
0xca: {  	s0 =	sor.u32 s1, s0  }
0xcb: {  	s0 =	sadd.s32 $0x8F2B, s0  }
0xcc: {  	[sflag:s0] =	ssyncadd.remote.s32 $0x1  }
0xcd: {  	_ =	sfence.sel $0xFFFF  }
0xce: {  	[dreg:$0x0] =	wrdreg $0xFFFFFFFF;
	(pc) =	sbr.abs _section_cstart, $3  }
0xcf: {  	[dreg:$0x1] =	wrdreg $0xFFFFFFFF  }
0xd0: {  	_ =	task.clear_ibuf [dreg:s22], $0x2FFFF;
	_ =	strace $0x9FFFFFFF  }
0xd1: {  	(tm) =	ssettm $0x7FFFFFFF  }
tec
execute0_lowered:
.L_overlay_start_1:
0x0: {  	(tag) =	ssettag $0x1  }
0x1: {  	s5 =	rddreg [dreg:$0x0]  }
0x2: {  	s2 =	rddreg [dreg:$0x1]  }
0x3: {  	s0 =	rddreg [dreg:$0x2];
	s1 =	stileid.u32  }
0x4: {  	s4 =	srdreg.scid;
	s3 =	simm.s32 $0x0;
	s16 =	simm.s32 $0x18480  }
0x5: {  	s17 =	simm.s32 $0x1;
	s18 =	simm.s32 $0x2;
	s6 =	smul.u32 $0x2780, s1  }
0x6: {  	s19 =	simm.s32 $0x0;
	s7 =	sand.u32 $0x1, s4;
	s9 =	smul.u32 $0x4F000, s1  }
0x7: {  	s24 =	sshll.u32 s1, $0x1;
	[smem:$0x7FF] =	sst s3;
	s28 =	smul.u32 $0xA0000, s1  }
0x8: {  	s11 =	sadd.s32 $0x177000, s5;
	s14 =	sadd.s32 $0x128400, s2;
	s15 =	smul.u32 $0x14000, s1  }
0x9: {  	p0 =	seq.s32 s1, $0xF;
	s4 =	sor.u32 s7, s24;
	s13 =	smul.u32 $0x50000, s7  }
0xa: {  	_ =	strace $0x8000004A;
	s8 =	ssub.s32 $0x2, s7;
	s29 =	smul.u32 $0xA000, s7  }
0xb: {  	s4 =	smul.u32 $0x180, s4;
	s6 =	sadd.s32 s6, s5;
	s25 =	sshrl.u32 s8, $0x1  }
0xc: {  	s26 =	sshrl.u32 s9, $0x2;
	s31 =	sadd.s32 s15, s11;
	s15 =	simm.s32 $0x14480  }
0xd: {  	s8 =	ssub.s32 s8, s25;
	s12 =	sadd.s32 s26, s2;
	s9 =	sadd.s32 s13, s28  }
0xe: {  	s13 =	simm.s32 $0x3;
	s10 =	sadd.s32 s4, s5;
	s4 =	sadd.s32 $0xA600, s6  }
0xf: {  	s5 =	sadd.s32 $0x2F680, s5;
	s7 =	smax.u32 s8, $0x1;
	s30 =	sshrl.u32 s9, $0x3  }
0x10: {  	s9 =	sadd.s32 s29, s31;
	s12 =	sshrl.u32 @!p0 s12, $0x3;
	s6 =	sadd.s32 $0x174000, s10  }
0x11: {  	s8 =	sadd.s32 s30, s11;
	s9 =	sadd.s32 $0x800, s9;
	s11 =	sshll.u32 @!p0 s1, $0x6  }
0x12: {  	s10 =	sshrl.u32 @p0 s14, $0x3;
	s14 =	simm.s32 $0x80;
	s11 =	sor.u32 @!p0 $0x1C03, s11  }
.LBB2_1:
0x13: {  	s20 =	simm.s32 @p0 $0x1FC3  }
0x14: {  	[spmem:s10], [sflag:s20] =	dma.local @p0 [hbm:s5], $0x2080  }
0x15: {  	s20 =	simm.s32 @p0 $0x3  }
0x16: {  	_ =	swait.ge @p0 [sflag:s20], $0x2080  }
0x17: {  	[sflag:s20] =	ssyncset.done @p0 $0x0  }
0x18: {  	[sflag:s20] =	ssyncadd.s32 @p0 $0xFFFFDF80;
	s20 =	simm.s32 @!p0 $0x3  }
0x19: {  	[spmem:s12], [sflag:s11] =	dma.local @!p0 [hbm:s4], $0x2780  }
0x1a: {  	_ =	swait.ge @!p0 [sflag:s20], $0x2780  }
0x1b: {  	[sflag:s20] =	ssyncset.done @!p0 $0x0  }
0x1c: {  	[sflag:s20] =	ssyncadd.s32 @!p0 $0xFFFFD880;
	s20 =	simm.s32 $0x13880  }
0x1d: {  	[tilespmem:s20], [sflag:$0x3] =	stream.linear.gather [hbm4b:s6+s3], $0xA00, $0x38;
	[tilespmem:$0x1C480] =	vst v63  }
0x1e: {  	_ =	swait.ge [sflag:s13], $0xA00  }
0x1f: {  	[sflag:s13] =	ssyncset.done $0x0  }
0x20: {  	[sflag:s13] =	ssyncadd.s32 $0xFFFFF600  }
0x21: {  	[bflag:$0x0] =	sbarrier.arrive $0xFFFF  }
0x22: {  	[tilespmem:s15], [sflag:$0x1] =	stream.indirect.gather [spmem:s2], $0x80, s20, s14, $0xb8;
	[tilespmem:$0x1C480] =	vst v63  }
0x23: {  	s21 =	simm.s32 $0x13900  }
0x24: {  	[tilespmem:s16], [sflag:$0x1] =	stream.indirect.gather [spmem:s2], $0x80, s21, s14, $0xb8;
	[tilespmem:$0x1C480] =	vst v63  }
0x25: {  	_ =	swait.ge [sflag:s17], $0x4000  }
0x26: {  	[sflag:s17] =	ssyncset.done $0x0  }
0x27: {  	s30 =	sadd.s32 $0x0, s8;
	[sflag:s17] =	ssyncadd.s32 $0xFFFFC000  }
0x28: {  	[hbm4b:s30+s3] =	stream.linear.scatter [tilespmem:s15], [sflag:$0x2], $0x4000, $0x38;
	[tilespmem:$0x1C480] =	vst v63  }
0x29: {  	_ =	swait.ge [sflag:s17], $0x4000  }
0x2a: {  	[sflag:s17] =	ssyncset.done $0x0  }
0x2b: {  	s31 =	sadd.s32 $0x0, s9;
	[sflag:s17] =	ssyncadd.s32 $0xFFFFC000  }
0x2c: {  	[hbm4b:s31+s3] =	stream.linear.scatter [tilespmem:s16], [sflag:$0x2], $0x4000, $0x38;
	[tilespmem:$0x1C480] =	vst v63  }
0x2d: {  	_ =	swait.ge [sflag:s18], $0x4000  }
0x2e: {  	[sflag:s18] =	ssyncset.done $0x0  }
0x2f: {  	[sflag:s18] =	ssyncadd.s32 $0xFFFFC000  }
0x30: {  	_ =	swait.ge [sflag:s18], $0x4000  }
0x31: {  	s21 =	simm.s32 $0x1000;
	[sflag:s18] =	ssyncset.done $0x0  }
.LBB2_2:
0x32: {  	p1 =	sne.s32 s21, $0x9000;
	[sflag:s18] =	ssyncadd.s32 $0xFFFFC000;
	s20 =	sadd.s32 $0x100, s20  }
0x33: {  	[tilespmem:s15], [sflag:$0x1] =	stream.indirect.gather [spmem:s2], $0x80, s20, s14, $0xb8;
	[tilespmem:$0x1C480] =	vst v63  }
0x34: {  	s23 =	smov.u32 s21;
	s21 =	sadd.s32 $0x1000, s21;
	s22 =	sadd.s32 $0x80, s20  }
0x35: {  	[tilespmem:s16], [sflag:$0x1] =	stream.indirect.gather [spmem:s2], $0x80, s22, s14, $0xb8;
	[tilespmem:$0x1C480] =	vst v63  }
0x36: {  	_ =	swait.ge [sflag:s17], $0x4000  }
0x37: {  	[sflag:s17] =	ssyncset.done $0x0  }
0x38: {  	s22 =	sadd.s32 s23, s8;
	[sflag:s17] =	ssyncadd.s32 $0xFFFFC000  }
0x39: {  	[hbm4b:s22+s3] =	stream.linear.scatter [tilespmem:s15], [sflag:$0x2], $0x4000, $0x38;
	[tilespmem:$0x1C480] =	vst v63  }
0x3a: {  	_ =	swait.ge [sflag:s17], $0x4000  }
0x3b: {  	[sflag:s17] =	ssyncset.done $0x0  }
0x3c: {  	s22 =	sadd.s32 s23, s9;
	[sflag:s17] =	ssyncadd.s32 $0xFFFFC000  }
0x3d: {  	[hbm4b:s22+s3] =	stream.linear.scatter [tilespmem:s16], [sflag:$0x2], $0x4000, $0x38;
	[tilespmem:$0x1C480] =	vst v63  }
.Ltmp0:
0x3e: {  	_ =	swait.ge [sflag:s18], $0x4000;
	(pc) =	sbr.rel @p1 .LBB2_2-.Ltmp0, $4  }
0x3f: {  	[sflag:s18] =	ssyncset.done $0x0  }
0x40: {  	[sflag:s18] =	ssyncadd.s32 $0xFFFFC000  }
0x41: {  	_ =	swait.ge [sflag:s18], $0x4000  }
0x42: {  	[sflag:s18] =	ssyncset.done $0x0  }
0x43: {  	s19 =	sadd.s32 $0x1, s19  }
0x44: {  	p1 =	sne.s32 s19, s7  }
.Ltmp1:
0x45: {  	_ = 	snop;
	(pc) =	sbr.rel @p1 .LBB2_1-.Ltmp1, $2  }
0x46: {  	_ =	sdelay $0x2  }
0x47: {  	[sflag:s18] =	ssyncadd.s32 $0xFFFFC000  }
0x48: {  	_ =	sfence.sel $0x180000  }
0x49: {  	[bflag:$0x0] =	sbarrier.arrive $0xFFFF  }
0x4a: {  	p0 =	sne.s32 s1, $0x0;
	_ =	strace $0x9000004A  }
0x4b: {  	s0 =	sadd.s32 @!p0 $0x100000, s0;
	[bflag:$0x2] =	sbarrier.arrive $0xFFFF  }
0x4c: {  	[sflag:s0] =	ssyncadd.tile.s32 @!p0 $0x1;
	_ =	shalt  }
.Lfunc_end2:
_tile_overlayer_lowered:
.L_overlay_start_2:
0x4d: {  	(tag) =	ssettag $0x2  }
0x4e: {  	s0 =	rddreg [dreg:$0x0];
	s2 =	stileid.u32  }
0x4f: {  	s1 =	rddreg [dreg:$0x1];
	p0 =	sne.s32 s2, $0x0  }
0x50: {  	s3 =	rddreg [dreg:$0x2];
	[bflag:$0x3] =	sbarrier.arrive $0xFFFF;
	s2 =	simm.s32 @!p0 $0x1C03  }
0x51: {  	[timem:s3], [sflag:s2] =	dma.local @!p0 [hbm:s0], s1  }
0x52: {  	s0 =	simm.s32 @!p0 $0x3  }
0x53: {  	_ =	swait.ge @!p0 [sflag:s0], s1  }
0x54: {  	s1 =	ssub.s32 @!p0 $0x0, s1;
	[sflag:s0] =	ssyncset.done @!p0 $0x0  }
0x55: {  	[sflag:s0] =	ssyncadd.s32 @!p0 s1  }
0x56: {  	[bflag:$0x3] =	sbarrier.arrive $0xFFFF  }
0x57: {  	_ =	shalt  }

// kernel: kernel.21.cloned.1.call-start
scs
__scs_entry_jumppad:
0x0: {  	(pc) =	sbr.rel $0x88, $3  }
0x1: {  	(tag) =	ssettag $0x0;
	lr =	simm.s32 $0x1  }
0x2: {  	[smem:$0x3F8A] =	sst lr;
	_ =	strace $0xD0000000  }
0x3: {  	_ = 	snop  }
0x4: {  	_ = 	snop  }
0x5: {  	_ = 	snop  }
0x6: {  	_ = 	snop  }
0x7: {  	_ = 	snop  }
__scs_overlays_trampoline_lowered:
0x8: {  	[smem:$0x3F99] =	sst s0  }
0x9: {  	[smem:$0x3F9A] =	sst s1  }
0xa: {  	[smem:$0x3F9B] =	sst s2  }
0xb: {  	[smem:$0x3F9C] =	sst s3  }
0xc: {  	[smem:$0x3F9D] =	sst s4  }
0xd: {  	[smem:$0x3F9E] =	sst s5  }
0xe: {  	[smem:$0x3F9F] =	sst s6  }
0xf: {  	[smem:$0x3FA0] =	sst s7  }
0x10: {  	[smem:$0x3FA1] =	sst s8  }
0x11: {  	[smem:$0x3FA2] =	sst s9;
	s0 =	simm.s32 @!p0 $0x0  }
0x12: {  	s1 =	sld [smem:$0x3F88];
	s0 =	simm.s32 @p0 $0x1  }
0x13: {  	[smem:$0x3FA3] =	sst s0;
	s0 =	simm.s32 @!p1 $0x0  }
0x14: {  	s2 =	sld [smem:$0x3F87];
	s0 =	simm.s32 @p1 $0x1  }
0x15: {  	[smem:$0x3FA4] =	sst s0;
	s0 =	simm.s32 @!p2 $0x0  }
0x16: {  	s3 =	sld [smem:$0x3FDB];
	s0 =	simm.s32 @p2 $0x1  }
0x17: {  	s4 =	simm.s32 $0x1BF5;
	[smem:$0x3FA6] =	sst s0  }
0x18: {  	s0 =	sld [smem:$0x3F89];
	_ =	swait.ge [sflag:s4], $0x0  }
0x19: {  	s7 =	sld [smem:$0x3F8A]  }
0x1a: {  	s8 =	sadd.s32 $0xFFFFE003, lr  }
0x1b: {  	s9 =	sadd.s32 $0xFFFFFEF7, lr;
	s5 =	simm.s32 $0xFFFFFFFF;
	p2 =	slt.u32 s8, $0xFFFFF086  }
0x1c: {  	p1 =	slt.u32 s9, $0xF7A;
	s5 =	simm.s32 @!p2 $0x0  }
0x1d: {  	s5 =	simm.s32 @p1 $0x1;
	p0 =	seq.s32 s7, s2  }
0x1e: {  	s7 =	smul.u32 @!p0 $0xF7A, s2;
	p2 =	seq.s32 @!p0 s5, $0x0  }
0x1f: {  	s9 =	smul.u32 $0xF7A, s1;
	s8 =	simm.s32 @!p0 $0x1BF5;
	p2 =	por !p2, p0  }
0x20: {  	[sflag:s8] =	ssyncset.s32 @!p0 $0xFFFFF086;
	s6 =	sadd.s32 @!p0 s3, s7;
	s7 =	simm.s32 @!p0 $0x108  }
0x21: {  	s3 =	sadd.s32 s3, s9;
	s6 =	sadd.s32 @!p0 $0x88, s6;
	s7 =	simm.s32 @p2 $0x1082  }
0x22: {  	[simem:s7], [sflag:s8] =	dma.local @!p0 [hbm:s6], $0xF7A  }
0x23: {  	s9 =	sor.u32 $0xD0000000, s2;
	s6 =	simm.s32 $0x108;
	_ =	swait.ge @!p0 [sflag:s8], $0x0  }
0x24: {  	s3 =	sadd.s32 $0x88, s3;
	s6 =	simm.s32 @!p1 $0x1082;
	[sflag:s4] =	ssyncset.s32 $0xFFFFF086  }
0x25: {  	[simem:s6], [sflag:s4] =	dma.local [hbm:s3], $0xF7A  }
0x26: {  	[smem:$0x3F8A] =	sst s1;
	(tag) =	ssettag s2;
	_ =	strace s9  }
0x27: {  	s1 =	sld [smem:$0x3F9A]  }
0x28: {  	s2 =	sld [smem:$0x3F9B]  }
0x29: {  	s4 =	sld [smem:$0x3F9D]  }
0x2a: {  	p0 =	seq.s32 s5, $0x0;
	s5 =	sld [smem:$0x3F9E]  }
0x2b: {  	s6 =	sld [smem:$0x3F9F]  }
0x2c: {  	s7 =	sld [smem:$0x3FA0]  }
0x2d: {  	s3 =	simm.s32 $0x108;
	s8 =	sld [smem:$0x3FA1]  }
0x2e: {  	s3 =	simm.s32 @!p0 $0x1082;
	s9 =	sld [smem:$0x3FA2]  }
0x2f: {  	lr =	sadd.s32 s0, s3;
	s0 =	sld [smem:$0x3F99]  }
0x30: {  	s3 =	sld [smem:$0x3F9C]  }
0x31: {  	[smem:$0x3FA5] =	sst s10  }
0x32: {  	s10 =	sld [smem:$0x3FA3];
	_ =	sdelay $0x3  }
0x33: {  	p0 =	seq.s32 s10, $0x1;
	s10 =	sld [smem:$0x3FA5];
	_ =	sdelay $0x3  }
0x34: {  	[smem:$0x3FA5] =	sst s10  }
0x35: {  	s10 =	sld [smem:$0x3FA4];
	_ =	sdelay $0x3  }
0x36: {  	p1 =	seq.s32 s10, $0x1;
	s10 =	sld [smem:$0x3FA5];
	_ =	sdelay $0x3  }
0x37: {  	[smem:$0x3FA5] =	sst s10  }
0x38: {  	s10 =	sld [smem:$0x3FA6]  }
0x39: {  	_ = 	snop;
	(pc) =	sbr.ind lr, $3  }
0x3a: {  	_ = 	snop  }
0x3b: {  	_ = 	snop  }
0x3c: {  	p2 =	seq.s32 s10, $0x1;
	s10 =	sld [smem:$0x3FA5]  }
0x3d: {  	_ =	shalt  }
0x3e: {  	_ =	shalt  }
0x3f: {  	_ =	shalt  }
0x40: {  	_ =	shalt  }
0x41: {  	_ =	shalt  }
0x42: {  	_ =	shalt  }
0x43: {  	_ =	shalt  }
0x44: {  	_ =	shalt  }
0x45: {  	_ =	shalt  }
0x46: {  	_ =	shalt  }
0x47: {  	_ =	shalt  }
0x48: {  	_ =	shalt  }
0x49: {  	_ =	shalt  }
0x4a: {  	_ =	shalt  }
0x4b: {  	_ =	shalt  }
0x4c: {  	_ =	shalt  }
0x4d: {  	_ =	shalt  }
0x4e: {  	_ =	shalt  }
0x4f: {  	_ =	shalt  }
0x50: {  	_ =	shalt  }
0x51: {  	_ =	shalt  }
0x52: {  	_ =	shalt  }
0x53: {  	_ =	shalt  }
0x54: {  	_ =	shalt  }
0x55: {  	_ =	shalt  }
0x56: {  	_ =	shalt  }
0x57: {  	_ =	shalt  }
0x58: {  	_ =	shalt  }
0x59: {  	_ =	shalt  }
0x5a: {  	_ =	shalt  }
0x5b: {  	_ =	shalt  }
0x5c: {  	_ =	shalt  }
0x5d: {  	_ =	shalt  }
0x5e: {  	_ =	shalt  }
0x5f: {  	_ =	shalt  }
0x60: {  	_ =	shalt  }
0x61: {  	_ =	shalt  }
0x62: {  	_ =	shalt  }
0x63: {  	_ =	shalt  }
0x64: {  	_ =	shalt  }
0x65: {  	_ =	shalt  }
0x66: {  	_ =	shalt  }
0x67: {  	_ =	shalt  }
0x68: {  	_ =	shalt  }
0x69: {  	_ =	shalt  }
0x6a: {  	_ =	shalt  }
0x6b: {  	_ =	shalt  }
0x6c: {  	_ =	shalt  }
0x6d: {  	_ =	shalt  }
0x6e: {  	_ =	shalt  }
0x6f: {  	_ =	shalt  }
0x70: {  	_ =	shalt  }
0x71: {  	_ =	shalt  }
0x72: {  	_ =	shalt  }
0x73: {  	_ =	shalt  }
0x74: {  	_ =	shalt  }
0x75: {  	_ =	shalt  }
0x76: {  	_ =	shalt  }
0x77: {  	_ =	shalt  }
0x78: {  	_ =	shalt  }
0x79: {  	_ =	shalt  }
0x7a: {  	_ =	shalt  }
0x7b: {  	_ =	shalt  }
0x7c: {  	_ =	shalt  }
0x7d: {  	_ =	shalt  }
0x7e: {  	_ =	shalt  }
0x7f: {  	_ =	shalt  }
0x80: {  	_ =	shalt  }
0x81: {  	_ =	shalt  }
0x82: {  	_ =	shalt  }
0x83: {  	_ =	shalt  }
0x84: {  	_ =	shalt  }
0x85: {  	_ =	shalt  }
0x86: {  	_ =	shalt  }
0x87: {  	_ =	shalt  }
.Lfunc_end0:
.L_simem_size_0:
called_computation.1_lowered:
.L_overlay_start_0:
0x88: {  	s2 =	sld [smem:$0x3FD9]  }
0x89: {  	s3 =	sld [smem:$0x3FFE];
	_ =	sdelay $0x1  }
0x8a: {  	s1 =	srdreg.scid  }
0x8b: {  	s0 =	sand.u32 $0x1, s1  }
0x8c: {  	s16 =	sshll.u32 s0, $0xA;
	s2 =	sadd.s32 s3, s2  }
0x8d: {  	s2 =	sadd.s32 s2, s16  }
0x8e: {  	[smem:$0x3FB1] =	sst s2  }
0x8f: {  	_ = 	snop  }
0x90: {  	(tm) =	ssettm $0x1  }
0x91: {  	s17 =	sld [smem:$0x3FFB];
	_ =	sdelay $0x3  }
0x92: {  	_ =	strace s17  }
0x93: {  	s2 =	sld [smem:$0x3FFC];
	_ =	sdelay $0x3  }
0x94: {  	_ =	strace s2  }
0x95: {  	s2 =	sld [smem:$0x3FFD];
	_ =	sdelay $0x3  }
0x96: {  	_ =	strace s2  }
0x97: {  	_ =	strace $0x8FFFFFFF  }
0x98: {  	s18 =	sld [smem:$0x3FDB];
	_ =	sdelay $0x1  }
0x99: {  	s19 =	simm.s32 $_scs_section_size  }
0x9a: {  	s4 =	simm.s32 $_size__tile_overlayer_lowered;
	s5 =	simm.s32 $_tile_overlayer_lowered  }
0x9b: {  	s22 =	simm.s32 $0x1BFF;
	s21 =	sshll.u32 s5, $0x1;
	s2 =	sadd.s32 s19, s18  }
0x9c: {  	s6 =	simm.s32 $0x0;
	s20 =	sshll.u32 s4, $0x1;
	s4 =	sadd.s32 s21, s2  }
0x9d: {  	[timem:s6], [sflag:s22] =	dma.local [hbm:s4], s20  }
0x9e: {  	_ =	swait.ge [sflag:s22], s20  }
0x9f: {  	s3 =	ssub.s32 $0x0, s20;
	[sflag:s22] =	ssyncset.done $0x0  }
0xa0: {  	[sflag:s22] =	ssyncadd.s32 s3;
	_ =	sdelay $0x1  }
0xa1: {  	s23 =	simm.s32 $0x1B8B  }
0xa2: {  	_ =	swait.ge [sflag:s23], $0x1  }
0xa3: {  	[sflag:s23] =	ssyncset.done $0x0  }
0xa4: {  	s25 =	simm.s32 $0x1B8E;
	s24 =	sld [smem:$0x3FFE];
	[sflag:s23] =	ssyncadd.s32 $0xFFFFFFFF  }
0xa5: {  	s26 =	simm.s32 $execute0_lowered;
	[smem:$0x3FD2] =	sst s25  }
0xa6: {  	s4 =	sshll.u32 s26, $0x1;
	_ =	strace $0x80000046;
	[dreg:$0x1] =	wrdreg $0xFFFFFFFF  }
0xa7: {  	s28 =	simm.s32 $_size_execute0_lowered;
	s2 =	sadd.s32 s2, s4;
	[dreg:$0x0] =	wrdreg $0x0  }
0xa8: {  	s4 =	sshll.u32 s28, $0x1;
	[dreg:$0x2] =	wrdreg s2  }
0xa9: {  	[dreg:$0x3] =	wrdreg s4  }
0xaa: {  	[dreg:$0x4] =	wrdreg $0xC0  }
0xab: {  	_ =	task [dreg:s6], $0x5FFFF  }
0xac: {  	[dreg:$0x1] =	wrdreg $0xFFFFFFFF  }
0xad: {  	[dreg:$0x0] =	wrdreg $0x60  }
0xae: {  	[dreg:$0x2] =	wrdreg s24  }
0xaf: {  	[dreg:$0x3] =	wrdreg $0x0  }
0xb0: {  	[dreg:$0x4] =	wrdreg $0xA  }
0xb1: {  	_ =	task.clear_ibuf [dreg:s6], $0x5FFFF;
	_ =	strace $0x90000046  }
0xb2: {  	s29 =	simm.s32 $0xA;
	_ =	strace $0x80000048  }
0xb3: {  	_ =	swait.ge [sflag:s29], $0x1  }
0xb4: {  	[sflag:s29] =	ssyncadd.s32 $0xFFFFFFFF  }
0xb5: {  	_ =	strace $0x90000048  }
0xb6: {  	_ =	sfence  }
0xb7: {  	s30 =	sld [smem:$0x0];
	_ =	sdelay $0x2  }
0xb8: {  	s31 =	sshll.u32 s1, $0xD;
	s1 =	sshrl.u32 s1, $0x2  }
0xb9: {  	s3 =	sand.u32 $0x4000, s31;
	s1 =	sadd.s32 s1, s30  }
0xba: {  	s0 =	sor.u32 s3, s0;
	s1 =	sshll.u32 s1, $0x11  }
0xbb: {  	s0 =	sor.u32 s1, s0  }
0xbc: {  	s0 =	sadd.s32 $0x8F2B, s0  }
0xbd: {  	[sflag:s0] =	ssyncadd.remote.s32 $0x1  }
0xbe: {  	_ =	sfence.sel $0xFFFF  }
0xbf: {  	[dreg:$0x0] =	wrdreg $0xFFFFFFFF;
	(pc) =	sbr.abs _section_cstart, $3  }
0xc0: {  	[dreg:$0x1] =	wrdreg $0xFFFFFFFF  }
0xc1: {  	_ =	task.clear_ibuf [dreg:s6], $0x2FFFF;
	_ =	strace $0x9FFFFFFF  }
0xc2: {  	(tm) =	ssettm $0x7FFFFFFF  }
0xc3: {  	_ =	shalt  }
tec
execute0_lowered:
.L_overlay_start_1:
0x0: {  	(tag) =	ssettag $0x1  }
0x1: {  	s5 =	rddreg [dreg:$0x0]  }
0x2: {  	s2 =	rddreg [dreg:$0x1]  }
0x3: {  	s0 =	rddreg [dreg:$0x2];
	s1 =	stileid.u32  }
0x4: {  	s4 =	srdreg.scid;
	s3 =	simm.s32 $0x0;
	s16 =	simm.s32 $0x18480  }
0x5: {  	s17 =	simm.s32 $0x1;
	s18 =	simm.s32 $0x2;
	s6 =	smul.u32 $0x2780, s1  }
0x6: {  	s19 =	simm.s32 $0x0;
	s7 =	sand.u32 $0x1, s4;
	s9 =	smul.u32 $0x4F000, s1  }
0x7: {  	s24 =	sshll.u32 s1, $0x1;
	[smem:$0x7FF] =	sst s3;
	s28 =	smul.u32 $0xA0000, s1  }
0x8: {  	s11 =	sadd.s32 $0x31800, s5;
	s14 =	sadd.s32 $0x128400, s2;
	s15 =	smul.u32 $0x14000, s1  }
0x9: {  	p0 =	seq.s32 s1, $0xF;
	s4 =	sor.u32 s7, s24;
	s13 =	smul.u32 $0x50000, s7  }
0xa: {  	_ =	strace $0x80000047;
	s8 =	ssub.s32 $0x2, s7;
	s29 =	smul.u32 $0xA000, s7  }
0xb: {  	s4 =	smul.u32 $0x180, s4;
	s6 =	sadd.s32 s6, s5;
	s25 =	sshrl.u32 s8, $0x1  }
0xc: {  	s26 =	sshrl.u32 s9, $0x2;
	s31 =	sadd.s32 s15, s11;
	s15 =	simm.s32 $0x14480  }
0xd: {  	s8 =	ssub.s32 s8, s25;
	s12 =	sadd.s32 s26, s2;
	s9 =	sadd.s32 s13, s28  }
0xe: {  	s13 =	simm.s32 $0x3;
	s10 =	sadd.s32 s4, s5;
	s4 =	sadd.s32 $0xA600, s6  }
0xf: {  	s5 =	sadd.s32 $0x2F680, s5;
	s7 =	smax.u32 s8, $0x1;
	s30 =	sshrl.u32 s9, $0x3  }
0x10: {  	s9 =	sadd.s32 s29, s31;
	s12 =	sshrl.u32 @!p0 s12, $0x3;
	s6 =	sadd.s32 $0x7600, s10  }
0x11: {  	s8 =	sadd.s32 s30, s11;
	s9 =	sadd.s32 $0x800, s9;
	s11 =	sshll.u32 @!p0 s1, $0x6  }
0x12: {  	s10 =	sshrl.u32 @p0 s14, $0x3;
	s14 =	simm.s32 $0x80;
	s11 =	sor.u32 @!p0 $0x1C03, s11  }
.LBB2_1:
0x13: {  	s20 =	simm.s32 @p0 $0x1FC3  }
0x14: {  	[spmem:s10], [sflag:s20] =	dma.local @p0 [hbm:s5], $0x2080  }
0x15: {  	s20 =	simm.s32 @p0 $0x3  }
0x16: {  	_ =	swait.ge @p0 [sflag:s20], $0x2080  }
0x17: {  	[sflag:s20] =	ssyncset.done @p0 $0x0  }
0x18: {  	[sflag:s20] =	ssyncadd.s32 @p0 $0xFFFFDF80;
	s20 =	simm.s32 @!p0 $0x3  }
0x19: {  	[spmem:s12], [sflag:s11] =	dma.local @!p0 [hbm:s4], $0x2780  }
0x1a: {  	_ =	swait.ge @!p0 [sflag:s20], $0x2780  }
0x1b: {  	[sflag:s20] =	ssyncset.done @!p0 $0x0  }
0x1c: {  	[sflag:s20] =	ssyncadd.s32 @!p0 $0xFFFFD880;
	s20 =	simm.s32 $0x13880  }
0x1d: {  	[tilespmem:s20], [sflag:$0x3] =	stream.linear.gather [hbm4b:s6+s3], $0xA00, $0x38;
	[tilespmem:$0x1C480] =	vst v63  }
0x1e: {  	_ =	swait.ge [sflag:s13], $0xA00  }
0x1f: {  	[sflag:s13] =	ssyncset.done $0x0  }
0x20: {  	[sflag:s13] =	ssyncadd.s32 $0xFFFFF600  }
0x21: {  	[bflag:$0x0] =	sbarrier.arrive $0xFFFF  }
0x22: {  	[tilespmem:s15], [sflag:$0x1] =	stream.indirect.gather [spmem:s2], $0x80, s20, s14, $0xb8;
	[tilespmem:$0x1C480] =	vst v63  }
0x23: {  	s21 =	simm.s32 $0x13900  }
0x24: {  	[tilespmem:s16], [sflag:$0x1] =	stream.indirect.gather [spmem:s2], $0x80, s21, s14, $0xb8;
	[tilespmem:$0x1C480] =	vst v63  }
0x25: {  	_ =	swait.ge [sflag:s17], $0x4000  }
0x26: {  	[sflag:s17] =	ssyncset.done $0x0  }
0x27: {  	s30 =	sadd.s32 $0x0, s8;
	[sflag:s17] =	ssyncadd.s32 $0xFFFFC000  }
0x28: {  	[hbm4b:s30+s3] =	stream.linear.scatter [tilespmem:s15], [sflag:$0x2], $0x4000, $0x38;
	[tilespmem:$0x1C480] =	vst v63  }
0x29: {  	_ =	swait.ge [sflag:s17], $0x4000  }
0x2a: {  	[sflag:s17] =	ssyncset.done $0x0  }
0x2b: {  	s31 =	sadd.s32 $0x0, s9;
	[sflag:s17] =	ssyncadd.s32 $0xFFFFC000  }
0x2c: {  	[hbm4b:s31+s3] =	stream.linear.scatter [tilespmem:s16], [sflag:$0x2], $0x4000, $0x38;
	[tilespmem:$0x1C480] =	vst v63  }
0x2d: {  	_ =	swait.ge [sflag:s18], $0x4000  }
0x2e: {  	[sflag:s18] =	ssyncset.done $0x0  }
0x2f: {  	[sflag:s18] =	ssyncadd.s32 $0xFFFFC000  }
0x30: {  	_ =	swait.ge [sflag:s18], $0x4000  }
0x31: {  	s21 =	simm.s32 $0x1000;
	[sflag:s18] =	ssyncset.done $0x0  }
.LBB2_2:
0x32: {  	p1 =	sne.s32 s21, $0x9000;
	[sflag:s18] =	ssyncadd.s32 $0xFFFFC000;
	s20 =	sadd.s32 $0x100, s20  }
0x33: {  	[tilespmem:s15], [sflag:$0x1] =	stream.indirect.gather [spmem:s2], $0x80, s20, s14, $0xb8;
	[tilespmem:$0x1C480] =	vst v63  }
0x34: {  	s23 =	smov.u32 s21;
	s21 =	sadd.s32 $0x1000, s21;
	s22 =	sadd.s32 $0x80, s20  }
0x35: {  	[tilespmem:s16], [sflag:$0x1] =	stream.indirect.gather [spmem:s2], $0x80, s22, s14, $0xb8;
	[tilespmem:$0x1C480] =	vst v63  }
0x36: {  	_ =	swait.ge [sflag:s17], $0x4000  }
0x37: {  	[sflag:s17] =	ssyncset.done $0x0  }
0x38: {  	s22 =	sadd.s32 s23, s8;
	[sflag:s17] =	ssyncadd.s32 $0xFFFFC000  }
0x39: {  	[hbm4b:s22+s3] =	stream.linear.scatter [tilespmem:s15], [sflag:$0x2], $0x4000, $0x38;
	[tilespmem:$0x1C480] =	vst v63  }
0x3a: {  	_ =	swait.ge [sflag:s17], $0x4000  }
0x3b: {  	[sflag:s17] =	ssyncset.done $0x0  }
0x3c: {  	s22 =	sadd.s32 s23, s9;
	[sflag:s17] =	ssyncadd.s32 $0xFFFFC000  }
0x3d: {  	[hbm4b:s22+s3] =	stream.linear.scatter [tilespmem:s16], [sflag:$0x2], $0x4000, $0x38;
	[tilespmem:$0x1C480] =	vst v63  }
.Ltmp0:
0x3e: {  	_ =	swait.ge [sflag:s18], $0x4000;
	(pc) =	sbr.rel @p1 .LBB2_2-.Ltmp0, $4  }
0x3f: {  	[sflag:s18] =	ssyncset.done $0x0  }
0x40: {  	[sflag:s18] =	ssyncadd.s32 $0xFFFFC000  }
0x41: {  	_ =	swait.ge [sflag:s18], $0x4000  }
0x42: {  	[sflag:s18] =	ssyncset.done $0x0  }
0x43: {  	s19 =	sadd.s32 $0x1, s19  }
0x44: {  	p1 =	sne.s32 s19, s7  }
.Ltmp1:
0x45: {  	_ = 	snop;
	(pc) =	sbr.rel @p1 .LBB2_1-.Ltmp1, $2  }
0x46: {  	_ =	sdelay $0x2  }
0x47: {  	[sflag:s18] =	ssyncadd.s32 $0xFFFFC000  }
0x48: {  	_ =	sfence.sel $0x180000  }
0x49: {  	[bflag:$0x0] =	sbarrier.arrive $0xFFFF  }
0x4a: {  	p0 =	sne.s32 s1, $0x0;
	_ =	strace $0x90000047  }
0x4b: {  	s0 =	sadd.s32 @!p0 $0x100000, s0;
	[bflag:$0x2] =	sbarrier.arrive $0xFFFF  }
0x4c: {  	[sflag:s0] =	ssyncadd.tile.s32 @!p0 $0x1;
	_ =	shalt  }
.Lfunc_end2:
_tile_overlayer_lowered:
.L_overlay_start_2:
0x4d: {  	(tag) =	ssettag $0x2  }
0x4e: {  	s0 =	rddreg [dreg:$0x0];
	s2 =	stileid.u32  }
0x4f: {  	s1 =	rddreg [dreg:$0x1];
	p0 =	sne.s32 s2, $0x0  }
0x50: {  	s3 =	rddreg [dreg:$0x2];
	[bflag:$0x3] =	sbarrier.arrive $0xFFFF;
	s2 =	simm.s32 @!p0 $0x1C03  }
0x51: {  	[timem:s3], [sflag:s2] =	dma.local @!p0 [hbm:s0], s1  }
0x52: {  	s0 =	simm.s32 @!p0 $0x3  }
0x53: {  	_ =	swait.ge @!p0 [sflag:s0], s1  }
0x54: {  	s1 =	ssub.s32 @!p0 $0x0, s1;
	[sflag:s0] =	ssyncset.done @!p0 $0x0  }
0x55: {  	[sflag:s0] =	ssyncadd.s32 @!p0 s1  }
0x56: {  	[bflag:$0x3] =	sbarrier.arrive $0xFFFF  }
0x57: {  	_ =	shalt  }

// kernel: kernel.24.cloned.1.call-start
scs
__scs_entry_jumppad:
0x0: {  	(pc) =	sbr.rel $0x88, $3  }
0x1: {  	(tag) =	ssettag $0x0;
	lr =	simm.s32 $0x1  }
0x2: {  	[smem:$0x3F8A] =	sst lr;
	_ =	strace $0xD0000000  }
0x3: {  	_ = 	snop  }
0x4: {  	_ = 	snop  }
0x5: {  	_ = 	snop  }
0x6: {  	_ = 	snop  }
0x7: {  	_ = 	snop  }
__scs_overlays_trampoline_lowered:
0x8: {  	[smem:$0x3F99] =	sst s0  }
0x9: {  	[smem:$0x3F9A] =	sst s1  }
0xa: {  	[smem:$0x3F9B] =	sst s2  }
0xb: {  	[smem:$0x3F9C] =	sst s3  }
0xc: {  	[smem:$0x3F9D] =	sst s4  }
0xd: {  	[smem:$0x3F9E] =	sst s5  }
0xe: {  	[smem:$0x3F9F] =	sst s6  }
0xf: {  	[smem:$0x3FA0] =	sst s7  }
0x10: {  	[smem:$0x3FA1] =	sst s8  }
0x11: {  	[smem:$0x3FA2] =	sst s9;
	s0 =	simm.s32 @!p0 $0x0  }
0x12: {  	s1 =	sld [smem:$0x3F88];
	s0 =	simm.s32 @p0 $0x1  }
0x13: {  	[smem:$0x3FA3] =	sst s0;
	s0 =	simm.s32 @!p1 $0x0  }
0x14: {  	s2 =	sld [smem:$0x3F87];
	s0 =	simm.s32 @p1 $0x1  }
0x15: {  	[smem:$0x3FA4] =	sst s0;
	s0 =	simm.s32 @!p2 $0x0  }
0x16: {  	s3 =	sld [smem:$0x3FDB];
	s0 =	simm.s32 @p2 $0x1  }
0x17: {  	s4 =	simm.s32 $0x1BF5;
	[smem:$0x3FA6] =	sst s0  }
0x18: {  	s0 =	sld [smem:$0x3F89];
	_ =	swait.ge [sflag:s4], $0x0  }
0x19: {  	s7 =	sld [smem:$0x3F8A]  }
0x1a: {  	s8 =	sadd.s32 $0xFFFFE003, lr  }
0x1b: {  	s9 =	sadd.s32 $0xFFFFFEF7, lr;
	s5 =	simm.s32 $0xFFFFFFFF;
	p2 =	slt.u32 s8, $0xFFFFF086  }
0x1c: {  	p1 =	slt.u32 s9, $0xF7A;
	s5 =	simm.s32 @!p2 $0x0  }
0x1d: {  	s5 =	simm.s32 @p1 $0x1;
	p0 =	seq.s32 s7, s2  }
0x1e: {  	s7 =	smul.u32 @!p0 $0xF7A, s2;
	p2 =	seq.s32 @!p0 s5, $0x0  }
0x1f: {  	s9 =	smul.u32 $0xF7A, s1;
	s8 =	simm.s32 @!p0 $0x1BF5;
	p2 =	por !p2, p0  }
0x20: {  	[sflag:s8] =	ssyncset.s32 @!p0 $0xFFFFF086;
	s6 =	sadd.s32 @!p0 s3, s7;
	s7 =	simm.s32 @!p0 $0x108  }
0x21: {  	s3 =	sadd.s32 s3, s9;
	s6 =	sadd.s32 @!p0 $0x88, s6;
	s7 =	simm.s32 @p2 $0x1082  }
0x22: {  	[simem:s7], [sflag:s8] =	dma.local @!p0 [hbm:s6], $0xF7A  }
0x23: {  	s9 =	sor.u32 $0xD0000000, s2;
	s6 =	simm.s32 $0x108;
	_ =	swait.ge @!p0 [sflag:s8], $0x0  }
0x24: {  	s3 =	sadd.s32 $0x88, s3;
	s6 =	simm.s32 @!p1 $0x1082;
	[sflag:s4] =	ssyncset.s32 $0xFFFFF086  }
0x25: {  	[simem:s6], [sflag:s4] =	dma.local [hbm:s3], $0xF7A  }
0x26: {  	[smem:$0x3F8A] =	sst s1;
	(tag) =	ssettag s2;
	_ =	strace s9  }
0x27: {  	s1 =	sld [smem:$0x3F9A]  }
0x28: {  	s2 =	sld [smem:$0x3F9B]  }
0x29: {  	s4 =	sld [smem:$0x3F9D]  }
0x2a: {  	p0 =	seq.s32 s5, $0x0;
	s5 =	sld [smem:$0x3F9E]  }
0x2b: {  	s6 =	sld [smem:$0x3F9F]  }
0x2c: {  	s7 =	sld [smem:$0x3FA0]  }
0x2d: {  	s3 =	simm.s32 $0x108;
	s8 =	sld [smem:$0x3FA1]  }
0x2e: {  	s3 =	simm.s32 @!p0 $0x1082;
	s9 =	sld [smem:$0x3FA2]  }
0x2f: {  	lr =	sadd.s32 s0, s3;
	s0 =	sld [smem:$0x3F99]  }
0x30: {  	s3 =	sld [smem:$0x3F9C]  }
0x31: {  	[smem:$0x3FA5] =	sst s10  }
0x32: {  	s10 =	sld [smem:$0x3FA3];
	_ =	sdelay $0x3  }
0x33: {  	p0 =	seq.s32 s10, $0x1;
	s10 =	sld [smem:$0x3FA5];
	_ =	sdelay $0x3  }
0x34: {  	[smem:$0x3FA5] =	sst s10  }
0x35: {  	s10 =	sld [smem:$0x3FA4];
	_ =	sdelay $0x3  }
0x36: {  	p1 =	seq.s32 s10, $0x1;
	s10 =	sld [smem:$0x3FA5];
	_ =	sdelay $0x3  }
0x37: {  	[smem:$0x3FA5] =	sst s10  }
0x38: {  	s10 =	sld [smem:$0x3FA6]  }
0x39: {  	_ = 	snop;
	(pc) =	sbr.ind lr, $3  }
0x3a: {  	_ = 	snop  }
0x3b: {  	_ = 	snop  }
0x3c: {  	p2 =	seq.s32 s10, $0x1;
	s10 =	sld [smem:$0x3FA5]  }
0x3d: {  	_ =	shalt  }
0x3e: {  	_ =	shalt  }
0x3f: {  	_ =	shalt  }
0x40: {  	_ =	shalt  }
0x41: {  	_ =	shalt  }
0x42: {  	_ =	shalt  }
0x43: {  	_ =	shalt  }
0x44: {  	_ =	shalt  }
0x45: {  	_ =	shalt  }
0x46: {  	_ =	shalt  }
0x47: {  	_ =	shalt  }
0x48: {  	_ =	shalt  }
0x49: {  	_ =	shalt  }
0x4a: {  	_ =	shalt  }
0x4b: {  	_ =	shalt  }
0x4c: {  	_ =	shalt  }
0x4d: {  	_ =	shalt  }
0x4e: {  	_ =	shalt  }
0x4f: {  	_ =	shalt  }
0x50: {  	_ =	shalt  }
0x51: {  	_ =	shalt  }
0x52: {  	_ =	shalt  }
0x53: {  	_ =	shalt  }
0x54: {  	_ =	shalt  }
0x55: {  	_ =	shalt  }
0x56: {  	_ =	shalt  }
0x57: {  	_ =	shalt  }
0x58: {  	_ =	shalt  }
0x59: {  	_ =	shalt  }
0x5a: {  	_ =	shalt  }
0x5b: {  	_ =	shalt  }
0x5c: {  	_ =	shalt  }
0x5d: {  	_ =	shalt  }
0x5e: {  	_ =	shalt  }
0x5f: {  	_ =	shalt  }
0x60: {  	_ =	shalt  }
0x61: {  	_ =	shalt  }
0x62: {  	_ =	shalt  }
0x63: {  	_ =	shalt  }
0x64: {  	_ =	shalt  }
0x65: {  	_ =	shalt  }
0x66: {  	_ =	shalt  }
0x67: {  	_ =	shalt  }
0x68: {  	_ =	shalt  }
0x69: {  	_ =	shalt  }
0x6a: {  	_ =	shalt  }
0x6b: {  	_ =	shalt  }
0x6c: {  	_ =	shalt  }
0x6d: {  	_ =	shalt  }
0x6e: {  	_ =	shalt  }
0x6f: {  	_ =	shalt  }
0x70: {  	_ =	shalt  }
0x71: {  	_ =	shalt  }
0x72: {  	_ =	shalt  }
0x73: {  	_ =	shalt  }
0x74: {  	_ =	shalt  }
0x75: {  	_ =	shalt  }
0x76: {  	_ =	shalt  }
0x77: {  	_ =	shalt  }
0x78: {  	_ =	shalt  }
0x79: {  	_ =	shalt  }
0x7a: {  	_ =	shalt  }
0x7b: {  	_ =	shalt  }
0x7c: {  	_ =	shalt  }
0x7d: {  	_ =	shalt  }
0x7e: {  	_ =	shalt  }
0x7f: {  	_ =	shalt  }
0x80: {  	_ =	shalt  }
0x81: {  	_ =	shalt  }
0x82: {  	_ =	shalt  }
0x83: {  	_ =	shalt  }
0x84: {  	_ =	shalt  }
0x85: {  	_ =	shalt  }
0x86: {  	_ =	shalt  }
0x87: {  	_ =	shalt  }
.Lfunc_end0:
.L_simem_size_0:
called_computation.2_lowered:
.L_overlay_start_0:
0x88: {  	s2 =	sld [smem:$0x3FD9]  }
0x89: {  	s3 =	sld [smem:$0x3FFE];
	_ =	sdelay $0x1  }
0x8a: {  	s1 =	srdreg.scid  }
0x8b: {  	s0 =	sand.u32 $0x1, s1  }
0x8c: {  	s17 =	sshll.u32 s0, $0xA;
	s2 =	sadd.s32 s3, s2  }
0x8d: {  	s2 =	sadd.s32 s2, s17  }
0x8e: {  	[smem:$0x3FB1] =	sst s2  }
0x8f: {  	_ = 	snop  }
0x90: {  	(tm) =	ssettm $0x1  }
0x91: {  	s18 =	sld [smem:$0x3FFB];
	_ =	sdelay $0x3  }
0x92: {  	_ =	strace s18  }
0x93: {  	s2 =	sld [smem:$0x3FFC];
	_ =	sdelay $0x3  }
0x94: {  	_ =	strace s2  }
0x95: {  	s2 =	sld [smem:$0x3FFD];
	_ =	sdelay $0x3  }
0x96: {  	_ =	strace s2  }
0x97: {  	_ =	strace $0x8FFFFFFF  }
0x98: {  	s19 =	sld [smem:$0x3FDB];
	_ =	sdelay $0x1  }
0x99: {  	s20 =	simm.s32 $_scs_section_size  }
0x9a: {  	s4 =	simm.s32 $_size__tile_overlayer_lowered;
	s5 =	simm.s32 $_tile_overlayer_lowered  }
0x9b: {  	s6 =	simm.s32 $0x1BFF;
	s21 =	sshll.u32 s5, $0x1;
	s3 =	sadd.s32 s20, s19  }
0x9c: {  	s22 =	simm.s32 $0x0;
	s4 =	sshll.u32 s4, $0x1;
	s5 =	sadd.s32 s21, s3  }
0x9d: {  	[timem:s22], [sflag:s6] =	dma.local [hbm:s5], s4  }
0x9e: {  	_ =	swait.ge [sflag:s6], s4  }
0x9f: {  	s4 =	ssub.s32 $0x0, s4;
	[sflag:s6] =	ssyncset.done $0x0  }
0xa0: {  	[sflag:s6] =	ssyncadd.s32 s4;
	_ =	sdelay $0x1  }
0xa1: {  	s23 =	simm.s32 $0x1B8B  }
0xa2: {  	_ =	swait.ge [sflag:s23], $0x1  }
0xa3: {  	[sflag:s23] =	ssyncset.done $0x0  }
0xa4: {  	[sflag:s23] =	ssyncadd.s32 $0xFFFFFFFF  }
0xa5: {  	s4 =	sld [smem:$0x0]  }
0xa6: {  	s5 =	sand.u32 $0xFFFFFFFE, s1  }
0xa7: {  	p0 =	sne.s32 s1, s5  }
0xa8: {  	s5 =	sshll.u32 @p0 s5, $0xE  }
0xa9: {  	s5 =	sadd.s32 @p0 $0x11B8D, s5;
	s6 =	sshll.u32 @p0 s4, $0x11  }
0xaa: {  	s5 =	sor.u32 @p0 s6, s5  }
0xab: {  	[sflag:s5] =	ssyncadd.remote.s32 @p0 $0x1;
	_ =	sdelay $0x1  }
0xac: {  	s5 =	simm.s32 @p0 $0x1B8D  }
0xad: {  	_ =	swait.eq @p0 [sflag:s5], $0x1  }
0xae: {  	[sflag:s5] =	ssyncadd.s32 @p0 $0xFFFFFFFF  }
0xaf: {  	s6 =	sshll.u32 @!p0 s1, $0xE  }
0xb0: {  	s6 =	sor.u32 @!p0 $0x4000, s6;
	s5 =	simm.s32 @!p0 $0x1B8D  }
0xb1: {  	s4 =	sshll.u32 @!p0 s4, $0x11;
	s6 =	sadd.s32 @!p0 $0x11B8D, s6;
	_ =	swait.eq @!p0 [sflag:s5], $0x1  }
0xb2: {  	s4 =	sor.u32 @!p0 s4, s6;
	[sflag:s5] =	ssyncadd.s32 @!p0 $0xFFFFFFFF  }
0xb3: {  	s25 =	simm.s32 $0x1B8E;
	s24 =	sld [smem:$0x3FFE];
	[sflag:s4] =	ssyncadd.remote.s32 @!p0 $0x1  }
0xb4: {  	s26 =	simm.s32 $execute0_lowered;
	[smem:$0x3FD2] =	sst s25  }
0xb5: {  	s5 =	sshll.u32 s26, $0x1;
	_ =	strace $0x8000004F;
	[dreg:$0x1] =	wrdreg $0xFFFFFFFF  }
0xb6: {  	s28 =	simm.s32 $_size_execute0_lowered;
	s3 =	sadd.s32 s3, s5;
	[dreg:$0x0] =	wrdreg $0x0  }
0xb7: {  	s5 =	sshll.u32 s28, $0x1;
	[dreg:$0x2] =	wrdreg s3  }
0xb8: {  	[dreg:$0x3] =	wrdreg s5  }
0xb9: {  	[dreg:$0x4] =	wrdreg $0xC0  }
0xba: {  	_ =	task [dreg:s22], $0x5FFFF  }
0xbb: {  	[dreg:$0x1] =	wrdreg $0xFFFFFFFF  }
0xbc: {  	[dreg:$0x0] =	wrdreg $0x60  }
0xbd: {  	[dreg:$0x2] =	wrdreg s24  }
0xbe: {  	[dreg:$0x3] =	wrdreg $0x0  }
0xbf: {  	[dreg:$0x4] =	wrdreg $0x9  }
0xc0: {  	_ =	task.clear_ibuf [dreg:s22], $0x5FFFF;
	_ =	strace $0x9000004F  }
0xc1: {  	s29 =	simm.s32 $0x9;
	_ =	strace $0x80000051  }
0xc2: {  	_ =	swait.ge [sflag:s29], $0x1  }
0xc3: {  	[sflag:s29] =	ssyncadd.s32 $0xFFFFFFFF  }
0xc4: {  	_ =	strace $0x90000051  }
0xc5: {  	_ =	sfence  }
0xc6: {  	s30 =	sld [smem:$0x0];
	_ =	sdelay $0x2  }
0xc7: {  	s31 =	sshll.u32 s1, $0xD;
	s1 =	sshrl.u32 s1, $0x2  }
0xc8: {  	s4 =	sand.u32 $0x4000, s31;
	s1 =	sadd.s32 s1, s30  }
0xc9: {  	s0 =	sor.u32 s4, s0;
	s1 =	sshll.u32 s1, $0x11  }
0xca: {  	s0 =	sor.u32 s1, s0  }
0xcb: {  	s0 =	sadd.s32 $0x8F2B, s0  }
0xcc: {  	[sflag:s0] =	ssyncadd.remote.s32 $0x1  }
0xcd: {  	_ =	sfence.sel $0xFFFF  }
0xce: {  	[dreg:$0x0] =	wrdreg $0xFFFFFFFF;
	(pc) =	sbr.abs _section_cstart, $3  }
0xcf: {  	[dreg:$0x1] =	wrdreg $0xFFFFFFFF  }
0xd0: {  	_ =	task.clear_ibuf [dreg:s22], $0x2FFFF;
	_ =	strace $0x9FFFFFFF  }
0xd1: {  	(tm) =	ssettm $0x7FFFFFFF  }
tec
execute0_lowered:
.L_overlay_start_1:
0x0: {  	(tag) =	ssettag $0x1  }
0x1: {  	s1 =	srdreg.scid;
	s0 =	stileid.u32  }
0x2: {  	s4 =	rddreg [dreg:$0x0];
	s6 =	smul.u32 $0x13C00, s0  }
0x3: {  	s2 =	rddreg [dreg:$0x1];
	s11 =	smul.u32 $0x4F000, s0  }
0x4: {  	s3 =	simm.s32 $0x0;
	s16 =	simm.s32 $0x80;
	s25 =	smul.u32 $0xA0000, s0  }
0x5: {  	s17 =	simm.s32 $0x2;
	s7 =	sand.u32 $0x1, s1;
	s15 =	smul.u32 $0x14000, s0  }
0x6: {  	s18 =	simm.s32 $0x0;
	s20 =	sshll.u32 s0, $0x1;
	s8 =	smul.u32 $0x13C000, s7  }
0x7: {  	[smem:$0x7FF] =	sst s3;
	s9 =	sadd.s32 $0x31800, s4;
	s14 =	smul.u32 $0x50000, s7  }
0x8: {  	s26 =	sshll.u32 s0, $0x6;
	s1 =	sor.u32 s7, s20;
	s29 =	smul.u32 $0xA000, s7  }
0x9: {  	s22 =	ssub.s32 $0x2, s7;
	s5 =	smul.u32 $0x180, s1;
	s1 =	rddreg [dreg:$0x2]  }
0xa: {  	_ =	strace $0x80000050;
	s21 =	sshrl.u32 s6, $0x3;
	s23 =	sshrl.u32 s22, $0x1  }
0xb: {  	s24 =	sshrl.u32 s11, $0x2;
	s30 =	sadd.s32 s15, s9;
	s15 =	simm.s32 $0x1  }
0xc: {  	s6 =	sadd.s32 s6, s8;
	s8 =	ssub.s32 s22, s23;
	s13 =	sadd.s32 s24, s2  }
0xd: {  	s28 =	sadd.s32 s14, s25;
	s31 =	sadd.s32 s29, s30;
	s14 =	simm.s32 $0x18800  }
0xe: {  	s10 =	sadd.s32 s5, s4;
	s6 =	sshrl.u32 s6, $0x3;
	s5 =	sadd.s32 s21, s4  }
0xf: {  	s8 =	smax.u32 s8, $0x1;
	s11 =	sshrl.u32 s13, $0x3;
	s13 =	simm.s32 $0x14800  }
0x10: {  	s12 =	sadd.s32 s6, s4;
	s4 =	sadd.s32 $0x3F7000, s5;
	s5 =	sor.u32 $0x1C03, s26  }
0x11: {  	s6 =	sadd.s32 $0x46D800, s10;
	s10 =	sshrl.u32 s28, $0x3;
	s7 =	sadd.s32 $0x470800, s12  }
0x12: {  	s9 =	sadd.s32 s10, s9;
	s10 =	sadd.s32 $0x800, s31;
	s12 =	simm.s32 $0x3  }
.LBB2_1:
0x13: {  	[spmem:s11], [sflag:s5] =	dma.local [hbm:s4], $0x2780  }
0x14: {  	_ =	swait.ge [sflag:s12], $0x2780  }
0x15: {  	[sflag:s12] =	ssyncset.done $0x0  }
0x16: {  	s19 =	simm.s32 $0x13C00;
	[sflag:s12] =	ssyncadd.s32 $0xFFFFD880  }
0x17: {  	[tilespmem:s19], [sflag:$0x3] =	stream.linear.gather [hbm4b:s6+s3], $0xA00, $0x38;
	[tilespmem:$0x1C800] =	vst v63  }
0x18: {  	_ =	swait.ge [sflag:s12], $0xA00  }
0x19: {  	[sflag:s12] =	ssyncset.done $0x0  }
0x1a: {  	[sflag:s12] =	ssyncadd.s32 $0xFFFFF600  }
0x1b: {  	s20 =	sadd.s32 $0x0, s9;
	[bflag:$0x0] =	sbarrier.arrive $0xFFFF  }
0x1c: {  	[tilespmem:s13], [sflag:$0x1] =	stream.linear.gather [hbm4b:s20+s3], $0x4000, $0x38;
	[tilespmem:$0x1C800] =	vst v63  }
0x1d: {  	s30 =	sadd.s32 $0x0, s10  }
0x1e: {  	[tilespmem:s14], [sflag:$0x1] =	stream.linear.gather [hbm4b:s30+s3], $0x4000, $0x38;
	[tilespmem:$0x1C800] =	vst v63  }
0x1f: {  	_ =	swait.ge [sflag:s15], $0x4000  }
0x20: {  	[sflag:s15] =	ssyncset.done $0x0  }
0x21: {  	[sflag:s15] =	ssyncadd.s32 $0xFFFFC000  }
0x22: {  	[spmem:s2] =	stream.indirect.scatter.add.f32 [tilespmem:s13], [sflag:$0x2], $0x80, s19, s16, $0xb8;
	[tilespmem:$0x1C800] =	vst v63  }
0x23: {  	_ =	swait.ge [sflag:s15], $0x4000  }
0x24: {  	[sflag:s15] =	ssyncset.done $0x0  }
0x25: {  	s31 =	simm.s32 $0x13C80;
	[sflag:s15] =	ssyncadd.s32 $0xFFFFC000  }
0x26: {  	[spmem:s2] =	stream.indirect.scatter.add.f32 [tilespmem:s14], [sflag:$0x2], $0x80, s31, s16, $0xb8;
	[tilespmem:$0x1C800] =	vst v63  }
0x27: {  	_ =	swait.ge [sflag:s17], $0x4000  }
0x28: {  	[sflag:s17] =	ssyncset.done $0x0  }
0x29: {  	[sflag:s17] =	ssyncadd.s32 $0xFFFFC000  }
0x2a: {  	s21 =	simm.s32 $0x2000;
	_ =	swait.ge [sflag:s17], $0x4000  }
0x2b: {  	s20 =	simm.s32 $0x1000;
	s19 =	simm.s32 $0x13D00;
	[sflag:s17] =	ssyncset.done $0x0  }
.LBB2_2:
0x2c: {  	s22 =	sadd.s32 s20, s9  }
0x2d: {  	[sflag:s17] =	ssyncadd.s32 $0xFFFFC000;
	s23 =	smov.u32 s21;
	s24 =	sadd.s32 $0x1000, s21  }
0x2e: {  	[tilespmem:s13], [sflag:$0x1] =	stream.linear.gather [hbm4b:s22+s3], $0x4000, $0x38;
	[tilespmem:$0x1C800] =	vst v63  }
0x2f: {  	p0 =	sne.s32 s21, $0x9000;
	s21 =	sadd.s32 s20, s10;
	s20 =	smov.u32 s23  }
0x30: {  	[tilespmem:s14], [sflag:$0x1] =	stream.linear.gather [hbm4b:s21+s3], $0x4000, $0x38;
	[tilespmem:$0x1C800] =	vst v63  }
0x31: {  	_ =	swait.ge [sflag:s15], $0x4000  }
0x32: {  	[sflag:s15] =	ssyncset.done $0x0  }
0x33: {  	[sflag:s15] =	ssyncadd.s32 $0xFFFFC000  }
0x34: {  	[spmem:s2] =	stream.indirect.scatter.add.f32 [tilespmem:s13], [sflag:$0x2], $0x80, s19, s16, $0xb8;
	[tilespmem:$0x1C800] =	vst v63  }
0x35: {  	_ =	swait.ge [sflag:s15], $0x4000  }
0x36: {  	[sflag:s15] =	ssyncset.done $0x0  }
0x37: {  	s21 =	sadd.s32 $0x80, s19;
	[sflag:s15] =	ssyncadd.s32 $0xFFFFC000  }
0x38: {  	[spmem:s2] =	stream.indirect.scatter.add.f32 [tilespmem:s14], [sflag:$0x2], $0x80, s21, s16, $0xb8;
	[tilespmem:$0x1C800] =	vst v63  }
.Ltmp0:
0x39: {  	_ =	swait.ge [sflag:s17], $0x4000;
	(pc) =	sbr.rel @p0 .LBB2_2-.Ltmp0, $4  }
0x3a: {  	[sflag:s17] =	ssyncset.done $0x0  }
0x3b: {  	[sflag:s17] =	ssyncadd.s32 $0xFFFFC000  }
0x3c: {  	_ =	swait.ge [sflag:s17], $0x4000  }
0x3d: {  	s19 =	sadd.s32 $0x100, s19;
	s21 =	smov.u32 s24;
	[sflag:s17] =	ssyncset.done $0x0  }
0x3e: {  	s21 =	sadd.s32 s20, s9;
	[sflag:s17] =	ssyncadd.s32 $0xFFFFC000  }
0x3f: {  	[tilespmem:s13], [sflag:$0x1] =	stream.linear.gather [hbm4b:s21+s3], $0x4000, $0x38;
	[tilespmem:$0x1C800] =	vst v63  }
0x40: {  	s30 =	sadd.s32 s20, s10  }
0x41: {  	[tilespmem:s14], [sflag:$0x1] =	stream.linear.gather [hbm4b:s30+s3], $0x4000, $0x38;
	[tilespmem:$0x1C800] =	vst v63  }
0x42: {  	_ =	swait.ge [sflag:s15], $0x4000  }
0x43: {  	[sflag:s15] =	ssyncset.done $0x0  }
0x44: {  	[sflag:s15] =	ssyncadd.s32 $0xFFFFC000  }
0x45: {  	[spmem:s2] =	stream.indirect.scatter.add.f32 [tilespmem:s13], [sflag:$0x2], $0x80, s19, s16, $0xb8;
	[tilespmem:$0x1C800] =	vst v63  }
0x46: {  	_ =	swait.ge [sflag:s15], $0x4000  }
0x47: {  	[sflag:s15] =	ssyncset.done $0x0  }
0x48: {  	s31 =	sadd.s32 $0x80, s19;
	[sflag:s15] =	ssyncadd.s32 $0xFFFFC000  }
0x49: {  	[spmem:s2] =	stream.indirect.scatter.add.f32 [tilespmem:s14], [sflag:$0x2], $0x80, s31, s16, $0xb8;
	[tilespmem:$0x1C800] =	vst v63  }
0x4a: {  	_ =	swait.ge [sflag:s17], $0x4000  }
0x4b: {  	[sflag:s17] =	ssyncset.done $0x0  }
0x4c: {  	[sflag:s17] =	ssyncadd.s32 $0xFFFFC000  }
0x4d: {  	_ =	swait.ge [sflag:s17], $0x4000  }
0x4e: {  	s18 =	sadd.s32 $0x1, s18;
	[sflag:s17] =	ssyncset.done $0x0  }
0x4f: {  	p0 =	sne.s32 s18, s8;
	[sflag:s17] =	ssyncadd.s32 $0xFFFFC000  }
.Ltmp1:
0x50: {  	[bflag:$0x0] =	sbarrier.arrive $0xFFFF;
	(pc) =	sbr.rel @p0 .LBB2_1-.Ltmp1, $4  }
0x51: {  	[hbm:s7], [sflag:s5] =	dma.local [spmem:s11], $0x2780  }
0x52: {  	_ =	swait.ge [sflag:s12], $0x2780  }
0x53: {  	[sflag:s12] =	ssyncset.done $0x0  }
0x54: {  	[sflag:s12] =	ssyncadd.s32 $0xFFFFD880  }
0x55: {  	_ =	sfence.sel $0x180000  }
0x56: {  	[bflag:$0x0] =	sbarrier.arrive $0xFFFF  }
0x57: {  	p0 =	sne.s32 s0, $0x0;
	_ =	strace $0x90000050  }
0x58: {  	s0 =	sadd.s32 @!p0 $0x100000, s1;
	[bflag:$0x2] =	sbarrier.arrive $0xFFFF  }
0x59: {  	[sflag:s0] =	ssyncadd.tile.s32 @!p0 $0x1;
	_ =	shalt  }
.Lfunc_end2:
_tile_overlayer_lowered:
.L_overlay_start_2:
0x5a: {  	(tag) =	ssettag $0x2  }
0x5b: {  	s0 =	rddreg [dreg:$0x0];
	s2 =	stileid.u32  }
0x5c: {  	s1 =	rddreg [dreg:$0x1];
	p0 =	sne.s32 s2, $0x0  }
0x5d: {  	s3 =	rddreg [dreg:$0x2];
	[bflag:$0x3] =	sbarrier.arrive $0xFFFF;
	s2 =	simm.s32 @!p0 $0x1C03  }
0x5e: {  	[timem:s3], [sflag:s2] =	dma.local @!p0 [hbm:s0], s1  }
0x5f: {  	s0 =	simm.s32 @!p0 $0x3  }
0x60: {  	_ =	swait.ge @!p0 [sflag:s0], s1  }
0x61: {  	s1 =	ssub.s32 @!p0 $0x0, s1;
	[sflag:s0] =	ssyncset.done @!p0 $0x0  }
0x62: {  	[sflag:s0] =	ssyncadd.s32 @!p0 s1  }
0x63: {  	[bflag:$0x3] =	sbarrier.arrive $0xFFFF  }
0x64: {  	_ =	shalt  }

// kernel: kernel.27.cloned.1.call-start
scs
__scs_entry_jumppad:
0x0: {  	(pc) =	sbr.rel $0x88, $3  }
0x1: {  	(tag) =	ssettag $0x0;
	lr =	simm.s32 $0x1  }
0x2: {  	[smem:$0x3F8A] =	sst lr;
	_ =	strace $0xD0000000  }
0x3: {  	_ = 	snop  }
0x4: {  	_ = 	snop  }
0x5: {  	_ = 	snop  }
0x6: {  	_ = 	snop  }
0x7: {  	_ = 	snop  }
__scs_overlays_trampoline_lowered:
0x8: {  	[smem:$0x3F99] =	sst s0  }
0x9: {  	[smem:$0x3F9A] =	sst s1  }
0xa: {  	[smem:$0x3F9B] =	sst s2  }
0xb: {  	[smem:$0x3F9C] =	sst s3  }
0xc: {  	[smem:$0x3F9D] =	sst s4  }
0xd: {  	[smem:$0x3F9E] =	sst s5  }
0xe: {  	[smem:$0x3F9F] =	sst s6  }
0xf: {  	[smem:$0x3FA0] =	sst s7  }
0x10: {  	[smem:$0x3FA1] =	sst s8  }
0x11: {  	[smem:$0x3FA2] =	sst s9;
	s0 =	simm.s32 @!p0 $0x0  }
0x12: {  	s1 =	sld [smem:$0x3F88];
	s0 =	simm.s32 @p0 $0x1  }
0x13: {  	[smem:$0x3FA3] =	sst s0;
	s0 =	simm.s32 @!p1 $0x0  }
0x14: {  	s2 =	sld [smem:$0x3F87];
	s0 =	simm.s32 @p1 $0x1  }
0x15: {  	[smem:$0x3FA4] =	sst s0;
	s0 =	simm.s32 @!p2 $0x0  }
0x16: {  	s3 =	sld [smem:$0x3FDB];
	s0 =	simm.s32 @p2 $0x1  }
0x17: {  	s4 =	simm.s32 $0x1BF5;
	[smem:$0x3FA6] =	sst s0  }
0x18: {  	s0 =	sld [smem:$0x3F89];
	_ =	swait.ge [sflag:s4], $0x0  }
0x19: {  	s7 =	sld [smem:$0x3F8A]  }
0x1a: {  	s8 =	sadd.s32 $0xFFFFE003, lr  }
0x1b: {  	s9 =	sadd.s32 $0xFFFFFEF7, lr;
	s5 =	simm.s32 $0xFFFFFFFF;
	p2 =	slt.u32 s8, $0xFFFFF086  }
0x1c: {  	p1 =	slt.u32 s9, $0xF7A;
	s5 =	simm.s32 @!p2 $0x0  }
0x1d: {  	s5 =	simm.s32 @p1 $0x1;
	p0 =	seq.s32 s7, s2  }
0x1e: {  	s7 =	smul.u32 @!p0 $0xF7A, s2;
	p2 =	seq.s32 @!p0 s5, $0x0  }
0x1f: {  	s9 =	smul.u32 $0xF7A, s1;
	s8 =	simm.s32 @!p0 $0x1BF5;
	p2 =	por !p2, p0  }
0x20: {  	[sflag:s8] =	ssyncset.s32 @!p0 $0xFFFFF086;
	s6 =	sadd.s32 @!p0 s3, s7;
	s7 =	simm.s32 @!p0 $0x108  }
0x21: {  	s3 =	sadd.s32 s3, s9;
	s6 =	sadd.s32 @!p0 $0x88, s6;
	s7 =	simm.s32 @p2 $0x1082  }
0x22: {  	[simem:s7], [sflag:s8] =	dma.local @!p0 [hbm:s6], $0xF7A  }
0x23: {  	s9 =	sor.u32 $0xD0000000, s2;
	s6 =	simm.s32 $0x108;
	_ =	swait.ge @!p0 [sflag:s8], $0x0  }
0x24: {  	s3 =	sadd.s32 $0x88, s3;
	s6 =	simm.s32 @!p1 $0x1082;
	[sflag:s4] =	ssyncset.s32 $0xFFFFF086  }
0x25: {  	[simem:s6], [sflag:s4] =	dma.local [hbm:s3], $0xF7A  }
0x26: {  	[smem:$0x3F8A] =	sst s1;
	(tag) =	ssettag s2;
	_ =	strace s9  }
0x27: {  	s1 =	sld [smem:$0x3F9A]  }
0x28: {  	s2 =	sld [smem:$0x3F9B]  }
0x29: {  	s4 =	sld [smem:$0x3F9D]  }
0x2a: {  	p0 =	seq.s32 s5, $0x0;
	s5 =	sld [smem:$0x3F9E]  }
0x2b: {  	s6 =	sld [smem:$0x3F9F]  }
0x2c: {  	s7 =	sld [smem:$0x3FA0]  }
0x2d: {  	s3 =	simm.s32 $0x108;
	s8 =	sld [smem:$0x3FA1]  }
0x2e: {  	s3 =	simm.s32 @!p0 $0x1082;
	s9 =	sld [smem:$0x3FA2]  }
0x2f: {  	lr =	sadd.s32 s0, s3;
	s0 =	sld [smem:$0x3F99]  }
0x30: {  	s3 =	sld [smem:$0x3F9C]  }
0x31: {  	[smem:$0x3FA5] =	sst s10  }
0x32: {  	s10 =	sld [smem:$0x3FA3];
	_ =	sdelay $0x3  }
0x33: {  	p0 =	seq.s32 s10, $0x1;
	s10 =	sld [smem:$0x3FA5];
	_ =	sdelay $0x3  }
0x34: {  	[smem:$0x3FA5] =	sst s10  }
0x35: {  	s10 =	sld [smem:$0x3FA4];
	_ =	sdelay $0x3  }
0x36: {  	p1 =	seq.s32 s10, $0x1;
	s10 =	sld [smem:$0x3FA5];
	_ =	sdelay $0x3  }
0x37: {  	[smem:$0x3FA5] =	sst s10  }
0x38: {  	s10 =	sld [smem:$0x3FA6]  }
0x39: {  	_ = 	snop;
	(pc) =	sbr.ind lr, $3  }
0x3a: {  	_ = 	snop  }
0x3b: {  	_ = 	snop  }
0x3c: {  	p2 =	seq.s32 s10, $0x1;
	s10 =	sld [smem:$0x3FA5]  }
0x3d: {  	_ =	shalt  }
0x3e: {  	_ =	shalt  }
0x3f: {  	_ =	shalt  }
0x40: {  	_ =	shalt  }
0x41: {  	_ =	shalt  }
0x42: {  	_ =	shalt  }
0x43: {  	_ =	shalt  }
0x44: {  	_ =	shalt  }
0x45: {  	_ =	shalt  }
0x46: {  	_ =	shalt  }
0x47: {  	_ =	shalt  }
0x48: {  	_ =	shalt  }
0x49: {  	_ =	shalt  }
0x4a: {  	_ =	shalt  }
0x4b: {  	_ =	shalt  }
0x4c: {  	_ =	shalt  }
0x4d: {  	_ =	shalt  }
0x4e: {  	_ =	shalt  }
0x4f: {  	_ =	shalt  }
0x50: {  	_ =	shalt  }
0x51: {  	_ =	shalt  }
0x52: {  	_ =	shalt  }
0x53: {  	_ =	shalt  }
0x54: {  	_ =	shalt  }
0x55: {  	_ =	shalt  }
0x56: {  	_ =	shalt  }
0x57: {  	_ =	shalt  }
0x58: {  	_ =	shalt  }
0x59: {  	_ =	shalt  }
0x5a: {  	_ =	shalt  }
0x5b: {  	_ =	shalt  }
0x5c: {  	_ =	shalt  }
0x5d: {  	_ =	shalt  }
0x5e: {  	_ =	shalt  }
0x5f: {  	_ =	shalt  }
0x60: {  	_ =	shalt  }
0x61: {  	_ =	shalt  }
0x62: {  	_ =	shalt  }
0x63: {  	_ =	shalt  }
0x64: {  	_ =	shalt  }
0x65: {  	_ =	shalt  }
0x66: {  	_ =	shalt  }
0x67: {  	_ =	shalt  }
0x68: {  	_ =	shalt  }
0x69: {  	_ =	shalt  }
0x6a: {  	_ =	shalt  }
0x6b: {  	_ =	shalt  }
0x6c: {  	_ =	shalt  }
0x6d: {  	_ =	shalt  }
0x6e: {  	_ =	shalt  }
0x6f: {  	_ =	shalt  }
0x70: {  	_ =	shalt  }
0x71: {  	_ =	shalt  }
0x72: {  	_ =	shalt  }
0x73: {  	_ =	shalt  }
0x74: {  	_ =	shalt  }
0x75: {  	_ =	shalt  }
0x76: {  	_ =	shalt  }
0x77: {  	_ =	shalt  }
0x78: {  	_ =	shalt  }
0x79: {  	_ =	shalt  }
0x7a: {  	_ =	shalt  }
0x7b: {  	_ =	shalt  }
0x7c: {  	_ =	shalt  }
0x7d: {  	_ =	shalt  }
0x7e: {  	_ =	shalt  }
0x7f: {  	_ =	shalt  }
0x80: {  	_ =	shalt  }
0x81: {  	_ =	shalt  }
0x82: {  	_ =	shalt  }
0x83: {  	_ =	shalt  }
0x84: {  	_ =	shalt  }
0x85: {  	_ =	shalt  }
0x86: {  	_ =	shalt  }
0x87: {  	_ =	shalt  }
.Lfunc_end0:
.L_simem_size_0:
called_computation.3_lowered:
.L_overlay_start_0:
0x88: {  	s2 =	sld [smem:$0x3FD9]  }
0x89: {  	s3 =	sld [smem:$0x3FFE];
	_ =	sdelay $0x1  }
0x8a: {  	s1 =	srdreg.scid  }
0x8b: {  	s0 =	sand.u32 $0x1, s1  }
0x8c: {  	s17 =	sshll.u32 s0, $0xA;
	s2 =	sadd.s32 s3, s2  }
0x8d: {  	s2 =	sadd.s32 s2, s17  }
0x8e: {  	[smem:$0x3FB1] =	sst s2  }
0x8f: {  	_ = 	snop  }
0x90: {  	(tm) =	ssettm $0x1  }
0x91: {  	s18 =	sld [smem:$0x3FFB];
	_ =	sdelay $0x3  }
0x92: {  	_ =	strace s18  }
0x93: {  	s2 =	sld [smem:$0x3FFC];
	_ =	sdelay $0x3  }
0x94: {  	_ =	strace s2  }
0x95: {  	s2 =	sld [smem:$0x3FFD];
	_ =	sdelay $0x3  }
0x96: {  	_ =	strace s2  }
0x97: {  	_ =	strace $0x8FFFFFFF  }
0x98: {  	s19 =	sld [smem:$0x3FDB];
	_ =	sdelay $0x1  }
0x99: {  	s20 =	simm.s32 $_scs_section_size  }
0x9a: {  	s4 =	simm.s32 $_size__tile_overlayer_lowered;
	s5 =	simm.s32 $_tile_overlayer_lowered  }
0x9b: {  	s6 =	simm.s32 $0x1BFF;
	s21 =	sshll.u32 s5, $0x1;
	s3 =	sadd.s32 s20, s19  }
0x9c: {  	s22 =	simm.s32 $0x0;
	s4 =	sshll.u32 s4, $0x1;
	s5 =	sadd.s32 s21, s3  }
0x9d: {  	[timem:s22], [sflag:s6] =	dma.local [hbm:s5], s4  }
0x9e: {  	_ =	swait.ge [sflag:s6], s4  }
0x9f: {  	s4 =	ssub.s32 $0x0, s4;
	[sflag:s6] =	ssyncset.done $0x0  }
0xa0: {  	[sflag:s6] =	ssyncadd.s32 s4;
	_ =	sdelay $0x1  }
0xa1: {  	s23 =	simm.s32 $0x1B8B  }
0xa2: {  	_ =	swait.ge [sflag:s23], $0x1  }
0xa3: {  	[sflag:s23] =	ssyncset.done $0x0  }
0xa4: {  	[sflag:s23] =	ssyncadd.s32 $0xFFFFFFFF  }
0xa5: {  	s4 =	sld [smem:$0x0]  }
0xa6: {  	s5 =	sand.u32 $0xFFFFFFFE, s1  }
0xa7: {  	p0 =	sne.s32 s1, s5  }
0xa8: {  	s5 =	sshll.u32 @p0 s5, $0xE  }
0xa9: {  	s5 =	sadd.s32 @p0 $0x11B8D, s5;
	s6 =	sshll.u32 @p0 s4, $0x11  }
0xaa: {  	s5 =	sor.u32 @p0 s6, s5  }
0xab: {  	[sflag:s5] =	ssyncadd.remote.s32 @p0 $0x1;
	_ =	sdelay $0x1  }
0xac: {  	s5 =	simm.s32 @p0 $0x1B8D  }
0xad: {  	_ =	swait.eq @p0 [sflag:s5], $0x1  }
0xae: {  	[sflag:s5] =	ssyncadd.s32 @p0 $0xFFFFFFFF  }
0xaf: {  	s6 =	sshll.u32 @!p0 s1, $0xE  }
0xb0: {  	s6 =	sor.u32 @!p0 $0x4000, s6;
	s5 =	simm.s32 @!p0 $0x1B8D  }
0xb1: {  	s4 =	sshll.u32 @!p0 s4, $0x11;
	s6 =	sadd.s32 @!p0 $0x11B8D, s6;
	_ =	swait.eq @!p0 [sflag:s5], $0x1  }
0xb2: {  	s4 =	sor.u32 @!p0 s4, s6;
	[sflag:s5] =	ssyncadd.s32 @!p0 $0xFFFFFFFF  }
0xb3: {  	s25 =	simm.s32 $0x1B8E;
	s24 =	sld [smem:$0x3FFE];
	[sflag:s4] =	ssyncadd.remote.s32 @!p0 $0x1  }
0xb4: {  	s26 =	simm.s32 $execute0_lowered;
	[smem:$0x3FD2] =	sst s25  }
0xb5: {  	s5 =	sshll.u32 s26, $0x1;
	_ =	strace $0x8000004C;
	[dreg:$0x1] =	wrdreg $0xFFFFFFFF  }
0xb6: {  	s28 =	simm.s32 $_size_execute0_lowered;
	s3 =	sadd.s32 s3, s5;
	[dreg:$0x0] =	wrdreg $0x0  }
0xb7: {  	s5 =	sshll.u32 s28, $0x1;
	[dreg:$0x2] =	wrdreg s3  }
0xb8: {  	[dreg:$0x3] =	wrdreg s5  }
0xb9: {  	[dreg:$0x4] =	wrdreg $0xC0  }
0xba: {  	_ =	task [dreg:s22], $0x5FFFF  }
0xbb: {  	[dreg:$0x1] =	wrdreg $0xFFFFFFFF  }
0xbc: {  	[dreg:$0x0] =	wrdreg $0x60  }
0xbd: {  	[dreg:$0x2] =	wrdreg s24  }
0xbe: {  	[dreg:$0x3] =	wrdreg $0x0  }
0xbf: {  	[dreg:$0x4] =	wrdreg $0xA  }
0xc0: {  	_ =	task.clear_ibuf [dreg:s22], $0x5FFFF;
	_ =	strace $0x9000004C  }
0xc1: {  	s29 =	simm.s32 $0xA;
	_ =	strace $0x8000004E  }
0xc2: {  	_ =	swait.ge [sflag:s29], $0x1  }
0xc3: {  	[sflag:s29] =	ssyncadd.s32 $0xFFFFFFFF  }
0xc4: {  	_ =	strace $0x9000004E  }
0xc5: {  	_ =	sfence  }
0xc6: {  	s30 =	sld [smem:$0x0];
	_ =	sdelay $0x2  }
0xc7: {  	s31 =	sshll.u32 s1, $0xD;
	s1 =	sshrl.u32 s1, $0x2  }
0xc8: {  	s4 =	sand.u32 $0x4000, s31;
	s1 =	sadd.s32 s1, s30  }
0xc9: {  	s0 =	sor.u32 s4, s0;
	s1 =	sshll.u32 s1, $0x11  }
0xca: {  	s0 =	sor.u32 s1, s0  }
0xcb: {  	s0 =	sadd.s32 $0x8F2B, s0  }
0xcc: {  	[sflag:s0] =	ssyncadd.remote.s32 $0x1  }
0xcd: {  	_ =	sfence.sel $0xFFFF  }
0xce: {  	[dreg:$0x0] =	wrdreg $0xFFFFFFFF;
	(pc) =	sbr.abs _section_cstart, $3  }
0xcf: {  	[dreg:$0x1] =	wrdreg $0xFFFFFFFF  }
0xd0: {  	_ =	task.clear_ibuf [dreg:s22], $0x2FFFF;
	_ =	strace $0x9FFFFFFF  }
0xd1: {  	(tm) =	ssettm $0x7FFFFFFF  }
tec
execute0_lowered:
.L_overlay_start_1:
0x0: {  	(tag) =	ssettag $0x1  }
0x1: {  	s1 =	srdreg.scid;
	s0 =	stileid.u32  }
0x2: {  	s4 =	rddreg [dreg:$0x0];
	s6 =	smul.u32 $0x13C00, s0  }
0x3: {  	s2 =	rddreg [dreg:$0x1];
	s11 =	smul.u32 $0x4F000, s0  }
0x4: {  	s3 =	simm.s32 $0x0;
	s16 =	simm.s32 $0x80;
	s25 =	smul.u32 $0xA0000, s0  }
0x5: {  	s17 =	simm.s32 $0x2;
	s7 =	sand.u32 $0x1, s1;
	s15 =	smul.u32 $0x14000, s0  }
0x6: {  	s18 =	simm.s32 $0x0;
	s20 =	sshll.u32 s0, $0x1;
	s8 =	smul.u32 $0x13C000, s7  }
0x7: {  	[smem:$0x7FF] =	sst s3;
	s9 =	sadd.s32 $0x2B7000, s4;
	s14 =	smul.u32 $0x50000, s7  }
0x8: {  	s26 =	sshll.u32 s0, $0x6;
	s1 =	sor.u32 s7, s20;
	s29 =	smul.u32 $0xA000, s7  }
0x9: {  	s22 =	ssub.s32 $0x2, s7;
	s5 =	smul.u32 $0x180, s1;
	s1 =	rddreg [dreg:$0x2]  }
0xa: {  	_ =	strace $0x8000004D;
	s21 =	sshrl.u32 s6, $0x3;
	s23 =	sshrl.u32 s22, $0x1  }
0xb: {  	s24 =	sshrl.u32 s11, $0x2;
	s30 =	sadd.s32 s15, s9;
	s15 =	simm.s32 $0x1  }
0xc: {  	s6 =	sadd.s32 s6, s8;
	s8 =	ssub.s32 s22, s23;
	s13 =	sadd.s32 s24, s2  }
0xd: {  	s28 =	sadd.s32 s14, s25;
	s31 =	sadd.s32 s29, s30;
	s14 =	simm.s32 $0x18800  }
0xe: {  	s10 =	sadd.s32 s5, s4;
	s6 =	sshrl.u32 s6, $0x3;
	s5 =	sadd.s32 s21, s4  }
0xf: {  	s8 =	smax.u32 s8, $0x1;
	s11 =	sshrl.u32 s13, $0x3;
	s13 =	simm.s32 $0x14800  }
0x10: {  	s12 =	sadd.s32 s6, s4;
	s4 =	sadd.s32 $0x3F7000, s5;
	s5 =	sor.u32 $0x1C03, s26  }
0x11: {  	s6 =	sadd.s32 $0x52A200, s10;
	s10 =	sshrl.u32 s28, $0x3;
	s7 =	sadd.s32 $0x41E800, s12  }
0x12: {  	s9 =	sadd.s32 s10, s9;
	s10 =	sadd.s32 $0x800, s31;
	s12 =	simm.s32 $0x3  }
.LBB2_1:
0x13: {  	[spmem:s11], [sflag:s5] =	dma.local [hbm:s4], $0x2780  }
0x14: {  	_ =	swait.ge [sflag:s12], $0x2780  }
0x15: {  	[sflag:s12] =	ssyncset.done $0x0  }
0x16: {  	s19 =	simm.s32 $0x13C00;
	[sflag:s12] =	ssyncadd.s32 $0xFFFFD880  }
0x17: {  	[tilespmem:s19], [sflag:$0x3] =	stream.linear.gather [hbm4b:s6+s3], $0xA00, $0x38;
	[tilespmem:$0x1C800] =	vst v63  }
0x18: {  	_ =	swait.ge [sflag:s12], $0xA00  }
0x19: {  	[sflag:s12] =	ssyncset.done $0x0  }
0x1a: {  	[sflag:s12] =	ssyncadd.s32 $0xFFFFF600  }
0x1b: {  	s20 =	sadd.s32 $0x0, s9;
	[bflag:$0x0] =	sbarrier.arrive $0xFFFF  }
0x1c: {  	[tilespmem:s13], [sflag:$0x1] =	stream.linear.gather [hbm4b:s20+s3], $0x4000, $0x38;
	[tilespmem:$0x1C800] =	vst v63  }
0x1d: {  	s30 =	sadd.s32 $0x0, s10  }
0x1e: {  	[tilespmem:s14], [sflag:$0x1] =	stream.linear.gather [hbm4b:s30+s3], $0x4000, $0x38;
	[tilespmem:$0x1C800] =	vst v63  }
0x1f: {  	_ =	swait.ge [sflag:s15], $0x4000  }
0x20: {  	[sflag:s15] =	ssyncset.done $0x0  }
0x21: {  	[sflag:s15] =	ssyncadd.s32 $0xFFFFC000  }
0x22: {  	[spmem:s2] =	stream.indirect.scatter.add.f32 [tilespmem:s13], [sflag:$0x2], $0x80, s19, s16, $0xb8;
	[tilespmem:$0x1C800] =	vst v63  }
0x23: {  	_ =	swait.ge [sflag:s15], $0x4000  }
0x24: {  	[sflag:s15] =	ssyncset.done $0x0  }
0x25: {  	s31 =	simm.s32 $0x13C80;
	[sflag:s15] =	ssyncadd.s32 $0xFFFFC000  }
0x26: {  	[spmem:s2] =	stream.indirect.scatter.add.f32 [tilespmem:s14], [sflag:$0x2], $0x80, s31, s16, $0xb8;
	[tilespmem:$0x1C800] =	vst v63  }
0x27: {  	_ =	swait.ge [sflag:s17], $0x4000  }
0x28: {  	[sflag:s17] =	ssyncset.done $0x0  }
0x29: {  	[sflag:s17] =	ssyncadd.s32 $0xFFFFC000  }
0x2a: {  	s21 =	simm.s32 $0x2000;
	_ =	swait.ge [sflag:s17], $0x4000  }
0x2b: {  	s20 =	simm.s32 $0x1000;
	s19 =	simm.s32 $0x13D00;
	[sflag:s17] =	ssyncset.done $0x0  }
.LBB2_2:
0x2c: {  	s22 =	sadd.s32 s20, s9  }
0x2d: {  	[sflag:s17] =	ssyncadd.s32 $0xFFFFC000;
	s23 =	smov.u32 s21;
	s24 =	sadd.s32 $0x1000, s21  }
0x2e: {  	[tilespmem:s13], [sflag:$0x1] =	stream.linear.gather [hbm4b:s22+s3], $0x4000, $0x38;
	[tilespmem:$0x1C800] =	vst v63  }
0x2f: {  	p0 =	sne.s32 s21, $0x9000;
	s21 =	sadd.s32 s20, s10;
	s20 =	smov.u32 s23  }
0x30: {  	[tilespmem:s14], [sflag:$0x1] =	stream.linear.gather [hbm4b:s21+s3], $0x4000, $0x38;
	[tilespmem:$0x1C800] =	vst v63  }
0x31: {  	_ =	swait.ge [sflag:s15], $0x4000  }
0x32: {  	[sflag:s15] =	ssyncset.done $0x0  }
0x33: {  	[sflag:s15] =	ssyncadd.s32 $0xFFFFC000  }
0x34: {  	[spmem:s2] =	stream.indirect.scatter.add.f32 [tilespmem:s13], [sflag:$0x2], $0x80, s19, s16, $0xb8;
	[tilespmem:$0x1C800] =	vst v63  }
0x35: {  	_ =	swait.ge [sflag:s15], $0x4000  }
0x36: {  	[sflag:s15] =	ssyncset.done $0x0  }
0x37: {  	s21 =	sadd.s32 $0x80, s19;
	[sflag:s15] =	ssyncadd.s32 $0xFFFFC000  }
0x38: {  	[spmem:s2] =	stream.indirect.scatter.add.f32 [tilespmem:s14], [sflag:$0x2], $0x80, s21, s16, $0xb8;
	[tilespmem:$0x1C800] =	vst v63  }
.Ltmp0:
0x39: {  	_ =	swait.ge [sflag:s17], $0x4000;
	(pc) =	sbr.rel @p0 .LBB2_2-.Ltmp0, $4  }
0x3a: {  	[sflag:s17] =	ssyncset.done $0x0  }
0x3b: {  	[sflag:s17] =	ssyncadd.s32 $0xFFFFC000  }
0x3c: {  	_ =	swait.ge [sflag:s17], $0x4000  }
0x3d: {  	s19 =	sadd.s32 $0x100, s19;
	s21 =	smov.u32 s24;
	[sflag:s17] =	ssyncset.done $0x0  }
0x3e: {  	s21 =	sadd.s32 s20, s9;
	[sflag:s17] =	ssyncadd.s32 $0xFFFFC000  }
0x3f: {  	[tilespmem:s13], [sflag:$0x1] =	stream.linear.gather [hbm4b:s21+s3], $0x4000, $0x38;
	[tilespmem:$0x1C800] =	vst v63  }
0x40: {  	s30 =	sadd.s32 s20, s10  }
0x41: {  	[tilespmem:s14], [sflag:$0x1] =	stream.linear.gather [hbm4b:s30+s3], $0x4000, $0x38;
	[tilespmem:$0x1C800] =	vst v63  }
0x42: {  	_ =	swait.ge [sflag:s15], $0x4000  }
0x43: {  	[sflag:s15] =	ssyncset.done $0x0  }
0x44: {  	[sflag:s15] =	ssyncadd.s32 $0xFFFFC000  }
0x45: {  	[spmem:s2] =	stream.indirect.scatter.add.f32 [tilespmem:s13], [sflag:$0x2], $0x80, s19, s16, $0xb8;
	[tilespmem:$0x1C800] =	vst v63  }
0x46: {  	_ =	swait.ge [sflag:s15], $0x4000  }
0x47: {  	[sflag:s15] =	ssyncset.done $0x0  }
0x48: {  	s31 =	sadd.s32 $0x80, s19;
	[sflag:s15] =	ssyncadd.s32 $0xFFFFC000  }
0x49: {  	[spmem:s2] =	stream.indirect.scatter.add.f32 [tilespmem:s14], [sflag:$0x2], $0x80, s31, s16, $0xb8;
	[tilespmem:$0x1C800] =	vst v63  }
0x4a: {  	_ =	swait.ge [sflag:s17], $0x4000  }
0x4b: {  	[sflag:s17] =	ssyncset.done $0x0  }
0x4c: {  	[sflag:s17] =	ssyncadd.s32 $0xFFFFC000  }
0x4d: {  	_ =	swait.ge [sflag:s17], $0x4000  }
0x4e: {  	s18 =	sadd.s32 $0x1, s18;
	[sflag:s17] =	ssyncset.done $0x0  }
0x4f: {  	p0 =	sne.s32 s18, s8;
	[sflag:s17] =	ssyncadd.s32 $0xFFFFC000  }
.Ltmp1:
0x50: {  	[bflag:$0x0] =	sbarrier.arrive $0xFFFF;
	(pc) =	sbr.rel @p0 .LBB2_1-.Ltmp1, $4  }
0x51: {  	[hbm:s7], [sflag:s5] =	dma.local [spmem:s11], $0x2780  }
0x52: {  	_ =	swait.ge [sflag:s12], $0x2780  }
0x53: {  	[sflag:s12] =	ssyncset.done $0x0  }
0x54: {  	[sflag:s12] =	ssyncadd.s32 $0xFFFFD880  }
0x55: {  	_ =	sfence.sel $0x180000  }
0x56: {  	[bflag:$0x0] =	sbarrier.arrive $0xFFFF  }
0x57: {  	p0 =	sne.s32 s0, $0x0;
	_ =	strace $0x9000004D  }
0x58: {  	s0 =	sadd.s32 @!p0 $0x100000, s1;
	[bflag:$0x2] =	sbarrier.arrive $0xFFFF  }
0x59: {  	[sflag:s0] =	ssyncadd.tile.s32 @!p0 $0x1;
	_ =	shalt  }
.Lfunc_end2:
_tile_overlayer_lowered:
.L_overlay_start_2:
0x5a: {  	(tag) =	ssettag $0x2  }
0x5b: {  	s0 =	rddreg [dreg:$0x0];
	s2 =	stileid.u32  }
0x5c: {  	s1 =	rddreg [dreg:$0x1];
	p0 =	sne.s32 s2, $0x0  }
0x5d: {  	s3 =	rddreg [dreg:$0x2];
	[bflag:$0x3] =	sbarrier.arrive $0xFFFF;
	s2 =	simm.s32 @!p0 $0x1C03  }
0x5e: {  	[timem:s3], [sflag:s2] =	dma.local @!p0 [hbm:s0], s1  }
0x5f: {  	s0 =	simm.s32 @!p0 $0x3  }
0x60: {  	_ =	swait.ge @!p0 [sflag:s0], s1  }
0x61: {  	s1 =	ssub.s32 @!p0 $0x0, s1;
	[sflag:s0] =	ssyncset.done @!p0 $0x0  }
0x62: {  	[sflag:s0] =	ssyncadd.s32 @!p0 s1  }
0x63: {  	[bflag:$0x3] =	sbarrier.arrive $0xFFFF  }
0x64: {  	_ =	shalt  }

// kernel: kernel.30.cloned.1.call-start
scs
__scs_entry_jumppad:
0x0: {  	(pc) =	sbr.rel $0x88, $3  }
0x1: {  	(tag) =	ssettag $0x0;
	lr =	simm.s32 $0x1  }
0x2: {  	[smem:$0x3F8A] =	sst lr;
	_ =	strace $0xD0000000  }
0x3: {  	_ = 	snop  }
0x4: {  	_ = 	snop  }
0x5: {  	_ = 	snop  }
0x6: {  	_ = 	snop  }
0x7: {  	_ = 	snop  }
__scs_overlays_trampoline_lowered:
0x8: {  	[smem:$0x3F99] =	sst s0  }
0x9: {  	[smem:$0x3F9A] =	sst s1  }
0xa: {  	[smem:$0x3F9B] =	sst s2  }
0xb: {  	[smem:$0x3F9C] =	sst s3  }
0xc: {  	[smem:$0x3F9D] =	sst s4  }
0xd: {  	[smem:$0x3F9E] =	sst s5  }
0xe: {  	[smem:$0x3F9F] =	sst s6  }
0xf: {  	[smem:$0x3FA0] =	sst s7  }
0x10: {  	[smem:$0x3FA1] =	sst s8  }
0x11: {  	[smem:$0x3FA2] =	sst s9;
	s0 =	simm.s32 @!p0 $0x0  }
0x12: {  	s1 =	sld [smem:$0x3F88];
	s0 =	simm.s32 @p0 $0x1  }
0x13: {  	[smem:$0x3FA3] =	sst s0;
	s0 =	simm.s32 @!p1 $0x0  }
0x14: {  	s2 =	sld [smem:$0x3F87];
	s0 =	simm.s32 @p1 $0x1  }
0x15: {  	[smem:$0x3FA4] =	sst s0;
	s0 =	simm.s32 @!p2 $0x0  }
0x16: {  	s3 =	sld [smem:$0x3FDB];
	s0 =	simm.s32 @p2 $0x1  }
0x17: {  	s4 =	simm.s32 $0x1BF5;
	[smem:$0x3FA6] =	sst s0  }
0x18: {  	s0 =	sld [smem:$0x3F89];
	_ =	swait.ge [sflag:s4], $0x0  }
0x19: {  	s7 =	sld [smem:$0x3F8A]  }
0x1a: {  	s8 =	sadd.s32 $0xFFFFE003, lr  }
0x1b: {  	s9 =	sadd.s32 $0xFFFFFEF7, lr;
	s5 =	simm.s32 $0xFFFFFFFF;
	p2 =	slt.u32 s8, $0xFFFFF086  }
0x1c: {  	p1 =	slt.u32 s9, $0xF7A;
	s5 =	simm.s32 @!p2 $0x0  }
0x1d: {  	s5 =	simm.s32 @p1 $0x1;
	p0 =	seq.s32 s7, s2  }
0x1e: {  	s7 =	smul.u32 @!p0 $0xF7A, s2;
	p2 =	seq.s32 @!p0 s5, $0x0  }
0x1f: {  	s9 =	smul.u32 $0xF7A, s1;
	s8 =	simm.s32 @!p0 $0x1BF5;
	p2 =	por !p2, p0  }
0x20: {  	[sflag:s8] =	ssyncset.s32 @!p0 $0xFFFFF086;
	s6 =	sadd.s32 @!p0 s3, s7;
	s7 =	simm.s32 @!p0 $0x108  }
0x21: {  	s3 =	sadd.s32 s3, s9;
	s6 =	sadd.s32 @!p0 $0x88, s6;
	s7 =	simm.s32 @p2 $0x1082  }
0x22: {  	[simem:s7], [sflag:s8] =	dma.local @!p0 [hbm:s6], $0xF7A  }
0x23: {  	s9 =	sor.u32 $0xD0000000, s2;
	s6 =	simm.s32 $0x108;
	_ =	swait.ge @!p0 [sflag:s8], $0x0  }
0x24: {  	s3 =	sadd.s32 $0x88, s3;
	s6 =	simm.s32 @!p1 $0x1082;
	[sflag:s4] =	ssyncset.s32 $0xFFFFF086  }
0x25: {  	[simem:s6], [sflag:s4] =	dma.local [hbm:s3], $0xF7A  }
0x26: {  	[smem:$0x3F8A] =	sst s1;
	(tag) =	ssettag s2;
	_ =	strace s9  }
0x27: {  	s1 =	sld [smem:$0x3F9A]  }
0x28: {  	s2 =	sld [smem:$0x3F9B]  }
0x29: {  	s4 =	sld [smem:$0x3F9D]  }
0x2a: {  	p0 =	seq.s32 s5, $0x0;
	s5 =	sld [smem:$0x3F9E]  }
0x2b: {  	s6 =	sld [smem:$0x3F9F]  }
0x2c: {  	s7 =	sld [smem:$0x3FA0]  }
0x2d: {  	s3 =	simm.s32 $0x108;
	s8 =	sld [smem:$0x3FA1]  }
0x2e: {  	s3 =	simm.s32 @!p0 $0x1082;
	s9 =	sld [smem:$0x3FA2]  }
0x2f: {  	lr =	sadd.s32 s0, s3;
	s0 =	sld [smem:$0x3F99]  }
0x30: {  	s3 =	sld [smem:$0x3F9C]  }
0x31: {  	[smem:$0x3FA5] =	sst s10  }
0x32: {  	s10 =	sld [smem:$0x3FA3];
	_ =	sdelay $0x3  }
0x33: {  	p0 =	seq.s32 s10, $0x1;
	s10 =	sld [smem:$0x3FA5];
	_ =	sdelay $0x3  }
0x34: {  	[smem:$0x3FA5] =	sst s10  }
0x35: {  	s10 =	sld [smem:$0x3FA4];
	_ =	sdelay $0x3  }
0x36: {  	p1 =	seq.s32 s10, $0x1;
	s10 =	sld [smem:$0x3FA5];
	_ =	sdelay $0x3  }
0x37: {  	[smem:$0x3FA5] =	sst s10  }
0x38: {  	s10 =	sld [smem:$0x3FA6]  }
0x39: {  	_ = 	snop;
	(pc) =	sbr.ind lr, $3  }
0x3a: {  	_ = 	snop  }
0x3b: {  	_ = 	snop  }
0x3c: {  	p2 =	seq.s32 s10, $0x1;
	s10 =	sld [smem:$0x3FA5]  }
0x3d: {  	_ =	shalt  }
0x3e: {  	_ =	shalt  }
0x3f: {  	_ =	shalt  }
0x40: {  	_ =	shalt  }
0x41: {  	_ =	shalt  }
0x42: {  	_ =	shalt  }
0x43: {  	_ =	shalt  }
0x44: {  	_ =	shalt  }
0x45: {  	_ =	shalt  }
0x46: {  	_ =	shalt  }
0x47: {  	_ =	shalt  }
0x48: {  	_ =	shalt  }
0x49: {  	_ =	shalt  }
0x4a: {  	_ =	shalt  }
0x4b: {  	_ =	shalt  }
0x4c: {  	_ =	shalt  }
0x4d: {  	_ =	shalt  }
0x4e: {  	_ =	shalt  }
0x4f: {  	_ =	shalt  }
0x50: {  	_ =	shalt  }
0x51: {  	_ =	shalt  }
0x52: {  	_ =	shalt  }
0x53: {  	_ =	shalt  }
0x54: {  	_ =	shalt  }
0x55: {  	_ =	shalt  }
0x56: {  	_ =	shalt  }
0x57: {  	_ =	shalt  }
0x58: {  	_ =	shalt  }
0x59: {  	_ =	shalt  }
0x5a: {  	_ =	shalt  }
0x5b: {  	_ =	shalt  }
0x5c: {  	_ =	shalt  }
0x5d: {  	_ =	shalt  }
0x5e: {  	_ =	shalt  }
0x5f: {  	_ =	shalt  }
0x60: {  	_ =	shalt  }
0x61: {  	_ =	shalt  }
0x62: {  	_ =	shalt  }
0x63: {  	_ =	shalt  }
0x64: {  	_ =	shalt  }
0x65: {  	_ =	shalt  }
0x66: {  	_ =	shalt  }
0x67: {  	_ =	shalt  }
0x68: {  	_ =	shalt  }
0x69: {  	_ =	shalt  }
0x6a: {  	_ =	shalt  }
0x6b: {  	_ =	shalt  }
0x6c: {  	_ =	shalt  }
0x6d: {  	_ =	shalt  }
0x6e: {  	_ =	shalt  }
0x6f: {  	_ =	shalt  }
0x70: {  	_ =	shalt  }
0x71: {  	_ =	shalt  }
0x72: {  	_ =	shalt  }
0x73: {  	_ =	shalt  }
0x74: {  	_ =	shalt  }
0x75: {  	_ =	shalt  }
0x76: {  	_ =	shalt  }
0x77: {  	_ =	shalt  }
0x78: {  	_ =	shalt  }
0x79: {  	_ =	shalt  }
0x7a: {  	_ =	shalt  }
0x7b: {  	_ =	shalt  }
0x7c: {  	_ =	shalt  }
0x7d: {  	_ =	shalt  }
0x7e: {  	_ =	shalt  }
0x7f: {  	_ =	shalt  }
0x80: {  	_ =	shalt  }
0x81: {  	_ =	shalt  }
0x82: {  	_ =	shalt  }
0x83: {  	_ =	shalt  }
0x84: {  	_ =	shalt  }
0x85: {  	_ =	shalt  }
0x86: {  	_ =	shalt  }
0x87: {  	_ =	shalt  }
.Lfunc_end0:
.L_simem_size_0:
called_computation.4_lowered:
.L_overlay_start_0:
0x88: {  	s2 =	sld [smem:$0x3FD9]  }
0x89: {  	s3 =	sld [smem:$0x3FFE];
	_ =	sdelay $0x1  }
0x8a: {  	s1 =	srdreg.scid  }
0x8b: {  	s0 =	sand.u32 $0x1, s1  }
0x8c: {  	s16 =	sshll.u32 s0, $0xA;
	s2 =	sadd.s32 s3, s2  }
0x8d: {  	s2 =	sadd.s32 s2, s16  }
0x8e: {  	[smem:$0x3FB1] =	sst s2  }
0x8f: {  	_ = 	snop  }
0x90: {  	(tm) =	ssettm $0x1  }
0x91: {  	s17 =	sld [smem:$0x3FFB];
	_ =	sdelay $0x3  }
0x92: {  	_ =	strace s17  }
0x93: {  	s2 =	sld [smem:$0x3FFC];
	_ =	sdelay $0x3  }
0x94: {  	_ =	strace s2  }
0x95: {  	s2 =	sld [smem:$0x3FFD];
	_ =	sdelay $0x3  }
0x96: {  	_ =	strace s2  }
0x97: {  	_ =	strace $0x8FFFFFFF  }
0x98: {  	s18 =	sld [smem:$0x3FDB];
	_ =	sdelay $0x1  }
0x99: {  	s19 =	simm.s32 $_scs_section_size  }
0x9a: {  	s4 =	simm.s32 $_size__tile_overlayer_lowered;
	s5 =	simm.s32 $_tile_overlayer_lowered  }
0x9b: {  	s22 =	simm.s32 $0x1BFF;
	s21 =	sshll.u32 s5, $0x1;
	s2 =	sadd.s32 s19, s18  }
0x9c: {  	s6 =	simm.s32 $0x0;
	s20 =	sshll.u32 s4, $0x1;
	s4 =	sadd.s32 s21, s2  }
0x9d: {  	[timem:s6], [sflag:s22] =	dma.local [hbm:s4], s20  }
0x9e: {  	_ =	swait.ge [sflag:s22], s20  }
0x9f: {  	s3 =	ssub.s32 $0x0, s20;
	[sflag:s22] =	ssyncset.done $0x0  }
0xa0: {  	[sflag:s22] =	ssyncadd.s32 s3;
	_ =	sdelay $0x1  }
0xa1: {  	s23 =	simm.s32 $0x1B8B  }
0xa2: {  	_ =	swait.ge [sflag:s23], $0x1  }
0xa3: {  	[sflag:s23] =	ssyncset.done $0x0  }
0xa4: {  	s25 =	simm.s32 $0x1B8E;
	s24 =	sld [smem:$0x3FFE];
	[sflag:s23] =	ssyncadd.s32 $0xFFFFFFFF  }
0xa5: {  	s26 =	simm.s32 $execute0_lowered;
	[smem:$0x3FD2] =	sst s25  }
0xa6: {  	s4 =	sshll.u32 s26, $0x1;
	_ =	strace $0x80000052;
	[dreg:$0x1] =	wrdreg $0xFFFFFFFF  }
0xa7: {  	s28 =	simm.s32 $_size_execute0_lowered;
	s2 =	sadd.s32 s2, s4;
	[dreg:$0x0] =	wrdreg $0x0  }
0xa8: {  	s4 =	sshll.u32 s28, $0x1;
	[dreg:$0x2] =	wrdreg s2  }
0xa9: {  	[dreg:$0x3] =	wrdreg s4  }
0xaa: {  	[dreg:$0x4] =	wrdreg $0xC0  }
0xab: {  	_ =	task [dreg:s6], $0x5FFFF  }
0xac: {  	[dreg:$0x1] =	wrdreg $0xFFFFFFFF  }
0xad: {  	[dreg:$0x0] =	wrdreg $0x60  }
0xae: {  	[dreg:$0x2] =	wrdreg s24  }
0xaf: {  	[dreg:$0x3] =	wrdreg $0x0  }
0xb0: {  	[dreg:$0x4] =	wrdreg $0xA  }
0xb1: {  	_ =	task.clear_ibuf [dreg:s6], $0x5FFFF;
	_ =	strace $0x90000052  }
0xb2: {  	s29 =	simm.s32 $0xA;
	_ =	strace $0x80000054  }
0xb3: {  	_ =	swait.ge [sflag:s29], $0x1  }
0xb4: {  	[sflag:s29] =	ssyncadd.s32 $0xFFFFFFFF  }
0xb5: {  	_ =	strace $0x90000054  }
0xb6: {  	_ =	sfence  }
0xb7: {  	s30 =	sld [smem:$0x0];
	_ =	sdelay $0x2  }
0xb8: {  	s31 =	sshll.u32 s1, $0xD;
	s1 =	sshrl.u32 s1, $0x2  }
0xb9: {  	s3 =	sand.u32 $0x4000, s31;
	s1 =	sadd.s32 s1, s30  }
0xba: {  	s0 =	sor.u32 s3, s0;
	s1 =	sshll.u32 s1, $0x11  }
0xbb: {  	s0 =	sor.u32 s1, s0  }
0xbc: {  	s0 =	sadd.s32 $0x8F2B, s0  }
0xbd: {  	[sflag:s0] =	ssyncadd.remote.s32 $0x1  }
0xbe: {  	_ =	sfence.sel $0xFFFF  }
0xbf: {  	[dreg:$0x0] =	wrdreg $0xFFFFFFFF;
	(pc) =	sbr.abs _section_cstart, $3  }
0xc0: {  	[dreg:$0x1] =	wrdreg $0xFFFFFFFF  }
0xc1: {  	_ =	task.clear_ibuf [dreg:s6], $0x2FFFF;
	_ =	strace $0x9FFFFFFF  }
0xc2: {  	(tm) =	ssettm $0x7FFFFFFF  }
0xc3: {  	_ =	shalt  }
tec
execute0_lowered:
.L_overlay_start_1:
0x0: {  	(tag) =	ssettag $0x1  }
0x1: {  	s5 =	rddreg [dreg:$0x0]  }
0x2: {  	s2 =	rddreg [dreg:$0x1]  }
0x3: {  	s1 =	stileid.u32;
	s3 =	srdreg.scid  }
0x4: {  	s0 =	rddreg [dreg:$0x2];
	s16 =	simm.s32 $0x18480;
	s6 =	smul.u32 $0x2780, s1  }
0x5: {  	s17 =	simm.s32 $0x1;
	s18 =	simm.s32 $0x2;
	s11 =	smul.u32 $0x4F000, s1  }
0x6: {  	s19 =	simm.s32 $0x0;
	s7 =	sand.u32 $0x1, s3;
	s12 =	smul.u32 $0xA0000, s1  }
0x7: {  	s4 =	sshll.u32 s1, $0x1;
	s3 =	simm.s32 $0x0;
	s15 =	smul.u32 $0x14000, s1  }
0x8: {  	s9 =	sadd.s32 $0xA600, s5;
	p0 =	seq.s32 s1, $0xF;
	s13 =	smul.u32 $0x50000, s7  }
0x9: {  	s4 =	sor.u32 s7, s4;
	[smem:$0x7FF] =	sst s3;
	s29 =	smul.u32 $0xA000, s7  }
0xa: {  	s25 =	ssub.s32 $0x2, s7;
	s4 =	smul.u32 $0x180, s4;
	_ =	strace $0x80000053  }
0xb: {  	s6 =	sadd.s32 s6, s5;
	s10 =	sshrl.u32 s25, $0x1;
	s26 =	sshrl.u32 s11, $0x2  }
0xc: {  	s11 =	sadd.s32 $0x128400, s2;
	s30 =	sadd.s32 s15, s9;
	s15 =	simm.s32 $0x14480  }
0xd: {  	s10 =	ssub.s32 s25, s10;
	s14 =	sadd.s32 s26, s2;
	s28 =	sadd.s32 s13, s12  }
0xe: {  	s31 =	sadd.s32 s29, s30;
	s13 =	simm.s32 $0x3;
	s8 =	sadd.s32 s4, s5  }
0xf: {  	s4 =	sadd.s32 $0x41E800, s6;
	s5 =	sadd.s32 $0x443880, s5;
	s7 =	smax.u32 s10, $0x1  }
0x10: {  	s10 =	sshrl.u32 @p0 s11, $0x3;
	s11 =	sshll.u32 @!p0 s1, $0x6;
	s12 =	sshrl.u32 @!p0 s14, $0x3  }
0x11: {  	s14 =	simm.s32 $0x80;
	s6 =	sadd.s32 $0x174000, s8;
	s8 =	sshrl.u32 s28, $0x3  }
0x12: {  	s11 =	sor.u32 @!p0 $0x1C03, s11;
	s8 =	sadd.s32 s8, s9;
	s9 =	sadd.s32 $0x800, s31  }
.LBB2_1:
0x13: {  	s20 =	simm.s32 @p0 $0x1FC3  }
0x14: {  	[spmem:s10], [sflag:s20] =	dma.local @p0 [hbm:s5], $0x2080  }
0x15: {  	s20 =	simm.s32 @p0 $0x3  }
0x16: {  	_ =	swait.ge @p0 [sflag:s20], $0x2080  }
0x17: {  	[sflag:s20] =	ssyncset.done @p0 $0x0  }
0x18: {  	[sflag:s20] =	ssyncadd.s32 @p0 $0xFFFFDF80;
	s20 =	simm.s32 @!p0 $0x3  }
0x19: {  	[spmem:s12], [sflag:s11] =	dma.local @!p0 [hbm:s4], $0x2780  }
0x1a: {  	_ =	swait.ge @!p0 [sflag:s20], $0x2780  }
0x1b: {  	[sflag:s20] =	ssyncset.done @!p0 $0x0  }
0x1c: {  	[sflag:s20] =	ssyncadd.s32 @!p0 $0xFFFFD880;
	s20 =	simm.s32 $0x13880  }
0x1d: {  	[tilespmem:s20], [sflag:$0x3] =	stream.linear.gather [hbm4b:s6+s3], $0xA00, $0x38;
	[tilespmem:$0x1C480] =	vst v63  }
0x1e: {  	_ =	swait.ge [sflag:s13], $0xA00  }
0x1f: {  	[sflag:s13] =	ssyncset.done $0x0  }
0x20: {  	[sflag:s13] =	ssyncadd.s32 $0xFFFFF600  }
0x21: {  	[bflag:$0x0] =	sbarrier.arrive $0xFFFF  }
0x22: {  	[tilespmem:s15], [sflag:$0x1] =	stream.indirect.gather [spmem:s2], $0x80, s20, s14, $0xb8;
	[tilespmem:$0x1C480] =	vst v63  }
0x23: {  	s21 =	simm.s32 $0x13900  }
0x24: {  	[tilespmem:s16], [sflag:$0x1] =	stream.indirect.gather [spmem:s2], $0x80, s21, s14, $0xb8;
	[tilespmem:$0x1C480] =	vst v63  }
0x25: {  	_ =	swait.ge [sflag:s17], $0x4000  }
0x26: {  	[sflag:s17] =	ssyncset.done $0x0  }
0x27: {  	s30 =	sadd.s32 $0x0, s8;
	[sflag:s17] =	ssyncadd.s32 $0xFFFFC000  }
0x28: {  	[hbm4b:s30+s3] =	stream.linear.scatter [tilespmem:s15], [sflag:$0x2], $0x4000, $0x38;
	[tilespmem:$0x1C480] =	vst v63  }
0x29: {  	_ =	swait.ge [sflag:s17], $0x4000  }
0x2a: {  	[sflag:s17] =	ssyncset.done $0x0  }
0x2b: {  	s31 =	sadd.s32 $0x0, s9;
	[sflag:s17] =	ssyncadd.s32 $0xFFFFC000  }
0x2c: {  	[hbm4b:s31+s3] =	stream.linear.scatter [tilespmem:s16], [sflag:$0x2], $0x4000, $0x38;
	[tilespmem:$0x1C480] =	vst v63  }
0x2d: {  	_ =	swait.ge [sflag:s18], $0x4000  }
0x2e: {  	[sflag:s18] =	ssyncset.done $0x0  }
0x2f: {  	[sflag:s18] =	ssyncadd.s32 $0xFFFFC000  }
0x30: {  	_ =	swait.ge [sflag:s18], $0x4000  }
0x31: {  	s21 =	simm.s32 $0x1000;
	[sflag:s18] =	ssyncset.done $0x0  }
.LBB2_2:
0x32: {  	p1 =	sne.s32 s21, $0x9000;
	[sflag:s18] =	ssyncadd.s32 $0xFFFFC000;
	s20 =	sadd.s32 $0x100, s20  }
0x33: {  	[tilespmem:s15], [sflag:$0x1] =	stream.indirect.gather [spmem:s2], $0x80, s20, s14, $0xb8;
	[tilespmem:$0x1C480] =	vst v63  }
0x34: {  	s23 =	smov.u32 s21;
	s21 =	sadd.s32 $0x1000, s21;
	s22 =	sadd.s32 $0x80, s20  }
0x35: {  	[tilespmem:s16], [sflag:$0x1] =	stream.indirect.gather [spmem:s2], $0x80, s22, s14, $0xb8;
	[tilespmem:$0x1C480] =	vst v63  }
0x36: {  	_ =	swait.ge [sflag:s17], $0x4000  }
0x37: {  	[sflag:s17] =	ssyncset.done $0x0  }
0x38: {  	s22 =	sadd.s32 s23, s8;
	[sflag:s17] =	ssyncadd.s32 $0xFFFFC000  }
0x39: {  	[hbm4b:s22+s3] =	stream.linear.scatter [tilespmem:s15], [sflag:$0x2], $0x4000, $0x38;
	[tilespmem:$0x1C480] =	vst v63  }
0x3a: {  	_ =	swait.ge [sflag:s17], $0x4000  }
0x3b: {  	[sflag:s17] =	ssyncset.done $0x0  }
0x3c: {  	s22 =	sadd.s32 s23, s9;
	[sflag:s17] =	ssyncadd.s32 $0xFFFFC000  }
0x3d: {  	[hbm4b:s22+s3] =	stream.linear.scatter [tilespmem:s16], [sflag:$0x2], $0x4000, $0x38;
	[tilespmem:$0x1C480] =	vst v63  }
.Ltmp0:
0x3e: {  	_ =	swait.ge [sflag:s18], $0x4000;
	(pc) =	sbr.rel @p1 .LBB2_2-.Ltmp0, $4  }
0x3f: {  	[sflag:s18] =	ssyncset.done $0x0  }
0x40: {  	[sflag:s18] =	ssyncadd.s32 $0xFFFFC000  }
0x41: {  	_ =	swait.ge [sflag:s18], $0x4000  }
0x42: {  	[sflag:s18] =	ssyncset.done $0x0  }
0x43: {  	s19 =	sadd.s32 $0x1, s19  }
0x44: {  	p1 =	sne.s32 s19, s7  }
.Ltmp1:
0x45: {  	_ = 	snop;
	(pc) =	sbr.rel @p1 .LBB2_1-.Ltmp1, $2  }
0x46: {  	_ =	sdelay $0x2  }
0x47: {  	[sflag:s18] =	ssyncadd.s32 $0xFFFFC000  }
0x48: {  	_ =	sfence.sel $0x180000  }
0x49: {  	[bflag:$0x0] =	sbarrier.arrive $0xFFFF  }
0x4a: {  	p0 =	sne.s32 s1, $0x0;
	_ =	strace $0x90000053  }
0x4b: {  	s0 =	sadd.s32 @!p0 $0x100000, s0;
	[bflag:$0x2] =	sbarrier.arrive $0xFFFF  }
0x4c: {  	[sflag:s0] =	ssyncadd.tile.s32 @!p0 $0x1;
	_ =	shalt  }
.Lfunc_end2:
_tile_overlayer_lowered:
.L_overlay_start_2:
0x4d: {  	(tag) =	ssettag $0x2  }
0x4e: {  	s0 =	rddreg [dreg:$0x0];
	s2 =	stileid.u32  }
0x4f: {  	s1 =	rddreg [dreg:$0x1];
	p0 =	sne.s32 s2, $0x0  }
0x50: {  	s3 =	rddreg [dreg:$0x2];
	[bflag:$0x3] =	sbarrier.arrive $0xFFFF;
	s2 =	simm.s32 @!p0 $0x1C03  }
0x51: {  	[timem:s3], [sflag:s2] =	dma.local @!p0 [hbm:s0], s1  }
0x52: {  	s0 =	simm.s32 @!p0 $0x3  }
0x53: {  	_ =	swait.ge @!p0 [sflag:s0], s1  }
0x54: {  	s1 =	ssub.s32 @!p0 $0x0, s1;
	[sflag:s0] =	ssyncset.done @!p0 $0x0  }
0x55: {  	[sflag:s0] =	ssyncadd.s32 @!p0 s1  }
0x56: {  	[bflag:$0x3] =	sbarrier.arrive $0xFFFF  }
0x57: {  	_ =	shalt  }

// kernel: kernel.33.cloned.1.call-start
scs
__scs_entry_jumppad:
0x0: {  	(pc) =	sbr.rel $0x88, $3  }
0x1: {  	(tag) =	ssettag $0x0;
	lr =	simm.s32 $0x1  }
0x2: {  	[smem:$0x3F8A] =	sst lr;
	_ =	strace $0xD0000000  }
0x3: {  	_ = 	snop  }
0x4: {  	_ = 	snop  }
0x5: {  	_ = 	snop  }
0x6: {  	_ = 	snop  }
0x7: {  	_ = 	snop  }
__scs_overlays_trampoline_lowered:
0x8: {  	[smem:$0x3F99] =	sst s0  }
0x9: {  	[smem:$0x3F9A] =	sst s1  }
0xa: {  	[smem:$0x3F9B] =	sst s2  }
0xb: {  	[smem:$0x3F9C] =	sst s3  }
0xc: {  	[smem:$0x3F9D] =	sst s4  }
0xd: {  	[smem:$0x3F9E] =	sst s5  }
0xe: {  	[smem:$0x3F9F] =	sst s6  }
0xf: {  	[smem:$0x3FA0] =	sst s7  }
0x10: {  	[smem:$0x3FA1] =	sst s8  }
0x11: {  	[smem:$0x3FA2] =	sst s9;
	s0 =	simm.s32 @!p0 $0x0  }
0x12: {  	s1 =	sld [smem:$0x3F88];
	s0 =	simm.s32 @p0 $0x1  }
0x13: {  	[smem:$0x3FA3] =	sst s0;
	s0 =	simm.s32 @!p1 $0x0  }
0x14: {  	s2 =	sld [smem:$0x3F87];
	s0 =	simm.s32 @p1 $0x1  }
0x15: {  	[smem:$0x3FA4] =	sst s0;
	s0 =	simm.s32 @!p2 $0x0  }
0x16: {  	s3 =	sld [smem:$0x3FDB];
	s0 =	simm.s32 @p2 $0x1  }
0x17: {  	s4 =	simm.s32 $0x1BF5;
	[smem:$0x3FA6] =	sst s0  }
0x18: {  	s0 =	sld [smem:$0x3F89];
	_ =	swait.ge [sflag:s4], $0x0  }
0x19: {  	s7 =	sld [smem:$0x3F8A]  }
0x1a: {  	s8 =	sadd.s32 $0xFFFFE003, lr  }
0x1b: {  	s9 =	sadd.s32 $0xFFFFFEF7, lr;
	s5 =	simm.s32 $0xFFFFFFFF;
	p2 =	slt.u32 s8, $0xFFFFF086  }
0x1c: {  	p1 =	slt.u32 s9, $0xF7A;
	s5 =	simm.s32 @!p2 $0x0  }
0x1d: {  	s5 =	simm.s32 @p1 $0x1;
	p0 =	seq.s32 s7, s2  }
0x1e: {  	s7 =	smul.u32 @!p0 $0xF7A, s2;
	p2 =	seq.s32 @!p0 s5, $0x0  }
0x1f: {  	s9 =	smul.u32 $0xF7A, s1;
	s8 =	simm.s32 @!p0 $0x1BF5;
	p2 =	por !p2, p0  }
0x20: {  	[sflag:s8] =	ssyncset.s32 @!p0 $0xFFFFF086;
	s6 =	sadd.s32 @!p0 s3, s7;
	s7 =	simm.s32 @!p0 $0x108  }
0x21: {  	s3 =	sadd.s32 s3, s9;
	s6 =	sadd.s32 @!p0 $0x88, s6;
	s7 =	simm.s32 @p2 $0x1082  }
0x22: {  	[simem:s7], [sflag:s8] =	dma.local @!p0 [hbm:s6], $0xF7A  }
0x23: {  	s9 =	sor.u32 $0xD0000000, s2;
	s6 =	simm.s32 $0x108;
	_ =	swait.ge @!p0 [sflag:s8], $0x0  }
0x24: {  	s3 =	sadd.s32 $0x88, s3;
	s6 =	simm.s32 @!p1 $0x1082;
	[sflag:s4] =	ssyncset.s32 $0xFFFFF086  }
0x25: {  	[simem:s6], [sflag:s4] =	dma.local [hbm:s3], $0xF7A  }
0x26: {  	[smem:$0x3F8A] =	sst s1;
	(tag) =	ssettag s2;
	_ =	strace s9  }
0x27: {  	s1 =	sld [smem:$0x3F9A]  }
0x28: {  	s2 =	sld [smem:$0x3F9B]  }
0x29: {  	s4 =	sld [smem:$0x3F9D]  }
0x2a: {  	p0 =	seq.s32 s5, $0x0;
	s5 =	sld [smem:$0x3F9E]  }
0x2b: {  	s6 =	sld [smem:$0x3F9F]  }
0x2c: {  	s7 =	sld [smem:$0x3FA0]  }
0x2d: {  	s3 =	simm.s32 $0x108;
	s8 =	sld [smem:$0x3FA1]  }
0x2e: {  	s3 =	simm.s32 @!p0 $0x1082;
	s9 =	sld [smem:$0x3FA2]  }
0x2f: {  	lr =	sadd.s32 s0, s3;
	s0 =	sld [smem:$0x3F99]  }
0x30: {  	s3 =	sld [smem:$0x3F9C]  }
0x31: {  	[smem:$0x3FA5] =	sst s10  }
0x32: {  	s10 =	sld [smem:$0x3FA3];
	_ =	sdelay $0x3  }
0x33: {  	p0 =	seq.s32 s10, $0x1;
	s10 =	sld [smem:$0x3FA5];
	_ =	sdelay $0x3  }
0x34: {  	[smem:$0x3FA5] =	sst s10  }
0x35: {  	s10 =	sld [smem:$0x3FA4];
	_ =	sdelay $0x3  }
0x36: {  	p1 =	seq.s32 s10, $0x1;
	s10 =	sld [smem:$0x3FA5];
	_ =	sdelay $0x3  }
0x37: {  	[smem:$0x3FA5] =	sst s10  }
0x38: {  	s10 =	sld [smem:$0x3FA6]  }
0x39: {  	_ = 	snop;
	(pc) =	sbr.ind lr, $3  }
0x3a: {  	_ = 	snop  }
0x3b: {  	_ = 	snop  }
0x3c: {  	p2 =	seq.s32 s10, $0x1;
	s10 =	sld [smem:$0x3FA5]  }
0x3d: {  	_ =	shalt  }
0x3e: {  	_ =	shalt  }
0x3f: {  	_ =	shalt  }
0x40: {  	_ =	shalt  }
0x41: {  	_ =	shalt  }
0x42: {  	_ =	shalt  }
0x43: {  	_ =	shalt  }
0x44: {  	_ =	shalt  }
0x45: {  	_ =	shalt  }
0x46: {  	_ =	shalt  }
0x47: {  	_ =	shalt  }
0x48: {  	_ =	shalt  }
0x49: {  	_ =	shalt  }
0x4a: {  	_ =	shalt  }
0x4b: {  	_ =	shalt  }
0x4c: {  	_ =	shalt  }
0x4d: {  	_ =	shalt  }
0x4e: {  	_ =	shalt  }
0x4f: {  	_ =	shalt  }
0x50: {  	_ =	shalt  }
0x51: {  	_ =	shalt  }
0x52: {  	_ =	shalt  }
0x53: {  	_ =	shalt  }
0x54: {  	_ =	shalt  }
0x55: {  	_ =	shalt  }
0x56: {  	_ =	shalt  }
0x57: {  	_ =	shalt  }
0x58: {  	_ =	shalt  }
0x59: {  	_ =	shalt  }
0x5a: {  	_ =	shalt  }
0x5b: {  	_ =	shalt  }
0x5c: {  	_ =	shalt  }
0x5d: {  	_ =	shalt  }
0x5e: {  	_ =	shalt  }
0x5f: {  	_ =	shalt  }
0x60: {  	_ =	shalt  }
0x61: {  	_ =	shalt  }
0x62: {  	_ =	shalt  }
0x63: {  	_ =	shalt  }
0x64: {  	_ =	shalt  }
0x65: {  	_ =	shalt  }
0x66: {  	_ =	shalt  }
0x67: {  	_ =	shalt  }
0x68: {  	_ =	shalt  }
0x69: {  	_ =	shalt  }
0x6a: {  	_ =	shalt  }
0x6b: {  	_ =	shalt  }
0x6c: {  	_ =	shalt  }
0x6d: {  	_ =	shalt  }
0x6e: {  	_ =	shalt  }
0x6f: {  	_ =	shalt  }
0x70: {  	_ =	shalt  }
0x71: {  	_ =	shalt  }
0x72: {  	_ =	shalt  }
0x73: {  	_ =	shalt  }
0x74: {  	_ =	shalt  }
0x75: {  	_ =	shalt  }
0x76: {  	_ =	shalt  }
0x77: {  	_ =	shalt  }
0x78: {  	_ =	shalt  }
0x79: {  	_ =	shalt  }
0x7a: {  	_ =	shalt  }
0x7b: {  	_ =	shalt  }
0x7c: {  	_ =	shalt  }
0x7d: {  	_ =	shalt  }
0x7e: {  	_ =	shalt  }
0x7f: {  	_ =	shalt  }
0x80: {  	_ =	shalt  }
0x81: {  	_ =	shalt  }
0x82: {  	_ =	shalt  }
0x83: {  	_ =	shalt  }
0x84: {  	_ =	shalt  }
0x85: {  	_ =	shalt  }
0x86: {  	_ =	shalt  }
0x87: {  	_ =	shalt  }
.Lfunc_end0:
.L_simem_size_0:
called_computation.5_lowered:
.L_overlay_start_0:
0x88: {  	s2 =	sld [smem:$0x3FD9]  }
0x89: {  	s3 =	sld [smem:$0x3FFE];
	_ =	sdelay $0x1  }
0x8a: {  	s1 =	srdreg.scid  }
0x8b: {  	s0 =	sand.u32 $0x1, s1  }
0x8c: {  	s17 =	sshll.u32 s0, $0xA;
	s2 =	sadd.s32 s3, s2  }
0x8d: {  	s2 =	sadd.s32 s2, s17  }
0x8e: {  	[smem:$0x3FB1] =	sst s2  }
0x8f: {  	_ = 	snop  }
0x90: {  	(tm) =	ssettm $0x1  }
0x91: {  	s18 =	sld [smem:$0x3FFB];
	_ =	sdelay $0x3  }
0x92: {  	_ =	strace s18  }
0x93: {  	s2 =	sld [smem:$0x3FFC];
	_ =	sdelay $0x3  }
0x94: {  	_ =	strace s2  }
0x95: {  	s2 =	sld [smem:$0x3FFD];
	_ =	sdelay $0x3  }
0x96: {  	_ =	strace s2  }
0x97: {  	_ =	strace $0x8FFFFFFF  }
0x98: {  	s19 =	sld [smem:$0x3FDB];
	_ =	sdelay $0x1  }
0x99: {  	s20 =	simm.s32 $_scs_section_size  }
0x9a: {  	s4 =	simm.s32 $_size__tile_overlayer_lowered;
	s5 =	simm.s32 $_tile_overlayer_lowered  }
0x9b: {  	s6 =	simm.s32 $0x1BFF;
	s21 =	sshll.u32 s5, $0x1;
	s3 =	sadd.s32 s20, s19  }
0x9c: {  	s22 =	simm.s32 $0x0;
	s4 =	sshll.u32 s4, $0x1;
	s5 =	sadd.s32 s21, s3  }
0x9d: {  	[timem:s22], [sflag:s6] =	dma.local [hbm:s5], s4  }
0x9e: {  	_ =	swait.ge [sflag:s6], s4  }
0x9f: {  	s4 =	ssub.s32 $0x0, s4;
	[sflag:s6] =	ssyncset.done $0x0  }
0xa0: {  	[sflag:s6] =	ssyncadd.s32 s4;
	_ =	sdelay $0x1  }
0xa1: {  	s23 =	simm.s32 $0x1B8B  }
0xa2: {  	_ =	swait.ge [sflag:s23], $0x1  }
0xa3: {  	[sflag:s23] =	ssyncset.done $0x0  }
0xa4: {  	[sflag:s23] =	ssyncadd.s32 $0xFFFFFFFF  }
0xa5: {  	s4 =	sld [smem:$0x0]  }
0xa6: {  	s5 =	sand.u32 $0xFFFFFFFE, s1  }
0xa7: {  	p0 =	sne.s32 s1, s5  }
0xa8: {  	s5 =	sshll.u32 @p0 s5, $0xE  }
0xa9: {  	s5 =	sadd.s32 @p0 $0x11B8D, s5;
	s6 =	sshll.u32 @p0 s4, $0x11  }
0xaa: {  	s5 =	sor.u32 @p0 s6, s5  }
0xab: {  	[sflag:s5] =	ssyncadd.remote.s32 @p0 $0x1;
	_ =	sdelay $0x1  }
0xac: {  	s5 =	simm.s32 @p0 $0x1B8D  }
0xad: {  	_ =	swait.eq @p0 [sflag:s5], $0x1  }
0xae: {  	[sflag:s5] =	ssyncadd.s32 @p0 $0xFFFFFFFF  }
0xaf: {  	s6 =	sshll.u32 @!p0 s1, $0xE  }
0xb0: {  	s6 =	sor.u32 @!p0 $0x4000, s6;
	s5 =	simm.s32 @!p0 $0x1B8D  }
0xb1: {  	s4 =	sshll.u32 @!p0 s4, $0x11;
	s6 =	sadd.s32 @!p0 $0x11B8D, s6;
	_ =	swait.eq @!p0 [sflag:s5], $0x1  }
0xb2: {  	s4 =	sor.u32 @!p0 s4, s6;
	[sflag:s5] =	ssyncadd.s32 @!p0 $0xFFFFFFFF  }
0xb3: {  	s25 =	simm.s32 $0x1B8E;
	s24 =	sld [smem:$0x3FFE];
	[sflag:s4] =	ssyncadd.remote.s32 @!p0 $0x1  }
0xb4: {  	s26 =	simm.s32 $execute0_lowered;
	[smem:$0x3FD2] =	sst s25  }
0xb5: {  	s5 =	sshll.u32 s26, $0x1;
	_ =	strace $0x80000055;
	[dreg:$0x1] =	wrdreg $0xFFFFFFFF  }
0xb6: {  	s28 =	simm.s32 $_size_execute0_lowered;
	s3 =	sadd.s32 s3, s5;
	[dreg:$0x0] =	wrdreg $0x0  }
0xb7: {  	s5 =	sshll.u32 s28, $0x1;
	[dreg:$0x2] =	wrdreg s3  }
0xb8: {  	[dreg:$0x3] =	wrdreg s5  }
0xb9: {  	[dreg:$0x4] =	wrdreg $0xC0  }
0xba: {  	_ =	task [dreg:s22], $0x5FFFF  }
0xbb: {  	[dreg:$0x1] =	wrdreg $0xFFFFFFFF  }
0xbc: {  	[dreg:$0x0] =	wrdreg $0x60  }
0xbd: {  	[dreg:$0x2] =	wrdreg s24  }
0xbe: {  	[dreg:$0x3] =	wrdreg $0x0  }
0xbf: {  	[dreg:$0x4] =	wrdreg $0x9  }
0xc0: {  	_ =	task.clear_ibuf [dreg:s22], $0x5FFFF;
	_ =	strace $0x90000055  }
0xc1: {  	s29 =	simm.s32 $0x9;
	_ =	strace $0x80000057  }
0xc2: {  	_ =	swait.ge [sflag:s29], $0x1  }
0xc3: {  	[sflag:s29] =	ssyncadd.s32 $0xFFFFFFFF  }
0xc4: {  	_ =	strace $0x90000057  }
0xc5: {  	_ =	sfence  }
0xc6: {  	s30 =	sld [smem:$0x0];
	_ =	sdelay $0x2  }
0xc7: {  	s31 =	sshll.u32 s1, $0xD;
	s1 =	sshrl.u32 s1, $0x2  }
0xc8: {  	s4 =	sand.u32 $0x4000, s31;
	s1 =	sadd.s32 s1, s30  }
0xc9: {  	s0 =	sor.u32 s4, s0;
	s1 =	sshll.u32 s1, $0x11  }
0xca: {  	s0 =	sor.u32 s1, s0  }
0xcb: {  	s0 =	sadd.s32 $0x8F2B, s0  }
0xcc: {  	[sflag:s0] =	ssyncadd.remote.s32 $0x1  }
0xcd: {  	_ =	sfence.sel $0xFFFF  }
0xce: {  	[dreg:$0x0] =	wrdreg $0xFFFFFFFF;
	(pc) =	sbr.abs _section_cstart, $3  }
0xcf: {  	[dreg:$0x1] =	wrdreg $0xFFFFFFFF  }
0xd0: {  	_ =	task.clear_ibuf [dreg:s22], $0x2FFFF;
	_ =	strace $0x9FFFFFFF  }
0xd1: {  	(tm) =	ssettm $0x7FFFFFFF  }
tec
execute0_lowered:
.L_overlay_start_1:
0x0: {  	(tag) =	ssettag $0x1  }
0x1: {  	s5 =	rddreg [dreg:$0x0]  }
0x2: {  	s2 =	rddreg [dreg:$0x1]  }
0x3: {  	s1 =	stileid.u32;
	s3 =	srdreg.scid  }
0x4: {  	s0 =	rddreg [dreg:$0x2];
	s16 =	simm.s32 $0x18480;
	s6 =	smul.u32 $0x2780, s1  }
0x5: {  	s17 =	simm.s32 $0x1;
	s18 =	simm.s32 $0x2;
	s11 =	smul.u32 $0x4F000, s1  }
0x6: {  	s19 =	simm.s32 $0x0;
	s7 =	sand.u32 $0x1, s3;
	s12 =	smul.u32 $0xA0000, s1  }
0x7: {  	s4 =	sshll.u32 s1, $0x1;
	s3 =	simm.s32 $0x0;
	s15 =	smul.u32 $0x14000, s1  }
0x8: {  	s9 =	sadd.s32 $0x177000, s5;
	p0 =	seq.s32 s1, $0xF;
	s13 =	smul.u32 $0x50000, s7  }
0x9: {  	s4 =	sor.u32 s7, s4;
	[smem:$0x7FF] =	sst s3;
	s29 =	smul.u32 $0xA000, s7  }
0xa: {  	s25 =	ssub.s32 $0x2, s7;
	s4 =	smul.u32 $0x180, s4;
	_ =	strace $0x80000056  }
0xb: {  	s6 =	sadd.s32 s6, s5;
	s10 =	sshrl.u32 s25, $0x1;
	s26 =	sshrl.u32 s11, $0x2  }
0xc: {  	s11 =	sadd.s32 $0x128400, s2;
	s30 =	sadd.s32 s15, s9;
	s15 =	simm.s32 $0x14480  }
0xd: {  	s10 =	ssub.s32 s25, s10;
	s14 =	sadd.s32 s26, s2;
	s28 =	sadd.s32 s13, s12  }
0xe: {  	s31 =	sadd.s32 s29, s30;
	s13 =	simm.s32 $0x3;
	s8 =	sadd.s32 s4, s5  }
0xf: {  	s4 =	sadd.s32 $0x41E800, s6;
	s5 =	sadd.s32 $0x443880, s5;
	s7 =	smax.u32 s10, $0x1  }
0x10: {  	s10 =	sshrl.u32 @p0 s11, $0x3;
	s11 =	sshll.u32 @!p0 s1, $0x6;
	s12 =	sshrl.u32 @!p0 s14, $0x3  }
0x11: {  	s14 =	simm.s32 $0x80;
	s6 =	sadd.s32 $0x7600, s8;
	s8 =	sshrl.u32 s28, $0x3  }
0x12: {  	s11 =	sor.u32 @!p0 $0x1C03, s11;
	s8 =	sadd.s32 s8, s9;
	s9 =	sadd.s32 $0x800, s31  }
.LBB2_1:
0x13: {  	s20 =	simm.s32 @p0 $0x1FC3  }
0x14: {  	[spmem:s10], [sflag:s20] =	dma.local @p0 [hbm:s5], $0x2080  }
0x15: {  	s20 =	simm.s32 @p0 $0x3  }
0x16: {  	_ =	swait.ge @p0 [sflag:s20], $0x2080  }
0x17: {  	[sflag:s20] =	ssyncset.done @p0 $0x0  }
0x18: {  	[sflag:s20] =	ssyncadd.s32 @p0 $0xFFFFDF80;
	s20 =	simm.s32 @!p0 $0x3  }
0x19: {  	[spmem:s12], [sflag:s11] =	dma.local @!p0 [hbm:s4], $0x2780  }
0x1a: {  	_ =	swait.ge @!p0 [sflag:s20], $0x2780  }
0x1b: {  	[sflag:s20] =	ssyncset.done @!p0 $0x0  }
0x1c: {  	[sflag:s20] =	ssyncadd.s32 @!p0 $0xFFFFD880;
	s20 =	simm.s32 $0x13880  }
0x1d: {  	[tilespmem:s20], [sflag:$0x3] =	stream.linear.gather [hbm4b:s6+s3], $0xA00, $0x38;
	[tilespmem:$0x1C480] =	vst v63  }
0x1e: {  	_ =	swait.ge [sflag:s13], $0xA00  }
0x1f: {  	[sflag:s13] =	ssyncset.done $0x0  }
0x20: {  	[sflag:s13] =	ssyncadd.s32 $0xFFFFF600  }
0x21: {  	[bflag:$0x0] =	sbarrier.arrive $0xFFFF  }
0x22: {  	[tilespmem:s15], [sflag:$0x1] =	stream.indirect.gather [spmem:s2], $0x80, s20, s14, $0xb8;
	[tilespmem:$0x1C480] =	vst v63  }
0x23: {  	s21 =	simm.s32 $0x13900  }
0x24: {  	[tilespmem:s16], [sflag:$0x1] =	stream.indirect.gather [spmem:s2], $0x80, s21, s14, $0xb8;
	[tilespmem:$0x1C480] =	vst v63  }
0x25: {  	_ =	swait.ge [sflag:s17], $0x4000  }
0x26: {  	[sflag:s17] =	ssyncset.done $0x0  }
0x27: {  	s30 =	sadd.s32 $0x0, s8;
	[sflag:s17] =	ssyncadd.s32 $0xFFFFC000  }
0x28: {  	[hbm4b:s30+s3] =	stream.linear.scatter [tilespmem:s15], [sflag:$0x2], $0x4000, $0x38;
	[tilespmem:$0x1C480] =	vst v63  }
0x29: {  	_ =	swait.ge [sflag:s17], $0x4000  }
0x2a: {  	[sflag:s17] =	ssyncset.done $0x0  }
0x2b: {  	s31 =	sadd.s32 $0x0, s9;
	[sflag:s17] =	ssyncadd.s32 $0xFFFFC000  }
0x2c: {  	[hbm4b:s31+s3] =	stream.linear.scatter [tilespmem:s16], [sflag:$0x2], $0x4000, $0x38;
	[tilespmem:$0x1C480] =	vst v63  }
0x2d: {  	_ =	swait.ge [sflag:s18], $0x4000  }
0x2e: {  	[sflag:s18] =	ssyncset.done $0x0  }
0x2f: {  	[sflag:s18] =	ssyncadd.s32 $0xFFFFC000  }
0x30: {  	_ =	swait.ge [sflag:s18], $0x4000  }
0x31: {  	s21 =	simm.s32 $0x1000;
	[sflag:s18] =	ssyncset.done $0x0  }
.LBB2_2:
0x32: {  	p1 =	sne.s32 s21, $0x9000;
	[sflag:s18] =	ssyncadd.s32 $0xFFFFC000;
	s20 =	sadd.s32 $0x100, s20  }
0x33: {  	[tilespmem:s15], [sflag:$0x1] =	stream.indirect.gather [spmem:s2], $0x80, s20, s14, $0xb8;
	[tilespmem:$0x1C480] =	vst v63  }
0x34: {  	s23 =	smov.u32 s21;
	s21 =	sadd.s32 $0x1000, s21;
	s22 =	sadd.s32 $0x80, s20  }
0x35: {  	[tilespmem:s16], [sflag:$0x1] =	stream.indirect.gather [spmem:s2], $0x80, s22, s14, $0xb8;
	[tilespmem:$0x1C480] =	vst v63  }
0x36: {  	_ =	swait.ge [sflag:s17], $0x4000  }
0x37: {  	[sflag:s17] =	ssyncset.done $0x0  }
0x38: {  	s22 =	sadd.s32 s23, s8;
	[sflag:s17] =	ssyncadd.s32 $0xFFFFC000  }
0x39: {  	[hbm4b:s22+s3] =	stream.linear.scatter [tilespmem:s15], [sflag:$0x2], $0x4000, $0x38;
	[tilespmem:$0x1C480] =	vst v63  }
0x3a: {  	_ =	swait.ge [sflag:s17], $0x4000  }
0x3b: {  	[sflag:s17] =	ssyncset.done $0x0  }
0x3c: {  	s22 =	sadd.s32 s23, s9;
	[sflag:s17] =	ssyncadd.s32 $0xFFFFC000  }
0x3d: {  	[hbm4b:s22+s3] =	stream.linear.scatter [tilespmem:s16], [sflag:$0x2], $0x4000, $0x38;
	[tilespmem:$0x1C480] =	vst v63  }
.Ltmp0:
0x3e: {  	_ =	swait.ge [sflag:s18], $0x4000;
	(pc) =	sbr.rel @p1 .LBB2_2-.Ltmp0, $4  }
0x3f: {  	[sflag:s18] =	ssyncset.done $0x0  }
0x40: {  	[sflag:s18] =	ssyncadd.s32 $0xFFFFC000  }
0x41: {  	_ =	swait.ge [sflag:s18], $0x4000  }
0x42: {  	[sflag:s18] =	ssyncset.done $0x0  }
0x43: {  	s19 =	sadd.s32 $0x1, s19  }
0x44: {  	p1 =	sne.s32 s19, s7  }
.Ltmp1:
0x45: {  	_ = 	snop;
	(pc) =	sbr.rel @p1 .LBB2_1-.Ltmp1, $2  }
0x46: {  	_ =	sdelay $0x2  }
0x47: {  	[sflag:s18] =	ssyncadd.s32 $0xFFFFC000  }
0x48: {  	_ =	sfence.sel $0x180000  }
0x49: {  	[bflag:$0x0] =	sbarrier.arrive $0xFFFF  }
0x4a: {  	p0 =	sne.s32 s1, $0x0;
	_ =	strace $0x90000056  }
0x4b: {  	s0 =	sadd.s32 @!p0 $0x100000, s0;
	[bflag:$0x2] =	sbarrier.arrive $0xFFFF  }
0x4c: {  	[sflag:s0] =	ssyncadd.tile.s32 @!p0 $0x1;
	_ =	shalt  }
.Lfunc_end2:
_tile_overlayer_lowered:
.L_overlay_start_2:
0x4d: {  	(tag) =	ssettag $0x2  }
0x4e: {  	s0 =	rddreg [dreg:$0x0];
	s2 =	stileid.u32  }
0x4f: {  	s1 =	rddreg [dreg:$0x1];
	p0 =	sne.s32 s2, $0x0  }
0x50: {  	s3 =	rddreg [dreg:$0x2];
	[bflag:$0x3] =	sbarrier.arrive $0xFFFF;
	s2 =	simm.s32 @!p0 $0x1C03  }
0x51: {  	[timem:s3], [sflag:s2] =	dma.local @!p0 [hbm:s0], s1  }
0x52: {  	s0 =	simm.s32 @!p0 $0x3  }
0x53: {  	_ =	swait.ge @!p0 [sflag:s0], s1  }
0x54: {  	s1 =	ssub.s32 @!p0 $0x0, s1;
	[sflag:s0] =	ssyncset.done @!p0 $0x0  }
0x55: {  	[sflag:s0] =	ssyncadd.s32 @!p0 s1  }
0x56: {  	[bflag:$0x3] =	sbarrier.arrive $0xFFFF  }
0x57: {  	_ =	shalt  }

// kernel: kernel.36.cloned.1.call-start
scs
__scs_entry_jumppad:
0x0: {  	(pc) =	sbr.rel $0x88, $3  }
0x1: {  	(tag) =	ssettag $0x0;
	lr =	simm.s32 $0x1  }
0x2: {  	[smem:$0x3F8A] =	sst lr;
	_ =	strace $0xD0000000  }
0x3: {  	_ = 	snop  }
0x4: {  	_ = 	snop  }
0x5: {  	_ = 	snop  }
0x6: {  	_ = 	snop  }
0x7: {  	_ = 	snop  }
__scs_overlays_trampoline_lowered:
0x8: {  	[smem:$0x3F99] =	sst s0  }
0x9: {  	[smem:$0x3F9A] =	sst s1  }
0xa: {  	[smem:$0x3F9B] =	sst s2  }
0xb: {  	[smem:$0x3F9C] =	sst s3  }
0xc: {  	[smem:$0x3F9D] =	sst s4  }
0xd: {  	[smem:$0x3F9E] =	sst s5  }
0xe: {  	[smem:$0x3F9F] =	sst s6  }
0xf: {  	[smem:$0x3FA0] =	sst s7  }
0x10: {  	[smem:$0x3FA1] =	sst s8  }
0x11: {  	[smem:$0x3FA2] =	sst s9;
	s0 =	simm.s32 @!p0 $0x0  }
0x12: {  	s1 =	sld [smem:$0x3F88];
	s0 =	simm.s32 @p0 $0x1  }
0x13: {  	[smem:$0x3FA3] =	sst s0;
	s0 =	simm.s32 @!p1 $0x0  }
0x14: {  	s2 =	sld [smem:$0x3F87];
	s0 =	simm.s32 @p1 $0x1  }
0x15: {  	[smem:$0x3FA4] =	sst s0;
	s0 =	simm.s32 @!p2 $0x0  }
0x16: {  	s3 =	sld [smem:$0x3FDB];
	s0 =	simm.s32 @p2 $0x1  }
0x17: {  	s4 =	simm.s32 $0x1BF5;
	[smem:$0x3FA6] =	sst s0  }
0x18: {  	s0 =	sld [smem:$0x3F89];
	_ =	swait.ge [sflag:s4], $0x0  }
0x19: {  	s7 =	sld [smem:$0x3F8A]  }
0x1a: {  	s8 =	sadd.s32 $0xFFFFE003, lr  }
0x1b: {  	s9 =	sadd.s32 $0xFFFFFEF7, lr;
	s5 =	simm.s32 $0xFFFFFFFF;
	p2 =	slt.u32 s8, $0xFFFFF086  }
0x1c: {  	p1 =	slt.u32 s9, $0xF7A;
	s5 =	simm.s32 @!p2 $0x0  }
0x1d: {  	s5 =	simm.s32 @p1 $0x1;
	p0 =	seq.s32 s7, s2  }
0x1e: {  	s7 =	smul.u32 @!p0 $0xF7A, s2;
	p2 =	seq.s32 @!p0 s5, $0x0  }
0x1f: {  	s9 =	smul.u32 $0xF7A, s1;
	s8 =	simm.s32 @!p0 $0x1BF5;
	p2 =	por !p2, p0  }
0x20: {  	[sflag:s8] =	ssyncset.s32 @!p0 $0xFFFFF086;
	s6 =	sadd.s32 @!p0 s3, s7;
	s7 =	simm.s32 @!p0 $0x108  }
0x21: {  	s3 =	sadd.s32 s3, s9;
	s6 =	sadd.s32 @!p0 $0x88, s6;
	s7 =	simm.s32 @p2 $0x1082  }
0x22: {  	[simem:s7], [sflag:s8] =	dma.local @!p0 [hbm:s6], $0xF7A  }
0x23: {  	s9 =	sor.u32 $0xD0000000, s2;
	s6 =	simm.s32 $0x108;
	_ =	swait.ge @!p0 [sflag:s8], $0x0  }
0x24: {  	s3 =	sadd.s32 $0x88, s3;
	s6 =	simm.s32 @!p1 $0x1082;
	[sflag:s4] =	ssyncset.s32 $0xFFFFF086  }
0x25: {  	[simem:s6], [sflag:s4] =	dma.local [hbm:s3], $0xF7A  }
0x26: {  	[smem:$0x3F8A] =	sst s1;
	(tag) =	ssettag s2;
	_ =	strace s9  }
0x27: {  	s1 =	sld [smem:$0x3F9A]  }
0x28: {  	s2 =	sld [smem:$0x3F9B]  }
0x29: {  	s4 =	sld [smem:$0x3F9D]  }
0x2a: {  	p0 =	seq.s32 s5, $0x0;
	s5 =	sld [smem:$0x3F9E]  }
0x2b: {  	s6 =	sld [smem:$0x3F9F]  }
0x2c: {  	s7 =	sld [smem:$0x3FA0]  }
0x2d: {  	s3 =	simm.s32 $0x108;
	s8 =	sld [smem:$0x3FA1]  }
0x2e: {  	s3 =	simm.s32 @!p0 $0x1082;
	s9 =	sld [smem:$0x3FA2]  }
0x2f: {  	lr =	sadd.s32 s0, s3;
	s0 =	sld [smem:$0x3F99]  }
0x30: {  	s3 =	sld [smem:$0x3F9C]  }
0x31: {  	[smem:$0x3FA5] =	sst s10  }
0x32: {  	s10 =	sld [smem:$0x3FA3];
	_ =	sdelay $0x3  }
0x33: {  	p0 =	seq.s32 s10, $0x1;
	s10 =	sld [smem:$0x3FA5];
	_ =	sdelay $0x3  }
0x34: {  	[smem:$0x3FA5] =	sst s10  }
0x35: {  	s10 =	sld [smem:$0x3FA4];
	_ =	sdelay $0x3  }
0x36: {  	p1 =	seq.s32 s10, $0x1;
	s10 =	sld [smem:$0x3FA5];
	_ =	sdelay $0x3  }
0x37: {  	[smem:$0x3FA5] =	sst s10  }
0x38: {  	s10 =	sld [smem:$0x3FA6]  }
0x39: {  	_ = 	snop;
	(pc) =	sbr.ind lr, $3  }
0x3a: {  	_ = 	snop  }
0x3b: {  	_ = 	snop  }
0x3c: {  	p2 =	seq.s32 s10, $0x1;
	s10 =	sld [smem:$0x3FA5]  }
0x3d: {  	_ =	shalt  }
0x3e: {  	_ =	shalt  }
0x3f: {  	_ =	shalt  }
0x40: {  	_ =	shalt  }
0x41: {  	_ =	shalt  }
0x42: {  	_ =	shalt  }
0x43: {  	_ =	shalt  }
0x44: {  	_ =	shalt  }
0x45: {  	_ =	shalt  }
0x46: {  	_ =	shalt  }
0x47: {  	_ =	shalt  }
0x48: {  	_ =	shalt  }
0x49: {  	_ =	shalt  }
0x4a: {  	_ =	shalt  }
0x4b: {  	_ =	shalt  }
0x4c: {  	_ =	shalt  }
0x4d: {  	_ =	shalt  }
0x4e: {  	_ =	shalt  }
0x4f: {  	_ =	shalt  }
0x50: {  	_ =	shalt  }
0x51: {  	_ =	shalt  }
0x52: {  	_ =	shalt  }
0x53: {  	_ =	shalt  }
0x54: {  	_ =	shalt  }
0x55: {  	_ =	shalt  }
0x56: {  	_ =	shalt  }
0x57: {  	_ =	shalt  }
0x58: {  	_ =	shalt  }
0x59: {  	_ =	shalt  }
0x5a: {  	_ =	shalt  }
0x5b: {  	_ =	shalt  }
0x5c: {  	_ =	shalt  }
0x5d: {  	_ =	shalt  }
0x5e: {  	_ =	shalt  }
0x5f: {  	_ =	shalt  }
0x60: {  	_ =	shalt  }
0x61: {  	_ =	shalt  }
0x62: {  	_ =	shalt  }
0x63: {  	_ =	shalt  }
0x64: {  	_ =	shalt  }
0x65: {  	_ =	shalt  }
0x66: {  	_ =	shalt  }
0x67: {  	_ =	shalt  }
0x68: {  	_ =	shalt  }
0x69: {  	_ =	shalt  }
0x6a: {  	_ =	shalt  }
0x6b: {  	_ =	shalt  }
0x6c: {  	_ =	shalt  }
0x6d: {  	_ =	shalt  }
0x6e: {  	_ =	shalt  }
0x6f: {  	_ =	shalt  }
0x70: {  	_ =	shalt  }
0x71: {  	_ =	shalt  }
0x72: {  	_ =	shalt  }
0x73: {  	_ =	shalt  }
0x74: {  	_ =	shalt  }
0x75: {  	_ =	shalt  }
0x76: {  	_ =	shalt  }
0x77: {  	_ =	shalt  }
0x78: {  	_ =	shalt  }
0x79: {  	_ =	shalt  }
0x7a: {  	_ =	shalt  }
0x7b: {  	_ =	shalt  }
0x7c: {  	_ =	shalt  }
0x7d: {  	_ =	shalt  }
0x7e: {  	_ =	shalt  }
0x7f: {  	_ =	shalt  }
0x80: {  	_ =	shalt  }
0x81: {  	_ =	shalt  }
0x82: {  	_ =	shalt  }
0x83: {  	_ =	shalt  }
0x84: {  	_ =	shalt  }
0x85: {  	_ =	shalt  }
0x86: {  	_ =	shalt  }
0x87: {  	_ =	shalt  }
.Lfunc_end0:
.L_simem_size_0:
called_computation.6_lowered:
.L_overlay_start_0:
0x88: {  	s2 =	sld [smem:$0x3FD9]  }
0x89: {  	s3 =	sld [smem:$0x3FFE];
	_ =	sdelay $0x1  }
0x8a: {  	s1 =	srdreg.scid  }
0x8b: {  	s0 =	sand.u32 $0x1, s1  }
0x8c: {  	s17 =	sshll.u32 s0, $0xA;
	s2 =	sadd.s32 s3, s2  }
0x8d: {  	s2 =	sadd.s32 s2, s17  }
0x8e: {  	[smem:$0x3FB1] =	sst s2  }
0x8f: {  	_ = 	snop  }
0x90: {  	(tm) =	ssettm $0x1  }
0x91: {  	s18 =	sld [smem:$0x3FFB];
	_ =	sdelay $0x3  }
0x92: {  	_ =	strace s18  }
0x93: {  	s2 =	sld [smem:$0x3FFC];
	_ =	sdelay $0x3  }
0x94: {  	_ =	strace s2  }
0x95: {  	s2 =	sld [smem:$0x3FFD];
	_ =	sdelay $0x3  }
0x96: {  	_ =	strace s2  }
0x97: {  	_ =	strace $0x8FFFFFFF  }
0x98: {  	s19 =	sld [smem:$0x3FDB];
	_ =	sdelay $0x1  }
0x99: {  	s20 =	simm.s32 $_scs_section_size  }
0x9a: {  	s4 =	simm.s32 $_size__tile_overlayer_lowered;
	s5 =	simm.s32 $_tile_overlayer_lowered  }
0x9b: {  	s6 =	simm.s32 $0x1BFF;
	s21 =	sshll.u32 s5, $0x1;
	s3 =	sadd.s32 s20, s19  }
0x9c: {  	s22 =	simm.s32 $0x0;
	s4 =	sshll.u32 s4, $0x1;
	s5 =	sadd.s32 s21, s3  }
0x9d: {  	[timem:s22], [sflag:s6] =	dma.local [hbm:s5], s4  }
0x9e: {  	_ =	swait.ge [sflag:s6], s4  }
0x9f: {  	s4 =	ssub.s32 $0x0, s4;
	[sflag:s6] =	ssyncset.done $0x0  }
0xa0: {  	[sflag:s6] =	ssyncadd.s32 s4;
	_ =	sdelay $0x1  }
0xa1: {  	s23 =	simm.s32 $0x1B8B  }
0xa2: {  	_ =	swait.ge [sflag:s23], $0x1  }
0xa3: {  	[sflag:s23] =	ssyncset.done $0x0  }
0xa4: {  	[sflag:s23] =	ssyncadd.s32 $0xFFFFFFFF  }
0xa5: {  	s4 =	sld [smem:$0x0]  }
0xa6: {  	s5 =	sand.u32 $0xFFFFFFFE, s1  }
0xa7: {  	p0 =	sne.s32 s1, s5  }
0xa8: {  	s5 =	sshll.u32 @p0 s5, $0xE  }
0xa9: {  	s5 =	sadd.s32 @p0 $0x11B8D, s5;
	s6 =	sshll.u32 @p0 s4, $0x11  }
0xaa: {  	s5 =	sor.u32 @p0 s6, s5  }
0xab: {  	[sflag:s5] =	ssyncadd.remote.s32 @p0 $0x1;
	_ =	sdelay $0x1  }
0xac: {  	s5 =	simm.s32 @p0 $0x1B8D  }
0xad: {  	_ =	swait.eq @p0 [sflag:s5], $0x1  }
0xae: {  	[sflag:s5] =	ssyncadd.s32 @p0 $0xFFFFFFFF  }
0xaf: {  	s6 =	sshll.u32 @!p0 s1, $0xE  }
0xb0: {  	s6 =	sor.u32 @!p0 $0x4000, s6;
	s5 =	simm.s32 @!p0 $0x1B8D  }
0xb1: {  	s4 =	sshll.u32 @!p0 s4, $0x11;
	s6 =	sadd.s32 @!p0 $0x11B8D, s6;
	_ =	swait.eq @!p0 [sflag:s5], $0x1  }
0xb2: {  	s4 =	sor.u32 @!p0 s4, s6;
	[sflag:s5] =	ssyncadd.s32 @!p0 $0xFFFFFFFF  }
0xb3: {  	s25 =	simm.s32 $0x1B8E;
	s24 =	sld [smem:$0x3FFE];
	[sflag:s4] =	ssyncadd.remote.s32 @!p0 $0x1  }
0xb4: {  	s26 =	simm.s32 $execute0_lowered;
	[smem:$0x3FD2] =	sst s25  }
0xb5: {  	s5 =	sshll.u32 s26, $0x1;
	_ =	strace $0x80000058;
	[dreg:$0x1] =	wrdreg $0xFFFFFFFF  }
0xb6: {  	s28 =	simm.s32 $_size_execute0_lowered;
	s3 =	sadd.s32 s3, s5;
	[dreg:$0x0] =	wrdreg $0x0  }
0xb7: {  	s5 =	sshll.u32 s28, $0x1;
	[dreg:$0x2] =	wrdreg s3  }
0xb8: {  	[dreg:$0x3] =	wrdreg s5  }
0xb9: {  	[dreg:$0x4] =	wrdreg $0xC0  }
0xba: {  	_ =	task [dreg:s22], $0x5FFFF  }
0xbb: {  	[dreg:$0x1] =	wrdreg $0xFFFFFFFF  }
0xbc: {  	[dreg:$0x0] =	wrdreg $0x60  }
0xbd: {  	[dreg:$0x2] =	wrdreg s24  }
0xbe: {  	[dreg:$0x3] =	wrdreg $0x0  }
0xbf: {  	[dreg:$0x4] =	wrdreg $0xA  }
0xc0: {  	_ =	task.clear_ibuf [dreg:s22], $0x5FFFF;
	_ =	strace $0x90000058  }
0xc1: {  	s29 =	simm.s32 $0xA;
	_ =	strace $0x8000005A  }
0xc2: {  	_ =	swait.ge [sflag:s29], $0x1  }
0xc3: {  	[sflag:s29] =	ssyncadd.s32 $0xFFFFFFFF  }
0xc4: {  	_ =	strace $0x9000005A  }
0xc5: {  	_ =	sfence  }
0xc6: {  	s30 =	sld [smem:$0x0];
	_ =	sdelay $0x2  }
0xc7: {  	s31 =	sshll.u32 s1, $0xD;
	s1 =	sshrl.u32 s1, $0x2  }
0xc8: {  	s4 =	sand.u32 $0x4000, s31;
	s1 =	sadd.s32 s1, s30  }
0xc9: {  	s0 =	sor.u32 s4, s0;
	s1 =	sshll.u32 s1, $0x11  }
0xca: {  	s0 =	sor.u32 s1, s0  }
0xcb: {  	s0 =	sadd.s32 $0x8F2B, s0  }
0xcc: {  	[sflag:s0] =	ssyncadd.remote.s32 $0x1  }
0xcd: {  	_ =	sfence.sel $0xFFFF  }
0xce: {  	[dreg:$0x0] =	wrdreg $0xFFFFFFFF;
	(pc) =	sbr.abs _section_cstart, $3  }
0xcf: {  	[dreg:$0x1] =	wrdreg $0xFFFFFFFF  }
0xd0: {  	_ =	task.clear_ibuf [dreg:s22], $0x2FFFF;
	_ =	strace $0x9FFFFFFF  }
0xd1: {  	(tm) =	ssettm $0x7FFFFFFF  }
tec
execute0_lowered:
.L_overlay_start_1:
0x0: {  	(tag) =	ssettag $0x1  }
0x1: {  	s1 =	srdreg.scid;
	s0 =	stileid.u32  }
0x2: {  	s4 =	rddreg [dreg:$0x0];
	s6 =	smul.u32 $0x13C00, s0  }
0x3: {  	s2 =	rddreg [dreg:$0x1];
	s11 =	smul.u32 $0x4F000, s0  }
0x4: {  	s3 =	simm.s32 $0x0;
	s16 =	simm.s32 $0x80;
	s25 =	smul.u32 $0xA0000, s0  }
0x5: {  	s17 =	simm.s32 $0x2;
	s7 =	sand.u32 $0x1, s1;
	s15 =	smul.u32 $0x14000, s0  }
0x6: {  	s18 =	simm.s32 $0x0;
	s20 =	sshll.u32 s0, $0x1;
	s8 =	smul.u32 $0x13C000, s7  }
0x7: {  	[smem:$0x7FF] =	sst s3;
	s9 =	sadd.s32 $0x2B7000, s4;
	s14 =	smul.u32 $0x50000, s7  }
0x8: {  	s26 =	sshll.u32 s0, $0x6;
	s1 =	sor.u32 s7, s20;
	s29 =	smul.u32 $0xA000, s7  }
0x9: {  	s22 =	ssub.s32 $0x2, s7;
	s5 =	smul.u32 $0x180, s1;
	s1 =	rddreg [dreg:$0x2]  }
0xa: {  	_ =	strace $0x80000059;
	s21 =	sshrl.u32 s6, $0x3;
	s23 =	sshrl.u32 s22, $0x1  }
0xb: {  	s24 =	sshrl.u32 s11, $0x2;
	s30 =	sadd.s32 s15, s9;
	s15 =	simm.s32 $0x1  }
0xc: {  	s6 =	sadd.s32 s6, s8;
	s8 =	ssub.s32 s22, s23;
	s13 =	sadd.s32 s24, s2  }
0xd: {  	s28 =	sadd.s32 s14, s25;
	s31 =	sadd.s32 s29, s30;
	s14 =	simm.s32 $0x18800  }
0xe: {  	s10 =	sadd.s32 s5, s4;
	s6 =	sshrl.u32 s6, $0x3;
	s5 =	sadd.s32 s21, s4  }
0xf: {  	s8 =	smax.u32 s8, $0x1;
	s11 =	sshrl.u32 s13, $0x3;
	s13 =	simm.s32 $0x14800  }
0x10: {  	s12 =	sadd.s32 s6, s4;
	s4 =	sadd.s32 $0x3F7000, s5;
	s5 =	sor.u32 $0x1C03, s26  }
0x11: {  	s6 =	sadd.s32 $0x46D800, s10;
	s10 =	sshrl.u32 s28, $0x3;
	s7 =	sadd.s32 $0x470800, s12  }
0x12: {  	s9 =	sadd.s32 s10, s9;
	s10 =	sadd.s32 $0x800, s31;
	s12 =	simm.s32 $0x3  }
.LBB2_1:
0x13: {  	[spmem:s11], [sflag:s5] =	dma.local [hbm:s4], $0x2780  }
0x14: {  	_ =	swait.ge [sflag:s12], $0x2780  }
0x15: {  	[sflag:s12] =	ssyncset.done $0x0  }
0x16: {  	s19 =	simm.s32 $0x13C00;
	[sflag:s12] =	ssyncadd.s32 $0xFFFFD880  }
0x17: {  	[tilespmem:s19], [sflag:$0x3] =	stream.linear.gather [hbm4b:s6+s3], $0xA00, $0x38;
	[tilespmem:$0x1C800] =	vst v63  }
0x18: {  	_ =	swait.ge [sflag:s12], $0xA00  }
0x19: {  	[sflag:s12] =	ssyncset.done $0x0  }
0x1a: {  	[sflag:s12] =	ssyncadd.s32 $0xFFFFF600  }
0x1b: {  	s20 =	sadd.s32 $0x0, s9;
	[bflag:$0x0] =	sbarrier.arrive $0xFFFF  }
0x1c: {  	[tilespmem:s13], [sflag:$0x1] =	stream.linear.gather [hbm4b:s20+s3], $0x4000, $0x38;
	[tilespmem:$0x1C800] =	vst v63  }
0x1d: {  	s30 =	sadd.s32 $0x0, s10  }
0x1e: {  	[tilespmem:s14], [sflag:$0x1] =	stream.linear.gather [hbm4b:s30+s3], $0x4000, $0x38;
	[tilespmem:$0x1C800] =	vst v63  }
0x1f: {  	_ =	swait.ge [sflag:s15], $0x4000  }
0x20: {  	[sflag:s15] =	ssyncset.done $0x0  }
0x21: {  	[sflag:s15] =	ssyncadd.s32 $0xFFFFC000  }
0x22: {  	[spmem:s2] =	stream.indirect.scatter.add.f32 [tilespmem:s13], [sflag:$0x2], $0x80, s19, s16, $0xb8;
	[tilespmem:$0x1C800] =	vst v63  }
0x23: {  	_ =	swait.ge [sflag:s15], $0x4000  }
0x24: {  	[sflag:s15] =	ssyncset.done $0x0  }
0x25: {  	s31 =	simm.s32 $0x13C80;
	[sflag:s15] =	ssyncadd.s32 $0xFFFFC000  }
0x26: {  	[spmem:s2] =	stream.indirect.scatter.add.f32 [tilespmem:s14], [sflag:$0x2], $0x80, s31, s16, $0xb8;
	[tilespmem:$0x1C800] =	vst v63  }
0x27: {  	_ =	swait.ge [sflag:s17], $0x4000  }
0x28: {  	[sflag:s17] =	ssyncset.done $0x0  }
0x29: {  	[sflag:s17] =	ssyncadd.s32 $0xFFFFC000  }
0x2a: {  	s21 =	simm.s32 $0x2000;
	_ =	swait.ge [sflag:s17], $0x4000  }
0x2b: {  	s20 =	simm.s32 $0x1000;
	s19 =	simm.s32 $0x13D00;
	[sflag:s17] =	ssyncset.done $0x0  }
.LBB2_2:
0x2c: {  	s22 =	sadd.s32 s20, s9  }
0x2d: {  	[sflag:s17] =	ssyncadd.s32 $0xFFFFC000;
	s23 =	smov.u32 s21;
	s24 =	sadd.s32 $0x1000, s21  }
0x2e: {  	[tilespmem:s13], [sflag:$0x1] =	stream.linear.gather [hbm4b:s22+s3], $0x4000, $0x38;
	[tilespmem:$0x1C800] =	vst v63  }
0x2f: {  	p0 =	sne.s32 s21, $0x9000;
	s21 =	sadd.s32 s20, s10;
	s20 =	smov.u32 s23  }
0x30: {  	[tilespmem:s14], [sflag:$0x1] =	stream.linear.gather [hbm4b:s21+s3], $0x4000, $0x38;
	[tilespmem:$0x1C800] =	vst v63  }
0x31: {  	_ =	swait.ge [sflag:s15], $0x4000  }
0x32: {  	[sflag:s15] =	ssyncset.done $0x0  }
0x33: {  	[sflag:s15] =	ssyncadd.s32 $0xFFFFC000  }
0x34: {  	[spmem:s2] =	stream.indirect.scatter.add.f32 [tilespmem:s13], [sflag:$0x2], $0x80, s19, s16, $0xb8;
	[tilespmem:$0x1C800] =	vst v63  }
0x35: {  	_ =	swait.ge [sflag:s15], $0x4000  }
0x36: {  	[sflag:s15] =	ssyncset.done $0x0  }
0x37: {  	s21 =	sadd.s32 $0x80, s19;
	[sflag:s15] =	ssyncadd.s32 $0xFFFFC000  }
0x38: {  	[spmem:s2] =	stream.indirect.scatter.add.f32 [tilespmem:s14], [sflag:$0x2], $0x80, s21, s16, $0xb8;
	[tilespmem:$0x1C800] =	vst v63  }
.Ltmp0:
0x39: {  	_ =	swait.ge [sflag:s17], $0x4000;
	(pc) =	sbr.rel @p0 .LBB2_2-.Ltmp0, $4  }
0x3a: {  	[sflag:s17] =	ssyncset.done $0x0  }
0x3b: {  	[sflag:s17] =	ssyncadd.s32 $0xFFFFC000  }
0x3c: {  	_ =	swait.ge [sflag:s17], $0x4000  }
0x3d: {  	s19 =	sadd.s32 $0x100, s19;
	s21 =	smov.u32 s24;
	[sflag:s17] =	ssyncset.done $0x0  }
0x3e: {  	s21 =	sadd.s32 s20, s9;
	[sflag:s17] =	ssyncadd.s32 $0xFFFFC000  }
0x3f: {  	[tilespmem:s13], [sflag:$0x1] =	stream.linear.gather [hbm4b:s21+s3], $0x4000, $0x38;
	[tilespmem:$0x1C800] =	vst v63  }
0x40: {  	s30 =	sadd.s32 s20, s10  }
0x41: {  	[tilespmem:s14], [sflag:$0x1] =	stream.linear.gather [hbm4b:s30+s3], $0x4000, $0x38;
	[tilespmem:$0x1C800] =	vst v63  }
0x42: {  	_ =	swait.ge [sflag:s15], $0x4000  }
0x43: {  	[sflag:s15] =	ssyncset.done $0x0  }
0x44: {  	[sflag:s15] =	ssyncadd.s32 $0xFFFFC000  }
0x45: {  	[spmem:s2] =	stream.indirect.scatter.add.f32 [tilespmem:s13], [sflag:$0x2], $0x80, s19, s16, $0xb8;
	[tilespmem:$0x1C800] =	vst v63  }
0x46: {  	_ =	swait.ge [sflag:s15], $0x4000  }
0x47: {  	[sflag:s15] =	ssyncset.done $0x0  }
0x48: {  	s31 =	sadd.s32 $0x80, s19;
	[sflag:s15] =	ssyncadd.s32 $0xFFFFC000  }
0x49: {  	[spmem:s2] =	stream.indirect.scatter.add.f32 [tilespmem:s14], [sflag:$0x2], $0x80, s31, s16, $0xb8;
	[tilespmem:$0x1C800] =	vst v63  }
0x4a: {  	_ =	swait.ge [sflag:s17], $0x4000  }
0x4b: {  	[sflag:s17] =	ssyncset.done $0x0  }
0x4c: {  	[sflag:s17] =	ssyncadd.s32 $0xFFFFC000  }
0x4d: {  	_ =	swait.ge [sflag:s17], $0x4000  }
0x4e: {  	s18 =	sadd.s32 $0x1, s18;
	[sflag:s17] =	ssyncset.done $0x0  }
0x4f: {  	p0 =	sne.s32 s18, s8;
	[sflag:s17] =	ssyncadd.s32 $0xFFFFC000  }
.Ltmp1:
0x50: {  	[bflag:$0x0] =	sbarrier.arrive $0xFFFF;
	(pc) =	sbr.rel @p0 .LBB2_1-.Ltmp1, $4  }
0x51: {  	[hbm:s7], [sflag:s5] =	dma.local [spmem:s11], $0x2780  }
0x52: {  	_ =	swait.ge [sflag:s12], $0x2780  }
0x53: {  	[sflag:s12] =	ssyncset.done $0x0  }
0x54: {  	[sflag:s12] =	ssyncadd.s32 $0xFFFFD880  }
0x55: {  	_ =	sfence.sel $0x180000  }
0x56: {  	[bflag:$0x0] =	sbarrier.arrive $0xFFFF  }
0x57: {  	p0 =	sne.s32 s0, $0x0;
	_ =	strace $0x90000059  }
0x58: {  	s0 =	sadd.s32 @!p0 $0x100000, s1;
	[bflag:$0x2] =	sbarrier.arrive $0xFFFF  }
0x59: {  	[sflag:s0] =	ssyncadd.tile.s32 @!p0 $0x1;
	_ =	shalt  }
.Lfunc_end2:
_tile_overlayer_lowered:
.L_overlay_start_2:
0x5a: {  	(tag) =	ssettag $0x2  }
0x5b: {  	s0 =	rddreg [dreg:$0x0];
	s2 =	stileid.u32  }
0x5c: {  	s1 =	rddreg [dreg:$0x1];
	p0 =	sne.s32 s2, $0x0  }
0x5d: {  	s3 =	rddreg [dreg:$0x2];
	[bflag:$0x3] =	sbarrier.arrive $0xFFFF;
	s2 =	simm.s32 @!p0 $0x1C03  }
0x5e: {  	[timem:s3], [sflag:s2] =	dma.local @!p0 [hbm:s0], s1  }
0x5f: {  	s0 =	simm.s32 @!p0 $0x3  }
0x60: {  	_ =	swait.ge @!p0 [sflag:s0], s1  }
0x61: {  	s1 =	ssub.s32 @!p0 $0x0, s1;
	[sflag:s0] =	ssyncset.done @!p0 $0x0  }
0x62: {  	[sflag:s0] =	ssyncadd.s32 @!p0 s1  }
0x63: {  	[bflag:$0x3] =	sbarrier.arrive $0xFFFF  }
0x64: {  	_ =	shalt  }

// kernel: kernel.39.cloned.1.call-start
scs
__scs_entry_jumppad:
0x0: {  	(pc) =	sbr.rel $0x88, $3  }
0x1: {  	(tag) =	ssettag $0x0;
	lr =	simm.s32 $0x1  }
0x2: {  	[smem:$0x3F8A] =	sst lr;
	_ =	strace $0xD0000000  }
0x3: {  	_ = 	snop  }
0x4: {  	_ = 	snop  }
0x5: {  	_ = 	snop  }
0x6: {  	_ = 	snop  }
0x7: {  	_ = 	snop  }
__scs_overlays_trampoline_lowered:
0x8: {  	[smem:$0x3F99] =	sst s0  }
0x9: {  	[smem:$0x3F9A] =	sst s1  }
0xa: {  	[smem:$0x3F9B] =	sst s2  }
0xb: {  	[smem:$0x3F9C] =	sst s3  }
0xc: {  	[smem:$0x3F9D] =	sst s4  }
0xd: {  	[smem:$0x3F9E] =	sst s5  }
0xe: {  	[smem:$0x3F9F] =	sst s6  }
0xf: {  	[smem:$0x3FA0] =	sst s7  }
0x10: {  	[smem:$0x3FA1] =	sst s8  }
0x11: {  	[smem:$0x3FA2] =	sst s9;
	s0 =	simm.s32 @!p0 $0x0  }
0x12: {  	s1 =	sld [smem:$0x3F88];
	s0 =	simm.s32 @p0 $0x1  }
0x13: {  	[smem:$0x3FA3] =	sst s0;
	s0 =	simm.s32 @!p1 $0x0  }
0x14: {  	s2 =	sld [smem:$0x3F87];
	s0 =	simm.s32 @p1 $0x1  }
0x15: {  	[smem:$0x3FA4] =	sst s0;
	s0 =	simm.s32 @!p2 $0x0  }
0x16: {  	s3 =	sld [smem:$0x3FDB];
	s0 =	simm.s32 @p2 $0x1  }
0x17: {  	s4 =	simm.s32 $0x1BF5;
	[smem:$0x3FA6] =	sst s0  }
0x18: {  	s0 =	sld [smem:$0x3F89];
	_ =	swait.ge [sflag:s4], $0x0  }
0x19: {  	s7 =	sld [smem:$0x3F8A]  }
0x1a: {  	s8 =	sadd.s32 $0xFFFFE003, lr  }
0x1b: {  	s9 =	sadd.s32 $0xFFFFFEF7, lr;
	s5 =	simm.s32 $0xFFFFFFFF;
	p2 =	slt.u32 s8, $0xFFFFF086  }
0x1c: {  	p1 =	slt.u32 s9, $0xF7A;
	s5 =	simm.s32 @!p2 $0x0  }
0x1d: {  	s5 =	simm.s32 @p1 $0x1;
	p0 =	seq.s32 s7, s2  }
0x1e: {  	s7 =	smul.u32 @!p0 $0xF7A, s2;
	p2 =	seq.s32 @!p0 s5, $0x0  }
0x1f: {  	s9 =	smul.u32 $0xF7A, s1;
	s8 =	simm.s32 @!p0 $0x1BF5;
	p2 =	por !p2, p0  }
0x20: {  	[sflag:s8] =	ssyncset.s32 @!p0 $0xFFFFF086;
	s6 =	sadd.s32 @!p0 s3, s7;
	s7 =	simm.s32 @!p0 $0x108  }
0x21: {  	s3 =	sadd.s32 s3, s9;
	s6 =	sadd.s32 @!p0 $0x88, s6;
	s7 =	simm.s32 @p2 $0x1082  }
0x22: {  	[simem:s7], [sflag:s8] =	dma.local @!p0 [hbm:s6], $0xF7A  }
0x23: {  	s9 =	sor.u32 $0xD0000000, s2;
	s6 =	simm.s32 $0x108;
	_ =	swait.ge @!p0 [sflag:s8], $0x0  }
0x24: {  	s3 =	sadd.s32 $0x88, s3;
	s6 =	simm.s32 @!p1 $0x1082;
	[sflag:s4] =	ssyncset.s32 $0xFFFFF086  }
0x25: {  	[simem:s6], [sflag:s4] =	dma.local [hbm:s3], $0xF7A  }
0x26: {  	[smem:$0x3F8A] =	sst s1;
	(tag) =	ssettag s2;
	_ =	strace s9  }
0x27: {  	s1 =	sld [smem:$0x3F9A]  }
0x28: {  	s2 =	sld [smem:$0x3F9B]  }
0x29: {  	s4 =	sld [smem:$0x3F9D]  }
0x2a: {  	p0 =	seq.s32 s5, $0x0;
	s5 =	sld [smem:$0x3F9E]  }
0x2b: {  	s6 =	sld [smem:$0x3F9F]  }
0x2c: {  	s7 =	sld [smem:$0x3FA0]  }
0x2d: {  	s3 =	simm.s32 $0x108;
	s8 =	sld [smem:$0x3FA1]  }
0x2e: {  	s3 =	simm.s32 @!p0 $0x1082;
	s9 =	sld [smem:$0x3FA2]  }
0x2f: {  	lr =	sadd.s32 s0, s3;
	s0 =	sld [smem:$0x3F99]  }
0x30: {  	s3 =	sld [smem:$0x3F9C]  }
0x31: {  	[smem:$0x3FA5] =	sst s10  }
0x32: {  	s10 =	sld [smem:$0x3FA3];
	_ =	sdelay $0x3  }
0x33: {  	p0 =	seq.s32 s10, $0x1;
	s10 =	sld [smem:$0x3FA5];
	_ =	sdelay $0x3  }
0x34: {  	[smem:$0x3FA5] =	sst s10  }
0x35: {  	s10 =	sld [smem:$0x3FA4];
	_ =	sdelay $0x3  }
0x36: {  	p1 =	seq.s32 s10, $0x1;
	s10 =	sld [smem:$0x3FA5];
	_ =	sdelay $0x3  }
0x37: {  	[smem:$0x3FA5] =	sst s10  }
0x38: {  	s10 =	sld [smem:$0x3FA6]  }
0x39: {  	_ = 	snop;
	(pc) =	sbr.ind lr, $3  }
0x3a: {  	_ = 	snop  }
0x3b: {  	_ = 	snop  }
0x3c: {  	p2 =	seq.s32 s10, $0x1;
	s10 =	sld [smem:$0x3FA5]  }
0x3d: {  	_ =	shalt  }
0x3e: {  	_ =	shalt  }
0x3f: {  	_ =	shalt  }
0x40: {  	_ =	shalt  }
0x41: {  	_ =	shalt  }
0x42: {  	_ =	shalt  }
0x43: {  	_ =	shalt  }
0x44: {  	_ =	shalt  }
0x45: {  	_ =	shalt  }
0x46: {  	_ =	shalt  }
0x47: {  	_ =	shalt  }
0x48: {  	_ =	shalt  }
0x49: {  	_ =	shalt  }
0x4a: {  	_ =	shalt  }
0x4b: {  	_ =	shalt  }
0x4c: {  	_ =	shalt  }
0x4d: {  	_ =	shalt  }
0x4e: {  	_ =	shalt  }
0x4f: {  	_ =	shalt  }
0x50: {  	_ =	shalt  }
0x51: {  	_ =	shalt  }
0x52: {  	_ =	shalt  }
0x53: {  	_ =	shalt  }
0x54: {  	_ =	shalt  }
0x55: {  	_ =	shalt  }
0x56: {  	_ =	shalt  }
0x57: {  	_ =	shalt  }
0x58: {  	_ =	shalt  }
0x59: {  	_ =	shalt  }
0x5a: {  	_ =	shalt  }
0x5b: {  	_ =	shalt  }
0x5c: {  	_ =	shalt  }
0x5d: {  	_ =	shalt  }
0x5e: {  	_ =	shalt  }
0x5f: {  	_ =	shalt  }
0x60: {  	_ =	shalt  }
0x61: {  	_ =	shalt  }
0x62: {  	_ =	shalt  }
0x63: {  	_ =	shalt  }
0x64: {  	_ =	shalt  }
0x65: {  	_ =	shalt  }
0x66: {  	_ =	shalt  }
0x67: {  	_ =	shalt  }
0x68: {  	_ =	shalt  }
0x69: {  	_ =	shalt  }
0x6a: {  	_ =	shalt  }
0x6b: {  	_ =	shalt  }
0x6c: {  	_ =	shalt  }
0x6d: {  	_ =	shalt  }
0x6e: {  	_ =	shalt  }
0x6f: {  	_ =	shalt  }
0x70: {  	_ =	shalt  }
0x71: {  	_ =	shalt  }
0x72: {  	_ =	shalt  }
0x73: {  	_ =	shalt  }
0x74: {  	_ =	shalt  }
0x75: {  	_ =	shalt  }
0x76: {  	_ =	shalt  }
0x77: {  	_ =	shalt  }
0x78: {  	_ =	shalt  }
0x79: {  	_ =	shalt  }
0x7a: {  	_ =	shalt  }
0x7b: {  	_ =	shalt  }
0x7c: {  	_ =	shalt  }
0x7d: {  	_ =	shalt  }
0x7e: {  	_ =	shalt  }
0x7f: {  	_ =	shalt  }
0x80: {  	_ =	shalt  }
0x81: {  	_ =	shalt  }
0x82: {  	_ =	shalt  }
0x83: {  	_ =	shalt  }
0x84: {  	_ =	shalt  }
0x85: {  	_ =	shalt  }
0x86: {  	_ =	shalt  }
0x87: {  	_ =	shalt  }
.Lfunc_end0:
.L_simem_size_0:
called_computation.7_lowered:
.L_overlay_start_0:
0x88: {  	s2 =	sld [smem:$0x3FD9]  }
0x89: {  	s3 =	sld [smem:$0x3FFE];
	_ =	sdelay $0x1  }
0x8a: {  	s1 =	srdreg.scid  }
0x8b: {  	s0 =	sand.u32 $0x1, s1  }
0x8c: {  	s17 =	sshll.u32 s0, $0xA;
	s2 =	sadd.s32 s3, s2  }
0x8d: {  	s2 =	sadd.s32 s2, s17  }
0x8e: {  	[smem:$0x3FB1] =	sst s2  }
0x8f: {  	_ = 	snop  }
0x90: {  	(tm) =	ssettm $0x1  }
0x91: {  	s18 =	sld [smem:$0x3FFB];
	_ =	sdelay $0x3  }
0x92: {  	_ =	strace s18  }
0x93: {  	s2 =	sld [smem:$0x3FFC];
	_ =	sdelay $0x3  }
0x94: {  	_ =	strace s2  }
0x95: {  	s2 =	sld [smem:$0x3FFD];
	_ =	sdelay $0x3  }
0x96: {  	_ =	strace s2  }
0x97: {  	_ =	strace $0x8FFFFFFF  }
0x98: {  	s19 =	sld [smem:$0x3FDB];
	_ =	sdelay $0x1  }
0x99: {  	s20 =	simm.s32 $_scs_section_size  }
0x9a: {  	s4 =	simm.s32 $_size__tile_overlayer_lowered;
	s5 =	simm.s32 $_tile_overlayer_lowered  }
0x9b: {  	s6 =	simm.s32 $0x1BFF;
	s21 =	sshll.u32 s5, $0x1;
	s3 =	sadd.s32 s20, s19  }
0x9c: {  	s22 =	simm.s32 $0x0;
	s4 =	sshll.u32 s4, $0x1;
	s5 =	sadd.s32 s21, s3  }
0x9d: {  	[timem:s22], [sflag:s6] =	dma.local [hbm:s5], s4  }
0x9e: {  	_ =	swait.ge [sflag:s6], s4  }
0x9f: {  	s4 =	ssub.s32 $0x0, s4;
	[sflag:s6] =	ssyncset.done $0x0  }
0xa0: {  	[sflag:s6] =	ssyncadd.s32 s4;
	_ =	sdelay $0x1  }
0xa1: {  	s23 =	simm.s32 $0x1B8B  }
0xa2: {  	_ =	swait.ge [sflag:s23], $0x1  }
0xa3: {  	[sflag:s23] =	ssyncset.done $0x0  }
0xa4: {  	[sflag:s23] =	ssyncadd.s32 $0xFFFFFFFF  }
0xa5: {  	s4 =	sld [smem:$0x0]  }
0xa6: {  	s5 =	sand.u32 $0xFFFFFFFE, s1  }
0xa7: {  	p0 =	sne.s32 s1, s5  }
0xa8: {  	s5 =	sshll.u32 @p0 s5, $0xE  }
0xa9: {  	s5 =	sadd.s32 @p0 $0x11B8D, s5;
	s6 =	sshll.u32 @p0 s4, $0x11  }
0xaa: {  	s5 =	sor.u32 @p0 s6, s5  }
0xab: {  	[sflag:s5] =	ssyncadd.remote.s32 @p0 $0x1;
	_ =	sdelay $0x1  }
0xac: {  	s5 =	simm.s32 @p0 $0x1B8D  }
0xad: {  	_ =	swait.eq @p0 [sflag:s5], $0x1  }
0xae: {  	[sflag:s5] =	ssyncadd.s32 @p0 $0xFFFFFFFF  }
0xaf: {  	s6 =	sshll.u32 @!p0 s1, $0xE  }
0xb0: {  	s6 =	sor.u32 @!p0 $0x4000, s6;
	s5 =	simm.s32 @!p0 $0x1B8D  }
0xb1: {  	s4 =	sshll.u32 @!p0 s4, $0x11;
	s6 =	sadd.s32 @!p0 $0x11B8D, s6;
	_ =	swait.eq @!p0 [sflag:s5], $0x1  }
0xb2: {  	s4 =	sor.u32 @!p0 s4, s6;
	[sflag:s5] =	ssyncadd.s32 @!p0 $0xFFFFFFFF  }
0xb3: {  	s25 =	simm.s32 $0x1B8E;
	s24 =	sld [smem:$0x3FFE];
	[sflag:s4] =	ssyncadd.remote.s32 @!p0 $0x1  }
0xb4: {  	s26 =	simm.s32 $execute0_lowered;
	[smem:$0x3FD2] =	sst s25  }
0xb5: {  	s5 =	sshll.u32 s26, $0x1;
	_ =	strace $0x8000005B;
	[dreg:$0x1] =	wrdreg $0xFFFFFFFF  }
0xb6: {  	s28 =	simm.s32 $_size_execute0_lowered;
	s3 =	sadd.s32 s3, s5;
	[dreg:$0x0] =	wrdreg $0x0  }
0xb7: {  	s5 =	sshll.u32 s28, $0x1;
	[dreg:$0x2] =	wrdreg s3  }
0xb8: {  	[dreg:$0x3] =	wrdreg s5  }
0xb9: {  	[dreg:$0x4] =	wrdreg $0xC0  }
0xba: {  	_ =	task [dreg:s22], $0x5FFFF  }
0xbb: {  	[dreg:$0x1] =	wrdreg $0xFFFFFFFF  }
0xbc: {  	[dreg:$0x0] =	wrdreg $0x60  }
0xbd: {  	[dreg:$0x2] =	wrdreg s24  }
0xbe: {  	[dreg:$0x3] =	wrdreg $0x0  }
0xbf: {  	[dreg:$0x4] =	wrdreg $0x9  }
0xc0: {  	_ =	task.clear_ibuf [dreg:s22], $0x5FFFF;
	_ =	strace $0x9000005B  }
0xc1: {  	s29 =	simm.s32 $0x9;
	_ =	strace $0x8000005D  }
0xc2: {  	_ =	swait.ge [sflag:s29], $0x1  }
0xc3: {  	[sflag:s29] =	ssyncadd.s32 $0xFFFFFFFF  }
0xc4: {  	_ =	strace $0x9000005D  }
0xc5: {  	_ =	sfence  }
0xc6: {  	s30 =	sld [smem:$0x0];
	_ =	sdelay $0x2  }
0xc7: {  	s31 =	sshll.u32 s1, $0xD;
	s1 =	sshrl.u32 s1, $0x2  }
0xc8: {  	s4 =	sand.u32 $0x4000, s31;
	s1 =	sadd.s32 s1, s30  }
0xc9: {  	s0 =	sor.u32 s4, s0;
	s1 =	sshll.u32 s1, $0x11  }
0xca: {  	s0 =	sor.u32 s1, s0  }
0xcb: {  	s0 =	sadd.s32 $0x8F2B, s0  }
0xcc: {  	[sflag:s0] =	ssyncadd.remote.s32 $0x1  }
0xcd: {  	_ =	sfence.sel $0xFFFF  }
0xce: {  	[dreg:$0x0] =	wrdreg $0xFFFFFFFF;
	(pc) =	sbr.abs _section_cstart, $3  }
0xcf: {  	[dreg:$0x1] =	wrdreg $0xFFFFFFFF  }
0xd0: {  	_ =	task.clear_ibuf [dreg:s22], $0x2FFFF;
	_ =	strace $0x9FFFFFFF  }
0xd1: {  	(tm) =	ssettm $0x7FFFFFFF  }
tec
execute0_lowered:
.L_overlay_start_1:
0x0: {  	(tag) =	ssettag $0x1  }
0x1: {  	s1 =	srdreg.scid;
	s0 =	stileid.u32  }
0x2: {  	s4 =	rddreg [dreg:$0x0];
	s6 =	smul.u32 $0x13C00, s0  }
0x3: {  	s2 =	rddreg [dreg:$0x1];
	s11 =	smul.u32 $0x4F000, s0  }
0x4: {  	s3 =	simm.s32 $0x0;
	s16 =	simm.s32 $0x80;
	s25 =	smul.u32 $0xA0000, s0  }
0x5: {  	s17 =	simm.s32 $0x2;
	s7 =	sand.u32 $0x1, s1;
	s15 =	smul.u32 $0x14000, s0  }
0x6: {  	s18 =	simm.s32 $0x0;
	s20 =	sshll.u32 s0, $0x1;
	s8 =	smul.u32 $0x13C000, s7  }
0x7: {  	[smem:$0x7FF] =	sst s3;
	s9 =	sadd.s32 $0x52D200, s4;
	s14 =	smul.u32 $0x50000, s7  }
0x8: {  	s26 =	sshll.u32 s0, $0x6;
	s1 =	sor.u32 s7, s20;
	s29 =	smul.u32 $0xA000, s7  }
0x9: {  	s22 =	ssub.s32 $0x2, s7;
	s5 =	smul.u32 $0x180, s1;
	s1 =	rddreg [dreg:$0x2]  }
0xa: {  	_ =	strace $0x8000005C;
	s21 =	sshrl.u32 s6, $0x3;
	s23 =	sshrl.u32 s22, $0x1  }
0xb: {  	s24 =	sshrl.u32 s11, $0x2;
	s30 =	sadd.s32 s15, s9;
	s15 =	simm.s32 $0x1  }
0xc: {  	s6 =	sadd.s32 s6, s8;
	s8 =	ssub.s32 s22, s23;
	s13 =	sadd.s32 s24, s2  }
0xd: {  	s28 =	sadd.s32 s14, s25;
	s31 =	sadd.s32 s29, s30;
	s14 =	simm.s32 $0x18800  }
0xe: {  	s10 =	sadd.s32 s5, s4;
	s6 =	sshrl.u32 s6, $0x3;
	s5 =	sadd.s32 s21, s4  }
0xf: {  	s8 =	smax.u32 s8, $0x1;
	s11 =	sshrl.u32 s13, $0x3;
	s13 =	simm.s32 $0x14800  }
0x10: {  	s12 =	sadd.s32 s6, s4;
	s4 =	sadd.s32 $0x3F7000, s5;
	s5 =	sor.u32 $0x1C03, s26  }
0x11: {  	s6 =	sadd.s32 $0x52A200, s10;
	s10 =	sshrl.u32 s28, $0x3;
	s7 =	sadd.s32 $0x4BF800, s12  }
0x12: {  	s9 =	sadd.s32 s10, s9;
	s10 =	sadd.s32 $0x800, s31;
	s12 =	simm.s32 $0x3  }
.LBB2_1:
0x13: {  	[spmem:s11], [sflag:s5] =	dma.local [hbm:s4], $0x2780  }
0x14: {  	_ =	swait.ge [sflag:s12], $0x2780  }
0x15: {  	[sflag:s12] =	ssyncset.done $0x0  }
0x16: {  	s19 =	simm.s32 $0x13C00;
	[sflag:s12] =	ssyncadd.s32 $0xFFFFD880  }
0x17: {  	[tilespmem:s19], [sflag:$0x3] =	stream.linear.gather [hbm4b:s6+s3], $0xA00, $0x38;
	[tilespmem:$0x1C800] =	vst v63  }
0x18: {  	_ =	swait.ge [sflag:s12], $0xA00  }
0x19: {  	[sflag:s12] =	ssyncset.done $0x0  }
0x1a: {  	[sflag:s12] =	ssyncadd.s32 $0xFFFFF600  }
0x1b: {  	s20 =	sadd.s32 $0x0, s9;
	[bflag:$0x0] =	sbarrier.arrive $0xFFFF  }
0x1c: {  	[tilespmem:s13], [sflag:$0x1] =	stream.linear.gather [hbm4b:s20+s3], $0x4000, $0x38;
	[tilespmem:$0x1C800] =	vst v63  }
0x1d: {  	s30 =	sadd.s32 $0x0, s10  }
0x1e: {  	[tilespmem:s14], [sflag:$0x1] =	stream.linear.gather [hbm4b:s30+s3], $0x4000, $0x38;
	[tilespmem:$0x1C800] =	vst v63  }
0x1f: {  	_ =	swait.ge [sflag:s15], $0x4000  }
0x20: {  	[sflag:s15] =	ssyncset.done $0x0  }
0x21: {  	[sflag:s15] =	ssyncadd.s32 $0xFFFFC000  }
0x22: {  	[spmem:s2] =	stream.indirect.scatter.add.f32 [tilespmem:s13], [sflag:$0x2], $0x80, s19, s16, $0xb8;
	[tilespmem:$0x1C800] =	vst v63  }
0x23: {  	_ =	swait.ge [sflag:s15], $0x4000  }
0x24: {  	[sflag:s15] =	ssyncset.done $0x0  }
0x25: {  	s31 =	simm.s32 $0x13C80;
	[sflag:s15] =	ssyncadd.s32 $0xFFFFC000  }
0x26: {  	[spmem:s2] =	stream.indirect.scatter.add.f32 [tilespmem:s14], [sflag:$0x2], $0x80, s31, s16, $0xb8;
	[tilespmem:$0x1C800] =	vst v63  }
0x27: {  	_ =	swait.ge [sflag:s17], $0x4000  }
0x28: {  	[sflag:s17] =	ssyncset.done $0x0  }
0x29: {  	[sflag:s17] =	ssyncadd.s32 $0xFFFFC000  }
0x2a: {  	s21 =	simm.s32 $0x2000;
	_ =	swait.ge [sflag:s17], $0x4000  }
0x2b: {  	s20 =	simm.s32 $0x1000;
	s19 =	simm.s32 $0x13D00;
	[sflag:s17] =	ssyncset.done $0x0  }
.LBB2_2:
0x2c: {  	s22 =	sadd.s32 s20, s9  }
0x2d: {  	[sflag:s17] =	ssyncadd.s32 $0xFFFFC000;
	s23 =	smov.u32 s21;
	s24 =	sadd.s32 $0x1000, s21  }
0x2e: {  	[tilespmem:s13], [sflag:$0x1] =	stream.linear.gather [hbm4b:s22+s3], $0x4000, $0x38;
	[tilespmem:$0x1C800] =	vst v63  }
0x2f: {  	p0 =	sne.s32 s21, $0x9000;
	s21 =	sadd.s32 s20, s10;
	s20 =	smov.u32 s23  }
0x30: {  	[tilespmem:s14], [sflag:$0x1] =	stream.linear.gather [hbm4b:s21+s3], $0x4000, $0x38;
	[tilespmem:$0x1C800] =	vst v63  }
0x31: {  	_ =	swait.ge [sflag:s15], $0x4000  }
0x32: {  	[sflag:s15] =	ssyncset.done $0x0  }
0x33: {  	[sflag:s15] =	ssyncadd.s32 $0xFFFFC000  }
0x34: {  	[spmem:s2] =	stream.indirect.scatter.add.f32 [tilespmem:s13], [sflag:$0x2], $0x80, s19, s16, $0xb8;
	[tilespmem:$0x1C800] =	vst v63  }
0x35: {  	_ =	swait.ge [sflag:s15], $0x4000  }
0x36: {  	[sflag:s15] =	ssyncset.done $0x0  }
0x37: {  	s21 =	sadd.s32 $0x80, s19;
	[sflag:s15] =	ssyncadd.s32 $0xFFFFC000  }
0x38: {  	[spmem:s2] =	stream.indirect.scatter.add.f32 [tilespmem:s14], [sflag:$0x2], $0x80, s21, s16, $0xb8;
	[tilespmem:$0x1C800] =	vst v63  }
.Ltmp0:
0x39: {  	_ =	swait.ge [sflag:s17], $0x4000;
	(pc) =	sbr.rel @p0 .LBB2_2-.Ltmp0, $4  }
0x3a: {  	[sflag:s17] =	ssyncset.done $0x0  }
0x3b: {  	[sflag:s17] =	ssyncadd.s32 $0xFFFFC000  }
0x3c: {  	_ =	swait.ge [sflag:s17], $0x4000  }
0x3d: {  	s19 =	sadd.s32 $0x100, s19;
	s21 =	smov.u32 s24;
	[sflag:s17] =	ssyncset.done $0x0  }
0x3e: {  	s21 =	sadd.s32 s20, s9;
	[sflag:s17] =	ssyncadd.s32 $0xFFFFC000  }
0x3f: {  	[tilespmem:s13], [sflag:$0x1] =	stream.linear.gather [hbm4b:s21+s3], $0x4000, $0x38;
	[tilespmem:$0x1C800] =	vst v63  }
0x40: {  	s30 =	sadd.s32 s20, s10  }
0x41: {  	[tilespmem:s14], [sflag:$0x1] =	stream.linear.gather [hbm4b:s30+s3], $0x4000, $0x38;
	[tilespmem:$0x1C800] =	vst v63  }
0x42: {  	_ =	swait.ge [sflag:s15], $0x4000  }
0x43: {  	[sflag:s15] =	ssyncset.done $0x0  }
0x44: {  	[sflag:s15] =	ssyncadd.s32 $0xFFFFC000  }
0x45: {  	[spmem:s2] =	stream.indirect.scatter.add.f32 [tilespmem:s13], [sflag:$0x2], $0x80, s19, s16, $0xb8;
	[tilespmem:$0x1C800] =	vst v63  }
0x46: {  	_ =	swait.ge [sflag:s15], $0x4000  }
0x47: {  	[sflag:s15] =	ssyncset.done $0x0  }
0x48: {  	s31 =	sadd.s32 $0x80, s19;
	[sflag:s15] =	ssyncadd.s32 $0xFFFFC000  }
0x49: {  	[spmem:s2] =	stream.indirect.scatter.add.f32 [tilespmem:s14], [sflag:$0x2], $0x80, s31, s16, $0xb8;
	[tilespmem:$0x1C800] =	vst v63  }
0x4a: {  	_ =	swait.ge [sflag:s17], $0x4000  }
0x4b: {  	[sflag:s17] =	ssyncset.done $0x0  }
0x4c: {  	[sflag:s17] =	ssyncadd.s32 $0xFFFFC000  }
0x4d: {  	_ =	swait.ge [sflag:s17], $0x4000  }
0x4e: {  	s18 =	sadd.s32 $0x1, s18;
	[sflag:s17] =	ssyncset.done $0x0  }
0x4f: {  	p0 =	sne.s32 s18, s8;
	[sflag:s17] =	ssyncadd.s32 $0xFFFFC000  }
.Ltmp1:
0x50: {  	[bflag:$0x0] =	sbarrier.arrive $0xFFFF;
	(pc) =	sbr.rel @p0 .LBB2_1-.Ltmp1, $4  }
0x51: {  	[hbm:s7], [sflag:s5] =	dma.local [spmem:s11], $0x2780  }
0x52: {  	_ =	swait.ge [sflag:s12], $0x2780  }
0x53: {  	[sflag:s12] =	ssyncset.done $0x0  }
0x54: {  	[sflag:s12] =	ssyncadd.s32 $0xFFFFD880  }
0x55: {  	_ =	sfence.sel $0x180000  }
0x56: {  	[bflag:$0x0] =	sbarrier.arrive $0xFFFF  }
0x57: {  	p0 =	sne.s32 s0, $0x0;
	_ =	strace $0x9000005C  }
0x58: {  	s0 =	sadd.s32 @!p0 $0x100000, s1;
	[bflag:$0x2] =	sbarrier.arrive $0xFFFF  }
0x59: {  	[sflag:s0] =	ssyncadd.tile.s32 @!p0 $0x1;
	_ =	shalt  }
.Lfunc_end2:
_tile_overlayer_lowered:
.L_overlay_start_2:
0x5a: {  	(tag) =	ssettag $0x2  }
0x5b: {  	s0 =	rddreg [dreg:$0x0];
	s2 =	stileid.u32  }
0x5c: {  	s1 =	rddreg [dreg:$0x1];
	p0 =	sne.s32 s2, $0x0  }
0x5d: {  	s3 =	rddreg [dreg:$0x2];
	[bflag:$0x3] =	sbarrier.arrive $0xFFFF;
	s2 =	simm.s32 @!p0 $0x1C03  }
0x5e: {  	[timem:s3], [sflag:s2] =	dma.local @!p0 [hbm:s0], s1  }
0x5f: {  	s0 =	simm.s32 @!p0 $0x3  }
0x60: {  	_ =	swait.ge @!p0 [sflag:s0], s1  }
0x61: {  	s1 =	ssub.s32 @!p0 $0x0, s1;
	[sflag:s0] =	ssyncset.done @!p0 $0x0  }
0x62: {  	[sflag:s0] =	ssyncadd.s32 @!p0 s1  }
0x63: {  	[bflag:$0x3] =	sbarrier.arrive $0xFFFF  }
0x64: {  	_ =	shalt  }

</sc_bundles>
